<compile_context>
chip_gen: v7x
topology: tpu7x:2x2x1
jax: 0.10.2.dev20260603
libtpu: 0.0.44.dev20260713+nightly
codegen_flags: <defaults>
</compile_context>

<pallas_src>
import functools

import jax
import jax.numpy as jnp
from jax import lax
from jax.experimental import pallas as pl
from jax.experimental.pallas import tpu as pltpu
from jax.experimental.pallas import tpu_sc as plsc

N = 10000
E = 320000
D = 128
BN_SCALE = float(1.0 / (1.0 + 1e-5) ** 0.5)

NC, NS = 2, 16
TILES = NC * NS
CH = 128
NCH = 80
SB = 16
EP = TILES * NCH * CH
NP = 10240
RPT = NP // NS

_mesh = plsc.VectorSubcoreMesh(core_axis_name="c", subcore_axis_name="s")



def _deg_body(dst_hbm, zeros_hbm, ones_hbm, out_hbm, idx_d, ones_v, acc,
              sem0, sem1):
    c = lax.axis_index("c")
    s = lax.axis_index("s")
    w = c * NS + s
    pltpu.sync_copy(zeros_hbm.at[pl.ds(s * RPT, RPT)], acc.at[pl.ds(s * RPT, RPT)])
    pltpu.sync_copy(ones_hbm, ones_v)
    plsc.subcore_barrier()
    sems = (sem0, sem1)

    def sblock(b, carry):
        pltpu.sync_copy(dst_hbm.at[w].at[b], idx_d)
        cs = [None] * SB
        for j in range(SB):
            if j >= 2:
                cs[j - 2].wait()
            cs[j] = pltpu.async_copy(ones_v, acc.at[idx_d.at[j]],
                                     sems[j % 2], add=True)
        cs[SB - 2].wait()
        cs[SB - 1].wait()
        return carry

    lax.fori_loop(0, NCH // SB, sblock, 0)
    plsc.subcore_barrier()
    pltpu.sync_copy(acc.at[pl.ds(s * RPT, RPT)], out_hbm.at[c, pl.ds(s * RPT, RPT)])


DW = D

_sc_deg = pl.kernel(
    _deg_body,
    out_type=jax.ShapeDtypeStruct((NC, NP, DW), jnp.float32),
    mesh=_mesh,
    scratch_types=[
        pltpu.VMEM((SB, CH), jnp.int32),
        pltpu.VMEM((CH, DW), jnp.float32),
        pltpu.VMEM_SHARED((NP, DW), jnp.float32),
        pltpu.SemaphoreType.DMA,
        pltpu.SemaphoreType.DMA,
    ],
)


def _edge_body(u_hbm, src_hbm, dst_hbm, zeros_hbm, out_hbm,
               idx_s, idx_d, rows0, rows1, acc, gsem0, gsem1, ssem0, ssem1):
    c = lax.axis_index("c")
    s = lax.axis_index("s")
    w = c * NS + s
    pltpu.sync_copy(zeros_hbm.at[pl.ds(s * RPT, RPT)], acc.at[pl.ds(s * RPT, RPT)])
    plsc.subcore_barrier()

    rows = (rows0, rows1)
    gsems = (gsem0, gsem1)
    ssems = (ssem0, ssem1)

    def sblock(b, carry):
        pltpu.sync_copy(src_hbm.at[w].at[b], idx_s)
        pltpu.sync_copy(dst_hbm.at[w].at[b], idx_d)
        cg = [None] * SB
        cs = [None] * SB
        cg[0] = pltpu.async_copy(u_hbm.at[idx_s.at[0]], rows[0], gsems[0])
        for j in range(SB):
            if j >= 1:
                cs[j - 1].wait()
            if j + 1 < SB:
                cg[j + 1] = pltpu.async_copy(
                    u_hbm.at[idx_s.at[j + 1]], rows[(j + 1) % 2], gsems[(j + 1) % 2])
            cg[j].wait()
            cs[j] = pltpu.async_copy(
                rows[j % 2], acc.at[idx_d.at[j]], ssems[j % 2], add=True)
        cs[SB - 1].wait()
        return carry

    lax.fori_loop(0, NCH // SB, sblock, 0)
    plsc.subcore_barrier()
    pltpu.sync_copy(acc.at[pl.ds(s * RPT, RPT)], out_hbm.at[c, pl.ds(s * RPT, RPT)])


_sc_edges = pl.kernel(
    _edge_body,
    out_type=jax.ShapeDtypeStruct((NC, NP, D), jnp.float32),
    mesh=_mesh,
    scratch_types=[
        pltpu.VMEM((SB, CH), jnp.int32),
        pltpu.VMEM((SB, CH), jnp.int32),
        pltpu.VMEM((CH, D), jnp.float32),
        pltpu.VMEM((CH, D), jnp.float32),
        pltpu.VMEM_SHARED((NP, D), jnp.float32),
        pltpu.SemaphoreType.DMA,
        pltpu.SemaphoreType.DMA,
        pltpu.SemaphoreType.DMA,
        pltpu.SemaphoreType.DMA,
    ],
)



BR = 1024


def _mm_body(x_ref, w_ref, o_ref):
    o_ref[...] = jnp.dot(x_ref[...], w_ref[...],
                         preferred_element_type=jnp.float32)


def _scale_body(xw_ref, h_ref, o_ref, d_ref):
    deg = 1.0 + h_ref[0, :, 0] + h_ref[1, :, 0]
    dinv = lax.rsqrt(deg)[:, None]
    o_ref[...] = xw_ref[...] * dinv
    d_ref[...] = dinv


def _mid_body(s_ref, u_ref, d_ref, b_ref, g_ref, be_ref, w_ref, o_ref):
    dinv = d_ref[...]
    pre = dinv * (s_ref[0] + s_ref[1] + u_ref[...]) + b_ref[...]
    h = jnp.maximum(pre * (g_ref[...] * BN_SCALE) + be_ref[...], 0.0)
    o_ref[...] = jnp.dot(h, w_ref[...], preferred_element_type=jnp.float32) * dinv


def _fin_body(s_ref, u_ref, d_ref, b_ref, o_ref):
    o_ref[...] = d_ref[...] * (s_ref[0] + s_ref[1] + u_ref[...]) + b_ref[...]


_GRID = NP // BR
_bs_rows = pl.BlockSpec((BR, D), lambda i: (i, 0))
_bs_part = pl.BlockSpec((NC, BR, D), lambda i: (0, i, 0))
_bs_hist = pl.BlockSpec((NC, BR, DW), lambda i: (0, i, 0))
_bs_dinv = pl.BlockSpec((BR, 1), lambda i: (i, 0))
_bs_w = pl.BlockSpec((D, D), lambda i: (0, 0))
_bs_vec = pl.BlockSpec((1, D), lambda i: (0, 0))

_tc_mm = pl.pallas_call(
    _mm_body,
    grid=(_GRID,),
    in_specs=[_bs_rows, _bs_w],
    out_specs=_bs_rows,
    out_shape=jax.ShapeDtypeStruct((NP, D), jnp.float32),
)

_tc_scale = pl.pallas_call(
    _scale_body,
    grid=(_GRID,),
    in_specs=[_bs_rows, _bs_hist],
    out_specs=[_bs_rows, _bs_dinv],
    out_shape=[jax.ShapeDtypeStruct((NP, D), jnp.float32),
               jax.ShapeDtypeStruct((NP, 1), jnp.float32)],
)

_tc_mid = pl.pallas_call(
    _mid_body,
    grid=(_GRID,),
    in_specs=[_bs_part, _bs_rows, _bs_dinv, _bs_vec, _bs_vec, _bs_vec, _bs_w],
    out_specs=_bs_rows,
    out_shape=jax.ShapeDtypeStruct((NP, D), jnp.float32),
)

_tc_fin = pl.pallas_call(
    _fin_body,
    grid=(_GRID,),
    in_specs=[_bs_part, _bs_rows, _bs_dinv, _bs_vec],
    out_specs=_bs_rows,
    out_shape=jax.ShapeDtypeStruct((NP, D), jnp.float32),
)



@jax.jit
def kernel(x, edge_index, W1, b1, g1, be1, W2, b2, g2, be2, W3, b3):
    f32 = jnp.float32
    xp = jnp.zeros((NP, D), f32).at[:N].set(x)
    pad = N + jnp.arange(EP - E, dtype=jnp.int32) % (NP - N)
    srcp = jnp.concatenate([edge_index[0], pad]).reshape(TILES, NCH // SB, SB, CH)
    dstp = jnp.concatenate([edge_index[1], pad]).reshape(TILES, NCH // SB, SB, CH)
    zeros = jnp.zeros((NP, D), f32)
    zerosd = jnp.zeros((NP, DW), f32)
    onesr = jnp.ones((CH, DW), f32)
    b1r, g1r, be1r = b1.reshape(1, D), g1.reshape(1, D), be1.reshape(1, D)
    b2r, g2r, be2r = b2.reshape(1, D), g2.reshape(1, D), be2.reshape(1, D)
    b3r = b3.reshape(1, D)

    hist = _sc_deg(dstp, zerosd, onesr)
    xw1 = _tc_mm(xp, W1)
    u1, dinv = _tc_scale(xw1, hist)
    s1 = _sc_edges(u1, srcp, dstp, zeros)
    u2 = _tc_mid(s1, u1, dinv, b1r, g1r, be1r, W2)
    s2 = _sc_edges(u2, srcp, dstp, zeros)
    u3 = _tc_mid(s2, u2, dinv, b2r, g2r, be2r, W3)
    s3 = _sc_edges(u3, srcp, dstp, zeros)
    outp = _tc_fin(s3, u3, dinv, b3r)
    return outp[:N]

# --- scband reference (transcript-rebuilt; emitter-appended) ---
"""Pipeline reference for scband-graph-neural-network-89678917140791 (READ-ONLY COPY).

The authoritative reference and input builder live on the scoring server;
editing this copy changes nothing except your own understanding.
"""

import jax, jax.numpy as jnp
import numpy as np

N = 10000
E = 320000
D = 128
BN_EPS = 1e-5


def _glorot(k, shape):
    lim = float(np.sqrt(6.0 / (shape[0] + shape[1])))
    return jax.random.uniform(k, shape, jnp.float32, -lim, lim)


def setup_inputs(seed: int = 0):
    key = jax.random.key(seed)
    ks = jax.random.split(key, 8)
    inp = {}
    inp["x"] = jax.random.normal(ks[0], (N, D), dtype=jnp.float32)
    inp["edge_index"] = jax.random.randint(ks[1], (2, E), 0, N, dtype=jnp.int32)
    inp["W1"] = _glorot(ks[2], (D, D)); inp["b1"] = jnp.zeros((D,), jnp.float32)
    inp["g1"] = jnp.ones((D,), jnp.float32); inp["be1"] = jnp.zeros((D,), jnp.float32)
    inp["W2"] = _glorot(ks[3], (D, D)); inp["b2"] = jnp.zeros((D,), jnp.float32)
    inp["g2"] = jnp.ones((D,), jnp.float32); inp["be2"] = jnp.zeros((D,), jnp.float32)
    inp["W3"] = _glorot(ks[4], (D, D)); inp["b3"] = jnp.zeros((D,), jnp.float32)
    return inp


def _gcn_conv(x, edge_index, W, b):
    # PyG GCNConv with add_self_loops=True, normalize=True, edge_weight=None
    n = x.shape[0]
    loop = jnp.arange(n, dtype=edge_index.dtype)
    src = jnp.concatenate([edge_index[0], loop])
    dst = jnp.concatenate([edge_index[1], loop])
    deg = jnp.zeros((n,), x.dtype).at[dst].add(jnp.ones_like(src, dtype=x.dtype))
    dinv = jnp.where(deg > 0, 1.0 / jnp.sqrt(deg), 0.0)
    norm = dinv[src] * dinv[dst]
    xw = x @ W
    msg = jnp.take(xw, src, axis=0) * norm[:, None]
    out = jnp.zeros((n, W.shape[1]), x.dtype).at[dst].add(msg)
    return out + b


def _bn_eval(x, g, be):
    # BatchNorm1d in eval mode with fresh running stats (mean=0, var=1)
    return (x / jnp.sqrt(1.0 + BN_EPS)) * g + be


def reference(x, edge_index, W1, b1, g1, be1, W2, b2, g2, be2, W3, b3):
    h = _gcn_conv(x, edge_index, W1, b1)
    h = _bn_eval(h, g1, be1)
    h = jax.nn.relu(h)
    # dropout is a no-op in eval mode
    h = _gcn_conv(h, edge_index, W2, b2)
    h = _bn_eval(h, g2, be2)
    h = jax.nn.relu(h)
    out = _gcn_conv(h, edge_index, W3, b3)
    return out

if __name__ == "__main__":
    import jax
    _d = setup_inputs()
    print(jax.jit(kernel)(*tuple(_d.values())))

</pallas_src>

<mosaic_0001>
#map = affine_map<(d0, d1) -> (0, 0)>
#map1 = affine_map<(d0, d1) -> (0, 0, 0, 0)>
#map2 = affine_map<(d0, d1) -> (0, 0, 0)>
module attributes {stable_mosaic.version = 14 : i64} {
  func.func @_edge_body(%arg0: i32, %arg1: i32, %arg2: memref<10240x128xf32, #tpu.memory_space<hbm>>, %arg3: memref<32x5x16x128xi32, #tpu.memory_space<hbm>>, %arg4: memref<32x5x16x128xi32, #tpu.memory_space<hbm>>, %arg5: memref<10240x128xf32, #tpu.memory_space<hbm>>, %arg6: memref<2x10240x128xf32, #tpu.memory_space<hbm>>, %arg7: memref<16x128xi32, #tpu.memory_space<vmem>>, %arg8: memref<16x128xi32, #tpu.memory_space<vmem>>, %arg9: memref<128x128xf32, #tpu.memory_space<vmem>>, %arg10: memref<128x128xf32, #tpu.memory_space<vmem>>, %arg11: memref<10240x128xf32, #tpu.memory_space<vmem_shared>>, %arg12: memref<!tpu.dma_semaphore, #tpu.memory_space<semaphore_mem>>, %arg13: memref<!tpu.dma_semaphore, #tpu.memory_space<semaphore_mem>>, %arg14: memref<!tpu.dma_semaphore, #tpu.memory_space<semaphore_mem>>, %arg15: memref<!tpu.dma_semaphore, #tpu.memory_space<semaphore_mem>>) attributes {dimension_semantics = [#tpu.dimension_semantics<core_parallel>, #tpu.dimension_semantics<subcore_parallel>], iteration_bounds = array<i64: 2, 16>, scalar_prefetch = 0 : i64, scratch_operands = 9 : i64, tpu.core_type = #tpu.core_type<sc_vector_subcore>, window_params = [{transform_indices = #map}, {transform_indices = #map1}, {transform_indices = #map1}, {transform_indices = #map}, {transform_indices = #map2}]} {
    %mul3A = arith.constant 16 : i32
    %mul3A_0 = arith.muli %arg0, %mul3A : i32
    %add3A = arith.addi %mul3A_0, %arg1 : i32
    %mul3A_1 = arith.constant 640 : i32
    %mul3A_2 = arith.muli %arg1, %mul3A_1 : i32
    %mul3A_3 = arith.constant 640 : i32
    %mul3A_4 = arith.muli %arg1, %mul3A_3 : i32
    "tpu.region"() ({
      %run_scoped3A = tpu.sem_alloc : memref<!tpu.dma_semaphore, #tpu.memory_space<semaphore_mem>>
      %dma_start3A = arith.constant 0 : i32
      %dma_start3A_15 = tpu.memref_slice %arg11[%mul3A_4, %dma_start3A] : memref<10240x128xf32, #tpu.memory_space<vmem_shared>> -> memref<640x128xf32, #tpu.memory_space<vmem_shared>>
      %dma_start3A_16 = arith.constant 0 : i32
      %dma_start3A_17 = tpu.memref_slice %arg5[%mul3A_2, %dma_start3A_16] : memref<10240x128xf32, #tpu.memory_space<hbm>> -> memref<640x128xf32, #tpu.memory_space<hbm>>
      tpu.enqueue_dma source(%dma_start3A_17 : memref<640x128xf32, #tpu.memory_space<hbm>>) target(%dma_start3A_15 : memref<640x128xf32, #tpu.memory_space<vmem_shared>>) target_semaphore(%run_scoped3A : memref<!tpu.dma_semaphore, #tpu.memory_space<semaphore_mem>>)
      %dma_wait3A = arith.constant 0 : i32
      %dma_wait3A_18 = tpu.memref_slice %arg11[%mul3A_4, %dma_wait3A] : memref<10240x128xf32, #tpu.memory_space<vmem_shared>> -> memref<640x128xf32, #tpu.memory_space<vmem_shared>>
      %dma_wait3A_19 = arith.constant 0 : i32
      %dma_wait3A_20 = tpu.memref_slice %arg5[%mul3A_2, %dma_wait3A_19] : memref<10240x128xf32, #tpu.memory_space<hbm>> -> memref<640x128xf32, #tpu.memory_space<hbm>>
      tpu.wait_dma2 semaphore(%run_scoped3A : memref<!tpu.dma_semaphore, #tpu.memory_space<semaphore_mem>>) src(%dma_wait3A_20 : memref<640x128xf32, #tpu.memory_space<hbm>>) dst(%dma_wait3A_18 : memref<640x128xf32, #tpu.memory_space<vmem_shared>>)
      tpu.yield
    }) : () -> ()
    %barrier3A = arith.constant 0 : index
    tpu.barrier barrier_id(%barrier3A)
    %scan3A = arith.constant 0 : i32
    %scan3A_5 = arith.constant 0 : i32
    %scan3A_6 = arith.constant 5 : i32
    %scan3A_7 = arith.addi %scan3A_5, %scan3A_6 : i32
    %scan3A_8 = arith.constant 1 : i32
    scf.for %scan3A_15 = %scan3A_5 to %scan3A_7 step %scan3A_8  : i32 {
      "tpu.region"() ({
        %run_scoped3A = tpu.sem_alloc : memref<!tpu.dma_semaphore, #tpu.memory_space<semaphore_mem>>
        %dma_start3A_462 = arith.constant 0 : i32
        %dma_start3A_463 = arith.constant 0 : i32
        %dma_start3A_464 = arith.constant 0 : i32
        %dma_start3A_465 = tpu.memref_slice %arg3[%add3A, %dma_start3A_462, %dma_start3A_463, %dma_start3A_464] : memref<32x5x16x128xi32, #tpu.memory_space<hbm>> -> memref<1x5x16x128xi32, #tpu.memory_space<hbm>>
        %dma_start3A_466 = tpu.memref_squeeze %dma_start3A_465 : memref<1x5x16x128xi32, #tpu.memory_space<hbm>> -> memref<5x16x128xi32, #tpu.memory_space<hbm>>
        %dma_start3A_467 = arith.constant 0 : i32
        %dma_start3A_468 = arith.constant 0 : i32
        %dma_start3A_469 = tpu.memref_slice %dma_start3A_466[%scan3A_15, %dma_start3A_467, %dma_start3A_468] : memref<5x16x128xi32, #tpu.memory_space<hbm>> -> memref<1x16x128xi32, #tpu.memory_space<hbm>>
        %dma_start3A_470 = tpu.memref_squeeze %dma_start3A_469 : memref<1x16x128xi32, #tpu.memory_space<hbm>> -> memref<16x128xi32, #tpu.memory_space<hbm>>
        %dma_start3A_471 = arith.constant 0 : i32
        %dma_start3A_472 = arith.constant 0 : i32
        %dma_start3A_473 = arith.constant 0 : i32
        %dma_start3A_474 = tpu.memref_slice %arg3[%add3A, %dma_start3A_471, %dma_start3A_472, %dma_start3A_473] : memref<32x5x16x128xi32, #tpu.memory_space<hbm>> -> memref<1x5x16x128xi32, #tpu.memory_space<hbm>>
        %dma_start3A_475 = tpu.memref_squeeze %dma_start3A_474 : memref<1x5x16x128xi32, #tpu.memory_space<hbm>> -> memref<5x16x128xi32, #tpu.memory_space<hbm>>
        %dma_start3A_476 = arith.constant 0 : i32
        %dma_start3A_477 = arith.constant 0 : i32
        %dma_start3A_478 = tpu.memref_slice %dma_start3A_475[%scan3A_15, %dma_start3A_476, %dma_start3A_477] : memref<5x16x128xi32, #tpu.memory_space<hbm>> -> memref<1x16x128xi32, #tpu.memory_space<hbm>>
        %dma_start3A_479 = tpu.memref_squeeze %dma_start3A_478 : memref<1x16x128xi32, #tpu.memory_space<hbm>> -> memref<16x128xi32, #tpu.memory_space<hbm>>
        tpu.enqueue_dma source(%dma_start3A_479 : memref<16x128xi32, #tpu.memory_space<hbm>>) target(%arg7 : memref<16x128xi32, #tpu.memory_space<vmem>>) target_semaphore(%run_scoped3A : memref<!tpu.dma_semaphore, #tpu.memory_space<semaphore_mem>>)
        %dma_wait3A_480 = arith.constant 0 : i32
        %dma_wait3A_481 = arith.constant 0 : i32
        %dma_wait3A_482 = arith.constant 0 : i32
        %dma_wait3A_483 = tpu.memref_slice %arg3[%add3A, %dma_wait3A_480, %dma_wait3A_481, %dma_wait3A_482] : memref<32x5x16x128xi32, #tpu.memory_space<hbm>> -> memref<1x5x16x128xi32, #tpu.memory_space<hbm>>
        %dma_wait3A_484 = tpu.memref_squeeze %dma_wait3A_483 : memref<1x5x16x128xi32, #tpu.memory_space<hbm>> -> memref<5x16x128xi32, #tpu.memory_space<hbm>>
        %dma_wait3A_485 = arith.constant 0 : i32
        %dma_wait3A_486 = arith.constant 0 : i32
        %dma_wait3A_487 = tpu.memref_slice %dma_wait3A_484[%scan3A_15, %dma_wait3A_485, %dma_wait3A_486] : memref<5x16x128xi32, #tpu.memory_space<hbm>> -> memref<1x16x128xi32, #tpu.memory_space<hbm>>
        %dma_wait3A_488 = tpu.memref_squeeze %dma_wait3A_487 : memref<1x16x128xi32, #tpu.memory_space<hbm>> -> memref<16x128xi32, #tpu.memory_space<hbm>>
        %dma_wait3A_489 = arith.constant 0 : i32
        %dma_wait3A_490 = arith.constant 0 : i32
        %dma_wait3A_491 = arith.constant 0 : i32
        %dma_wait3A_492 = tpu.memref_slice %arg3[%add3A, %dma_wait3A_489, %dma_wait3A_490, %dma_wait3A_491] : memref<32x5x16x128xi32, #tpu.memory_space<hbm>> -> memref<1x5x16x128xi32, #tpu.memory_space<hbm>>
        %dma_wait3A_493 = tpu.memref_squeeze %dma_wait3A_492 : memref<1x5x16x128xi32, #tpu.memory_space<hbm>> -> memref<5x16x128xi32, #tpu.memory_space<hbm>>
        %dma_wait3A_494 = arith.constant 0 : i32
        %dma_wait3A_495 = arith.constant 0 : i32
        %dma_wait3A_496 = tpu.memref_slice %dma_wait3A_493[%scan3A_15, %dma_wait3A_494, %dma_wait3A_495] : memref<5x16x128xi32, #tpu.memory_space<hbm>> -> memref<1x16x128xi32, #tpu.memory_space<hbm>>
        %dma_wait3A_497 = tpu.memref_squeeze %dma_wait3A_496 : memref<1x16x128xi32, #tpu.memory_space<hbm>> -> memref<16x128xi32, #tpu.memory_space<hbm>>
        tpu.wait_dma2 semaphore(%run_scoped3A : memref<!tpu.dma_semaphore, #tpu.memory_space<semaphore_mem>>) src(%dma_wait3A_497 : memref<16x128xi32, #tpu.memory_space<hbm>>) dst(%arg7 : memref<16x128xi32, #tpu.memory_space<vmem>>)
        tpu.yield
      }) : () -> ()
      "tpu.region"() ({
        %run_scoped3A = tpu.sem_alloc : memref<!tpu.dma_semaphore, #tpu.memory_space<semaphore_mem>>
        %dma_start3A_462 = arith.constant 0 : i32
        %dma_start3A_463 = arith.constant 0 : i32
        %dma_start3A_464 = arith.constant 0 : i32
        %dma_start3A_465 = tpu.memref_slice %arg4[%add3A, %dma_start3A_462, %dma_start3A_463, %dma_start3A_464] : memref<32x5x16x128xi32, #tpu.memory_space<hbm>> -> memref<1x5x16x128xi32, #tpu.memory_space<hbm>>
        %dma_start3A_466 = tpu.memref_squeeze %dma_start3A_465 : memref<1x5x16x128xi32, #tpu.memory_space<hbm>> -> memref<5x16x128xi32, #tpu.memory_space<hbm>>
        %dma_start3A_467 = arith.constant 0 : i32
        %dma_start3A_468 = arith.constant 0 : i32
        %dma_start3A_469 = tpu.memref_slice %dma_start3A_466[%scan3A_15, %dma_start3A_467, %dma_start3A_468] : memref<5x16x128xi32, #tpu.memory_space<hbm>> -> memref<1x16x128xi32, #tpu.memory_space<hbm>>
        %dma_start3A_470 = tpu.memref_squeeze %dma_start3A_469 : memref<1x16x128xi32, #tpu.memory_space<hbm>> -> memref<16x128xi32, #tpu.memory_space<hbm>>
        %dma_start3A_471 = arith.constant 0 : i32
        %dma_start3A_472 = arith.constant 0 : i32
        %dma_start3A_473 = arith.constant 0 : i32
        %dma_start3A_474 = tpu.memref_slice %arg4[%add3A, %dma_start3A_471, %dma_start3A_472, %dma_start3A_473] : memref<32x5x16x128xi32, #tpu.memory_space<hbm>> -> memref<1x5x16x128xi32, #tpu.memory_space<hbm>>
        %dma_start3A_475 = tpu.memref_squeeze %dma_start3A_474 : memref<1x5x16x128xi32, #tpu.memory_space<hbm>> -> memref<5x16x128xi32, #tpu.memory_space<hbm>>
        %dma_start3A_476 = arith.constant 0 : i32
        %dma_start3A_477 = arith.constant 0 : i32
        %dma_start3A_478 = tpu.memref_slice %dma_start3A_475[%scan3A_15, %dma_start3A_476, %dma_start3A_477] : memref<5x16x128xi32, #tpu.memory_space<hbm>> -> memref<1x16x128xi32, #tpu.memory_space<hbm>>
        %dma_start3A_479 = tpu.memref_squeeze %dma_start3A_478 : memref<1x16x128xi32, #tpu.memory_space<hbm>> -> memref<16x128xi32, #tpu.memory_space<hbm>>
        tpu.enqueue_dma source(%dma_start3A_479 : memref<16x128xi32, #tpu.memory_space<hbm>>) target(%arg8 : memref<16x128xi32, #tpu.memory_space<vmem>>) target_semaphore(%run_scoped3A : memref<!tpu.dma_semaphore, #tpu.memory_space<semaphore_mem>>)
        %dma_wait3A_480 = arith.constant 0 : i32
        %dma_wait3A_481 = arith.constant 0 : i32
        %dma_wait3A_482 = arith.constant 0 : i32
        %dma_wait3A_483 = tpu.memref_slice %arg4[%add3A, %dma_wait3A_480, %dma_wait3A_481, %dma_wait3A_482] : memref<32x5x16x128xi32, #tpu.memory_space<hbm>> -> memref<1x5x16x128xi32, #tpu.memory_space<hbm>>
        %dma_wait3A_484 = tpu.memref_squeeze %dma_wait3A_483 : memref<1x5x16x128xi32, #tpu.memory_space<hbm>> -> memref<5x16x128xi32, #tpu.memory_space<hbm>>
        %dma_wait3A_485 = arith.constant 0 : i32
        %dma_wait3A_486 = arith.constant 0 : i32
        %dma_wait3A_487 = tpu.memref_slice %dma_wait3A_484[%scan3A_15, %dma_wait3A_485, %dma_wait3A_486] : memref<5x16x128xi32, #tpu.memory_space<hbm>> -> memref<1x16x128xi32, #tpu.memory_space<hbm>>
        %dma_wait3A_488 = tpu.memref_squeeze %dma_wait3A_487 : memref<1x16x128xi32, #tpu.memory_space<hbm>> -> memref<16x128xi32, #tpu.memory_space<hbm>>
        %dma_wait3A_489 = arith.constant 0 : i32
        %dma_wait3A_490 = arith.constant 0 : i32
        %dma_wait3A_491 = arith.constant 0 : i32
        %dma_wait3A_492 = tpu.memref_slice %arg4[%add3A, %dma_wait3A_489, %dma_wait3A_490, %dma_wait3A_491] : memref<32x5x16x128xi32, #tpu.memory_space<hbm>> -> memref<1x5x16x128xi32, #tpu.memory_space<hbm>>
        %dma_wait3A_493 = tpu.memref_squeeze %dma_wait3A_492 : memref<1x5x16x128xi32, #tpu.memory_space<hbm>> -> memref<5x16x128xi32, #tpu.memory_space<hbm>>
        %dma_wait3A_494 = arith.constant 0 : i32
        %dma_wait3A_495 = arith.constant 0 : i32
        %dma_wait3A_496 = tpu.memref_slice %dma_wait3A_493[%scan3A_15, %dma_wait3A_494, %dma_wait3A_495] : memref<5x16x128xi32, #tpu.memory_space<hbm>> -> memref<1x16x128xi32, #tpu.memory_space<hbm>>
        %dma_wait3A_497 = tpu.memref_squeeze %dma_wait3A_496 : memref<1x16x128xi32, #tpu.memory_space<hbm>> -> memref<16x128xi32, #tpu.memory_space<hbm>>
        tpu.wait_dma2 semaphore(%run_scoped3A : memref<!tpu.dma_semaphore, #tpu.memory_space<semaphore_mem>>) src(%dma_wait3A_497 : memref<16x128xi32, #tpu.memory_space<hbm>>) dst(%arg8 : memref<16x128xi32, #tpu.memory_space<vmem>>)
        tpu.yield
      }) : () -> ()
      %dma_start3A = arith.constant 0 : i32
      %dma_start3A_16 = arith.constant 0 : i32
      %dma_start3A_17 = tpu.memref_slice %arg7[%dma_start3A, %dma_start3A_16] : memref<16x128xi32, #tpu.memory_space<vmem>> -> memref<1x128xi32, #tpu.memory_space<vmem>>
      %dma_start3A_18 = tpu.memref_squeeze %dma_start3A_17 : memref<1x128xi32, #tpu.memory_space<vmem>> -> memref<128xi32, #tpu.memory_space<vmem>>
      %dma_start3A_19 = arith.constant 0 : i32
      %dma_start3A_20 = arith.constant 0 : i32
      %dma_start3A_21 = tpu.memref_slice %arg2[%dma_start3A_19, %dma_start3A_20] : memref<10240x128xf32, #tpu.memory_space<hbm>> -> memref<10240x128xf32, #tpu.memory_space<hbm>>
      tpu.enqueue_indirect_dma source(%dma_start3A_21 : memref<10240x128xf32, #tpu.memory_space<hbm>>) target(%arg9 : memref<128x128xf32, #tpu.memory_space<vmem>>) offsets(%dma_start3A_18 : memref<128xi32, #tpu.memory_space<vmem>>) semaphore(%arg12 : memref<!tpu.dma_semaphore, #tpu.memory_space<semaphore_mem>>)
      %dma_start3A_22 = arith.constant 1 : i32
      %dma_start3A_23 = arith.constant 0 : i32
      %dma_start3A_24 = tpu.memref_slice %arg7[%dma_start3A_22, %dma_start3A_23] : memref<16x128xi32, #tpu.memory_space<vmem>> -> memref<1x128xi32, #tpu.memory_space<vmem>>
      %dma_start3A_25 = tpu.memref_squeeze %dma_start3A_24 : memref<1x128xi32, #tpu.memory_space<vmem>> -> memref<128xi32, #tpu.memory_space<vmem>>
      %dma_start3A_26 = arith.constant 0 : i32
      %dma_start3A_27 = arith.constant 0 : i32
      %dma_start3A_28 = tpu.memref_slice %arg2[%dma_start3A_26, %dma_start3A_27] : memref<10240x128xf32, #tpu.memory_space<hbm>> -> memref<10240x128xf32, #tpu.memory_space<hbm>>
      tpu.enqueue_indirect_dma source(%dma_start3A_28 : memref<10240x128xf32, #tpu.memory_space<hbm>>) target(%arg10 : memref<128x128xf32, #tpu.memory_space<vmem>>) offsets(%dma_start3A_25 : memref<128xi32, #tpu.memory_space<vmem>>) semaphore(%arg13 : memref<!tpu.dma_semaphore, #tpu.memory_space<semaphore_mem>>)
      %dma_wait3A = arith.constant 0 : i32
      %dma_wait3A_29 = arith.constant 0 : i32
      %dma_wait3A_30 = tpu.memref_slice %arg7[%dma_wait3A, %dma_wait3A_29] : memref<16x128xi32, #tpu.memory_space<vmem>> -> memref<1x128xi32, #tpu.memory_space<vmem>>
      %dma_wait3A_31 = tpu.memref_squeeze %dma_wait3A_30 : memref<1x128xi32, #tpu.memory_space<vmem>> -> memref<128xi32, #tpu.memory_space<vmem>>
      %dma_wait3A_32 = arith.constant 0 : i32
      %dma_wait3A_33 = arith.constant 0 : i32
      %dma_wait3A_34 = tpu.memref_slice %arg2[%dma_wait3A_32, %dma_wait3A_33] : memref<10240x128xf32, #tpu.memory_space<hbm>> -> memref<10240x128xf32, #tpu.memory_space<hbm>>
      tpu.wait_indirect_dma semaphore(%arg12 : memref<!tpu.dma_semaphore, #tpu.memory_space<semaphore_mem>>) src(%dma_wait3A_34 : memref<10240x128xf32, #tpu.memory_space<hbm>>) dst(%arg9 : memref<128x128xf32, #tpu.memory_space<vmem>>)
      %dma_start3A_35 = arith.constant 0 : i32
      %dma_start3A_36 = arith.constant 0 : i32
      %dma_start3A_37 = tpu.memref_slice %arg8[%dma_start3A_35, %dma_start3A_36] : memref<16x128xi32, #tpu.memory_space<vmem>> -> memref<1x128xi32, #tpu.memory_space<vmem>>
      %dma_start3A_38 = tpu.memref_squeeze %dma_start3A_37 : memref<1x128xi32, #tpu.memory_space<vmem>> -> memref<128xi32, #tpu.memory_space<vmem>>
      %dma_start3A_39 = arith.constant 0 : i32
      %dma_start3A_40 = arith.constant 0 : i32
      %dma_start3A_41 = tpu.memref_slice %arg11[%dma_start3A_39, %dma_start3A_40] : memref<10240x128xf32, #tpu.memory_space<vmem_shared>> -> memref<10240x128xf32, #tpu.memory_space<vmem_shared>>
      tpu.enqueue_indirect_dma source(%arg9 : memref<128x128xf32, #tpu.memory_space<vmem>>) target(%dma_start3A_41 : memref<10240x128xf32, #tpu.memory_space<vmem_shared>>) offsets(%dma_start3A_38 : memref<128xi32, #tpu.memory_space<vmem>>) semaphore(%arg14 : memref<!tpu.dma_semaphore, #tpu.memory_space<semaphore_mem>>) {add = true}
      %dma_wait3A_42 = arith.constant 0 : i32
      %dma_wait3A_43 = arith.constant 0 : i32
      %dma_wait3A_44 = tpu.memref_slice %arg8[%dma_wait3A_42, %dma_wait3A_43] : memref<16x128xi32, #tpu.memory_space<vmem>> -> memref<1x128xi32, #tpu.memory_space<vmem>>
      %dma_wait3A_45 = tpu.memref_squeeze %dma_wait3A_44 : memref<1x128xi32, #tpu.memory_space<vmem>> -> memref<128xi32, #tpu.memory_space<vmem>>
      %dma_wait3A_46 = arith.constant 0 : i32
      %dma_wait3A_47 = arith.constant 0 : i32
      %dma_wait3A_48 = tpu.memref_slice %arg11[%dma_wait3A_46, %dma_wait3A_47] : memref<10240x128xf32, #tpu.memory_space<vmem_shared>> -> memref<10240x128xf32, #tpu.memory_space<vmem_shared>>
      tpu.wait_indirect_dma semaphore(%arg14 : memref<!tpu.dma_semaphore, #tpu.memory_space<semaphore_mem>>) src(%arg9 : memref<128x128xf32, #tpu.memory_space<vmem>>) dst(%dma_wait3A_48 : memref<10240x128xf32, #tpu.memory_space<vmem_shared>>)
      %dma_start3A_49 = arith.constant 2 : i32
      %dma_start3A_50 = arith.constant 0 : i32
      %dma_start3A_51 = tpu.memref_slice %arg7[%dma_start3A_49, %dma_start3A_50] : memref<16x128xi32, #tpu.memory_space<vmem>> -> memref<1x128xi32, #tpu.memory_space<vmem>>
      %dma_start3A_52 = tpu.memref_squeeze %dma_start3A_51 : memref<1x128xi32, #tpu.memory_space<vmem>> -> memref<128xi32, #tpu.memory_space<vmem>>
      %dma_start3A_53 = arith.constant 0 : i32
      %dma_start3A_54 = arith.constant 0 : i32
      %dma_start3A_55 = tpu.memref_slice %arg2[%dma_start3A_53, %dma_start3A_54] : memref<10240x128xf32, #tpu.memory_space<hbm>> -> memref<10240x128xf32, #tpu.memory_space<hbm>>
      tpu.enqueue_indirect_dma source(%dma_start3A_55 : memref<10240x128xf32, #tpu.memory_space<hbm>>) target(%arg9 : memref<128x128xf32, #tpu.memory_space<vmem>>) offsets(%dma_start3A_52 : memref<128xi32, #tpu.memory_space<vmem>>) semaphore(%arg12 : memref<!tpu.dma_semaphore, #tpu.memory_space<semaphore_mem>>)
      %dma_wait3A_56 = arith.constant 1 : i32
      %dma_wait3A_57 = arith.constant 0 : i32
      %dma_wait3A_58 = tpu.memref_slice %arg7[%dma_wait3A_56, %dma_wait3A_57] : memref<16x128xi32, #tpu.memory_space<vmem>> -> memref<1x128xi32, #tpu.memory_space<vmem>>
      %dma_wait3A_59 = tpu.memref_squeeze %dma_wait3A_58 : memref<1x128xi32, #tpu.memory_space<vmem>> -> memref<128xi32, #tpu.memory_space<vmem>>
      %dma_wait3A_60 = arith.constant 0 : i32
      %dma_wait3A_61 = arith.constant 0 : i32
      %dma_wait3A_62 = tpu.memref_slice %arg2[%dma_wait3A_60, %dma_wait3A_61] : memref<10240x128xf32, #tpu.memory_space<hbm>> -> memref<10240x128xf32, #tpu.memory_space<hbm>>
      tpu.wait_indirect_dma semaphore(%arg13 : memref<!tpu.dma_semaphore, #tpu.memory_space<semaphore_mem>>) src(%dma_wait3A_62 : memref<10240x128xf32, #tpu.memory_space<hbm>>) dst(%arg10 : memref<128x128xf32, #tpu.memory_space<vmem>>)
      %dma_start3A_63 = arith.constant 1 : i32
      %dma_start3A_64 = arith.constant 0 : i32
      %dma_start3A_65 = tpu.memref_slice %arg8[%dma_start3A_63, %dma_start3A_64] : memref<16x128xi32, #tpu.memory_space<vmem>> -> memref<1x128xi32, #tpu.memory_space<vmem>>
      %dma_start3A_66 = tpu.memref_squeeze %dma_start3A_65 : memref<1x128xi32, #tpu.memory_space<vmem>> -> memref<128xi32, #tpu.memory_space<vmem>>
      %dma_start3A_67 = arith.constant 0 : i32
      %dma_start3A_68 = arith.constant 0 : i32
      %dma_start3A_69 = tpu.memref_slice %arg11[%dma_start3A_67, %dma_start3A_68] : memref<10240x128xf32, #tpu.memory_space<vmem_shared>> -> memref<10240x128xf32, #tpu.memory_space<vmem_shared>>
      tpu.enqueue_indirect_dma source(%arg10 : memref<128x128xf32, #tpu.memory_space<vmem>>) target(%dma_start3A_69 : memref<10240x128xf32, #tpu.memory_space<vmem_shared>>) offsets(%dma_start3A_66 : memref<128xi32, #tpu.memory_space<vmem>>) semaphore(%arg15 : memref<!tpu.dma_semaphore, #tpu.memory_space<semaphore_mem>>) {add = true}
      %dma_wait3A_70 = arith.constant 1 : i32
      %dma_wait3A_71 = arith.constant 0 : i32
      %dma_wait3A_72 = tpu.memref_slice %arg8[%dma_wait3A_70, %dma_wait3A_71] : memref<16x128xi32, #tpu.memory_space<vmem>> -> memref<1x128xi32, #tpu.memory_space<vmem>>
      %dma_wait3A_73 = tpu.memref_squeeze %dma_wait3A_72 : memref<1x128xi32, #tpu.memory_space<vmem>> -> memref<128xi32, #tpu.memory_space<vmem>>
      %dma_wait3A_74 = arith.constant 0 : i32
      %dma_wait3A_75 = arith.constant 0 : i32
      %dma_wait3A_76 = tpu.memref_slice %arg11[%dma_wait3A_74, %dma_wait3A_75] : memref<10240x128xf32, #tpu.memory_space<vmem_shared>> -> memref<10240x128xf32, #tpu.memory_space<vmem_shared>>
      tpu.wait_indirect_dma semaphore(%arg15 : memref<!tpu.dma_semaphore, #tpu.memory_space<semaphore_mem>>) src(%arg10 : memref<128x128xf32, #tpu.memory_space<vmem>>) dst(%dma_wait3A_76 : memref<10240x128xf32, #tpu.memory_space<vmem_shared>>)
      %dma_start3A_77 = arith.constant 3 : i32
      %dma_start3A_78 = arith.constant 0 : i32
      %dma_start3A_79 = tpu.memref_slice %arg7[%dma_start3A_77, %dma_start3A_78] : memref<16x128xi32, #tpu.memory_space<vmem>> -> memref<1x128xi32, #tpu.memory_space<vmem>>
      %dma_start3A_80 = tpu.memref_squeeze %dma_start3A_79 : memref<1x128xi32, #tpu.memory_space<vmem>> -> memref<128xi32, #tpu.memory_space<vmem>>
      %dma_start3A_81 = arith.constant 0 : i32
      %dma_start3A_82 = arith.constant 0 : i32
      %dma_start3A_83 = tpu.memref_slice %arg2[%dma_start3A_81, %dma_start3A_82] : memref<10240x128xf32, #tpu.memory_space<hbm>> -> memref<10240x128xf32, #tpu.memory_space<hbm>>
      tpu.enqueue_indirect_dma source(%dma_start3A_83 : memref<10240x128xf32, #tpu.memory_space<hbm>>) target(%arg10 : memref<128x128xf32, #tpu.memory_space<vmem>>) offsets(%dma_start3A_80 : memref<128xi32, #tpu.memory_space<vmem>>) semaphore(%arg13 : memref<!tpu.dma_semaphore, #tpu.memory_space<semaphore_mem>>)
      %dma_wait3A_84 = arith.constant 2 : i32
      %dma_wait3A_85 = arith.constant 0 : i32
      %dma_wait3A_86 = tpu.memref_slice %arg7[%dma_wait3A_84, %dma_wait3A_85] : memref<16x128xi32, #tpu.memory_space<vmem>> -> memref<1x128xi32, #tpu.memory_space<vmem>>
      %dma_wait3A_87 = tpu.memref_squeeze %dma_wait3A_86 : memref<1x128xi32, #tpu.memory_space<vmem>> -> memref<128xi32, #tpu.memory_space<vmem>>
      %dma_wait3A_88 = arith.constant 0 : i32
      %dma_wait3A_89 = arith.constant 0 : i32
      %dma_wait3A_90 = tpu.memref_slice %arg2[%dma_wait3A_88, %dma_wait3A_89] : memref<10240x128xf32, #tpu.memory_space<hbm>> -> memref<10240x128xf32, #tpu.memory_space<hbm>>
      tpu.wait_indirect_dma semaphore(%arg12 : memref<!tpu.dma_semaphore, #tpu.memory_space<semaphore_mem>>) src(%dma_wait3A_90 : memref<10240x128xf32, #tpu.memory_space<hbm>>) dst(%arg9 : memref<128x128xf32, #tpu.memory_space<vmem>>)
      %dma_start3A_91 = arith.constant 2 : i32
      %dma_start3A_92 = arith.constant 0 : i32
      %dma_start3A_93 = tpu.memref_slice %arg8[%dma_start3A_91, %dma_start3A_92] : memref<16x128xi32, #tpu.memory_space<vmem>> -> memref<1x128xi32, #tpu.memory_space<vmem>>
      %dma_start3A_94 = tpu.memref_squeeze %dma_start3A_93 : memref<1x128xi32, #tpu.memory_space<vmem>> -> memref<128xi32, #tpu.memory_space<vmem>>
      %dma_start3A_95 = arith.constant 0 : i32
      %dma_start3A_96 = arith.constant 0 : i32
      %dma_start3A_97 = tpu.memref_slice %arg11[%dma_start3A_95, %dma_start3A_96] : memref<10240x128xf32, #tpu.memory_space<vmem_shared>> -> memref<10240x128xf32, #tpu.memory_space<vmem_shared>>
      tpu.enqueue_indirect_dma source(%arg9 : memref<128x128xf32, #tpu.memory_space<vmem>>) target(%dma_start3A_97 : memref<10240x128xf32, #tpu.memory_space<vmem_shared>>) offsets(%dma_start3A_94 : memref<128xi32, #tpu.memory_space<vmem>>) semaphore(%arg14 : memref<!tpu.dma_semaphore, #tpu.memory_space<semaphore_mem>>) {add = true}
      %dma_wait3A_98 = arith.constant 2 : i32
      %dma_wait3A_99 = arith.constant 0 : i32
      %dma_wait3A_100 = tpu.memref_slice %arg8[%dma_wait3A_98, %dma_wait3A_99] : memref<16x128xi32, #tpu.memory_space<vmem>> -> memref<1x128xi32, #tpu.memory_space<vmem>>
      %dma_wait3A_101 = tpu.memref_squeeze %dma_wait3A_100 : memref<1x128xi32, #tpu.memory_space<vmem>> -> memref<128xi32, #tpu.memory_space<vmem>>
      %dma_wait3A_102 = arith.constant 0 : i32
      %dma_wait3A_103 = arith.constant 0 : i32
      %dma_wait3A_104 = tpu.memref_slice %arg11[%dma_wait3A_102, %dma_wait3A_103] : memref<10240x128xf32, #tpu.memory_space<vmem_shared>> -> memref<10240x128xf32, #tpu.memory_space<vmem_shared>>
      tpu.wait_indirect_dma semaphore(%arg14 : memref<!tpu.dma_semaphore, #tpu.memory_space<semaphore_mem>>) src(%arg9 : memref<128x128xf32, #tpu.memory_space<vmem>>) dst(%dma_wait3A_104 : memref<10240x128xf32, #tpu.memory_space<vmem_shared>>)
      %dma_start3A_105 = arith.constant 4 : i32
      %dma_start3A_106 = arith.constant 0 : i32
      %dma_start3A_107 = tpu.memref_slice %arg7[%dma_start3A_105, %dma_start3A_106] : memref<16x128xi32, #tpu.memory_space<vmem>> -> memref<1x128xi32, #tpu.memory_space<vmem>>
      %dma_start3A_108 = tpu.memref_squeeze %dma_start3A_107 : memref<1x128xi32, #tpu.memory_space<vmem>> -> memref<128xi32, #tpu.memory_space<vmem>>
      %dma_start3A_109 = arith.constant 0 : i32
      %dma_start3A_110 = arith.constant 0 : i32
      %dma_start3A_111 = tpu.memref_slice %arg2[%dma_start3A_109, %dma_start3A_110] : memref<10240x128xf32, #tpu.memory_space<hbm>> -> memref<10240x128xf32, #tpu.memory_space<hbm>>
      tpu.enqueue_indirect_dma source(%dma_start3A_111 : memref<10240x128xf32, #tpu.memory_space<hbm>>) target(%arg9 : memref<128x128xf32, #tpu.memory_space<vmem>>) offsets(%dma_start3A_108 : memref<128xi32, #tpu.memory_space<vmem>>) semaphore(%arg12 : memref<!tpu.dma_semaphore, #tpu.memory_space<semaphore_mem>>)
      %dma_wait3A_112 = arith.constant 3 : i32
      %dma_wait3A_113 = arith.constant 0 : i32
      %dma_wait3A_114 = tpu.memref_slice %arg7[%dma_wait3A_112, %dma_wait3A_113] : memref<16x128xi32, #tpu.memory_space<vmem>> -> memref<1x128xi32, #tpu.memory_space<vmem>>
      %dma_wait3A_115 = tpu.memref_squeeze %dma_wait3A_114 : memref<1x128xi32, #tpu.memory_space<vmem>> -> memref<128xi32, #tpu.memory_space<vmem>>
      %dma_wait3A_116 = arith.constant 0 : i32
      %dma_wait3A_117 = arith.constant 0 : i32
      %dma_wait3A_118 = tpu.memref_slice %arg2[%dma_wait3A_116, %dma_wait3A_117] : memref<10240x128xf32, #tpu.memory_space<hbm>> -> memref<10240x128xf32, #tpu.memory_space<hbm>>
      tpu.wait_indirect_dma semaphore(%arg13 : memref<!tpu.dma_semaphore, #tpu.memory_space<semaphore_mem>>) src(%dma_wait3A_118 : memref<10240x128xf32, #tpu.memory_space<hbm>>) dst(%arg10 : memref<128x128xf32, #tpu.memory_space<vmem>>)
      %dma_start3A_119 = arith.constant 3 : i32
      %dma_start3A_120 = arith.constant 0 : i32
      %dma_start3A_121 = tpu.memref_slice %arg8[%dma_start3A_119, %dma_start3A_120] : memref<16x128xi32, #tpu.memory_space<vmem>> -> memref<1x128xi32, #tpu.memory_space<vmem>>
      %dma_start3A_122 = tpu.memref_squeeze %dma_start3A_121 : memref<1x128xi32, #tpu.memory_space<vmem>> -> memref<128xi32, #tpu.memory_space<vmem>>
      %dma_start3A_123 = arith.constant 0 : i32
      %dma_start3A_124 = arith.constant 0 : i32
      %dma_start3A_125 = tpu.memref_slice %arg11[%dma_start3A_123, %dma_start3A_124] : memref<10240x128xf32, #tpu.memory_space<vmem_shared>> -> memref<10240x128xf32, #tpu.memory_space<vmem_shared>>
      tpu.enqueue_indirect_dma source(%arg10 : memref<128x128xf32, #tpu.memory_space<vmem>>) target(%dma_start3A_125 : memref<10240x128xf32, #tpu.memory_space<vmem_shared>>) offsets(%dma_start3A_122 : memref<128xi32, #tpu.memory_space<vmem>>) semaphore(%arg15 : memref<!tpu.dma_semaphore, #tpu.memory_space<semaphore_mem>>) {add = true}
      %dma_wait3A_126 = arith.constant 3 : i32
      %dma_wait3A_127 = arith.constant 0 : i32
      %dma_wait3A_128 = tpu.memref_slice %arg8[%dma_wait3A_126, %dma_wait3A_127] : memref<16x128xi32, #tpu.memory_space<vmem>> -> memref<1x128xi32, #tpu.memory_space<vmem>>
      %dma_wait3A_129 = tpu.memref_squeeze %dma_wait3A_128 : memref<1x128xi32, #tpu.memory_space<vmem>> -> memref<128xi32, #tpu.memory_space<vmem>>
      %dma_wait3A_130 = arith.constant 0 : i32
      %dma_wait3A_131 = arith.constant 0 : i32
      %dma_wait3A_132 = tpu.memref_slice %arg11[%dma_wait3A_130, %dma_wait3A_131] : memref<10240x128xf32, #tpu.memory_space<vmem_shared>> -> memref<10240x128xf32, #tpu.memory_space<vmem_shared>>
      tpu.wait_indirect_dma semaphore(%arg15 : memref<!tpu.dma_semaphore, #tpu.memory_space<semaphore_mem>>) src(%arg10 : memref<128x128xf32, #tpu.memory_space<vmem>>) dst(%dma_wait3A_132 : memref<10240x128xf32, #tpu.memory_space<vmem_shared>>)
      %dma_start3A_133 = arith.constant 5 : i32
      %dma_start3A_134 = arith.constant 0 : i32
      %dma_start3A_135 = tpu.memref_slice %arg7[%dma_start3A_133, %dma_start3A_134] : memref<16x128xi32, #tpu.memory_space<vmem>> -> memref<1x128xi32, #tpu.memory_space<vmem>>
      %dma_start3A_136 = tpu.memref_squeeze %dma_start3A_135 : memref<1x128xi32, #tpu.memory_space<vmem>> -> memref<128xi32, #tpu.memory_space<vmem>>
      %dma_start3A_137 = arith.constant 0 : i32
      %dma_start3A_138 = arith.constant 0 : i32
      %dma_start3A_139 = tpu.memref_slice %arg2[%dma_start3A_137, %dma_start3A_138] : memref<10240x128xf32, #tpu.memory_space<hbm>> -> memref<10240x128xf32, #tpu.memory_space<hbm>>
      tpu.enqueue_indirect_dma source(%dma_start3A_139 : memref<10240x128xf32, #tpu.memory_space<hbm>>) target(%arg10 : memref<128x128xf32, #tpu.memory_space<vmem>>) offsets(%dma_start3A_136 : memref<128xi32, #tpu.memory_space<vmem>>) semaphore(%arg13 : memref<!tpu.dma_semaphore, #tpu.memory_space<semaphore_mem>>)
      %dma_wait3A_140 = arith.constant 4 : i32
      %dma_wait3A_141 = arith.constant 0 : i32
      %dma_wait3A_142 = tpu.memref_slice %arg7[%dma_wait3A_140, %dma_wait3A_141] : memref<16x128xi32, #tpu.memory_space<vmem>> -> memref<1x128xi32, #tpu.memory_space<vmem>>
      %dma_wait3A_143 = tpu.memref_squeeze %dma_wait3A_142 : memref<1x128xi32, #tpu.memory_space<vmem>> -> memref<128xi32, #tpu.memory_space<vmem>>
      %dma_wait3A_144 = arith.constant 0 : i32
      %dma_wait3A_145 = arith.constant 0 : i32
      %dma_wait3A_146 = tpu.memref_slice %arg2[%dma_wait3A_144, %dma_wait3A_145] : memref<10240x128xf32, #tpu.memory_space<hbm>> -> memref<10240x128xf32, #tpu.memory_space<hbm>>
      tpu.wait_indirect_dma semaphore(%arg12 : memref<!tpu.dma_semaphore, #tpu.memory_space<semaphore_mem>>) src(%dma_wait3A_146 : memref<10240x128xf32, #tpu.memory_space<hbm>>) dst(%arg9 : memref<128x128xf32, #tpu.memory_space<vmem>>)
      %dma_start3A_147 = arith.constant 4 : i32
      %dma_start3A_148 = arith.constant 0 : i32
      %dma_start3A_149 = tpu.memref_slice %arg8[%dma_start3A_147, %dma_start3A_148] : memref<16x128xi32, #tpu.memory_space<vmem>> -> memref<1x128xi32, #tpu.memory_space<vmem>>
      %dma_start3A_150 = tpu.memref_squeeze %dma_start3A_149 : memref<1x128xi32, #tpu.memory_space<vmem>> -> memref<128xi32, #tpu.memory_space<vmem>>
      %dma_start3A_151 = arith.constant 0 : i32
      %dma_start3A_152 = arith.constant 0 : i32
      %dma_start3A_153 = tpu.memref_slice %arg11[%dma_start3A_151, %dma_start3A_152] : memref<10240x128xf32, #tpu.memory_space<vmem_shared>> -> memref<10240x128xf32, #tpu.memory_space<vmem_shared>>
      tpu.enqueue_indirect_dma source(%arg9 : memref<128x128xf32, #tpu.memory_space<vmem>>) target(%dma_start3A_153 : memref<10240x128xf32, #tpu.memory_space<vmem_shared>>) offsets(%dma_start3A_150 : memref<128xi32, #tpu.memory_space<vmem>>) semaphore(%arg14 : memref<!tpu.dma_semaphore, #tpu.memory_space<semaphore_mem>>) {add = true}
      %dma_wait3A_154 = arith.constant 4 : i32
      %dma_wait3A_155 = arith.constant 0 : i32
      %dma_wait3A_156 = tpu.memref_slice %arg8[%dma_wait3A_154, %dma_wait3A_155] : memref<16x128xi32, #tpu.memory_space<vmem>> -> memref<1x128xi32, #tpu.memory_space<vmem>>
      %dma_wait3A_157 = tpu.memref_squeeze %dma_wait3A_156 : memref<1x128xi32, #tpu.memory_space<vmem>> -> memref<128xi32, #tpu.memory_space<vmem>>
      %dma_wait3A_158 = arith.constant 0 : i32
      %dma_wait3A_159 = arith.constant 0 : i32
      %dma_wait3A_160 = tpu.memref_slice %arg11[%dma_wait3A_158, %dma_wait3A_159] : memref<10240x128xf32, #tpu.memory_space<vmem_shared>> -> memref<10240x128xf32, #tpu.memory_space<vmem_shared>>
      tpu.wait_indirect_dma semaphore(%arg14 : memref<!tpu.dma_semaphore, #tpu.memory_space<semaphore_mem>>) src(%arg9 : memref<128x128xf32, #tpu.memory_space<vmem>>) dst(%dma_wait3A_160 : memref<10240x128xf32, #tpu.memory_space<vmem_shared>>)
      %dma_start3A_161 = arith.constant 6 : i32
      %dma_start3A_162 = arith.constant 0 : i32
      %dma_start3A_163 = tpu.memref_slice %arg7[%dma_start3A_161, %dma_start3A_162] : memref<16x128xi32, #tpu.memory_space<vmem>> -> memref<1x128xi32, #tpu.memory_space<vmem>>
      %dma_start3A_164 = tpu.memref_squeeze %dma_start3A_163 : memref<1x128xi32, #tpu.memory_space<vmem>> -> memref<128xi32, #tpu.memory_space<vmem>>
      %dma_start3A_165 = arith.constant 0 : i32
      %dma_start3A_166 = arith.constant 0 : i32
      %dma_start3A_167 = tpu.memref_slice %arg2[%dma_start3A_165, %dma_start3A_166] : memref<10240x128xf32, #tpu.memory_space<hbm>> -> memref<10240x128xf32, #tpu.memory_space<hbm>>
      tpu.enqueue_indirect_dma source(%dma_start3A_167 : memref<10240x128xf32, #tpu.memory_space<hbm>>) target(%arg9 : memref<128x128xf32, #tpu.memory_space<vmem>>) offsets(%dma_start3A_164 : memref<128xi32, #tpu.memory_space<vmem>>) semaphore(%arg12 : memref<!tpu.dma_semaphore, #tpu.memory_space<semaphore_mem>>)
      %dma_wait3A_168 = arith.constant 5 : i32
      %dma_wait3A_169 = arith.constant 0 : i32
      %dma_wait3A_170 = tpu.memref_slice %arg7[%dma_wait3A_168, %dma_wait3A_169] : memref<16x128xi32, #tpu.memory_space<vmem>> -> memref<1x128xi32, #tpu.memory_space<vmem>>
      %dma_wait3A_171 = tpu.memref_squeeze %dma_wait3A_170 : memref<1x128xi32, #tpu.memory_space<vmem>> -> memref<128xi32, #tpu.memory_space<vmem>>
      %dma_wait3A_172 = arith.constant 0 : i32
      %dma_wait3A_173 = arith.constant 0 : i32
      %dma_wait3A_174 = tpu.memref_slice %arg2[%dma_wait3A_172, %dma_wait3A_173] : memref<10240x128xf32, #tpu.memory_space<hbm>> -> memref<10240x128xf32, #tpu.memory_space<hbm>>
      tpu.wait_indirect_dma semaphore(%arg13 : memref<!tpu.dma_semaphore, #tpu.memory_space<semaphore_mem>>) src(%dma_wait3A_174 : memref<10240x128xf32, #tpu.memory_space<hbm>>) dst(%arg10 : memref<128x128xf32, #tpu.memory_space<vmem>>)
      %dma_start3A_175 = arith.constant 5 : i32
      %dma_start3A_176 = arith.constant 0 : i32
      %dma_start3A_177 = tpu.memref_slice %arg8[%dma_start3A_175, %dma_start3A_176] : memref<16x128xi32, #tpu.memory_space<vmem>> -> memref<1x128xi32, #tpu.memory_space<vmem>>
      %dma_start3A_178 = tpu.memref_squeeze %dma_start3A_177 : memref<1x128xi32, #tpu.memory_space<vmem>> -> memref<128xi32, #tpu.memory_space<vmem>>
      %dma_start3A_179 = arith.constant 0 : i32
      %dma_start3A_180 = arith.constant 0 : i32
      %dma_start3A_181 = tpu.memref_slice %arg11[%dma_start3A_179, %dma_start3A_180] : memref<10240x128xf32, #tpu.memory_space<vmem_shared>> -> memref<10240x128xf32, #tpu.memory_space<vmem_shared>>
      tpu.enqueue_indirect_dma source(%arg10 : memref<128x128xf32, #tpu.memory_space<vmem>>) target(%dma_start3A_181 : memref<10240x128xf32, #tpu.memory_space<vmem_shared>>) offsets(%dma_start3A_178 : memref<128xi32, #tpu.memory_space<vmem>>) semaphore(%arg15 : memref<!tpu.dma_semaphore, #tpu.memory_space<semaphore_mem>>) {add = true}
      %dma_wait3A_182 = arith.constant 5 : i32
      %dma_wait3A_183 = arith.constant 0 : i32
      %dma_wait3A_184 = tpu.memref_slice %arg8[%dma_wait3A_182, %dma_wait3A_183] : memref<16x128xi32, #tpu.memory_space<vmem>> -> memref<1x128xi32, #tpu.memory_space<vmem>>
      %dma_wait3A_185 = tpu.memref_squeeze %dma_wait3A_184 : memref<1x128xi32, #tpu.memory_space<vmem>> -> memref<128xi32, #tpu.memory_space<vmem>>
      %dma_wait3A_186 = arith.constant 0 : i32
      %dma_wait3A_187 = arith.constant 0 : i32
      %dma_wait3A_188 = tpu.memref_slice %arg11[%dma_wait3A_186, %dma_wait3A_187] : memref<10240x128xf32, #tpu.memory_space<vmem_shared>> -> memref<10240x128xf32, #tpu.memory_space<vmem_shared>>
      tpu.wait_indirect_dma semaphore(%arg15 : memref<!tpu.dma_semaphore, #tpu.memory_space<semaphore_mem>>) src(%arg10 : memref<128x128xf32, #tpu.memory_space<vmem>>) dst(%dma_wait3A_188 : memref<10240x128xf32, #tpu.memory_space<vmem_shared>>)
      %dma_start3A_189 = arith.constant 7 : i32
      %dma_start3A_190 = arith.constant 0 : i32
      %dma_start3A_191 = tpu.memref_slice %arg7[%dma_start3A_189, %dma_start3A_190] : memref<16x128xi32, #tpu.memory_space<vmem>> -> memref<1x128xi32, #tpu.memory_space<vmem>>
      %dma_start3A_192 = tpu.memref_squeeze %dma_start3A_191 : memref<1x128xi32, #tpu.memory_space<vmem>> -> memref<128xi32, #tpu.memory_space<vmem>>
      %dma_start3A_193 = arith.constant 0 : i32
      %dma_start3A_194 = arith.constant 0 : i32
      %dma_start3A_195 = tpu.memref_slice %arg2[%dma_start3A_193, %dma_start3A_194] : memref<10240x128xf32, #tpu.memory_space<hbm>> -> memref<10240x128xf32, #tpu.memory_space<hbm>>
      tpu.enqueue_indirect_dma source(%dma_start3A_195 : memref<10240x128xf32, #tpu.memory_space<hbm>>) target(%arg10 : memref<128x128xf32, #tpu.memory_space<vmem>>) offsets(%dma_start3A_192 : memref<128xi32, #tpu.memory_space<vmem>>) semaphore(%arg13 : memref<!tpu.dma_semaphore, #tpu.memory_space<semaphore_mem>>)
      %dma_wait3A_196 = arith.constant 6 : i32
      %dma_wait3A_197 = arith.constant 0 : i32
      %dma_wait3A_198 = tpu.memref_slice %arg7[%dma_wait3A_196, %dma_wait3A_197] : memref<16x128xi32, #tpu.memory_space<vmem>> -> memref<1x128xi32, #tpu.memory_space<vmem>>
      %dma_wait3A_199 = tpu.memref_squeeze %dma_wait3A_198 : memref<1x128xi32, #tpu.memory_space<vmem>> -> memref<128xi32, #tpu.memory_space<vmem>>
      %dma_wait3A_200 = arith.constant 0 : i32
      %dma_wait3A_201 = arith.constant 0 : i32
      %dma_wait3A_202 = tpu.memref_slice %arg2[%dma_wait3A_200, %dma_wait3A_201] : memref<10240x128xf32, #tpu.memory_space<hbm>> -> memref<10240x128xf32, #tpu.memory_space<hbm>>
      tpu.wait_indirect_dma semaphore(%arg12 : memref<!tpu.dma_semaphore, #tpu.memory_space<semaphore_mem>>) src(%dma_wait3A_202 : memref<10240x128xf32, #tpu.memory_space<hbm>>) dst(%arg9 : memref<128x128xf32, #tpu.memory_space<vmem>>)
      %dma_start3A_203 = arith.constant 6 : i32
      %dma_start3A_204 = arith.constant 0 : i32
      %dma_start3A_205 = tpu.memref_slice %arg8[%dma_start3A_203, %dma_start3A_204] : memref<16x128xi32, #tpu.memory_space<vmem>> -> memref<1x128xi32, #tpu.memory_space<vmem>>
      %dma_start3A_206 = tpu.memref_squeeze %dma_start3A_205 : memref<1x128xi32, #tpu.memory_space<vmem>> -> memref<128xi32, #tpu.memory_space<vmem>>
      %dma_start3A_207 = arith.constant 0 : i32
      %dma_start3A_208 = arith.constant 0 : i32
      %dma_start3A_209 = tpu.memref_slice %arg11[%dma_start3A_207, %dma_start3A_208] : memref<10240x128xf32, #tpu.memory_space<vmem_shared>> -> memref<10240x128xf32, #tpu.memory_space<vmem_shared>>
      tpu.enqueue_indirect_dma source(%arg9 : memref<128x128xf32, #tpu.memory_space<vmem>>) target(%dma_start3A_209 : memref<10240x128xf32, #tpu.memory_space<vmem_shared>>) offsets(%dma_start3A_206 : memref<128xi32, #tpu.memory_space<vmem>>) semaphore(%arg14 : memref<!tpu.dma_semaphore, #tpu.memory_space<semaphore_mem>>) {add = true}
      %dma_wait3A_210 = arith.constant 6 : i32
      %dma_wait3A_211 = arith.constant 0 : i32
      %dma_wait3A_212 = tpu.memref_slice %arg8[%dma_wait3A_210, %dma_wait3A_211] : memref<16x128xi32, #tpu.memory_space<vmem>> -> memref<1x128xi32, #tpu.memory_space<vmem>>
      %dma_wait3A_213 = tpu.memref_squeeze %dma_wait3A_212 : memref<1x128xi32, #tpu.memory_space<vmem>> -> memref<128xi32, #tpu.memory_space<vmem>>
      %dma_wait3A_214 = arith.constant 0 : i32
      %dma_wait3A_215 = arith.constant 0 : i32
      %dma_wait3A_216 = tpu.memref_slice %arg11[%dma_wait3A_214, %dma_wait3A_215] : memref<10240x128xf32, #tpu.memory_space<vmem_shared>> -> memref<10240x128xf32, #tpu.memory_space<vmem_shared>>
      tpu.wait_indirect_dma semaphore(%arg14 : memref<!tpu.dma_semaphore, #tpu.memory_space<semaphore_mem>>) src(%arg9 : memref<128x128xf32, #tpu.memory_space<vmem>>) dst(%dma_wait3A_216 : memref<10240x128xf32, #tpu.memory_space<vmem_shared>>)
      %dma_start3A_217 = arith.constant 8 : i32
      %dma_start3A_218 = arith.constant 0 : i32
      %dma_start3A_219 = tpu.memref_slice %arg7[%dma_start3A_217, %dma_start3A_218] : memref<16x128xi32, #tpu.memory_space<vmem>> -> memref<1x128xi32, #tpu.memory_space<vmem>>
      %dma_start3A_220 = tpu.memref_squeeze %dma_start3A_219 : memref<1x128xi32, #tpu.memory_space<vmem>> -> memref<128xi32, #tpu.memory_space<vmem>>
      %dma_start3A_221 = arith.constant 0 : i32
      %dma_start3A_222 = arith.constant 0 : i32
      %dma_start3A_223 = tpu.memref_slice %arg2[%dma_start3A_221, %dma_start3A_222] : memref<10240x128xf32, #tpu.memory_space<hbm>> -> memref<10240x128xf32, #tpu.memory_space<hbm>>
      tpu.enqueue_indirect_dma source(%dma_start3A_223 : memref<10240x128xf32, #tpu.memory_space<hbm>>) target(%arg9 : memref<128x128xf32, #tpu.memory_space<vmem>>) offsets(%dma_start3A_220 : memref<128xi32, #tpu.memory_space<vmem>>) semaphore(%arg12 : memref<!tpu.dma_semaphore, #tpu.memory_space<semaphore_mem>>)
      %dma_wait3A_224 = arith.constant 7 : i32
      %dma_wait3A_225 = arith.constant 0 : i32
      %dma_wait3A_226 = tpu.memref_slice %arg7[%dma_wait3A_224, %dma_wait3A_225] : memref<16x128xi32, #tpu.memory_space<vmem>> -> memref<1x128xi32, #tpu.memory_space<vmem>>
      %dma_wait3A_227 = tpu.memref_squeeze %dma_wait3A_226 : memref<1x128xi32, #tpu.memory_space<vmem>> -> memref<128xi32, #tpu.memory_space<vmem>>
      %dma_wait3A_228 = arith.constant 0 : i32
      %dma_wait3A_229 = arith.constant 0 : i32
      %dma_wait3A_230 = tpu.memref_slice %arg2[%dma_wait3A_228, %dma_wait3A_229] : memref<10240x128xf32, #tpu.memory_space<hbm>> -> memref<10240x128xf32, #tpu.memory_space<hbm>>
      tpu.wait_indirect_dma semaphore(%arg13 : memref<!tpu.dma_semaphore, #tpu.memory_space<semaphore_mem>>) src(%dma_wait3A_230 : memref<10240x128xf32, #tpu.memory_space<hbm>>) dst(%arg10 : memref<128x128xf32, #tpu.memory_space<vmem>>)
      %dma_start3A_231 = arith.constant 7 : i32
      %dma_start3A_232 = arith.constant 0 : i32
      %dma_start3A_233 = tpu.memref_slice %arg8[%dma_start3A_231, %dma_start3A_232] : memref<16x128xi32, #tpu.memory_space<vmem>> -> memref<1x128xi32, #tpu.memory_space<vmem>>
      %dma_start3A_234 = tpu.memref_squeeze %dma_start3A_233 : memref<1x128xi32, #tpu.memory_space<vmem>> -> memref<128xi32, #tpu.memory_space<vmem>>
      %dma_start3A_235 = arith.constant 0 : i32
      %dma_start3A_236 = arith.constant 0 : i32
      %dma_start3A_237 = tpu.memref_slice %arg11[%dma_start3A_235, %dma_start3A_236] : memref<10240x128xf32, #tpu.memory_space<vmem_shared>> -> memref<10240x128xf32, #tpu.memory_space<vmem_shared>>
      tpu.enqueue_indirect_dma source(%arg10 : memref<128x128xf32, #tpu.memory_space<vmem>>) target(%dma_start3A_237 : memref<10240x128xf32, #tpu.memory_space<vmem_shared>>) offsets(%dma_start3A_234 : memref<128xi32, #tpu.memory_space<vmem>>) semaphore(%arg15 : memref<!tpu.dma_semaphore, #tpu.memory_space<semaphore_mem>>) {add = true}
      %dma_wait3A_238 = arith.constant 7 : i32
      %dma_wait3A_239 = arith.constant 0 : i32
      %dma_wait3A_240 = tpu.memref_slice %arg8[%dma_wait3A_238, %dma_wait3A_239] : memref<16x128xi32, #tpu.memory_space<vmem>> -> memref<1x128xi32, #tpu.memory_space<vmem>>
      %dma_wait3A_241 = tpu.memref_squeeze %dma_wait3A_240 : memref<1x128xi32, #tpu.memory_space<vmem>> -> memref<128xi32, #tpu.memory_space<vmem>>
      %dma_wait3A_242 = arith.constant 0 : i32
      %dma_wait3A_243 = arith.constant 0 : i32
      %dma_wait3A_244 = tpu.memref_slice %arg11[%dma_wait3A_242, %dma_wait3A_243] : memref<10240x128xf32, #tpu.memory_space<vmem_shared>> -> memref<10240x128xf32, #tpu.memory_space<vmem_shared>>
      tpu.wait_indirect_dma semaphore(%arg15 : memref<!tpu.dma_semaphore, #tpu.memory_space<semaphore_mem>>) src(%arg10 : memref<128x128xf32, #tpu.memory_space<vmem>>) dst(%dma_wait3A_244 : memref<10240x128xf32, #tpu.memory_space<vmem_shared>>)
      %dma_start3A_245 = arith.constant 9 : i32
      %dma_start3A_246 = arith.constant 0 : i32
      %dma_start3A_247 = tpu.memref_slice %arg7[%dma_start3A_245, %dma_start3A_246] : memref<16x128xi32, #tpu.memory_space<vmem>> -> memref<1x128xi32, #tpu.memory_space<vmem>>
      %dma_start3A_248 = tpu.memref_squeeze %dma_start3A_247 : memref<1x128xi32, #tpu.memory_space<vmem>> -> memref<128xi32, #tpu.memory_space<vmem>>
      %dma_start3A_249 = arith.constant 0 : i32
      %dma_start3A_250 = arith.constant 0 : i32
      %dma_start3A_251 = tpu.memref_slice %arg2[%dma_start3A_249, %dma_start3A_250] : memref<10240x128xf32, #tpu.memory_space<hbm>> -> memref<10240x128xf32, #tpu.memory_space<hbm>>
      tpu.enqueue_indirect_dma source(%dma_start3A_251 : memref<10240x128xf32, #tpu.memory_space<hbm>>) target(%arg10 : memref<128x128xf32, #tpu.memory_space<vmem>>) offsets(%dma_start3A_248 : memref<128xi32, #tpu.memory_space<vmem>>) semaphore(%arg13 : memref<!tpu.dma_semaphore, #tpu.memory_space<semaphore_mem>>)
      %dma_wait3A_252 = arith.constant 8 : i32
      %dma_wait3A_253 = arith.constant 0 : i32
      %dma_wait3A_254 = tpu.memref_slice %arg7[%dma_wait3A_252, %dma_wait3A_253] : memref<16x128xi32, #tpu.memory_space<vmem>> -> memref<1x128xi32, #tpu.memory_space<vmem>>
      %dma_wait3A_255 = tpu.memref_squeeze %dma_wait3A_254 : memref<1x128xi32, #tpu.memory_space<vmem>> -> memref<128xi32, #tpu.memory_space<vmem>>
      %dma_wait3A_256 = arith.constant 0 : i32
      %dma_wait3A_257 = arith.constant 0 : i32
      %dma_wait3A_258 = tpu.memref_slice %arg2[%dma_wait3A_256, %dma_wait3A_257] : memref<10240x128xf32, #tpu.memory_space<hbm>> -> memref<10240x128xf32, #tpu.memory_space<hbm>>
      tpu.wait_indirect_dma semaphore(%arg12 : memref<!tpu.dma_semaphore, #tpu.memory_space<semaphore_mem>>) src(%dma_wait3A_258 : memref<10240x128xf32, #tpu.memory_space<hbm>>) dst(%arg9 : memref<128x128xf32, #tpu.memory_space<vmem>>)
      %dma_start3A_259 = arith.constant 8 : i32
      %dma_start3A_260 = arith.constant 0 : i32
      %dma_start3A_261 = tpu.memref_slice %arg8[%dma_start3A_259, %dma_start3A_260] : memref<16x128xi32, #tpu.memory_space<vmem>> -> memref<1x128xi32, #tpu.memory_space<vmem>>
      %dma_start3A_262 = tpu.memref_squeeze %dma_start3A_261 : memref<1x128xi32, #tpu.memory_space<vmem>> -> memref<128xi32, #tpu.memory_space<vmem>>
      %dma_start3A_263 = arith.constant 0 : i32
      %dma_start3A_264 = arith.constant 0 : i32
      %dma_start3A_265 = tpu.memref_slice %arg11[%dma_start3A_263, %dma_start3A_264] : memref<10240x128xf32, #tpu.memory_space<vmem_shared>> -> memref<10240x128xf32, #tpu.memory_space<vmem_shared>>
      tpu.enqueue_indirect_dma source(%arg9 : memref<128x128xf32, #tpu.memory_space<vmem>>) target(%dma_start3A_265 : memref<10240x128xf32, #tpu.memory_space<vmem_shared>>) offsets(%dma_start3A_262 : memref<128xi32, #tpu.memory_space<vmem>>) semaphore(%arg14 : memref<!tpu.dma_semaphore, #tpu.memory_space<semaphore_mem>>) {add = true}
      %dma_wait3A_266 = arith.constant 8 : i32
      %dma_wait3A_267 = arith.constant 0 : i32
      %dma_wait3A_268 = tpu.memref_slice %arg8[%dma_wait3A_266, %dma_wait3A_267] : memref<16x128xi32, #tpu.memory_space<vmem>> -> memref<1x128xi32, #tpu.memory_space<vmem>>
      %dma_wait3A_269 = tpu.memref_squeeze %dma_wait3A_268 : memref<1x128xi32, #tpu.memory_space<vmem>> -> memref<128xi32, #tpu.memory_space<vmem>>
      %dma_wait3A_270 = arith.constant 0 : i32
      %dma_wait3A_271 = arith.constant 0 : i32
      %dma_wait3A_272 = tpu.memref_slice %arg11[%dma_wait3A_270, %dma_wait3A_271] : memref<10240x128xf32, #tpu.memory_space<vmem_shared>> -> memref<10240x128xf32, #tpu.memory_space<vmem_shared>>
      tpu.wait_indirect_dma semaphore(%arg14 : memref<!tpu.dma_semaphore, #tpu.memory_space<semaphore_mem>>) src(%arg9 : memref<128x128xf32, #tpu.memory_space<vmem>>) dst(%dma_wait3A_272 : memref<10240x128xf32, #tpu.memory_space<vmem_shared>>)
      %dma_start3A_273 = arith.constant 10 : i32
      %dma_start3A_274 = arith.constant 0 : i32
      %dma_start3A_275 = tpu.memref_slice %arg7[%dma_start3A_273, %dma_start3A_274] : memref<16x128xi32, #tpu.memory_space<vmem>> -> memref<1x128xi32, #tpu.memory_space<vmem>>
      %dma_start3A_276 = tpu.memref_squeeze %dma_start3A_275 : memref<1x128xi32, #tpu.memory_space<vmem>> -> memref<128xi32, #tpu.memory_space<vmem>>
      %dma_start3A_277 = arith.constant 0 : i32
      %dma_start3A_278 = arith.constant 0 : i32
      %dma_start3A_279 = tpu.memref_slice %arg2[%dma_start3A_277, %dma_start3A_278] : memref<10240x128xf32, #tpu.memory_space<hbm>> -> memref<10240x128xf32, #tpu.memory_space<hbm>>
      tpu.enqueue_indirect_dma source(%dma_start3A_279 : memref<10240x128xf32, #tpu.memory_space<hbm>>) target(%arg9 : memref<128x128xf32, #tpu.memory_space<vmem>>) offsets(%dma_start3A_276 : memref<128xi32, #tpu.memory_space<vmem>>) semaphore(%arg12 : memref<!tpu.dma_semaphore, #tpu.memory_space<semaphore_mem>>)
      %dma_wait3A_280 = arith.constant 9 : i32
      %dma_wait3A_281 = arith.constant 0 : i32
      %dma_wait3A_282 = tpu.memref_slice %arg7[%dma_wait3A_280, %dma_wait3A_281] : memref<16x128xi32, #tpu.memory_space<vmem>> -> memref<1x128xi32, #tpu.memory_space<vmem>>
      %dma_wait3A_283 = tpu.memref_squeeze %dma_wait3A_282 : memref<1x128xi32, #tpu.memory_space<vmem>> -> memref<128xi32, #tpu.memory_space<vmem>>
      %dma_wait3A_284 = arith.constant 0 : i32
      %dma_wait3A_285 = arith.constant 0 : i32
      %dma_wait3A_286 = tpu.memref_slice %arg2[%dma_wait3A_284, %dma_wait3A_285] : memref<10240x128xf32, #tpu.memory_space<hbm>> -> memref<10240x128xf32, #tpu.memory_space<hbm>>
      tpu.wait_indirect_dma semaphore(%arg13 : memref<!tpu.dma_semaphore, #tpu.memory_space<semaphore_mem>>) src(%dma_wait3A_286 : memref<10240x128xf32, #tpu.memory_space<hbm>>) dst(%arg10 : memref<128x128xf32, #tpu.memory_space<vmem>>)
      %dma_start3A_287 = arith.constant 9 : i32
      %dma_start3A_288 = arith.constant 0 : i32
      %dma_start3A_289 = tpu.memref_slice %arg8[%dma_start3A_287, %dma_start3A_288] : memref<16x128xi32, #tpu.memory_space<vmem>> -> memref<1x128xi32, #tpu.memory_space<vmem>>
      %dma_start3A_290 = tpu.memref_squeeze %dma_start3A_289 : memref<1x128xi32, #tpu.memory_space<vmem>> -> memref<128xi32, #tpu.memory_space<vmem>>
      %dma_start3A_291 = arith.constant 0 : i32
      %dma_start3A_292 = arith.constant 0 : i32
      %dma_start3A_293 = tpu.memref_slice %arg11[%dma_start3A_291, %dma_start3A_292] : memref<10240x128xf32, #tpu.memory_space<vmem_shared>> -> memref<10240x128xf32, #tpu.memory_space<vmem_shared>>
      tpu.enqueue_indirect_dma source(%arg10 : memref<128x128xf32, #tpu.memory_space<vmem>>) target(%dma_start3A_293 : memref<10240x128xf32, #tpu.memory_space<vmem_shared>>) offsets(%dma_start3A_290 : memref<128xi32, #tpu.memory_space<vmem>>) semaphore(%arg15 : memref<!tpu.dma_semaphore, #tpu.memory_space<semaphore_mem>>) {add = true}
      %dma_wait3A_294 = arith.constant 9 : i32
      %dma_wait3A_295 = arith.constant 0 : i32
      %dma_wait3A_296 = tpu.memref_slice %arg8[%dma_wait3A_294, %dma_wait3A_295] : memref<16x128xi32, #tpu.memory_space<vmem>> -> memref<1x128xi32, #tpu.memory_space<vmem>>
      %dma_wait3A_297 = tpu.memref_squeeze %dma_wait3A_296 : memref<1x128xi32, #tpu.memory_space<vmem>> -> memref<128xi32, #tpu.memory_space<vmem>>
      %dma_wait3A_298 = arith.constant 0 : i32
      %dma_wait3A_299 = arith.constant 0 : i32
      %dma_wait3A_300 = tpu.memref_slice %arg11[%dma_wait3A_298, %dma_wait3A_299] : memref<10240x128xf32, #tpu.memory_space<vmem_shared>> -> memref<10240x128xf32, #tpu.memory_space<vmem_shared>>
      tpu.wait_indirect_dma semaphore(%arg15 : memref<!tpu.dma_semaphore, #tpu.memory_space<semaphore_mem>>) src(%arg10 : memref<128x128xf32, #tpu.memory_space<vmem>>) dst(%dma_wait3A_300 : memref<10240x128xf32, #tpu.memory_space<vmem_shared>>)
      %dma_start3A_301 = arith.constant 11 : i32
      %dma_start3A_302 = arith.constant 0 : i32
      %dma_start3A_303 = tpu.memref_slice %arg7[%dma_start3A_301, %dma_start3A_302] : memref<16x128xi32, #tpu.memory_space<vmem>> -> memref<1x128xi32, #tpu.memory_space<vmem>>
      %dma_start3A_304 = tpu.memref_squeeze %dma_start3A_303 : memref<1x128xi32, #tpu.memory_space<vmem>> -> memref<128xi32, #tpu.memory_space<vmem>>
      %dma_start3A_305 = arith.constant 0 : i32
      %dma_start3A_306 = arith.constant 0 : i32
      %dma_start3A_307 = tpu.memref_slice %arg2[%dma_start3A_305, %dma_start3A_306] : memref<10240x128xf32, #tpu.memory_space<hbm>> -> memref<10240x128xf32, #tpu.memory_space<hbm>>
      tpu.enqueue_indirect_dma source(%dma_start3A_307 : memref<10240x128xf32, #tpu.memory_space<hbm>>) target(%arg10 : memref<128x128xf32, #tpu.memory_space<vmem>>) offsets(%dma_start3A_304 : memref<128xi32, #tpu.memory_space<vmem>>) semaphore(%arg13 : memref<!tpu.dma_semaphore, #tpu.memory_space<semaphore_mem>>)
      %dma_wait3A_308 = arith.constant 10 : i32
      %dma_wait3A_309 = arith.constant 0 : i32
      %dma_wait3A_310 = tpu.memref_slice %arg7[%dma_wait3A_308, %dma_wait3A_309] : memref<16x128xi32, #tpu.memory_space<vmem>> -> memref<1x128xi32, #tpu.memory_space<vmem>>
      %dma_wait3A_311 = tpu.memref_squeeze %dma_wait3A_310 : memref<1x128xi32, #tpu.memory_space<vmem>> -> memref<128xi32, #tpu.memory_space<vmem>>
      %dma_wait3A_312 = arith.constant 0 : i32
      %dma_wait3A_313 = arith.constant 0 : i32
      %dma_wait3A_314 = tpu.memref_slice %arg2[%dma_wait3A_312, %dma_wait3A_313] : memref<10240x128xf32, #tpu.memory_space<hbm>> -> memref<10240x128xf32, #tpu.memory_space<hbm>>
      tpu.wait_indirect_dma semaphore(%arg12 : memref<!tpu.dma_semaphore, #tpu.memory_space<semaphore_mem>>) src(%dma_wait3A_314 : memref<10240x128xf32, #tpu.memory_space<hbm>>) dst(%arg9 : memref<128x128xf32, #tpu.memory_space<vmem>>)
      %dma_start3A_315 = arith.constant 10 : i32
      %dma_start3A_316 = arith.constant 0 : i32
      %dma_start3A_317 = tpu.memref_slice %arg8[%dma_start3A_315, %dma_start3A_316] : memref<16x128xi32, #tpu.memory_space<vmem>> -> memref<1x128xi32, #tpu.memory_space<vmem>>
      %dma_start3A_318 = tpu.memref_squeeze %dma_start3A_317 : memref<1x128xi32, #tpu.memory_space<vmem>> -> memref<128xi32, #tpu.memory_space<vmem>>
      %dma_start3A_319 = arith.constant 0 : i32
      %dma_start3A_320 = arith.constant 0 : i32
      %dma_start3A_321 = tpu.memref_slice %arg11[%dma_start3A_319, %dma_start3A_320] : memref<10240x128xf32, #tpu.memory_space<vmem_shared>> -> memref<10240x128xf32, #tpu.memory_space<vmem_shared>>
      tpu.enqueue_indirect_dma source(%arg9 : memref<128x128xf32, #tpu.memory_space<vmem>>) target(%dma_start3A_321 : memref<10240x128xf32, #tpu.memory_space<vmem_shared>>) offsets(%dma_start3A_318 : memref<128xi32, #tpu.memory_space<vmem>>) semaphore(%arg14 : memref<!tpu.dma_semaphore, #tpu.memory_space<semaphore_mem>>) {add = true}
      %dma_wait3A_322 = arith.constant 10 : i32
      %dma_wait3A_323 = arith.constant 0 : i32
      %dma_wait3A_324 = tpu.memref_slice %arg8[%dma_wait3A_322, %dma_wait3A_323] : memref<16x128xi32, #tpu.memory_space<vmem>> -> memref<1x128xi32, #tpu.memory_space<vmem>>
      %dma_wait3A_325 = tpu.memref_squeeze %dma_wait3A_324 : memref<1x128xi32, #tpu.memory_space<vmem>> -> memref<128xi32, #tpu.memory_space<vmem>>
      %dma_wait3A_326 = arith.constant 0 : i32
      %dma_wait3A_327 = arith.constant 0 : i32
      %dma_wait3A_328 = tpu.memref_slice %arg11[%dma_wait3A_326, %dma_wait3A_327] : memref<10240x128xf32, #tpu.memory_space<vmem_shared>> -> memref<10240x128xf32, #tpu.memory_space<vmem_shared>>
      tpu.wait_indirect_dma semaphore(%arg14 : memref<!tpu.dma_semaphore, #tpu.memory_space<semaphore_mem>>) src(%arg9 : memref<128x128xf32, #tpu.memory_space<vmem>>) dst(%dma_wait3A_328 : memref<10240x128xf32, #tpu.memory_space<vmem_shared>>)
      %dma_start3A_329 = arith.constant 12 : i32
      %dma_start3A_330 = arith.constant 0 : i32
      %dma_start3A_331 = tpu.memref_slice %arg7[%dma_start3A_329, %dma_start3A_330] : memref<16x128xi32, #tpu.memory_space<vmem>> -> memref<1x128xi32, #tpu.memory_space<vmem>>
      %dma_start3A_332 = tpu.memref_squeeze %dma_start3A_331 : memref<1x128xi32, #tpu.memory_space<vmem>> -> memref<128xi32, #tpu.memory_space<vmem>>
      %dma_start3A_333 = arith.constant 0 : i32
      %dma_start3A_334 = arith.constant 0 : i32
      %dma_start3A_335 = tpu.memref_slice %arg2[%dma_start3A_333, %dma_start3A_334] : memref<10240x128xf32, #tpu.memory_space<hbm>> -> memref<10240x128xf32, #tpu.memory_space<hbm>>
      tpu.enqueue_indirect_dma source(%dma_start3A_335 : memref<10240x128xf32, #tpu.memory_space<hbm>>) target(%arg9 : memref<128x128xf32, #tpu.memory_space<vmem>>) offsets(%dma_start3A_332 : memref<128xi32, #tpu.memory_space<vmem>>) semaphore(%arg12 : memref<!tpu.dma_semaphore, #tpu.memory_space<semaphore_mem>>)
      %dma_wait3A_336 = arith.constant 11 : i32
      %dma_wait3A_337 = arith.constant 0 : i32
      %dma_wait3A_338 = tpu.memref_slice %arg7[%dma_wait3A_336, %dma_wait3A_337] : memref<16x128xi32, #tpu.memory_space<vmem>> -> memref<1x128xi32, #tpu.memory_space<vmem>>
      %dma_wait3A_339 = tpu.memref_squeeze %dma_wait3A_338 : memref<1x128xi32, #tpu.memory_space<vmem>> -> memref<128xi32, #tpu.memory_space<vmem>>
      %dma_wait3A_340 = arith.constant 0 : i32
      %dma_wait3A_341 = arith.constant 0 : i32
      %dma_wait3A_342 = tpu.memref_slice %arg2[%dma_wait3A_340, %dma_wait3A_341] : memref<10240x128xf32, #tpu.memory_space<hbm>> -> memref<10240x128xf32, #tpu.memory_space<hbm>>
      tpu.wait_indirect_dma semaphore(%arg13 : memref<!tpu.dma_semaphore, #tpu.memory_space<semaphore_mem>>) src(%dma_wait3A_342 : memref<10240x128xf32, #tpu.memory_space<hbm>>) dst(%arg10 : memref<128x128xf32, #tpu.memory_space<vmem>>)
      %dma_start3A_343 = arith.constant 11 : i32
      %dma_start3A_344 = arith.constant 0 : i32
      %dma_start3A_345 = tpu.memref_slice %arg8[%dma_start3A_343, %dma_start3A_344] : memref<16x128xi32, #tpu.memory_space<vmem>> -> memref<1x128xi32, #tpu.memory_space<vmem>>
      %dma_start3A_346 = tpu.memref_squeeze %dma_start3A_345 : memref<1x128xi32, #tpu.memory_space<vmem>> -> memref<128xi32, #tpu.memory_space<vmem>>
      %dma_start3A_347 = arith.constant 0 : i32
      %dma_start3A_348 = arith.constant 0 : i32
      %dma_start3A_349 = tpu.memref_slice %arg11[%dma_start3A_347, %dma_start3A_348] : memref<10240x128xf32, #tpu.memory_space<vmem_shared>> -> memref<10240x128xf32, #tpu.memory_space<vmem_shared>>
      tpu.enqueue_indirect_dma source(%arg10 : memref<128x128xf32, #tpu.memory_space<vmem>>) target(%dma_start3A_349 : memref<10240x128xf32, #tpu.memory_space<vmem_shared>>) offsets(%dma_start3A_346 : memref<128xi32, #tpu.memory_space<vmem>>) semaphore(%arg15 : memref<!tpu.dma_semaphore, #tpu.memory_space<semaphore_mem>>) {add = true}
      %dma_wait3A_350 = arith.constant 11 : i32
      %dma_wait3A_351 = arith.constant 0 : i32
      %dma_wait3A_352 = tpu.memref_slice %arg8[%dma_wait3A_350, %dma_wait3A_351] : memref<16x128xi32, #tpu.memory_space<vmem>> -> memref<1x128xi32, #tpu.memory_space<vmem>>
      %dma_wait3A_353 = tpu.memref_squeeze %dma_wait3A_352 : memref<1x128xi32, #tpu.memory_space<vmem>> -> memref<128xi32, #tpu.memory_space<vmem>>
      %dma_wait3A_354 = arith.constant 0 : i32
      %dma_wait3A_355 = arith.constant 0 : i32
      %dma_wait3A_356 = tpu.memref_slice %arg11[%dma_wait3A_354, %dma_wait3A_355] : memref<10240x128xf32, #tpu.memory_space<vmem_shared>> -> memref<10240x128xf32, #tpu.memory_space<vmem_shared>>
      tpu.wait_indirect_dma semaphore(%arg15 : memref<!tpu.dma_semaphore, #tpu.memory_space<semaphore_mem>>) src(%arg10 : memref<128x128xf32, #tpu.memory_space<vmem>>) dst(%dma_wait3A_356 : memref<10240x128xf32, #tpu.memory_space<vmem_shared>>)
      %dma_start3A_357 = arith.constant 13 : i32
      %dma_start3A_358 = arith.constant 0 : i32
      %dma_start3A_359 = tpu.memref_slice %arg7[%dma_start3A_357, %dma_start3A_358] : memref<16x128xi32, #tpu.memory_space<vmem>> -> memref<1x128xi32, #tpu.memory_space<vmem>>
      %dma_start3A_360 = tpu.memref_squeeze %dma_start3A_359 : memref<1x128xi32, #tpu.memory_space<vmem>> -> memref<128xi32, #tpu.memory_space<vmem>>
      %dma_start3A_361 = arith.constant 0 : i32
      %dma_start3A_362 = arith.constant 0 : i32
      %dma_start3A_363 = tpu.memref_slice %arg2[%dma_start3A_361, %dma_start3A_362] : memref<10240x128xf32, #tpu.memory_space<hbm>> -> memref<10240x128xf32, #tpu.memory_space<hbm>>
      tpu.enqueue_indirect_dma source(%dma_start3A_363 : memref<10240x128xf32, #tpu.memory_space<hbm>>) target(%arg10 : memref<128x128xf32, #tpu.memory_space<vmem>>) offsets(%dma_start3A_360 : memref<128xi32, #tpu.memory_space<vmem>>) semaphore(%arg13 : memref<!tpu.dma_semaphore, #tpu.memory_space<semaphore_mem>>)
      %dma_wait3A_364 = arith.constant 12 : i32
      %dma_wait3A_365 = arith.constant 0 : i32
      %dma_wait3A_366 = tpu.memref_slice %arg7[%dma_wait3A_364, %dma_wait3A_365] : memref<16x128xi32, #tpu.memory_space<vmem>> -> memref<1x128xi32, #tpu.memory_space<vmem>>
      %dma_wait3A_367 = tpu.memref_squeeze %dma_wait3A_366 : memref<1x128xi32, #tpu.memory_space<vmem>> -> memref<128xi32, #tpu.memory_space<vmem>>
      %dma_wait3A_368 = arith.constant 0 : i32
      %dma_wait3A_369 = arith.constant 0 : i32
      %dma_wait3A_370 = tpu.memref_slice %arg2[%dma_wait3A_368, %dma_wait3A_369] : memref<10240x128xf32, #tpu.memory_space<hbm>> -> memref<10240x128xf32, #tpu.memory_space<hbm>>
      tpu.wait_indirect_dma semaphore(%arg12 : memref<!tpu.dma_semaphore, #tpu.memory_space<semaphore_mem>>) src(%dma_wait3A_370 : memref<10240x128xf32, #tpu.memory_space<hbm>>) dst(%arg9 : memref<128x128xf32, #tpu.memory_space<vmem>>)
      %dma_start3A_371 = arith.constant 12 : i32
      %dma_start3A_372 = arith.constant 0 : i32
      %dma_start3A_373 = tpu.memref_slice %arg8[%dma_start3A_371, %dma_start3A_372] : memref<16x128xi32, #tpu.memory_space<vmem>> -> memref<1x128xi32, #tpu.memory_space<vmem>>
      %dma_start3A_374 = tpu.memref_squeeze %dma_start3A_373 : memref<1x128xi32, #tpu.memory_space<vmem>> -> memref<128xi32, #tpu.memory_space<vmem>>
      %dma_start3A_375 = arith.constant 0 : i32
      %dma_start3A_376 = arith.constant 0 : i32
      %dma_start3A_377 = tpu.memref_slice %arg11[%dma_start3A_375, %dma_start3A_376] : memref<10240x128xf32, #tpu.memory_space<vmem_shared>> -> memref<10240x128xf32, #tpu.memory_space<vmem_shared>>
      tpu.enqueue_indirect_dma source(%arg9 : memref<128x128xf32, #tpu.memory_space<vmem>>) target(%dma_start3A_377 : memref<10240x128xf32, #tpu.memory_space<vmem_shared>>) offsets(%dma_start3A_374 : memref<128xi32, #tpu.memory_space<vmem>>) semaphore(%arg14 : memref<!tpu.dma_semaphore, #tpu.memory_space<semaphore_mem>>) {add = true}
      %dma_wait3A_378 = arith.constant 12 : i32
      %dma_wait3A_379 = arith.constant 0 : i32
      %dma_wait3A_380 = tpu.memref_slice %arg8[%dma_wait3A_378, %dma_wait3A_379] : memref<16x128xi32, #tpu.memory_space<vmem>> -> memref<1x128xi32, #tpu.memory_space<vmem>>
      %dma_wait3A_381 = tpu.memref_squeeze %dma_wait3A_380 : memref<1x128xi32, #tpu.memory_space<vmem>> -> memref<128xi32, #tpu.memory_space<vmem>>
      %dma_wait3A_382 = arith.constant 0 : i32
      %dma_wait3A_383 = arith.constant 0 : i32
      %dma_wait3A_384 = tpu.memref_slice %arg11[%dma_wait3A_382, %dma_wait3A_383] : memref<10240x128xf32, #tpu.memory_space<vmem_shared>> -> memref<10240x128xf32, #tpu.memory_space<vmem_shared>>
      tpu.wait_indirect_dma semaphore(%arg14 : memref<!tpu.dma_semaphore, #tpu.memory_space<semaphore_mem>>) src(%arg9 : memref<128x128xf32, #tpu.memory_space<vmem>>) dst(%dma_wait3A_384 : memref<10240x128xf32, #tpu.memory_space<vmem_shared>>)
      %dma_start3A_385 = arith.constant 14 : i32
      %dma_start3A_386 = arith.constant 0 : i32
      %dma_start3A_387 = tpu.memref_slice %arg7[%dma_start3A_385, %dma_start3A_386] : memref<16x128xi32, #tpu.memory_space<vmem>> -> memref<1x128xi32, #tpu.memory_space<vmem>>
      %dma_start3A_388 = tpu.memref_squeeze %dma_start3A_387 : memref<1x128xi32, #tpu.memory_space<vmem>> -> memref<128xi32, #tpu.memory_space<vmem>>
      %dma_start3A_389 = arith.constant 0 : i32
      %dma_start3A_390 = arith.constant 0 : i32
      %dma_start3A_391 = tpu.memref_slice %arg2[%dma_start3A_389, %dma_start3A_390] : memref<10240x128xf32, #tpu.memory_space<hbm>> -> memref<10240x128xf32, #tpu.memory_space<hbm>>
      tpu.enqueue_indirect_dma source(%dma_start3A_391 : memref<10240x128xf32, #tpu.memory_space<hbm>>) target(%arg9 : memref<128x128xf32, #tpu.memory_space<vmem>>) offsets(%dma_start3A_388 : memref<128xi32, #tpu.memory_space<vmem>>) semaphore(%arg12 : memref<!tpu.dma_semaphore, #tpu.memory_space<semaphore_mem>>)
      %dma_wait3A_392 = arith.constant 13 : i32
      %dma_wait3A_393 = arith.constant 0 : i32
      %dma_wait3A_394 = tpu.memref_slice %arg7[%dma_wait3A_392, %dma_wait3A_393] : memref<16x128xi32, #tpu.memory_space<vmem>> -> memref<1x128xi32, #tpu.memory_space<vmem>>
      %dma_wait3A_395 = tpu.memref_squeeze %dma_wait3A_394 : memref<1x128xi32, #tpu.memory_space<vmem>> -> memref<128xi32, #tpu.memory_space<vmem>>
      %dma_wait3A_396 = arith.constant 0 : i32
      %dma_wait3A_397 = arith.constant 0 : i32
      %dma_wait3A_398 = tpu.memref_slice %arg2[%dma_wait3A_396, %dma_wait3A_397] : memref<10240x128xf32, #tpu.memory_space<hbm>> -> memref<10240x128xf32, #tpu.memory_space<hbm>>
      tpu.wait_indirect_dma semaphore(%arg13 : memref<!tpu.dma_semaphore, #tpu.memory_space<semaphore_mem>>) src(%dma_wait3A_398 : memref<10240x128xf32, #tpu.memory_space<hbm>>) dst(%arg10 : memref<128x128xf32, #tpu.memory_space<vmem>>)
      %dma_start3A_399 = arith.constant 13 : i32
      %dma_start3A_400 = arith.constant 0 : i32
      %dma_start3A_401 = tpu.memref_slice %arg8[%dma_start3A_399, %dma_start3A_400] : memref<16x128xi32, #tpu.memory_space<vmem>> -> memref<1x128xi32, #tpu.memory_space<vmem>>
      %dma_start3A_402 = tpu.memref_squeeze %dma_start3A_401 : memref<1x128xi32, #tpu.memory_space<vmem>> -> memref<128xi32, #tpu.memory_space<vmem>>
      %dma_start3A_403 = arith.constant 0 : i32
      %dma_start3A_404 = arith.constant 0 : i32
      %dma_start3A_405 = tpu.memref_slice %arg11[%dma_start3A_403, %dma_start3A_404] : memref<10240x128xf32, #tpu.memory_space<vmem_shared>> -> memref<10240x128xf32, #tpu.memory_space<vmem_shared>>
      tpu.enqueue_indirect_dma source(%arg10 : memref<128x128xf32, #tpu.memory_space<vmem>>) target(%dma_start3A_405 : memref<10240x128xf32, #tpu.memory_space<vmem_shared>>) offsets(%dma_start3A_402 : memref<128xi32, #tpu.memory_space<vmem>>) semaphore(%arg15 : memref<!tpu.dma_semaphore, #tpu.memory_space<semaphore_mem>>) {add = true}
      %dma_wait3A_406 = arith.constant 13 : i32
      %dma_wait3A_407 = arith.constant 0 : i32
      %dma_wait3A_408 = tpu.memref_slice %arg8[%dma_wait3A_406, %dma_wait3A_407] : memref<16x128xi32, #tpu.memory_space<vmem>> -> memref<1x128xi32, #tpu.memory_space<vmem>>
      %dma_wait3A_409 = tpu.memref_squeeze %dma_wait3A_408 : memref<1x128xi32, #tpu.memory_space<vmem>> -> memref<128xi32, #tpu.memory_space<vmem>>
      %dma_wait3A_410 = arith.constant 0 : i32
      %dma_wait3A_411 = arith.constant 0 : i32
      %dma_wait3A_412 = tpu.memref_slice %arg11[%dma_wait3A_410, %dma_wait3A_411] : memref<10240x128xf32, #tpu.memory_space<vmem_shared>> -> memref<10240x128xf32, #tpu.memory_space<vmem_shared>>
      tpu.wait_indirect_dma semaphore(%arg15 : memref<!tpu.dma_semaphore, #tpu.memory_space<semaphore_mem>>) src(%arg10 : memref<128x128xf32, #tpu.memory_space<vmem>>) dst(%dma_wait3A_412 : memref<10240x128xf32, #tpu.memory_space<vmem_shared>>)
      %dma_start3A_413 = arith.constant 15 : i32
      %dma_start3A_414 = arith.constant 0 : i32
      %dma_start3A_415 = tpu.memref_slice %arg7[%dma_start3A_413, %dma_start3A_414] : memref<16x128xi32, #tpu.memory_space<vmem>> -> memref<1x128xi32, #tpu.memory_space<vmem>>
      %dma_start3A_416 = tpu.memref_squeeze %dma_start3A_415 : memref<1x128xi32, #tpu.memory_space<vmem>> -> memref<128xi32, #tpu.memory_space<vmem>>
      %dma_start3A_417 = arith.constant 0 : i32
      %dma_start3A_418 = arith.constant 0 : i32
      %dma_start3A_419 = tpu.memref_slice %arg2[%dma_start3A_417, %dma_start3A_418] : memref<10240x128xf32, #tpu.memory_space<hbm>> -> memref<10240x128xf32, #tpu.memory_space<hbm>>
      tpu.enqueue_indirect_dma source(%dma_start3A_419 : memref<10240x128xf32, #tpu.memory_space<hbm>>) target(%arg10 : memref<128x128xf32, #tpu.memory_space<vmem>>) offsets(%dma_start3A_416 : memref<128xi32, #tpu.memory_space<vmem>>) semaphore(%arg13 : memref<!tpu.dma_semaphore, #tpu.memory_space<semaphore_mem>>)
      %dma_wait3A_420 = arith.constant 14 : i32
      %dma_wait3A_421 = arith.constant 0 : i32
      %dma_wait3A_422 = tpu.memref_slice %arg7[%dma_wait3A_420, %dma_wait3A_421] : memref<16x128xi32, #tpu.memory_space<vmem>> -> memref<1x128xi32, #tpu.memory_space<vmem>>
      %dma_wait3A_423 = tpu.memref_squeeze %dma_wait3A_422 : memref<1x128xi32, #tpu.memory_space<vmem>> -> memref<128xi32, #tpu.memory_space<vmem>>
      %dma_wait3A_424 = arith.constant 0 : i32
      %dma_wait3A_425 = arith.constant 0 : i32
      %dma_wait3A_426 = tpu.memref_slice %arg2[%dma_wait3A_424, %dma_wait3A_425] : memref<10240x128xf32, #tpu.memory_space<hbm>> -> memref<10240x128xf32, #tpu.memory_space<hbm>>
      tpu.wait_indirect_dma semaphore(%arg12 : memref<!tpu.dma_semaphore, #tpu.memory_space<semaphore_mem>>) src(%dma_wait3A_426 : memref<10240x128xf32, #tpu.memory_space<hbm>>) dst(%arg9 : memref<128x128xf32, #tpu.memory_space<vmem>>)
      %dma_start3A_427 = arith.constant 14 : i32
      %dma_start3A_428 = arith.constant 0 : i32
      %dma_start3A_429 = tpu.memref_slice %arg8[%dma_start3A_427, %dma_start3A_428] : memref<16x128xi32, #tpu.memory_space<vmem>> -> memref<1x128xi32, #tpu.memory_space<vmem>>
      %dma_start3A_430 = tpu.memref_squeeze %dma_start3A_429 : memref<1x128xi32, #tpu.memory_space<vmem>> -> memref<128xi32, #tpu.memory_space<vmem>>
      %dma_start3A_431 = arith.constant 0 : i32
      %dma_start3A_432 = arith.constant 0 : i32
      %dma_start3A_433 = tpu.memref_slice %arg11[%dma_start3A_431, %dma_start3A_432] : memref<10240x128xf32, #tpu.memory_space<vmem_shared>> -> memref<10240x128xf32, #tpu.memory_space<vmem_shared>>
      tpu.enqueue_indirect_dma source(%arg9 : memref<128x128xf32, #tpu.memory_space<vmem>>) target(%dma_start3A_433 : memref<10240x128xf32, #tpu.memory_space<vmem_shared>>) offsets(%dma_start3A_430 : memref<128xi32, #tpu.memory_space<vmem>>) semaphore(%arg14 : memref<!tpu.dma_semaphore, #tpu.memory_space<semaphore_mem>>) {add = true}
      %dma_wait3A_434 = arith.constant 14 : i32
      %dma_wait3A_435 = arith.constant 0 : i32
      %dma_wait3A_436 = tpu.memref_slice %arg8[%dma_wait3A_434, %dma_wait3A_435] : memref<16x128xi32, #tpu.memory_space<vmem>> -> memref<1x128xi32, #tpu.memory_space<vmem>>
      %dma_wait3A_437 = tpu.memref_squeeze %dma_wait3A_436 : memref<1x128xi32, #tpu.memory_space<vmem>> -> memref<128xi32, #tpu.memory_space<vmem>>
      %dma_wait3A_438 = arith.constant 0 : i32
      %dma_wait3A_439 = arith.constant 0 : i32
      %dma_wait3A_440 = tpu.memref_slice %arg11[%dma_wait3A_438, %dma_wait3A_439] : memref<10240x128xf32, #tpu.memory_space<vmem_shared>> -> memref<10240x128xf32, #tpu.memory_space<vmem_shared>>
      tpu.wait_indirect_dma semaphore(%arg14 : memref<!tpu.dma_semaphore, #tpu.memory_space<semaphore_mem>>) src(%arg9 : memref<128x128xf32, #tpu.memory_space<vmem>>) dst(%dma_wait3A_440 : memref<10240x128xf32, #tpu.memory_space<vmem_shared>>)
      %dma_wait3A_441 = arith.constant 15 : i32
      %dma_wait3A_442 = arith.constant 0 : i32
      %dma_wait3A_443 = tpu.memref_slice %arg7[%dma_wait3A_441, %dma_wait3A_442] : memref<16x128xi32, #tpu.memory_space<vmem>> -> memref<1x128xi32, #tpu.memory_space<vmem>>
      %dma_wait3A_444 = tpu.memref_squeeze %dma_wait3A_443 : memref<1x128xi32, #tpu.memory_space<vmem>> -> memref<128xi32, #tpu.memory_space<vmem>>
      %dma_wait3A_445 = arith.constant 0 : i32
      %dma_wait3A_446 = arith.constant 0 : i32
      %dma_wait3A_447 = tpu.memref_slice %arg2[%dma_wait3A_445, %dma_wait3A_446] : memref<10240x128xf32, #tpu.memory_space<hbm>> -> memref<10240x128xf32, #tpu.memory_space<hbm>>
      tpu.wait_indirect_dma semaphore(%arg13 : memref<!tpu.dma_semaphore, #tpu.memory_space<semaphore_mem>>) src(%dma_wait3A_447 : memref<10240x128xf32, #tpu.memory_space<hbm>>) dst(%arg10 : memref<128x128xf32, #tpu.memory_space<vmem>>)
      %dma_start3A_448 = arith.constant 15 : i32
      %dma_start3A_449 = arith.constant 0 : i32
      %dma_start3A_450 = tpu.memref_slice %arg8[%dma_start3A_448, %dma_start3A_449] : memref<16x128xi32, #tpu.memory_space<vmem>> -> memref<1x128xi32, #tpu.memory_space<vmem>>
      %dma_start3A_451 = tpu.memref_squeeze %dma_start3A_450 : memref<1x128xi32, #tpu.memory_space<vmem>> -> memref<128xi32, #tpu.memory_space<vmem>>
      %dma_start3A_452 = arith.constant 0 : i32
      %dma_start3A_453 = arith.constant 0 : i32
      %dma_start3A_454 = tpu.memref_slice %arg11[%dma_start3A_452, %dma_start3A_453] : memref<10240x128xf32, #tpu.memory_space<vmem_shared>> -> memref<10240x128xf32, #tpu.memory_space<vmem_shared>>
      tpu.enqueue_indirect_dma source(%arg10 : memref<128x128xf32, #tpu.memory_space<vmem>>) target(%dma_start3A_454 : memref<10240x128xf32, #tpu.memory_space<vmem_shared>>) offsets(%dma_start3A_451 : memref<128xi32, #tpu.memory_space<vmem>>) semaphore(%arg15 : memref<!tpu.dma_semaphore, #tpu.memory_space<semaphore_mem>>) {add = true}
      %dma_wait3A_455 = arith.constant 15 : i32
      %dma_wait3A_456 = arith.constant 0 : i32
      %dma_wait3A_457 = tpu.memref_slice %arg8[%dma_wait3A_455, %dma_wait3A_456] : memref<16x128xi32, #tpu.memory_space<vmem>> -> memref<1x128xi32, #tpu.memory_space<vmem>>
      %dma_wait3A_458 = tpu.memref_squeeze %dma_wait3A_457 : memref<1x128xi32, #tpu.memory_space<vmem>> -> memref<128xi32, #tpu.memory_space<vmem>>
      %dma_wait3A_459 = arith.constant 0 : i32
      %dma_wait3A_460 = arith.constant 0 : i32
      %dma_wait3A_461 = tpu.memref_slice %arg11[%dma_wait3A_459, %dma_wait3A_460] : memref<10240x128xf32, #tpu.memory_space<vmem_shared>> -> memref<10240x128xf32, #tpu.memory_space<vmem_shared>>
      tpu.wait_indirect_dma semaphore(%arg15 : memref<!tpu.dma_semaphore, #tpu.memory_space<semaphore_mem>>) src(%arg10 : memref<128x128xf32, #tpu.memory_space<vmem>>) dst(%dma_wait3A_461 : memref<10240x128xf32, #tpu.memory_space<vmem_shared>>)
    }
    %scan3A_9 = arith.constant 5 : i32
    %barrier3A_10 = arith.constant 0 : index
    tpu.barrier barrier_id(%barrier3A_10)
    %mul3A_11 = arith.constant 640 : i32
    %mul3A_12 = arith.muli %arg1, %mul3A_11 : i32
    %mul3A_13 = arith.constant 640 : i32
    %mul3A_14 = arith.muli %arg1, %mul3A_13 : i32
    "tpu.region"() ({
      %run_scoped3A = tpu.sem_alloc : memref<!tpu.dma_semaphore, #tpu.memory_space<semaphore_mem>>
      %dma_start3A = arith.constant 0 : i32
      %dma_start3A_15 = tpu.memref_slice %arg6[%arg0, %mul3A_14, %dma_start3A] : memref<2x10240x128xf32, #tpu.memory_space<hbm>> -> memref<1x640x128xf32, #tpu.memory_space<hbm>>
      %dma_start3A_16 = tpu.memref_squeeze %dma_start3A_15 : memref<1x640x128xf32, #tpu.memory_space<hbm>> -> memref<640x128xf32, #tpu.memory_space<hbm>>
      %dma_start3A_17 = arith.constant 0 : i32
      %dma_start3A_18 = tpu.memref_slice %arg11[%mul3A_12, %dma_start3A_17] : memref<10240x128xf32, #tpu.memory_space<vmem_shared>> -> memref<640x128xf32, #tpu.memory_space<vmem_shared>>
      tpu.enqueue_dma source(%dma_start3A_18 : memref<640x128xf32, #tpu.memory_space<vmem_shared>>) target(%dma_start3A_16 : memref<640x128xf32, #tpu.memory_space<hbm>>) target_semaphore(%run_scoped3A : memref<!tpu.dma_semaphore, #tpu.memory_space<semaphore_mem>>)
      %dma_wait3A = arith.constant 0 : i32
      %dma_wait3A_19 = tpu.memref_slice %arg6[%arg0, %mul3A_14, %dma_wait3A] : memref<2x10240x128xf32, #tpu.memory_space<hbm>> -> memref<1x640x128xf32, #tpu.memory_space<hbm>>
      %dma_wait3A_20 = tpu.memref_squeeze %dma_wait3A_19 : memref<1x640x128xf32, #tpu.memory_space<hbm>> -> memref<640x128xf32, #tpu.memory_space<hbm>>
      %dma_wait3A_21 = arith.constant 0 : i32
      %dma_wait3A_22 = tpu.memref_slice %arg11[%mul3A_12, %dma_wait3A_21] : memref<10240x128xf32, #tpu.memory_space<vmem_shared>> -> memref<640x128xf32, #tpu.memory_space<vmem_shared>>
      tpu.wait_dma2 semaphore(%run_scoped3A : memref<!tpu.dma_semaphore, #tpu.memory_space<semaphore_mem>>) src(%dma_wait3A_22 : memref<640x128xf32, #tpu.memory_space<vmem_shared>>) dst(%dma_wait3A_20 : memref<640x128xf32, #tpu.memory_space<hbm>>)
      tpu.yield
    }) : () -> ()
    return
  }
}

#map = affine_map<(d0, d1) -> (0, 0, 0, 0)>
#map1 = affine_map<(d0, d1) -> (0, 0)>
#map2 = affine_map<(d0, d1) -> (0, 0, 0)>
module attributes {stable_mosaic.version = 14 : i64} {
  func.func @_deg_body(%arg0: i32, %arg1: i32, %arg2: memref<32x5x16x128xi32, #tpu.memory_space<hbm>>, %arg3: memref<10240x128xf32, #tpu.memory_space<hbm>>, %arg4: memref<128x128xf32, #tpu.memory_space<hbm>>, %arg5: memref<2x10240x128xf32, #tpu.memory_space<hbm>>, %arg6: memref<16x128xi32, #tpu.memory_space<vmem>>, %arg7: memref<128x128xf32, #tpu.memory_space<vmem>>, %arg8: memref<10240x128xf32, #tpu.memory_space<vmem_shared>>, %arg9: memref<!tpu.dma_semaphore, #tpu.memory_space<semaphore_mem>>, %arg10: memref<!tpu.dma_semaphore, #tpu.memory_space<semaphore_mem>>) attributes {dimension_semantics = [#tpu.dimension_semantics<core_parallel>, #tpu.dimension_semantics<subcore_parallel>], iteration_bounds = array<i64: 2, 16>, scalar_prefetch = 0 : i64, scratch_operands = 5 : i64, tpu.core_type = #tpu.core_type<sc_vector_subcore>, window_params = [{transform_indices = #map}, {transform_indices = #map1}, {transform_indices = #map1}, {transform_indices = #map2}]} {
    %mul3A = arith.constant 16 : i32
    %mul3A_0 = arith.muli %arg0, %mul3A : i32
    %add3A = arith.addi %mul3A_0, %arg1 : i32
    %mul3A_1 = arith.constant 640 : i32
    %mul3A_2 = arith.muli %arg1, %mul3A_1 : i32
    %mul3A_3 = arith.constant 640 : i32
    %mul3A_4 = arith.muli %arg1, %mul3A_3 : i32
    "tpu.region"() ({
      %run_scoped3A = tpu.sem_alloc : memref<!tpu.dma_semaphore, #tpu.memory_space<semaphore_mem>>
      %dma_start3A = arith.constant 0 : i32
      %dma_start3A_15 = tpu.memref_slice %arg8[%mul3A_4, %dma_start3A] : memref<10240x128xf32, #tpu.memory_space<vmem_shared>> -> memref<640x128xf32, #tpu.memory_space<vmem_shared>>
      %dma_start3A_16 = arith.constant 0 : i32
      %dma_start3A_17 = tpu.memref_slice %arg3[%mul3A_2, %dma_start3A_16] : memref<10240x128xf32, #tpu.memory_space<hbm>> -> memref<640x128xf32, #tpu.memory_space<hbm>>
      tpu.enqueue_dma source(%dma_start3A_17 : memref<640x128xf32, #tpu.memory_space<hbm>>) target(%dma_start3A_15 : memref<640x128xf32, #tpu.memory_space<vmem_shared>>) target_semaphore(%run_scoped3A : memref<!tpu.dma_semaphore, #tpu.memory_space<semaphore_mem>>)
      %dma_wait3A = arith.constant 0 : i32
      %dma_wait3A_18 = tpu.memref_slice %arg8[%mul3A_4, %dma_wait3A] : memref<10240x128xf32, #tpu.memory_space<vmem_shared>> -> memref<640x128xf32, #tpu.memory_space<vmem_shared>>
      %dma_wait3A_19 = arith.constant 0 : i32
      %dma_wait3A_20 = tpu.memref_slice %arg3[%mul3A_2, %dma_wait3A_19] : memref<10240x128xf32, #tpu.memory_space<hbm>> -> memref<640x128xf32, #tpu.memory_space<hbm>>
      tpu.wait_dma2 semaphore(%run_scoped3A : memref<!tpu.dma_semaphore, #tpu.memory_space<semaphore_mem>>) src(%dma_wait3A_20 : memref<640x128xf32, #tpu.memory_space<hbm>>) dst(%dma_wait3A_18 : memref<640x128xf32, #tpu.memory_space<vmem_shared>>)
      tpu.yield
    }) : () -> ()
    "tpu.region"() ({
      %run_scoped3A = tpu.sem_alloc : memref<!tpu.dma_semaphore, #tpu.memory_space<semaphore_mem>>
      tpu.enqueue_dma source(%arg4 : memref<128x128xf32, #tpu.memory_space<hbm>>) target(%arg7 : memref<128x128xf32, #tpu.memory_space<vmem>>) target_semaphore(%run_scoped3A : memref<!tpu.dma_semaphore, #tpu.memory_space<semaphore_mem>>)
      tpu.wait_dma2 semaphore(%run_scoped3A : memref<!tpu.dma_semaphore, #tpu.memory_space<semaphore_mem>>) src(%arg4 : memref<128x128xf32, #tpu.memory_space<hbm>>) dst(%arg7 : memref<128x128xf32, #tpu.memory_space<vmem>>)
      tpu.yield
    }) : () -> ()
    %barrier3A = arith.constant 0 : index
    tpu.barrier barrier_id(%barrier3A)
    %scan3A = arith.constant 0 : i32
    %scan3A_5 = arith.constant 0 : i32
    %scan3A_6 = arith.constant 5 : i32
    %scan3A_7 = arith.addi %scan3A_5, %scan3A_6 : i32
    %scan3A_8 = arith.constant 1 : i32
    scf.for %scan3A_15 = %scan3A_5 to %scan3A_7 step %scan3A_8  : i32 {
      "tpu.region"() ({
        %run_scoped3A = tpu.sem_alloc : memref<!tpu.dma_semaphore, #tpu.memory_space<semaphore_mem>>
        %dma_start3A_238 = arith.constant 0 : i32
        %dma_start3A_239 = arith.constant 0 : i32
        %dma_start3A_240 = arith.constant 0 : i32
        %dma_start3A_241 = tpu.memref_slice %arg2[%add3A, %dma_start3A_238, %dma_start3A_239, %dma_start3A_240] : memref<32x5x16x128xi32, #tpu.memory_space<hbm>> -> memref<1x5x16x128xi32, #tpu.memory_space<hbm>>
        %dma_start3A_242 = tpu.memref_squeeze %dma_start3A_241 : memref<1x5x16x128xi32, #tpu.memory_space<hbm>> -> memref<5x16x128xi32, #tpu.memory_space<hbm>>
        %dma_start3A_243 = arith.constant 0 : i32
        %dma_start3A_244 = arith.constant 0 : i32
        %dma_start3A_245 = tpu.memref_slice %dma_start3A_242[%scan3A_15, %dma_start3A_243, %dma_start3A_244] : memref<5x16x128xi32, #tpu.memory_space<hbm>> -> memref<1x16x128xi32, #tpu.memory_space<hbm>>
        %dma_start3A_246 = tpu.memref_squeeze %dma_start3A_245 : memref<1x16x128xi32, #tpu.memory_space<hbm>> -> memref<16x128xi32, #tpu.memory_space<hbm>>
        %dma_start3A_247 = arith.constant 0 : i32
        %dma_start3A_248 = arith.constant 0 : i32
        %dma_start3A_249 = arith.constant 0 : i32
        %dma_start3A_250 = tpu.memref_slice %arg2[%add3A, %dma_start3A_247, %dma_start3A_248, %dma_start3A_249] : memref<32x5x16x128xi32, #tpu.memory_space<hbm>> -> memref<1x5x16x128xi32, #tpu.memory_space<hbm>>
        %dma_start3A_251 = tpu.memref_squeeze %dma_start3A_250 : memref<1x5x16x128xi32, #tpu.memory_space<hbm>> -> memref<5x16x128xi32, #tpu.memory_space<hbm>>
        %dma_start3A_252 = arith.constant 0 : i32
        %dma_start3A_253 = arith.constant 0 : i32
        %dma_start3A_254 = tpu.memref_slice %dma_start3A_251[%scan3A_15, %dma_start3A_252, %dma_start3A_253] : memref<5x16x128xi32, #tpu.memory_space<hbm>> -> memref<1x16x128xi32, #tpu.memory_space<hbm>>
        %dma_start3A_255 = tpu.memref_squeeze %dma_start3A_254 : memref<1x16x128xi32, #tpu.memory_space<hbm>> -> memref<16x128xi32, #tpu.memory_space<hbm>>
        tpu.enqueue_dma source(%dma_start3A_255 : memref<16x128xi32, #tpu.memory_space<hbm>>) target(%arg6 : memref<16x128xi32, #tpu.memory_space<vmem>>) target_semaphore(%run_scoped3A : memref<!tpu.dma_semaphore, #tpu.memory_space<semaphore_mem>>)
        %dma_wait3A_256 = arith.constant 0 : i32
        %dma_wait3A_257 = arith.constant 0 : i32
        %dma_wait3A_258 = arith.constant 0 : i32
        %dma_wait3A_259 = tpu.memref_slice %arg2[%add3A, %dma_wait3A_256, %dma_wait3A_257, %dma_wait3A_258] : memref<32x5x16x128xi32, #tpu.memory_space<hbm>> -> memref<1x5x16x128xi32, #tpu.memory_space<hbm>>
        %dma_wait3A_260 = tpu.memref_squeeze %dma_wait3A_259 : memref<1x5x16x128xi32, #tpu.memory_space<hbm>> -> memref<5x16x128xi32, #tpu.memory_space<hbm>>
        %dma_wait3A_261 = arith.constant 0 : i32
        %dma_wait3A_262 = arith.constant 0 : i32
        %dma_wait3A_263 = tpu.memref_slice %dma_wait3A_260[%scan3A_15, %dma_wait3A_261, %dma_wait3A_262] : memref<5x16x128xi32, #tpu.memory_space<hbm>> -> memref<1x16x128xi32, #tpu.memory_space<hbm>>
        %dma_wait3A_264 = tpu.memref_squeeze %dma_wait3A_263 : memref<1x16x128xi32, #tpu.memory_space<hbm>> -> memref<16x128xi32, #tpu.memory_space<hbm>>
        %dma_wait3A_265 = arith.constant 0 : i32
        %dma_wait3A_266 = arith.constant 0 : i32
        %dma_wait3A_267 = arith.constant 0 : i32
        %dma_wait3A_268 = tpu.memref_slice %arg2[%add3A, %dma_wait3A_265, %dma_wait3A_266, %dma_wait3A_267] : memref<32x5x16x128xi32, #tpu.memory_space<hbm>> -> memref<1x5x16x128xi32, #tpu.memory_space<hbm>>
        %dma_wait3A_269 = tpu.memref_squeeze %dma_wait3A_268 : memref<1x5x16x128xi32, #tpu.memory_space<hbm>> -> memref<5x16x128xi32, #tpu.memory_space<hbm>>
        %dma_wait3A_270 = arith.constant 0 : i32
        %dma_wait3A_271 = arith.constant 0 : i32
        %dma_wait3A_272 = tpu.memref_slice %dma_wait3A_269[%scan3A_15, %dma_wait3A_270, %dma_wait3A_271] : memref<5x16x128xi32, #tpu.memory_space<hbm>> -> memref<1x16x128xi32, #tpu.memory_space<hbm>>
        %dma_wait3A_273 = tpu.memref_squeeze %dma_wait3A_272 : memref<1x16x128xi32, #tpu.memory_space<hbm>> -> memref<16x128xi32, #tpu.memory_space<hbm>>
        tpu.wait_dma2 semaphore(%run_scoped3A : memref<!tpu.dma_semaphore, #tpu.memory_space<semaphore_mem>>) src(%dma_wait3A_273 : memref<16x128xi32, #tpu.memory_space<hbm>>) dst(%arg6 : memref<16x128xi32, #tpu.memory_space<vmem>>)
        tpu.yield
      }) : () -> ()
      %dma_start3A = arith.constant 0 : i32
      %dma_start3A_16 = arith.constant 0 : i32
      %dma_start3A_17 = tpu.memref_slice %arg6[%dma_start3A, %dma_start3A_16] : memref<16x128xi32, #tpu.memory_space<vmem>> -> memref<1x128xi32, #tpu.memory_space<vmem>>
      %dma_start3A_18 = tpu.memref_squeeze %dma_start3A_17 : memref<1x128xi32, #tpu.memory_space<vmem>> -> memref<128xi32, #tpu.memory_space<vmem>>
      %dma_start3A_19 = arith.constant 0 : i32
      %dma_start3A_20 = arith.constant 0 : i32
      %dma_start3A_21 = tpu.memref_slice %arg8[%dma_start3A_19, %dma_start3A_20] : memref<10240x128xf32, #tpu.memory_space<vmem_shared>> -> memref<10240x128xf32, #tpu.memory_space<vmem_shared>>
      tpu.enqueue_indirect_dma source(%arg7 : memref<128x128xf32, #tpu.memory_space<vmem>>) target(%dma_start3A_21 : memref<10240x128xf32, #tpu.memory_space<vmem_shared>>) offsets(%dma_start3A_18 : memref<128xi32, #tpu.memory_space<vmem>>) semaphore(%arg9 : memref<!tpu.dma_semaphore, #tpu.memory_space<semaphore_mem>>) {add = true}
      %dma_start3A_22 = arith.constant 1 : i32
      %dma_start3A_23 = arith.constant 0 : i32
      %dma_start3A_24 = tpu.memref_slice %arg6[%dma_start3A_22, %dma_start3A_23] : memref<16x128xi32, #tpu.memory_space<vmem>> -> memref<1x128xi32, #tpu.memory_space<vmem>>
      %dma_start3A_25 = tpu.memref_squeeze %dma_start3A_24 : memref<1x128xi32, #tpu.memory_space<vmem>> -> memref<128xi32, #tpu.memory_space<vmem>>
      %dma_start3A_26 = arith.constant 0 : i32
      %dma_start3A_27 = arith.constant 0 : i32
      %dma_start3A_28 = tpu.memref_slice %arg8[%dma_start3A_26, %dma_start3A_27] : memref<10240x128xf32, #tpu.memory_space<vmem_shared>> -> memref<10240x128xf32, #tpu.memory_space<vmem_shared>>
      tpu.enqueue_indirect_dma source(%arg7 : memref<128x128xf32, #tpu.memory_space<vmem>>) target(%dma_start3A_28 : memref<10240x128xf32, #tpu.memory_space<vmem_shared>>) offsets(%dma_start3A_25 : memref<128xi32, #tpu.memory_space<vmem>>) semaphore(%arg10 : memref<!tpu.dma_semaphore, #tpu.memory_space<semaphore_mem>>) {add = true}
      %dma_wait3A = arith.constant 0 : i32
      %dma_wait3A_29 = arith.constant 0 : i32
      %dma_wait3A_30 = tpu.memref_slice %arg6[%dma_wait3A, %dma_wait3A_29] : memref<16x128xi32, #tpu.memory_space<vmem>> -> memref<1x128xi32, #tpu.memory_space<vmem>>
      %dma_wait3A_31 = tpu.memref_squeeze %dma_wait3A_30 : memref<1x128xi32, #tpu.memory_space<vmem>> -> memref<128xi32, #tpu.memory_space<vmem>>
      %dma_wait3A_32 = arith.constant 0 : i32
      %dma_wait3A_33 = arith.constant 0 : i32
      %dma_wait3A_34 = tpu.memref_slice %arg8[%dma_wait3A_32, %dma_wait3A_33] : memref<10240x128xf32, #tpu.memory_space<vmem_shared>> -> memref<10240x128xf32, #tpu.memory_space<vmem_shared>>
      tpu.wait_indirect_dma semaphore(%arg9 : memref<!tpu.dma_semaphore, #tpu.memory_space<semaphore_mem>>) src(%arg7 : memref<128x128xf32, #tpu.memory_space<vmem>>) dst(%dma_wait3A_34 : memref<10240x128xf32, #tpu.memory_space<vmem_shared>>)
      %dma_start3A_35 = arith.constant 2 : i32
      %dma_start3A_36 = arith.constant 0 : i32
      %dma_start3A_37 = tpu.memref_slice %arg6[%dma_start3A_35, %dma_start3A_36] : memref<16x128xi32, #tpu.memory_space<vmem>> -> memref<1x128xi32, #tpu.memory_space<vmem>>
      %dma_start3A_38 = tpu.memref_squeeze %dma_start3A_37 : memref<1x128xi32, #tpu.memory_space<vmem>> -> memref<128xi32, #tpu.memory_space<vmem>>
      %dma_start3A_39 = arith.constant 0 : i32
      %dma_start3A_40 = arith.constant 0 : i32
      %dma_start3A_41 = tpu.memref_slice %arg8[%dma_start3A_39, %dma_start3A_40] : memref<10240x128xf32, #tpu.memory_space<vmem_shared>> -> memref<10240x128xf32, #tpu.memory_space<vmem_shared>>
      tpu.enqueue_indirect_dma source(%arg7 : memref<128x128xf32, #tpu.memory_space<vmem>>) target(%dma_start3A_41 : memref<10240x128xf32, #tpu.memory_space<vmem_shared>>) offsets(%dma_start3A_38 : memref<128xi32, #tpu.memory_space<vmem>>) semaphore(%arg9 : memref<!tpu.dma_semaphore, #tpu.memory_space<semaphore_mem>>) {add = true}
      %dma_wait3A_42 = arith.constant 1 : i32
      %dma_wait3A_43 = arith.constant 0 : i32
      %dma_wait3A_44 = tpu.memref_slice %arg6[%dma_wait3A_42, %dma_wait3A_43] : memref<16x128xi32, #tpu.memory_space<vmem>> -> memref<1x128xi32, #tpu.memory_space<vmem>>
      %dma_wait3A_45 = tpu.memref_squeeze %dma_wait3A_44 : memref<1x128xi32, #tpu.memory_space<vmem>> -> memref<128xi32, #tpu.memory_space<vmem>>
      %dma_wait3A_46 = arith.constant 0 : i32
      %dma_wait3A_47 = arith.constant 0 : i32
      %dma_wait3A_48 = tpu.memref_slice %arg8[%dma_wait3A_46, %dma_wait3A_47] : memref<10240x128xf32, #tpu.memory_space<vmem_shared>> -> memref<10240x128xf32, #tpu.memory_space<vmem_shared>>
      tpu.wait_indirect_dma semaphore(%arg10 : memref<!tpu.dma_semaphore, #tpu.memory_space<semaphore_mem>>) src(%arg7 : memref<128x128xf32, #tpu.memory_space<vmem>>) dst(%dma_wait3A_48 : memref<10240x128xf32, #tpu.memory_space<vmem_shared>>)
      %dma_start3A_49 = arith.constant 3 : i32
      %dma_start3A_50 = arith.constant 0 : i32
      %dma_start3A_51 = tpu.memref_slice %arg6[%dma_start3A_49, %dma_start3A_50] : memref<16x128xi32, #tpu.memory_space<vmem>> -> memref<1x128xi32, #tpu.memory_space<vmem>>
      %dma_start3A_52 = tpu.memref_squeeze %dma_start3A_51 : memref<1x128xi32, #tpu.memory_space<vmem>> -> memref<128xi32, #tpu.memory_space<vmem>>
      %dma_start3A_53 = arith.constant 0 : i32
      %dma_start3A_54 = arith.constant 0 : i32
      %dma_start3A_55 = tpu.memref_slice %arg8[%dma_start3A_53, %dma_start3A_54] : memref<10240x128xf32, #tpu.memory_space<vmem_shared>> -> memref<10240x128xf32, #tpu.memory_space<vmem_shared>>
      tpu.enqueue_indirect_dma source(%arg7 : memref<128x128xf32, #tpu.memory_space<vmem>>) target(%dma_start3A_55 : memref<10240x128xf32, #tpu.memory_space<vmem_shared>>) offsets(%dma_start3A_52 : memref<128xi32, #tpu.memory_space<vmem>>) semaphore(%arg10 : memref<!tpu.dma_semaphore, #tpu.memory_space<semaphore_mem>>) {add = true}
      %dma_wait3A_56 = arith.constant 2 : i32
      %dma_wait3A_57 = arith.constant 0 : i32
      %dma_wait3A_58 = tpu.memref_slice %arg6[%dma_wait3A_56, %dma_wait3A_57] : memref<16x128xi32, #tpu.memory_space<vmem>> -> memref<1x128xi32, #tpu.memory_space<vmem>>
      %dma_wait3A_59 = tpu.memref_squeeze %dma_wait3A_58 : memref<1x128xi32, #tpu.memory_space<vmem>> -> memref<128xi32, #tpu.memory_space<vmem>>
      %dma_wait3A_60 = arith.constant 0 : i32
      %dma_wait3A_61 = arith.constant 0 : i32
      %dma_wait3A_62 = tpu.memref_slice %arg8[%dma_wait3A_60, %dma_wait3A_61] : memref<10240x128xf32, #tpu.memory_space<vmem_shared>> -> memref<10240x128xf32, #tpu.memory_space<vmem_shared>>
      tpu.wait_indirect_dma semaphore(%arg9 : memref<!tpu.dma_semaphore, #tpu.memory_space<semaphore_mem>>) src(%arg7 : memref<128x128xf32, #tpu.memory_space<vmem>>) dst(%dma_wait3A_62 : memref<10240x128xf32, #tpu.memory_space<vmem_shared>>)
      %dma_start3A_63 = arith.constant 4 : i32
      %dma_start3A_64 = arith.constant 0 : i32
      %dma_start3A_65 = tpu.memref_slice %arg6[%dma_start3A_63, %dma_start3A_64] : memref<16x128xi32, #tpu.memory_space<vmem>> -> memref<1x128xi32, #tpu.memory_space<vmem>>
      %dma_start3A_66 = tpu.memref_squeeze %dma_start3A_65 : memref<1x128xi32, #tpu.memory_space<vmem>> -> memref<128xi32, #tpu.memory_space<vmem>>
      %dma_start3A_67 = arith.constant 0 : i32
      %dma_start3A_68 = arith.constant 0 : i32
      %dma_start3A_69 = tpu.memref_slice %arg8[%dma_start3A_67, %dma_start3A_68] : memref<10240x128xf32, #tpu.memory_space<vmem_shared>> -> memref<10240x128xf32, #tpu.memory_space<vmem_shared>>
      tpu.enqueue_indirect_dma source(%arg7 : memref<128x128xf32, #tpu.memory_space<vmem>>) target(%dma_start3A_69 : memref<10240x128xf32, #tpu.memory_space<vmem_shared>>) offsets(%dma_start3A_66 : memref<128xi32, #tpu.memory_space<vmem>>) semaphore(%arg9 : memref<!tpu.dma_semaphore, #tpu.memory_space<semaphore_mem>>) {add = true}
      %dma_wait3A_70 = arith.constant 3 : i32
      %dma_wait3A_71 = arith.constant 0 : i32
      %dma_wait3A_72 = tpu.memref_slice %arg6[%dma_wait3A_70, %dma_wait3A_71] : memref<16x128xi32, #tpu.memory_space<vmem>> -> memref<1x128xi32, #tpu.memory_space<vmem>>
      %dma_wait3A_73 = tpu.memref_squeeze %dma_wait3A_72 : memref<1x128xi32, #tpu.memory_space<vmem>> -> memref<128xi32, #tpu.memory_space<vmem>>
      %dma_wait3A_74 = arith.constant 0 : i32
      %dma_wait3A_75 = arith.constant 0 : i32
      %dma_wait3A_76 = tpu.memref_slice %arg8[%dma_wait3A_74, %dma_wait3A_75] : memref<10240x128xf32, #tpu.memory_space<vmem_shared>> -> memref<10240x128xf32, #tpu.memory_space<vmem_shared>>
      tpu.wait_indirect_dma semaphore(%arg10 : memref<!tpu.dma_semaphore, #tpu.memory_space<semaphore_mem>>) src(%arg7 : memref<128x128xf32, #tpu.memory_space<vmem>>) dst(%dma_wait3A_76 : memref<10240x128xf32, #tpu.memory_space<vmem_shared>>)
      %dma_start3A_77 = arith.constant 5 : i32
      %dma_start3A_78 = arith.constant 0 : i32
      %dma_start3A_79 = tpu.memref_slice %arg6[%dma_start3A_77, %dma_start3A_78] : memref<16x128xi32, #tpu.memory_space<vmem>> -> memref<1x128xi32, #tpu.memory_space<vmem>>
      %dma_start3A_80 = tpu.memref_squeeze %dma_start3A_79 : memref<1x128xi32, #tpu.memory_space<vmem>> -> memref<128xi32, #tpu.memory_space<vmem>>
      %dma_start3A_81 = arith.constant 0 : i32
      %dma_start3A_82 = arith.constant 0 : i32
      %dma_start3A_83 = tpu.memref_slice %arg8[%dma_start3A_81, %dma_start3A_82] : memref<10240x128xf32, #tpu.memory_space<vmem_shared>> -> memref<10240x128xf32, #tpu.memory_space<vmem_shared>>
      tpu.enqueue_indirect_dma source(%arg7 : memref<128x128xf32, #tpu.memory_space<vmem>>) target(%dma_start3A_83 : memref<10240x128xf32, #tpu.memory_space<vmem_shared>>) offsets(%dma_start3A_80 : memref<128xi32, #tpu.memory_space<vmem>>) semaphore(%arg10 : memref<!tpu.dma_semaphore, #tpu.memory_space<semaphore_mem>>) {add = true}
      %dma_wait3A_84 = arith.constant 4 : i32
      %dma_wait3A_85 = arith.constant 0 : i32
      %dma_wait3A_86 = tpu.memref_slice %arg6[%dma_wait3A_84, %dma_wait3A_85] : memref<16x128xi32, #tpu.memory_space<vmem>> -> memref<1x128xi32, #tpu.memory_space<vmem>>
      %dma_wait3A_87 = tpu.memref_squeeze %dma_wait3A_86 : memref<1x128xi32, #tpu.memory_space<vmem>> -> memref<128xi32, #tpu.memory_space<vmem>>
      %dma_wait3A_88 = arith.constant 0 : i32
      %dma_wait3A_89 = arith.constant 0 : i32
      %dma_wait3A_90 = tpu.memref_slice %arg8[%dma_wait3A_88, %dma_wait3A_89] : memref<10240x128xf32, #tpu.memory_space<vmem_shared>> -> memref<10240x128xf32, #tpu.memory_space<vmem_shared>>
      tpu.wait_indirect_dma semaphore(%arg9 : memref<!tpu.dma_semaphore, #tpu.memory_space<semaphore_mem>>) src(%arg7 : memref<128x128xf32, #tpu.memory_space<vmem>>) dst(%dma_wait3A_90 : memref<10240x128xf32, #tpu.memory_space<vmem_shared>>)
      %dma_start3A_91 = arith.constant 6 : i32
      %dma_start3A_92 = arith.constant 0 : i32
      %dma_start3A_93 = tpu.memref_slice %arg6[%dma_start3A_91, %dma_start3A_92] : memref<16x128xi32, #tpu.memory_space<vmem>> -> memref<1x128xi32, #tpu.memory_space<vmem>>
      %dma_start3A_94 = tpu.memref_squeeze %dma_start3A_93 : memref<1x128xi32, #tpu.memory_space<vmem>> -> memref<128xi32, #tpu.memory_space<vmem>>
      %dma_start3A_95 = arith.constant 0 : i32
      %dma_start3A_96 = arith.constant 0 : i32
      %dma_start3A_97 = tpu.memref_slice %arg8[%dma_start3A_95, %dma_start3A_96] : memref<10240x128xf32, #tpu.memory_space<vmem_shared>> -> memref<10240x128xf32, #tpu.memory_space<vmem_shared>>
      tpu.enqueue_indirect_dma source(%arg7 : memref<128x128xf32, #tpu.memory_space<vmem>>) target(%dma_start3A_97 : memref<10240x128xf32, #tpu.memory_space<vmem_shared>>) offsets(%dma_start3A_94 : memref<128xi32, #tpu.memory_space<vmem>>) semaphore(%arg9 : memref<!tpu.dma_semaphore, #tpu.memory_space<semaphore_mem>>) {add = true}
      %dma_wait3A_98 = arith.constant 5 : i32
      %dma_wait3A_99 = arith.constant 0 : i32
      %dma_wait3A_100 = tpu.memref_slice %arg6[%dma_wait3A_98, %dma_wait3A_99] : memref<16x128xi32, #tpu.memory_space<vmem>> -> memref<1x128xi32, #tpu.memory_space<vmem>>
      %dma_wait3A_101 = tpu.memref_squeeze %dma_wait3A_100 : memref<1x128xi32, #tpu.memory_space<vmem>> -> memref<128xi32, #tpu.memory_space<vmem>>
      %dma_wait3A_102 = arith.constant 0 : i32
      %dma_wait3A_103 = arith.constant 0 : i32
      %dma_wait3A_104 = tpu.memref_slice %arg8[%dma_wait3A_102, %dma_wait3A_103] : memref<10240x128xf32, #tpu.memory_space<vmem_shared>> -> memref<10240x128xf32, #tpu.memory_space<vmem_shared>>
      tpu.wait_indirect_dma semaphore(%arg10 : memref<!tpu.dma_semaphore, #tpu.memory_space<semaphore_mem>>) src(%arg7 : memref<128x128xf32, #tpu.memory_space<vmem>>) dst(%dma_wait3A_104 : memref<10240x128xf32, #tpu.memory_space<vmem_shared>>)
      %dma_start3A_105 = arith.constant 7 : i32
      %dma_start3A_106 = arith.constant 0 : i32
      %dma_start3A_107 = tpu.memref_slice %arg6[%dma_start3A_105, %dma_start3A_106] : memref<16x128xi32, #tpu.memory_space<vmem>> -> memref<1x128xi32, #tpu.memory_space<vmem>>
      %dma_start3A_108 = tpu.memref_squeeze %dma_start3A_107 : memref<1x128xi32, #tpu.memory_space<vmem>> -> memref<128xi32, #tpu.memory_space<vmem>>
      %dma_start3A_109 = arith.constant 0 : i32
      %dma_start3A_110 = arith.constant 0 : i32
      %dma_start3A_111 = tpu.memref_slice %arg8[%dma_start3A_109, %dma_start3A_110] : memref<10240x128xf32, #tpu.memory_space<vmem_shared>> -> memref<10240x128xf32, #tpu.memory_space<vmem_shared>>
      tpu.enqueue_indirect_dma source(%arg7 : memref<128x128xf32, #tpu.memory_space<vmem>>) target(%dma_start3A_111 : memref<10240x128xf32, #tpu.memory_space<vmem_shared>>) offsets(%dma_start3A_108 : memref<128xi32, #tpu.memory_space<vmem>>) semaphore(%arg10 : memref<!tpu.dma_semaphore, #tpu.memory_space<semaphore_mem>>) {add = true}
      %dma_wait3A_112 = arith.constant 6 : i32
      %dma_wait3A_113 = arith.constant 0 : i32
      %dma_wait3A_114 = tpu.memref_slice %arg6[%dma_wait3A_112, %dma_wait3A_113] : memref<16x128xi32, #tpu.memory_space<vmem>> -> memref<1x128xi32, #tpu.memory_space<vmem>>
      %dma_wait3A_115 = tpu.memref_squeeze %dma_wait3A_114 : memref<1x128xi32, #tpu.memory_space<vmem>> -> memref<128xi32, #tpu.memory_space<vmem>>
      %dma_wait3A_116 = arith.constant 0 : i32
      %dma_wait3A_117 = arith.constant 0 : i32
      %dma_wait3A_118 = tpu.memref_slice %arg8[%dma_wait3A_116, %dma_wait3A_117] : memref<10240x128xf32, #tpu.memory_space<vmem_shared>> -> memref<10240x128xf32, #tpu.memory_space<vmem_shared>>
      tpu.wait_indirect_dma semaphore(%arg9 : memref<!tpu.dma_semaphore, #tpu.memory_space<semaphore_mem>>) src(%arg7 : memref<128x128xf32, #tpu.memory_space<vmem>>) dst(%dma_wait3A_118 : memref<10240x128xf32, #tpu.memory_space<vmem_shared>>)
      %dma_start3A_119 = arith.constant 8 : i32
      %dma_start3A_120 = arith.constant 0 : i32
      %dma_start3A_121 = tpu.memref_slice %arg6[%dma_start3A_119, %dma_start3A_120] : memref<16x128xi32, #tpu.memory_space<vmem>> -> memref<1x128xi32, #tpu.memory_space<vmem>>
      %dma_start3A_122 = tpu.memref_squeeze %dma_start3A_121 : memref<1x128xi32, #tpu.memory_space<vmem>> -> memref<128xi32, #tpu.memory_space<vmem>>
      %dma_start3A_123 = arith.constant 0 : i32
      %dma_start3A_124 = arith.constant 0 : i32
      %dma_start3A_125 = tpu.memref_slice %arg8[%dma_start3A_123, %dma_start3A_124] : memref<10240x128xf32, #tpu.memory_space<vmem_shared>> -> memref<10240x128xf32, #tpu.memory_space<vmem_shared>>
      tpu.enqueue_indirect_dma source(%arg7 : memref<128x128xf32, #tpu.memory_space<vmem>>) target(%dma_start3A_125 : memref<10240x128xf32, #tpu.memory_space<vmem_shared>>) offsets(%dma_start3A_122 : memref<128xi32, #tpu.memory_space<vmem>>) semaphore(%arg9 : memref<!tpu.dma_semaphore, #tpu.memory_space<semaphore_mem>>) {add = true}
      %dma_wait3A_126 = arith.constant 7 : i32
      %dma_wait3A_127 = arith.constant 0 : i32
      %dma_wait3A_128 = tpu.memref_slice %arg6[%dma_wait3A_126, %dma_wait3A_127] : memref<16x128xi32, #tpu.memory_space<vmem>> -> memref<1x128xi32, #tpu.memory_space<vmem>>
      %dma_wait3A_129 = tpu.memref_squeeze %dma_wait3A_128 : memref<1x128xi32, #tpu.memory_space<vmem>> -> memref<128xi32, #tpu.memory_space<vmem>>
      %dma_wait3A_130 = arith.constant 0 : i32
      %dma_wait3A_131 = arith.constant 0 : i32
      %dma_wait3A_132 = tpu.memref_slice %arg8[%dma_wait3A_130, %dma_wait3A_131] : memref<10240x128xf32, #tpu.memory_space<vmem_shared>> -> memref<10240x128xf32, #tpu.memory_space<vmem_shared>>
      tpu.wait_indirect_dma semaphore(%arg10 : memref<!tpu.dma_semaphore, #tpu.memory_space<semaphore_mem>>) src(%arg7 : memref<128x128xf32, #tpu.memory_space<vmem>>) dst(%dma_wait3A_132 : memref<10240x128xf32, #tpu.memory_space<vmem_shared>>)
      %dma_start3A_133 = arith.constant 9 : i32
      %dma_start3A_134 = arith.constant 0 : i32
      %dma_start3A_135 = tpu.memref_slice %arg6[%dma_start3A_133, %dma_start3A_134] : memref<16x128xi32, #tpu.memory_space<vmem>> -> memref<1x128xi32, #tpu.memory_space<vmem>>
      %dma_start3A_136 = tpu.memref_squeeze %dma_start3A_135 : memref<1x128xi32, #tpu.memory_space<vmem>> -> memref<128xi32, #tpu.memory_space<vmem>>
      %dma_start3A_137 = arith.constant 0 : i32
      %dma_start3A_138 = arith.constant 0 : i32
      %dma_start3A_139 = tpu.memref_slice %arg8[%dma_start3A_137, %dma_start3A_138] : memref<10240x128xf32, #tpu.memory_space<vmem_shared>> -> memref<10240x128xf32, #tpu.memory_space<vmem_shared>>
      tpu.enqueue_indirect_dma source(%arg7 : memref<128x128xf32, #tpu.memory_space<vmem>>) target(%dma_start3A_139 : memref<10240x128xf32, #tpu.memory_space<vmem_shared>>) offsets(%dma_start3A_136 : memref<128xi32, #tpu.memory_space<vmem>>) semaphore(%arg10 : memref<!tpu.dma_semaphore, #tpu.memory_space<semaphore_mem>>) {add = true}
      %dma_wait3A_140 = arith.constant 8 : i32
      %dma_wait3A_141 = arith.constant 0 : i32
      %dma_wait3A_142 = tpu.memref_slice %arg6[%dma_wait3A_140, %dma_wait3A_141] : memref<16x128xi32, #tpu.memory_space<vmem>> -> memref<1x128xi32, #tpu.memory_space<vmem>>
      %dma_wait3A_143 = tpu.memref_squeeze %dma_wait3A_142 : memref<1x128xi32, #tpu.memory_space<vmem>> -> memref<128xi32, #tpu.memory_space<vmem>>
      %dma_wait3A_144 = arith.constant 0 : i32
      %dma_wait3A_145 = arith.constant 0 : i32
      %dma_wait3A_146 = tpu.memref_slice %arg8[%dma_wait3A_144, %dma_wait3A_145] : memref<10240x128xf32, #tpu.memory_space<vmem_shared>> -> memref<10240x128xf32, #tpu.memory_space<vmem_shared>>
      tpu.wait_indirect_dma semaphore(%arg9 : memref<!tpu.dma_semaphore, #tpu.memory_space<semaphore_mem>>) src(%arg7 : memref<128x128xf32, #tpu.memory_space<vmem>>) dst(%dma_wait3A_146 : memref<10240x128xf32, #tpu.memory_space<vmem_shared>>)
      %dma_start3A_147 = arith.constant 10 : i32
      %dma_start3A_148 = arith.constant 0 : i32
      %dma_start3A_149 = tpu.memref_slice %arg6[%dma_start3A_147, %dma_start3A_148] : memref<16x128xi32, #tpu.memory_space<vmem>> -> memref<1x128xi32, #tpu.memory_space<vmem>>
      %dma_start3A_150 = tpu.memref_squeeze %dma_start3A_149 : memref<1x128xi32, #tpu.memory_space<vmem>> -> memref<128xi32, #tpu.memory_space<vmem>>
      %dma_start3A_151 = arith.constant 0 : i32
      %dma_start3A_152 = arith.constant 0 : i32
      %dma_start3A_153 = tpu.memref_slice %arg8[%dma_start3A_151, %dma_start3A_152] : memref<10240x128xf32, #tpu.memory_space<vmem_shared>> -> memref<10240x128xf32, #tpu.memory_space<vmem_shared>>
      tpu.enqueue_indirect_dma source(%arg7 : memref<128x128xf32, #tpu.memory_space<vmem>>) target(%dma_start3A_153 : memref<10240x128xf32, #tpu.memory_space<vmem_shared>>) offsets(%dma_start3A_150 : memref<128xi32, #tpu.memory_space<vmem>>) semaphore(%arg9 : memref<!tpu.dma_semaphore, #tpu.memory_space<semaphore_mem>>) {add = true}
      %dma_wait3A_154 = arith.constant 9 : i32
      %dma_wait3A_155 = arith.constant 0 : i32
      %dma_wait3A_156 = tpu.memref_slice %arg6[%dma_wait3A_154, %dma_wait3A_155] : memref<16x128xi32, #tpu.memory_space<vmem>> -> memref<1x128xi32, #tpu.memory_space<vmem>>
      %dma_wait3A_157 = tpu.memref_squeeze %dma_wait3A_156 : memref<1x128xi32, #tpu.memory_space<vmem>> -> memref<128xi32, #tpu.memory_space<vmem>>
      %dma_wait3A_158 = arith.constant 0 : i32
      %dma_wait3A_159 = arith.constant 0 : i32
      %dma_wait3A_160 = tpu.memref_slice %arg8[%dma_wait3A_158, %dma_wait3A_159] : memref<10240x128xf32, #tpu.memory_space<vmem_shared>> -> memref<10240x128xf32, #tpu.memory_space<vmem_shared>>
      tpu.wait_indirect_dma semaphore(%arg10 : memref<!tpu.dma_semaphore, #tpu.memory_space<semaphore_mem>>) src(%arg7 : memref<128x128xf32, #tpu.memory_space<vmem>>) dst(%dma_wait3A_160 : memref<10240x128xf32, #tpu.memory_space<vmem_shared>>)
      %dma_start3A_161 = arith.constant 11 : i32
      %dma_start3A_162 = arith.constant 0 : i32
      %dma_start3A_163 = tpu.memref_slice %arg6[%dma_start3A_161, %dma_start3A_162] : memref<16x128xi32, #tpu.memory_space<vmem>> -> memref<1x128xi32, #tpu.memory_space<vmem>>
      %dma_start3A_164 = tpu.memref_squeeze %dma_start3A_163 : memref<1x128xi32, #tpu.memory_space<vmem>> -> memref<128xi32, #tpu.memory_space<vmem>>
      %dma_start3A_165 = arith.constant 0 : i32
      %dma_start3A_166 = arith.constant 0 : i32
      %dma_start3A_167 = tpu.memref_slice %arg8[%dma_start3A_165, %dma_start3A_166] : memref<10240x128xf32, #tpu.memory_space<vmem_shared>> -> memref<10240x128xf32, #tpu.memory_space<vmem_shared>>
      tpu.enqueue_indirect_dma source(%arg7 : memref<128x128xf32, #tpu.memory_space<vmem>>) target(%dma_start3A_167 : memref<10240x128xf32, #tpu.memory_space<vmem_shared>>) offsets(%dma_start3A_164 : memref<128xi32, #tpu.memory_space<vmem>>) semaphore(%arg10 : memref<!tpu.dma_semaphore, #tpu.memory_space<semaphore_mem>>) {add = true}
      %dma_wait3A_168 = arith.constant 10 : i32
      %dma_wait3A_169 = arith.constant 0 : i32
      %dma_wait3A_170 = tpu.memref_slice %arg6[%dma_wait3A_168, %dma_wait3A_169] : memref<16x128xi32, #tpu.memory_space<vmem>> -> memref<1x128xi32, #tpu.memory_space<vmem>>
      %dma_wait3A_171 = tpu.memref_squeeze %dma_wait3A_170 : memref<1x128xi32, #tpu.memory_space<vmem>> -> memref<128xi32, #tpu.memory_space<vmem>>
      %dma_wait3A_172 = arith.constant 0 : i32
      %dma_wait3A_173 = arith.constant 0 : i32
      %dma_wait3A_174 = tpu.memref_slice %arg8[%dma_wait3A_172, %dma_wait3A_173] : memref<10240x128xf32, #tpu.memory_space<vmem_shared>> -> memref<10240x128xf32, #tpu.memory_space<vmem_shared>>
      tpu.wait_indirect_dma semaphore(%arg9 : memref<!tpu.dma_semaphore, #tpu.memory_space<semaphore_mem>>) src(%arg7 : memref<128x128xf32, #tpu.memory_space<vmem>>) dst(%dma_wait3A_174 : memref<10240x128xf32, #tpu.memory_space<vmem_shared>>)
      %dma_start3A_175 = arith.constant 12 : i32
      %dma_start3A_176 = arith.constant 0 : i32
      %dma_start3A_177 = tpu.memref_slice %arg6[%dma_start3A_175, %dma_start3A_176] : memref<16x128xi32, #tpu.memory_space<vmem>> -> memref<1x128xi32, #tpu.memory_space<vmem>>
      %dma_start3A_178 = tpu.memref_squeeze %dma_start3A_177 : memref<1x128xi32, #tpu.memory_space<vmem>> -> memref<128xi32, #tpu.memory_space<vmem>>
      %dma_start3A_179 = arith.constant 0 : i32
      %dma_start3A_180 = arith.constant 0 : i32
      %dma_start3A_181 = tpu.memref_slice %arg8[%dma_start3A_179, %dma_start3A_180] : memref<10240x128xf32, #tpu.memory_space<vmem_shared>> -> memref<10240x128xf32, #tpu.memory_space<vmem_shared>>
      tpu.enqueue_indirect_dma source(%arg7 : memref<128x128xf32, #tpu.memory_space<vmem>>) target(%dma_start3A_181 : memref<10240x128xf32, #tpu.memory_space<vmem_shared>>) offsets(%dma_start3A_178 : memref<128xi32, #tpu.memory_space<vmem>>) semaphore(%arg9 : memref<!tpu.dma_semaphore, #tpu.memory_space<semaphore_mem>>) {add = true}
      %dma_wait3A_182 = arith.constant 11 : i32
      %dma_wait3A_183 = arith.constant 0 : i32
      %dma_wait3A_184 = tpu.memref_slice %arg6[%dma_wait3A_182, %dma_wait3A_183] : memref<16x128xi32, #tpu.memory_space<vmem>> -> memref<1x128xi32, #tpu.memory_space<vmem>>
      %dma_wait3A_185 = tpu.memref_squeeze %dma_wait3A_184 : memref<1x128xi32, #tpu.memory_space<vmem>> -> memref<128xi32, #tpu.memory_space<vmem>>
      %dma_wait3A_186 = arith.constant 0 : i32
      %dma_wait3A_187 = arith.constant 0 : i32
      %dma_wait3A_188 = tpu.memref_slice %arg8[%dma_wait3A_186, %dma_wait3A_187] : memref<10240x128xf32, #tpu.memory_space<vmem_shared>> -> memref<10240x128xf32, #tpu.memory_space<vmem_shared>>
      tpu.wait_indirect_dma semaphore(%arg10 : memref<!tpu.dma_semaphore, #tpu.memory_space<semaphore_mem>>) src(%arg7 : memref<128x128xf32, #tpu.memory_space<vmem>>) dst(%dma_wait3A_188 : memref<10240x128xf32, #tpu.memory_space<vmem_shared>>)
      %dma_start3A_189 = arith.constant 13 : i32
      %dma_start3A_190 = arith.constant 0 : i32
      %dma_start3A_191 = tpu.memref_slice %arg6[%dma_start3A_189, %dma_start3A_190] : memref<16x128xi32, #tpu.memory_space<vmem>> -> memref<1x128xi32, #tpu.memory_space<vmem>>
      %dma_start3A_192 = tpu.memref_squeeze %dma_start3A_191 : memref<1x128xi32, #tpu.memory_space<vmem>> -> memref<128xi32, #tpu.memory_space<vmem>>
      %dma_start3A_193 = arith.constant 0 : i32
      %dma_start3A_194 = arith.constant 0 : i32
      %dma_start3A_195 = tpu.memref_slice %arg8[%dma_start3A_193, %dma_start3A_194] : memref<10240x128xf32, #tpu.memory_space<vmem_shared>> -> memref<10240x128xf32, #tpu.memory_space<vmem_shared>>
      tpu.enqueue_indirect_dma source(%arg7 : memref<128x128xf32, #tpu.memory_space<vmem>>) target(%dma_start3A_195 : memref<10240x128xf32, #tpu.memory_space<vmem_shared>>) offsets(%dma_start3A_192 : memref<128xi32, #tpu.memory_space<vmem>>) semaphore(%arg10 : memref<!tpu.dma_semaphore, #tpu.memory_space<semaphore_mem>>) {add = true}
      %dma_wait3A_196 = arith.constant 12 : i32
      %dma_wait3A_197 = arith.constant 0 : i32
      %dma_wait3A_198 = tpu.memref_slice %arg6[%dma_wait3A_196, %dma_wait3A_197] : memref<16x128xi32, #tpu.memory_space<vmem>> -> memref<1x128xi32, #tpu.memory_space<vmem>>
      %dma_wait3A_199 = tpu.memref_squeeze %dma_wait3A_198 : memref<1x128xi32, #tpu.memory_space<vmem>> -> memref<128xi32, #tpu.memory_space<vmem>>
      %dma_wait3A_200 = arith.constant 0 : i32
      %dma_wait3A_201 = arith.constant 0 : i32
      %dma_wait3A_202 = tpu.memref_slice %arg8[%dma_wait3A_200, %dma_wait3A_201] : memref<10240x128xf32, #tpu.memory_space<vmem_shared>> -> memref<10240x128xf32, #tpu.memory_space<vmem_shared>>
      tpu.wait_indirect_dma semaphore(%arg9 : memref<!tpu.dma_semaphore, #tpu.memory_space<semaphore_mem>>) src(%arg7 : memref<128x128xf32, #tpu.memory_space<vmem>>) dst(%dma_wait3A_202 : memref<10240x128xf32, #tpu.memory_space<vmem_shared>>)
      %dma_start3A_203 = arith.constant 14 : i32
      %dma_start3A_204 = arith.constant 0 : i32
      %dma_start3A_205 = tpu.memref_slice %arg6[%dma_start3A_203, %dma_start3A_204] : memref<16x128xi32, #tpu.memory_space<vmem>> -> memref<1x128xi32, #tpu.memory_space<vmem>>
      %dma_start3A_206 = tpu.memref_squeeze %dma_start3A_205 : memref<1x128xi32, #tpu.memory_space<vmem>> -> memref<128xi32, #tpu.memory_space<vmem>>
      %dma_start3A_207 = arith.constant 0 : i32
      %dma_start3A_208 = arith.constant 0 : i32
      %dma_start3A_209 = tpu.memref_slice %arg8[%dma_start3A_207, %dma_start3A_208] : memref<10240x128xf32, #tpu.memory_space<vmem_shared>> -> memref<10240x128xf32, #tpu.memory_space<vmem_shared>>
      tpu.enqueue_indirect_dma source(%arg7 : memref<128x128xf32, #tpu.memory_space<vmem>>) target(%dma_start3A_209 : memref<10240x128xf32, #tpu.memory_space<vmem_shared>>) offsets(%dma_start3A_206 : memref<128xi32, #tpu.memory_space<vmem>>) semaphore(%arg9 : memref<!tpu.dma_semaphore, #tpu.memory_space<semaphore_mem>>) {add = true}
      %dma_wait3A_210 = arith.constant 13 : i32
      %dma_wait3A_211 = arith.constant 0 : i32
      %dma_wait3A_212 = tpu.memref_slice %arg6[%dma_wait3A_210, %dma_wait3A_211] : memref<16x128xi32, #tpu.memory_space<vmem>> -> memref<1x128xi32, #tpu.memory_space<vmem>>
      %dma_wait3A_213 = tpu.memref_squeeze %dma_wait3A_212 : memref<1x128xi32, #tpu.memory_space<vmem>> -> memref<128xi32, #tpu.memory_space<vmem>>
      %dma_wait3A_214 = arith.constant 0 : i32
      %dma_wait3A_215 = arith.constant 0 : i32
      %dma_wait3A_216 = tpu.memref_slice %arg8[%dma_wait3A_214, %dma_wait3A_215] : memref<10240x128xf32, #tpu.memory_space<vmem_shared>> -> memref<10240x128xf32, #tpu.memory_space<vmem_shared>>
      tpu.wait_indirect_dma semaphore(%arg10 : memref<!tpu.dma_semaphore, #tpu.memory_space<semaphore_mem>>) src(%arg7 : memref<128x128xf32, #tpu.memory_space<vmem>>) dst(%dma_wait3A_216 : memref<10240x128xf32, #tpu.memory_space<vmem_shared>>)
      %dma_start3A_217 = arith.constant 15 : i32
      %dma_start3A_218 = arith.constant 0 : i32
      %dma_start3A_219 = tpu.memref_slice %arg6[%dma_start3A_217, %dma_start3A_218] : memref<16x128xi32, #tpu.memory_space<vmem>> -> memref<1x128xi32, #tpu.memory_space<vmem>>
      %dma_start3A_220 = tpu.memref_squeeze %dma_start3A_219 : memref<1x128xi32, #tpu.memory_space<vmem>> -> memref<128xi32, #tpu.memory_space<vmem>>
      %dma_start3A_221 = arith.constant 0 : i32
      %dma_start3A_222 = arith.constant 0 : i32
      %dma_start3A_223 = tpu.memref_slice %arg8[%dma_start3A_221, %dma_start3A_222] : memref<10240x128xf32, #tpu.memory_space<vmem_shared>> -> memref<10240x128xf32, #tpu.memory_space<vmem_shared>>
      tpu.enqueue_indirect_dma source(%arg7 : memref<128x128xf32, #tpu.memory_space<vmem>>) target(%dma_start3A_223 : memref<10240x128xf32, #tpu.memory_space<vmem_shared>>) offsets(%dma_start3A_220 : memref<128xi32, #tpu.memory_space<vmem>>) semaphore(%arg10 : memref<!tpu.dma_semaphore, #tpu.memory_space<semaphore_mem>>) {add = true}
      %dma_wait3A_224 = arith.constant 14 : i32
      %dma_wait3A_225 = arith.constant 0 : i32
      %dma_wait3A_226 = tpu.memref_slice %arg6[%dma_wait3A_224, %dma_wait3A_225] : memref<16x128xi32, #tpu.memory_space<vmem>> -> memref<1x128xi32, #tpu.memory_space<vmem>>
      %dma_wait3A_227 = tpu.memref_squeeze %dma_wait3A_226 : memref<1x128xi32, #tpu.memory_space<vmem>> -> memref<128xi32, #tpu.memory_space<vmem>>
      %dma_wait3A_228 = arith.constant 0 : i32
      %dma_wait3A_229 = arith.constant 0 : i32
      %dma_wait3A_230 = tpu.memref_slice %arg8[%dma_wait3A_228, %dma_wait3A_229] : memref<10240x128xf32, #tpu.memory_space<vmem_shared>> -> memref<10240x128xf32, #tpu.memory_space<vmem_shared>>
      tpu.wait_indirect_dma semaphore(%arg9 : memref<!tpu.dma_semaphore, #tpu.memory_space<semaphore_mem>>) src(%arg7 : memref<128x128xf32, #tpu.memory_space<vmem>>) dst(%dma_wait3A_230 : memref<10240x128xf32, #tpu.memory_space<vmem_shared>>)
      %dma_wait3A_231 = arith.constant 15 : i32
      %dma_wait3A_232 = arith.constant 0 : i32
      %dma_wait3A_233 = tpu.memref_slice %arg6[%dma_wait3A_231, %dma_wait3A_232] : memref<16x128xi32, #tpu.memory_space<vmem>> -> memref<1x128xi32, #tpu.memory_space<vmem>>
      %dma_wait3A_234 = tpu.memref_squeeze %dma_wait3A_233 : memref<1x128xi32, #tpu.memory_space<vmem>> -> memref<128xi32, #tpu.memory_space<vmem>>
      %dma_wait3A_235 = arith.constant 0 : i32
      %dma_wait3A_236 = arith.constant 0 : i32
      %dma_wait3A_237 = tpu.memref_slice %arg8[%dma_wait3A_235, %dma_wait3A_236] : memref<10240x128xf32, #tpu.memory_space<vmem_shared>> -> memref<10240x128xf32, #tpu.memory_space<vmem_shared>>
      tpu.wait_indirect_dma semaphore(%arg10 : memref<!tpu.dma_semaphore, #tpu.memory_space<semaphore_mem>>) src(%arg7 : memref<128x128xf32, #tpu.memory_space<vmem>>) dst(%dma_wait3A_237 : memref<10240x128xf32, #tpu.memory_space<vmem_shared>>)
    }
    %scan3A_9 = arith.constant 5 : i32
    %barrier3A_10 = arith.constant 0 : index
    tpu.barrier barrier_id(%barrier3A_10)
    %mul3A_11 = arith.constant 640 : i32
    %mul3A_12 = arith.muli %arg1, %mul3A_11 : i32
    %mul3A_13 = arith.constant 640 : i32
    %mul3A_14 = arith.muli %arg1, %mul3A_13 : i32
    "tpu.region"() ({
      %run_scoped3A = tpu.sem_alloc : memref<!tpu.dma_semaphore, #tpu.memory_space<semaphore_mem>>
      %dma_start3A = arith.constant 0 : i32
      %dma_start3A_15 = tpu.memref_slice %arg5[%arg0, %mul3A_14, %dma_start3A] : memref<2x10240x128xf32, #tpu.memory_space<hbm>> -> memref<1x640x128xf32, #tpu.memory_space<hbm>>
      %dma_start3A_16 = tpu.memref_squeeze %dma_start3A_15 : memref<1x640x128xf32, #tpu.memory_space<hbm>> -> memref<640x128xf32, #tpu.memory_space<hbm>>
      %dma_start3A_17 = arith.constant 0 : i32
      %dma_start3A_18 = tpu.memref_slice %arg8[%mul3A_12, %dma_start3A_17] : memref<10240x128xf32, #tpu.memory_space<vmem_shared>> -> memref<640x128xf32, #tpu.memory_space<vmem_shared>>
      tpu.enqueue_dma source(%dma_start3A_18 : memref<640x128xf32, #tpu.memory_space<vmem_shared>>) target(%dma_start3A_16 : memref<640x128xf32, #tpu.memory_space<hbm>>) target_semaphore(%run_scoped3A : memref<!tpu.dma_semaphore, #tpu.memory_space<semaphore_mem>>)
      %dma_wait3A = arith.constant 0 : i32
      %dma_wait3A_19 = tpu.memref_slice %arg5[%arg0, %mul3A_14, %dma_wait3A] : memref<2x10240x128xf32, #tpu.memory_space<hbm>> -> memref<1x640x128xf32, #tpu.memory_space<hbm>>
      %dma_wait3A_20 = tpu.memref_squeeze %dma_wait3A_19 : memref<1x640x128xf32, #tpu.memory_space<hbm>> -> memref<640x128xf32, #tpu.memory_space<hbm>>
      %dma_wait3A_21 = arith.constant 0 : i32
      %dma_wait3A_22 = tpu.memref_slice %arg8[%mul3A_12, %dma_wait3A_21] : memref<10240x128xf32, #tpu.memory_space<vmem_shared>> -> memref<640x128xf32, #tpu.memory_space<vmem_shared>>
      tpu.wait_dma2 semaphore(%run_scoped3A : memref<!tpu.dma_semaphore, #tpu.memory_space<semaphore_mem>>) src(%dma_wait3A_22 : memref<640x128xf32, #tpu.memory_space<vmem_shared>>) dst(%dma_wait3A_20 : memref<640x128xf32, #tpu.memory_space<hbm>>)
      tpu.yield
    }) : () -> ()
    return
  }
}

#map = affine_map<(d0, d1) -> (0, 0)>
#map1 = affine_map<(d0, d1) -> (0, 0, 0, 0)>
#map2 = affine_map<(d0, d1) -> (0, 0, 0)>
module attributes {stable_mosaic.version = 14 : i64} {
  func.func @_edge_body(%arg0: i32, %arg1: i32, %arg2: memref<10240x128xf32, #tpu.memory_space<hbm>>, %arg3: memref<32x5x16x128xi32, #tpu.memory_space<hbm>>, %arg4: memref<32x5x16x128xi32, #tpu.memory_space<hbm>>, %arg5: memref<10240x128xf32, #tpu.memory_space<hbm>>, %arg6: memref<2x10240x128xf32, #tpu.memory_space<hbm>>, %arg7: memref<16x128xi32, #tpu.memory_space<vmem>>, %arg8: memref<16x128xi32, #tpu.memory_space<vmem>>, %arg9: memref<128x128xf32, #tpu.memory_space<vmem>>, %arg10: memref<128x128xf32, #tpu.memory_space<vmem>>, %arg11: memref<10240x128xf32, #tpu.memory_space<vmem_shared>>, %arg12: memref<!tpu.dma_semaphore, #tpu.memory_space<semaphore_mem>>, %arg13: memref<!tpu.dma_semaphore, #tpu.memory_space<semaphore_mem>>, %arg14: memref<!tpu.dma_semaphore, #tpu.memory_space<semaphore_mem>>, %arg15: memref<!tpu.dma_semaphore, #tpu.memory_space<semaphore_mem>>) attributes {dimension_semantics = [#tpu.dimension_semantics<core_parallel>, #tpu.dimension_semantics<subcore_parallel>], iteration_bounds = array<i64: 2, 16>, scalar_prefetch = 0 : i64, scratch_operands = 9 : i64, tpu.core_type = #tpu.core_type<sc_vector_subcore>, window_params = [{transform_indices = #map}, {transform_indices = #map1}, {transform_indices = #map1}, {transform_indices = #map}, {transform_indices = #map2}]} {
    %mul3A = arith.constant 16 : i32
    %mul3A_0 = arith.muli %arg0, %mul3A : i32
    %add3A = arith.addi %mul3A_0, %arg1 : i32
    %mul3A_1 = arith.constant 640 : i32
    %mul3A_2 = arith.muli %arg1, %mul3A_1 : i32
    %mul3A_3 = arith.constant 640 : i32
    %mul3A_4 = arith.muli %arg1, %mul3A_3 : i32
    "tpu.region"() ({
      %run_scoped3A = tpu.sem_alloc : memref<!tpu.dma_semaphore, #tpu.memory_space<semaphore_mem>>
      %dma_start3A = arith.constant 0 : i32
      %dma_start3A_15 = tpu.memref_slice %arg11[%mul3A_4, %dma_start3A] : memref<10240x128xf32, #tpu.memory_space<vmem_shared>> -> memref<640x128xf32, #tpu.memory_space<vmem_shared>>
      %dma_start3A_16 = arith.constant 0 : i32
      %dma_start3A_17 = tpu.memref_slice %arg5[%mul3A_2, %dma_start3A_16] : memref<10240x128xf32, #tpu.memory_space<hbm>> -> memref<640x128xf32, #tpu.memory_space<hbm>>
      tpu.enqueue_dma source(%dma_start3A_17 : memref<640x128xf32, #tpu.memory_space<hbm>>) target(%dma_start3A_15 : memref<640x128xf32, #tpu.memory_space<vmem_shared>>) target_semaphore(%run_scoped3A : memref<!tpu.dma_semaphore, #tpu.memory_space<semaphore_mem>>)
      %dma_wait3A = arith.constant 0 : i32
      %dma_wait3A_18 = tpu.memref_slice %arg11[%mul3A_4, %dma_wait3A] : memref<10240x128xf32, #tpu.memory_space<vmem_shared>> -> memref<640x128xf32, #tpu.memory_space<vmem_shared>>
      %dma_wait3A_19 = arith.constant 0 : i32
      %dma_wait3A_20 = tpu.memref_slice %arg5[%mul3A_2, %dma_wait3A_19] : memref<10240x128xf32, #tpu.memory_space<hbm>> -> memref<640x128xf32, #tpu.memory_space<hbm>>
      tpu.wait_dma2 semaphore(%run_scoped3A : memref<!tpu.dma_semaphore, #tpu.memory_space<semaphore_mem>>) src(%dma_wait3A_20 : memref<640x128xf32, #tpu.memory_space<hbm>>) dst(%dma_wait3A_18 : memref<640x128xf32, #tpu.memory_space<vmem_shared>>)
      tpu.yield
    }) : () -> ()
    %barrier3A = arith.constant 0 : index
    tpu.barrier barrier_id(%barrier3A)
    %scan3A = arith.constant 0 : i32
    %scan3A_5 = arith.constant 0 : i32
    %scan3A_6 = arith.constant 5 : i32
    %scan3A_7 = arith.addi %scan3A_5, %scan3A_6 : i32
    %scan3A_8 = arith.constant 1 : i32
    scf.for %scan3A_15 = %scan3A_5 to %scan3A_7 step %scan3A_8  : i32 {
      "tpu.region"() ({
        %run_scoped3A = tpu.sem_alloc : memref<!tpu.dma_semaphore, #tpu.memory_space<semaphore_mem>>
        %dma_start3A_462 = arith.constant 0 : i32
        %dma_start3A_463 = arith.constant 0 : i32
        %dma_start3A_464 = arith.constant 0 : i32
        %dma_start3A_465 = tpu.memref_slice %arg3[%add3A, %dma_start3A_462, %dma_start3A_463, %dma_start3A_464] : memref<32x5x16x128xi32, #tpu.memory_space<hbm>> -> memref<1x5x16x128xi32, #tpu.memory_space<hbm>>
        %dma_start3A_466 = tpu.memref_squeeze %dma_start3A_465 : memref<1x5x16x128xi32, #tpu.memory_space<hbm>> -> memref<5x16x128xi32, #tpu.memory_space<hbm>>
        %dma_start3A_467 = arith.constant 0 : i32
        %dma_start3A_468 = arith.constant 0 : i32
        %dma_start3A_469 = tpu.memref_slice %dma_start3A_466[%scan3A_15, %dma_start3A_467, %dma_start3A_468] : memref<5x16x128xi32, #tpu.memory_space<hbm>> -> memref<1x16x128xi32, #tpu.memory_space<hbm>>
        %dma_start3A_470 = tpu.memref_squeeze %dma_start3A_469 : memref<1x16x128xi32, #tpu.memory_space<hbm>> -> memref<16x128xi32, #tpu.memory_space<hbm>>
        %dma_start3A_471 = arith.constant 0 : i32
        %dma_start3A_472 = arith.constant 0 : i32
        %dma_start3A_473 = arith.constant 0 : i32
        %dma_start3A_474 = tpu.memref_slice %arg3[%add3A, %dma_start3A_471, %dma_start3A_472, %dma_start3A_473] : memref<32x5x16x128xi32, #tpu.memory_space<hbm>> -> memref<1x5x16x128xi32, #tpu.memory_space<hbm>>
        %dma_start3A_475 = tpu.memref_squeeze %dma_start3A_474 : memref<1x5x16x128xi32, #tpu.memory_space<hbm>> -> memref<5x16x128xi32, #tpu.memory_space<hbm>>
        %dma_start3A_476 = arith.constant 0 : i32
        %dma_start3A_477 = arith.constant 0 : i32
        %dma_start3A_478 = tpu.memref_slice %dma_start3A_475[%scan3A_15, %dma_start3A_476, %dma_start3A_477] : memref<5x16x128xi32, #tpu.memory_space<hbm>> -> memref<1x16x128xi32, #tpu.memory_space<hbm>>
        %dma_start3A_479 = tpu.memref_squeeze %dma_start3A_478 : memref<1x16x128xi32, #tpu.memory_space<hbm>> -> memref<16x128xi32, #tpu.memory_space<hbm>>
        tpu.enqueue_dma source(%dma_start3A_479 : memref<16x128xi32, #tpu.memory_space<hbm>>) target(%arg7 : memref<16x128xi32, #tpu.memory_space<vmem>>) target_semaphore(%run_scoped3A : memref<!tpu.dma_semaphore, #tpu.memory_space<semaphore_mem>>)
        %dma_wait3A_480 = arith.constant 0 : i32
        %dma_wait3A_481 = arith.constant 0 : i32
        %dma_wait3A_482 = arith.constant 0 : i32
        %dma_wait3A_483 = tpu.memref_slice %arg3[%add3A, %dma_wait3A_480, %dma_wait3A_481, %dma_wait3A_482] : memref<32x5x16x128xi32, #tpu.memory_space<hbm>> -> memref<1x5x16x128xi32, #tpu.memory_space<hbm>>
        %dma_wait3A_484 = tpu.memref_squeeze %dma_wait3A_483 : memref<1x5x16x128xi32, #tpu.memory_space<hbm>> -> memref<5x16x128xi32, #tpu.memory_space<hbm>>
        %dma_wait3A_485 = arith.constant 0 : i32
        %dma_wait3A_486 = arith.constant 0 : i32
        %dma_wait3A_487 = tpu.memref_slice %dma_wait3A_484[%scan3A_15, %dma_wait3A_485, %dma_wait3A_486] : memref<5x16x128xi32, #tpu.memory_space<hbm>> -> memref<1x16x128xi32, #tpu.memory_space<hbm>>
        %dma_wait3A_488 = tpu.memref_squeeze %dma_wait3A_487 : memref<1x16x128xi32, #tpu.memory_space<hbm>> -> memref<16x128xi32, #tpu.memory_space<hbm>>
        %dma_wait3A_489 = arith.constant 0 : i32
        %dma_wait3A_490 = arith.constant 0 : i32
        %dma_wait3A_491 = arith.constant 0 : i32
        %dma_wait3A_492 = tpu.memref_slice %arg3[%add3A, %dma_wait3A_489, %dma_wait3A_490, %dma_wait3A_491] : memref<32x5x16x128xi32, #tpu.memory_space<hbm>> -> memref<1x5x16x128xi32, #tpu.memory_space<hbm>>
        %dma_wait3A_493 = tpu.memref_squeeze %dma_wait3A_492 : memref<1x5x16x128xi32, #tpu.memory_space<hbm>> -> memref<5x16x128xi32, #tpu.memory_space<hbm>>
        %dma_wait3A_494 = arith.constant 0 : i32
        %dma_wait3A_495 = arith.constant 0 : i32
        %dma_wait3A_496 = tpu.memref_slice %dma_wait3A_493[%scan3A_15, %dma_wait3A_494, %dma_wait3A_495] : memref<5x16x128xi32, #tpu.memory_space<hbm>> -> memref<1x16x128xi32, #tpu.memory_space<hbm>>
        %dma_wait3A_497 = tpu.memref_squeeze %dma_wait3A_496 : memref<1x16x128xi32, #tpu.memory_space<hbm>> -> memref<16x128xi32, #tpu.memory_space<hbm>>
        tpu.wait_dma2 semaphore(%run_scoped3A : memref<!tpu.dma_semaphore, #tpu.memory_space<semaphore_mem>>) src(%dma_wait3A_497 : memref<16x128xi32, #tpu.memory_space<hbm>>) dst(%arg7 : memref<16x128xi32, #tpu.memory_space<vmem>>)
        tpu.yield
      }) : () -> ()
      "tpu.region"() ({
        %run_scoped3A = tpu.sem_alloc : memref<!tpu.dma_semaphore, #tpu.memory_space<semaphore_mem>>
        %dma_start3A_462 = arith.constant 0 : i32
        %dma_start3A_463 = arith.constant 0 : i32
        %dma_start3A_464 = arith.constant 0 : i32
        %dma_start3A_465 = tpu.memref_slice %arg4[%add3A, %dma_start3A_462, %dma_start3A_463, %dma_start3A_464] : memref<32x5x16x128xi32, #tpu.memory_space<hbm>> -> memref<1x5x16x128xi32, #tpu.memory_space<hbm>>
        %dma_start3A_466 = tpu.memref_squeeze %dma_start3A_465 : memref<1x5x16x128xi32, #tpu.memory_space<hbm>> -> memref<5x16x128xi32, #tpu.memory_space<hbm>>
        %dma_start3A_467 = arith.constant 0 : i32
        %dma_start3A_468 = arith.constant 0 : i32
        %dma_start3A_469 = tpu.memref_slice %dma_start3A_466[%scan3A_15, %dma_start3A_467, %dma_start3A_468] : memref<5x16x128xi32, #tpu.memory_space<hbm>> -> memref<1x16x128xi32, #tpu.memory_space<hbm>>
        %dma_start3A_470 = tpu.memref_squeeze %dma_start3A_469 : memref<1x16x128xi32, #tpu.memory_space<hbm>> -> memref<16x128xi32, #tpu.memory_space<hbm>>
        %dma_start3A_471 = arith.constant 0 : i32
        %dma_start3A_472 = arith.constant 0 : i32
        %dma_start3A_473 = arith.constant 0 : i32
        %dma_start3A_474 = tpu.memref_slice %arg4[%add3A, %dma_start3A_471, %dma_start3A_472, %dma_start3A_473] : memref<32x5x16x128xi32, #tpu.memory_space<hbm>> -> memref<1x5x16x128xi32, #tpu.memory_space<hbm>>
        %dma_start3A_475 = tpu.memref_squeeze %dma_start3A_474 : memref<1x5x16x128xi32, #tpu.memory_space<hbm>> -> memref<5x16x128xi32, #tpu.memory_space<hbm>>
        %dma_start3A_476 = arith.constant 0 : i32
        %dma_start3A_477 = arith.constant 0 : i32
        %dma_start3A_478 = tpu.memref_slice %dma_start3A_475[%scan3A_15, %dma_start3A_476, %dma_start3A_477] : memref<5x16x128xi32, #tpu.memory_space<hbm>> -> memref<1x16x128xi32, #tpu.memory_space<hbm>>
        %dma_start3A_479 = tpu.memref_squeeze %dma_start3A_478 : memref<1x16x128xi32, #tpu.memory_space<hbm>> -> memref<16x128xi32, #tpu.memory_space<hbm>>
        tpu.enqueue_dma source(%dma_start3A_479 : memref<16x128xi32, #tpu.memory_space<hbm>>) target(%arg8 : memref<16x128xi32, #tpu.memory_space<vmem>>) target_semaphore(%run_scoped3A : memref<!tpu.dma_semaphore, #tpu.memory_space<semaphore_mem>>)
        %dma_wait3A_480 = arith.constant 0 : i32
        %dma_wait3A_481 = arith.constant 0 : i32
        %dma_wait3A_482 = arith.constant 0 : i32
        %dma_wait3A_483 = tpu.memref_slice %arg4[%add3A, %dma_wait3A_480, %dma_wait3A_481, %dma_wait3A_482] : memref<32x5x16x128xi32, #tpu.memory_space<hbm>> -> memref<1x5x16x128xi32, #tpu.memory_space<hbm>>
        %dma_wait3A_484 = tpu.memref_squeeze %dma_wait3A_483 : memref<1x5x16x128xi32, #tpu.memory_space<hbm>> -> memref<5x16x128xi32, #tpu.memory_space<hbm>>
        %dma_wait3A_485 = arith.constant 0 : i32
        %dma_wait3A_486 = arith.constant 0 : i32
        %dma_wait3A_487 = tpu.memref_slice %dma_wait3A_484[%scan3A_15, %dma_wait3A_485, %dma_wait3A_486] : memref<5x16x128xi32, #tpu.memory_space<hbm>> -> memref<1x16x128xi32, #tpu.memory_space<hbm>>
        %dma_wait3A_488 = tpu.memref_squeeze %dma_wait3A_487 : memref<1x16x128xi32, #tpu.memory_space<hbm>> -> memref<16x128xi32, #tpu.memory_space<hbm>>
        %dma_wait3A_489 = arith.constant 0 : i32
        %dma_wait3A_490 = arith.constant 0 : i32
        %dma_wait3A_491 = arith.constant 0 : i32
        %dma_wait3A_492 = tpu.memref_slice %arg4[%add3A, %dma_wait3A_489, %dma_wait3A_490, %dma_wait3A_491] : memref<32x5x16x128xi32, #tpu.memory_space<hbm>> -> memref<1x5x16x128xi32, #tpu.memory_space<hbm>>
        %dma_wait3A_493 = tpu.memref_squeeze %dma_wait3A_492 : memref<1x5x16x128xi32, #tpu.memory_space<hbm>> -> memref<5x16x128xi32, #tpu.memory_space<hbm>>
        %dma_wait3A_494 = arith.constant 0 : i32
        %dma_wait3A_495 = arith.constant 0 : i32
        %dma_wait3A_496 = tpu.memref_slice %dma_wait3A_493[%scan3A_15, %dma_wait3A_494, %dma_wait3A_495] : memref<5x16x128xi32, #tpu.memory_space<hbm>> -> memref<1x16x128xi32, #tpu.memory_space<hbm>>
        %dma_wait3A_497 = tpu.memref_squeeze %dma_wait3A_496 : memref<1x16x128xi32, #tpu.memory_space<hbm>> -> memref<16x128xi32, #tpu.memory_space<hbm>>
        tpu.wait_dma2 semaphore(%run_scoped3A : memref<!tpu.dma_semaphore, #tpu.memory_space<semaphore_mem>>) src(%dma_wait3A_497 : memref<16x128xi32, #tpu.memory_space<hbm>>) dst(%arg8 : memref<16x128xi32, #tpu.memory_space<vmem>>)
        tpu.yield
      }) : () -> ()
      %dma_start3A = arith.constant 0 : i32
      %dma_start3A_16 = arith.constant 0 : i32
      %dma_start3A_17 = tpu.memref_slice %arg7[%dma_start3A, %dma_start3A_16] : memref<16x128xi32, #tpu.memory_space<vmem>> -> memref<1x128xi32, #tpu.memory_space<vmem>>
      %dma_start3A_18 = tpu.memref_squeeze %dma_start3A_17 : memref<1x128xi32, #tpu.memory_space<vmem>> -> memref<128xi32, #tpu.memory_space<vmem>>
      %dma_start3A_19 = arith.constant 0 : i32
      %dma_start3A_20 = arith.constant 0 : i32
      %dma_start3A_21 = tpu.memref_slice %arg2[%dma_start3A_19, %dma_start3A_20] : memref<10240x128xf32, #tpu.memory_space<hbm>> -> memref<10240x128xf32, #tpu.memory_space<hbm>>
      tpu.enqueue_indirect_dma source(%dma_start3A_21 : memref<10240x128xf32, #tpu.memory_space<hbm>>) target(%arg9 : memref<128x128xf32, #tpu.memory_space<vmem>>) offsets(%dma_start3A_18 : memref<128xi32, #tpu.memory_space<vmem>>) semaphore(%arg12 : memref<!tpu.dma_semaphore, #tpu.memory_space<semaphore_mem>>)
      %dma_start3A_22 = arith.constant 1 : i32
      %dma_start3A_23 = arith.constant 0 : i32
      %dma_start3A_24 = tpu.memref_slice %arg7[%dma_start3A_22, %dma_start3A_23] : memref<16x128xi32, #tpu.memory_space<vmem>> -> memref<1x128xi32, #tpu.memory_space<vmem>>
      %dma_start3A_25 = tpu.memref_squeeze %dma_start3A_24 : memref<1x128xi32, #tpu.memory_space<vmem>> -> memref<128xi32, #tpu.memory_space<vmem>>
      %dma_start3A_26 = arith.constant 0 : i32
      %dma_start3A_27 = arith.constant 0 : i32
      %dma_start3A_28 = tpu.memref_slice %arg2[%dma_start3A_26, %dma_start3A_27] : memref<10240x128xf32, #tpu.memory_space<hbm>> -> memref<10240x128xf32, #tpu.memory_space<hbm>>
      tpu.enqueue_indirect_dma source(%dma_start3A_28 : memref<10240x128xf32, #tpu.memory_space<hbm>>) target(%arg10 : memref<128x128xf32, #tpu.memory_space<vmem>>) offsets(%dma_start3A_25 : memref<128xi32, #tpu.memory_space<vmem>>) semaphore(%arg13 : memref<!tpu.dma_semaphore, #tpu.memory_space<semaphore_mem>>)
      %dma_wait3A = arith.constant 0 : i32
      %dma_wait3A_29 = arith.constant 0 : i32
      %dma_wait3A_30 = tpu.memref_slice %arg7[%dma_wait3A, %dma_wait3A_29] : memref<16x128xi32, #tpu.memory_space<vmem>> -> memref<1x128xi32, #tpu.memory_space<vmem>>
      %dma_wait3A_31 = tpu.memref_squeeze %dma_wait3A_30 : memref<1x128xi32, #tpu.memory_space<vmem>> -> memref<128xi32, #tpu.memory_space<vmem>>
      %dma_wait3A_32 = arith.constant 0 : i32
      %dma_wait3A_33 = arith.constant 0 : i32
      %dma_wait3A_34 = tpu.memref_slice %arg2[%dma_wait3A_32, %dma_wait3A_33] : memref<10240x128xf32, #tpu.memory_space<hbm>> -> memref<10240x128xf32, #tpu.memory_space<hbm>>
      tpu.wait_indirect_dma semaphore(%arg12 : memref<!tpu.dma_semaphore, #tpu.memory_space<semaphore_mem>>) src(%dma_wait3A_34 : memref<10240x128xf32, #tpu.memory_space<hbm>>) dst(%arg9 : memref<128x128xf32, #tpu.memory_space<vmem>>)
      %dma_start3A_35 = arith.constant 0 : i32
      %dma_start3A_36 = arith.constant 0 : i32
      %dma_start3A_37 = tpu.memref_slice %arg8[%dma_start3A_35, %dma_start3A_36] : memref<16x128xi32, #tpu.memory_space<vmem>> -> memref<1x128xi32, #tpu.memory_space<vmem>>
      %dma_start3A_38 = tpu.memref_squeeze %dma_start3A_37 : memref<1x128xi32, #tpu.memory_space<vmem>> -> memref<128xi32, #tpu.memory_space<vmem>>
      %dma_start3A_39 = arith.constant 0 : i32
      %dma_start3A_40 = arith.constant 0 : i32
      %dma_start3A_41 = tpu.memref_slice %arg11[%dma_start3A_39, %dma_start3A_40] : memref<10240x128xf32, #tpu.memory_space<vmem_shared>> -> memref<10240x128xf32, #tpu.memory_space<vmem_shared>>
      tpu.enqueue_indirect_dma source(%arg9 : memref<128x128xf32, #tpu.memory_space<vmem>>) target(%dma_start3A_41 : memref<10240x128xf32, #tpu.memory_space<vmem_shared>>) offsets(%dma_start3A_38 : memref<128xi32, #tpu.memory_space<vmem>>) semaphore(%arg14 : memref<!tpu.dma_semaphore, #tpu.memory_space<semaphore_mem>>) {add = true}
      %dma_wait3A_42 = arith.constant 0 : i32
      %dma_wait3A_43 = arith.constant 0 : i32
      %dma_wait3A_44 = tpu.memref_slice %arg8[%dma_wait3A_42, %dma_wait3A_43] : memref<16x128xi32, #tpu.memory_space<vmem>> -> memref<1x128xi32, #tpu.memory_space<vmem>>
      %dma_wait3A_45 = tpu.memref_squeeze %dma_wait3A_44 : memref<1x128xi32, #tpu.memory_space<vmem>> -> memref<128xi32, #tpu.memory_space<vmem>>
      %dma_wait3A_46 = arith.constant 0 : i32
      %dma_wait3A_47 = arith.constant 0 : i32
      %dma_wait3A_48 = tpu.memref_slice %arg11[%dma_wait3A_46, %dma_wait3A_47] : memref<10240x128xf32, #tpu.memory_space<vmem_shared>> -> memref<10240x128xf32, #tpu.memory_space<vmem_shared>>
      tpu.wait_indirect_dma semaphore(%arg14 : memref<!tpu.dma_semaphore, #tpu.memory_space<semaphore_mem>>) src(%arg9 : memref<128x128xf32, #tpu.memory_space<vmem>>) dst(%dma_wait3A_48 : memref<10240x128xf32, #tpu.memory_space<vmem_shared>>)
      %dma_start3A_49 = arith.constant 2 : i32
      %dma_start3A_50 = arith.constant 0 : i32
      %dma_start3A_51 = tpu.memref_slice %arg7[%dma_start3A_49, %dma_start3A_50] : memref<16x128xi32, #tpu.memory_space<vmem>> -> memref<1x128xi32, #tpu.memory_space<vmem>>
      %dma_start3A_52 = tpu.memref_squeeze %dma_start3A_51 : memref<1x128xi32, #tpu.memory_space<vmem>> -> memref<128xi32, #tpu.memory_space<vmem>>
      %dma_start3A_53 = arith.constant 0 : i32
      %dma_start3A_54 = arith.constant 0 : i32
      %dma_start3A_55 = tpu.memref_slice %arg2[%dma_start3A_53, %dma_start3A_54] : memref<10240x128xf32, #tpu.memory_space<hbm>> -> memref<10240x128xf32, #tpu.memory_space<hbm>>
      tpu.enqueue_indirect_dma source(%dma_start3A_55 : memref<10240x128xf32, #tpu.memory_space<hbm>>) target(%arg9 : memref<128x128xf32, #tpu.memory_space<vmem>>) offsets(%dma_start3A_52 : memref<128xi32, #tpu.memory_space<vmem>>) semaphore(%arg12 : memref<!tpu.dma_semaphore, #tpu.memory_space<semaphore_mem>>)
      %dma_wait3A_56 = arith.constant 1 : i32
      %dma_wait3A_57 = arith.constant 0 : i32
      %dma_wait3A_58 = tpu.memref_slice %arg7[%dma_wait3A_56, %dma_wait3A_57] : memref<16x128xi32, #tpu.memory_space<vmem>> -> memref<1x128xi32, #tpu.memory_space<vmem>>
      %dma_wait3A_59 = tpu.memref_squeeze %dma_wait3A_58 : memref<1x128xi32, #tpu.memory_space<vmem>> -> memref<128xi32, #tpu.memory_space<vmem>>
      %dma_wait3A_60 = arith.constant 0 : i32
      %dma_wait3A_61 = arith.constant 0 : i32
      %dma_wait3A_62 = tpu.memref_slice %arg2[%dma_wait3A_60, %dma_wait3A_61] : memref<10240x128xf32, #tpu.memory_space<hbm>> -> memref<10240x128xf32, #tpu.memory_space<hbm>>
      tpu.wait_indirect_dma semaphore(%arg13 : memref<!tpu.dma_semaphore, #tpu.memory_space<semaphore_mem>>) src(%dma_wait3A_62 : memref<10240x128xf32, #tpu.memory_space<hbm>>) dst(%arg10 : memref<128x128xf32, #tpu.memory_space<vmem>>)
      %dma_start3A_63 = arith.constant 1 : i32
      %dma_start3A_64 = arith.constant 0 : i32
      %dma_start3A_65 = tpu.memref_slice %arg8[%dma_start3A_63, %dma_start3A_64] : memref<16x128xi32, #tpu.memory_space<vmem>> -> memref<1x128xi32, #tpu.memory_space<vmem>>
      %dma_start3A_66 = tpu.memref_squeeze %dma_start3A_65 : memref<1x128xi32, #tpu.memory_space<vmem>> -> memref<128xi32, #tpu.memory_space<vmem>>
      %dma_start3A_67 = arith.constant 0 : i32
      %dma_start3A_68 = arith.constant 0 : i32
      %dma_start3A_69 = tpu.memref_slice %arg11[%dma_start3A_67, %dma_start3A_68] : memref<10240x128xf32, #tpu.memory_space<vmem_shared>> -> memref<10240x128xf32, #tpu.memory_space<vmem_shared>>
      tpu.enqueue_indirect_dma source(%arg10 : memref<128x128xf32, #tpu.memory_space<vmem>>) target(%dma_start3A_69 : memref<10240x128xf32, #tpu.memory_space<vmem_shared>>) offsets(%dma_start3A_66 : memref<128xi32, #tpu.memory_space<vmem>>) semaphore(%arg15 : memref<!tpu.dma_semaphore, #tpu.memory_space<semaphore_mem>>) {add = true}
      %dma_wait3A_70 = arith.constant 1 : i32
      %dma_wait3A_71 = arith.constant 0 : i32
      %dma_wait3A_72 = tpu.memref_slice %arg8[%dma_wait3A_70, %dma_wait3A_71] : memref<16x128xi32, #tpu.memory_space<vmem>> -> memref<1x128xi32, #tpu.memory_space<vmem>>
      %dma_wait3A_73 = tpu.memref_squeeze %dma_wait3A_72 : memref<1x128xi32, #tpu.memory_space<vmem>> -> memref<128xi32, #tpu.memory_space<vmem>>
      %dma_wait3A_74 = arith.constant 0 : i32
      %dma_wait3A_75 = arith.constant 0 : i32
      %dma_wait3A_76 = tpu.memref_slice %arg11[%dma_wait3A_74, %dma_wait3A_75] : memref<10240x128xf32, #tpu.memory_space<vmem_shared>> -> memref<10240x128xf32, #tpu.memory_space<vmem_shared>>
      tpu.wait_indirect_dma semaphore(%arg15 : memref<!tpu.dma_semaphore, #tpu.memory_space<semaphore_mem>>) src(%arg10 : memref<128x128xf32, #tpu.memory_space<vmem>>) dst(%dma_wait3A_76 : memref<10240x128xf32, #tpu.memory_space<vmem_shared>>)
      %dma_start3A_77 = arith.constant 3 : i32
      %dma_start3A_78 = arith.constant 0 : i32
      %dma_start3A_79 = tpu.memref_slice %arg7[%dma_start3A_77, %dma_start3A_78] : memref<16x128xi32, #tpu.memory_space<vmem>> -> memref<1x128xi32, #tpu.memory_space<vmem>>
      %dma_start3A_80 = tpu.memref_squeeze %dma_start3A_79 : memref<1x128xi32, #tpu.memory_space<vmem>> -> memref<128xi32, #tpu.memory_space<vmem>>
      %dma_start3A_81 = arith.constant 0 : i32
      %dma_start3A_82 = arith.constant 0 : i32
      %dma_start3A_83 = tpu.memref_slice %arg2[%dma_start3A_81, %dma_start3A_82] : memref<10240x128xf32, #tpu.memory_space<hbm>> -> memref<10240x128xf32, #tpu.memory_space<hbm>>
      tpu.enqueue_indirect_dma source(%dma_start3A_83 : memref<10240x128xf32, #tpu.memory_space<hbm>>) target(%arg10 : memref<128x128xf32, #tpu.memory_space<vmem>>) offsets(%dma_start3A_80 : memref<128xi32, #tpu.memory_space<vmem>>) semaphore(%arg13 : memref<!tpu.dma_semaphore, #tpu.memory_space<semaphore_mem>>)
      %dma_wait3A_84 = arith.constant 2 : i32
      %dma_wait3A_85 = arith.constant 0 : i32
      %dma_wait3A_86 = tpu.memref_slice %arg7[%dma_wait3A_84, %dma_wait3A_85] : memref<16x128xi32, #tpu.memory_space<vmem>> -> memref<1x128xi32, #tpu.memory_space<vmem>>
      %dma_wait3A_87 = tpu.memref_squeeze %dma_wait3A_86 : memref<1x128xi32, #tpu.memory_space<vmem>> -> memref<128xi32, #tpu.memory_space<vmem>>
      %dma_wait3A_88 = arith.constant 0 : i32
      %dma_wait3A_89 = arith.constant 0 : i32
      %dma_wait3A_90 = tpu.memref_slice %arg2[%dma_wait3A_88, %dma_wait3A_89] : memref<10240x128xf32, #tpu.memory_space<hbm>> -> memref<10240x128xf32, #tpu.memory_space<hbm>>
      tpu.wait_indirect_dma semaphore(%arg12 : memref<!tpu.dma_semaphore, #tpu.memory_space<semaphore_mem>>) src(%dma_wait3A_90 : memref<10240x128xf32, #tpu.memory_space<hbm>>) dst(%arg9 : memref<128x128xf32, #tpu.memory_space<vmem>>)
      %dma_start3A_91 = arith.constant 2 : i32
      %dma_start3A_92 = arith.constant 0 : i32
      %dma_start3A_93 = tpu.memref_slice %arg8[%dma_start3A_91, %dma_start3A_92] : memref<16x128xi32, #tpu.memory_space<vmem>> -> memref<1x128xi32, #tpu.memory_space<vmem>>
      %dma_start3A_94 = tpu.memref_squeeze %dma_start3A_93 : memref<1x128xi32, #tpu.memory_space<vmem>> -> memref<128xi32, #tpu.memory_space<vmem>>
      %dma_start3A_95 = arith.constant 0 : i32
      %dma_start3A_96 = arith.constant 0 : i32
      %dma_start3A_97 = tpu.memref_slice %arg11[%dma_start3A_95, %dma_start3A_96] : memref<10240x128xf32, #tpu.memory_space<vmem_shared>> -> memref<10240x128xf32, #tpu.memory_space<vmem_shared>>
      tpu.enqueue_indirect_dma source(%arg9 : memref<128x128xf32, #tpu.memory_space<vmem>>) target(%dma_start3A_97 : memref<10240x128xf32, #tpu.memory_space<vmem_shared>>) offsets(%dma_start3A_94 : memref<128xi32, #tpu.memory_space<vmem>>) semaphore(%arg14 : memref<!tpu.dma_semaphore, #tpu.memory_space<semaphore_mem>>) {add = true}
      %dma_wait3A_98 = arith.constant 2 : i32
      %dma_wait3A_99 = arith.constant 0 : i32
      %dma_wait3A_100 = tpu.memref_slice %arg8[%dma_wait3A_98, %dma_wait3A_99] : memref<16x128xi32, #tpu.memory_space<vmem>> -> memref<1x128xi32, #tpu.memory_space<vmem>>
      %dma_wait3A_101 = tpu.memref_squeeze %dma_wait3A_100 : memref<1x128xi32, #tpu.memory_space<vmem>> -> memref<128xi32, #tpu.memory_space<vmem>>
      %dma_wait3A_102 = arith.constant 0 : i32
      %dma_wait3A_103 = arith.constant 0 : i32
      %dma_wait3A_104 = tpu.memref_slice %arg11[%dma_wait3A_102, %dma_wait3A_103] : memref<10240x128xf32, #tpu.memory_space<vmem_shared>> -> memref<10240x128xf32, #tpu.memory_space<vmem_shared>>
      tpu.wait_indirect_dma semaphore(%arg14 : memref<!tpu.dma_semaphore, #tpu.memory_space<semaphore_mem>>) src(%arg9 : memref<128x128xf32, #tpu.memory_space<vmem>>) dst(%dma_wait3A_104 : memref<10240x128xf32, #tpu.memory_space<vmem_shared>>)
      %dma_start3A_105 = arith.constant 4 : i32
      %dma_start3A_106 = arith.constant 0 : i32
      %dma_start3A_107 = tpu.memref_slice %arg7[%dma_start3A_105, %dma_start3A_106] : memref<16x128xi32, #tpu.memory_space<vmem>> -> memref<1x128xi32, #tpu.memory_space<vmem>>
      %dma_start3A_108 = tpu.memref_squeeze %dma_start3A_107 : memref<1x128xi32, #tpu.memory_space<vmem>> -> memref<128xi32, #tpu.memory_space<vmem>>
      %dma_start3A_109 = arith.constant 0 : i32
      %dma_start3A_110 = arith.constant 0 : i32
      %dma_start3A_111 = tpu.memref_slice %arg2[%dma_start3A_109, %dma_start3A_110] : memref<10240x128xf32, #tpu.memory_space<hbm>> -> memref<10240x128xf32, #tpu.memory_space<hbm>>
      tpu.enqueue_indirect_dma source(%dma_start3A_111 : memref<10240x128xf32, #tpu.memory_space<hbm>>) target(%arg9 : memref<128x128xf32, #tpu.memory_space<vmem>>) offsets(%dma_start3A_108 : memref<128xi32, #tpu.memory_space<vmem>>) semaphore(%arg12 : memref<!tpu.dma_semaphore, #tpu.memory_space<semaphore_mem>>)
      %dma_wait3A_112 = arith.constant 3 : i32
      %dma_wait3A_113 = arith.constant 0 : i32
      %dma_wait3A_114 = tpu.memref_slice %arg7[%dma_wait3A_112, %dma_wait3A_113] : memref<16x128xi32, #tpu.memory_space<vmem>> -> memref<1x128xi32, #tpu.memory_space<vmem>>
      %dma_wait3A_115 = tpu.memref_squeeze %dma_wait3A_114 : memref<1x128xi32, #tpu.memory_space<vmem>> -> memref<128xi32, #tpu.memory_space<vmem>>
      %dma_wait3A_116 = arith.constant 0 : i32
      %dma_wait3A_117 = arith.constant 0 : i32
      %dma_wait3A_118 = tpu.memref_slice %arg2[%dma_wait3A_116, %dma_wait3A_117] : memref<10240x128xf32, #tpu.memory_space<hbm>> -> memref<10240x128xf32, #tpu.memory_space<hbm>>
      tpu.wait_indirect_dma semaphore(%arg13 : memref<!tpu.dma_semaphore, #tpu.memory_space<semaphore_mem>>) src(%dma_wait3A_118 : memref<10240x128xf32, #tpu.memory_space<hbm>>) dst(%arg10 : memref<128x128xf32, #tpu.memory_space<vmem>>)
      %dma_start3A_119 = arith.constant 3 : i32
      %dma_start3A_120 = arith.constant 0 : i32
      %dma_start3A_121 = tpu.memref_slice %arg8[%dma_start3A_119, %dma_start3A_120] : memref<16x128xi32, #tpu.memory_space<vmem>> -> memref<1x128xi32, #tpu.memory_space<vmem>>
      %dma_start3A_122 = tpu.memref_squeeze %dma_start3A_121 : memref<1x128xi32, #tpu.memory_space<vmem>> -> memref<128xi32, #tpu.memory_space<vmem>>
      %dma_start3A_123 = arith.constant 0 : i32
      %dma_start3A_124 = arith.constant 0 : i32
      %dma_start3A_125 = tpu.memref_slice %arg11[%dma_start3A_123, %dma_start3A_124] : memref<10240x128xf32, #tpu.memory_space<vmem_shared>> -> memref<10240x128xf32, #tpu.memory_space<vmem_shared>>
      tpu.enqueue_indirect_dma source(%arg10 : memref<128x128xf32, #tpu.memory_space<vmem>>) target(%dma_start3A_125 : memref<10240x128xf32, #tpu.memory_space<vmem_shared>>) offsets(%dma_start3A_122 : memref<128xi32, #tpu.memory_space<vmem>>) semaphore(%arg15 : memref<!tpu.dma_semaphore, #tpu.memory_space<semaphore_mem>>) {add = true}
      %dma_wait3A_126 = arith.constant 3 : i32
      %dma_wait3A_127 = arith.constant 0 : i32
      %dma_wait3A_128 = tpu.memref_slice %arg8[%dma_wait3A_126, %dma_wait3A_127] : memref<16x128xi32, #tpu.memory_space<vmem>> -> memref<1x128xi32, #tpu.memory_space<vmem>>
      %dma_wait3A_129 = tpu.memref_squeeze %dma_wait3A_128 : memref<1x128xi32, #tpu.memory_space<vmem>> -> memref<128xi32, #tpu.memory_space<vmem>>
      %dma_wait3A_130 = arith.constant 0 : i32
      %dma_wait3A_131 = arith.constant 0 : i32
      %dma_wait3A_132 = tpu.memref_slice %arg11[%dma_wait3A_130, %dma_wait3A_131] : memref<10240x128xf32, #tpu.memory_space<vmem_shared>> -> memref<10240x128xf32, #tpu.memory_space<vmem_shared>>
      tpu.wait_indirect_dma semaphore(%arg15 : memref<!tpu.dma_semaphore, #tpu.memory_space<semaphore_mem>>) src(%arg10 : memref<128x128xf32, #tpu.memory_space<vmem>>) dst(%dma_wait3A_132 : memref<10240x128xf32, #tpu.memory_space<vmem_shared>>)
      %dma_start3A_133 = arith.constant 5 : i32
      %dma_start3A_134 = arith.constant 0 : i32
      %dma_start3A_135 = tpu.memref_slice %arg7[%dma_start3A_133, %dma_start3A_134] : memref<16x128xi32, #tpu.memory_space<vmem>> -> memref<1x128xi32, #tpu.memory_space<vmem>>
      %dma_start3A_136 = tpu.memref_squeeze %dma_start3A_135 : memref<1x128xi32, #tpu.memory_space<vmem>> -> memref<128xi32, #tpu.memory_space<vmem>>
      %dma_start3A_137 = arith.constant 0 : i32
      %dma_start3A_138 = arith.constant 0 : i32
      %dma_start3A_139 = tpu.memref_slice %arg2[%dma_start3A_137, %dma_start3A_138] : memref<10240x128xf32, #tpu.memory_space<hbm>> -> memref<10240x128xf32, #tpu.memory_space<hbm>>
      tpu.enqueue_indirect_dma source(%dma_start3A_139 : memref<10240x128xf32, #tpu.memory_space<hbm>>) target(%arg10 : memref<128x128xf32, #tpu.memory_space<vmem>>) offsets(%dma_start3A_136 : memref<128xi32, #tpu.memory_space<vmem>>) semaphore(%arg13 : memref<!tpu.dma_semaphore, #tpu.memory_space<semaphore_mem>>)
      %dma_wait3A_140 = arith.constant 4 : i32
      %dma_wait3A_141 = arith.constant 0 : i32
      %dma_wait3A_142 = tpu.memref_slice %arg7[%dma_wait3A_140, %dma_wait3A_141] : memref<16x128xi32, #tpu.memory_space<vmem>> -> memref<1x128xi32, #tpu.memory_space<vmem>>
      %dma_wait3A_143 = tpu.memref_squeeze %dma_wait3A_142 : memref<1x128xi32, #tpu.memory_space<vmem>> -> memref<128xi32, #tpu.memory_space<vmem>>
      %dma_wait3A_144 = arith.constant 0 : i32
      %dma_wait3A_145 = arith.constant 0 : i32
      %dma_wait3A_146 = tpu.memref_slice %arg2[%dma_wait3A_144, %dma_wait3A_145] : memref<10240x128xf32, #tpu.memory_space<hbm>> -> memref<10240x128xf32, #tpu.memory_space<hbm>>
      tpu.wait_indirect_dma semaphore(%arg12 : memref<!tpu.dma_semaphore, #tpu.memory_space<semaphore_mem>>) src(%dma_wait3A_146 : memref<10240x128xf32, #tpu.memory_space<hbm>>) dst(%arg9 : memref<128x128xf32, #tpu.memory_space<vmem>>)
      %dma_start3A_147 = arith.constant 4 : i32
      %dma_start3A_148 = arith.constant 0 : i32
      %dma_start3A_149 = tpu.memref_slice %arg8[%dma_start3A_147, %dma_start3A_148] : memref<16x128xi32, #tpu.memory_space<vmem>> -> memref<1x128xi32, #tpu.memory_space<vmem>>
      %dma_start3A_150 = tpu.memref_squeeze %dma_start3A_149 : memref<1x128xi32, #tpu.memory_space<vmem>> -> memref<128xi32, #tpu.memory_space<vmem>>
      %dma_start3A_151 = arith.constant 0 : i32
      %dma_start3A_152 = arith.constant 0 : i32
      %dma_start3A_153 = tpu.memref_slice %arg11[%dma_start3A_151, %dma_start3A_152] : memref<10240x128xf32, #tpu.memory_space<vmem_shared>> -> memref<10240x128xf32, #tpu.memory_space<vmem_shared>>
      tpu.enqueue_indirect_dma source(%arg9 : memref<128x128xf32, #tpu.memory_space<vmem>>) target(%dma_start3A_153 : memref<10240x128xf32, #tpu.memory_space<vmem_shared>>) offsets(%dma_start3A_150 : memref<128xi32, #tpu.memory_space<vmem>>) semaphore(%arg14 : memref<!tpu.dma_semaphore, #tpu.memory_space<semaphore_mem>>) {add = true}
      %dma_wait3A_154 = arith.constant 4 : i32
      %dma_wait3A_155 = arith.constant 0 : i32
      %dma_wait3A_156 = tpu.memref_slice %arg8[%dma_wait3A_154, %dma_wait3A_155] : memref<16x128xi32, #tpu.memory_space<vmem>> -> memref<1x128xi32, #tpu.memory_space<vmem>>
      %dma_wait3A_157 = tpu.memref_squeeze %dma_wait3A_156 : memref<1x128xi32, #tpu.memory_space<vmem>> -> memref<128xi32, #tpu.memory_space<vmem>>
      %dma_wait3A_158 = arith.constant 0 : i32
      %dma_wait3A_159 = arith.constant 0 : i32
      %dma_wait3A_160 = tpu.memref_slice %arg11[%dma_wait3A_158, %dma_wait3A_159] : memref<10240x128xf32, #tpu.memory_space<vmem_shared>> -> memref<10240x128xf32, #tpu.memory_space<vmem_shared>>
      tpu.wait_indirect_dma semaphore(%arg14 : memref<!tpu.dma_semaphore, #tpu.memory_space<semaphore_mem>>) src(%arg9 : memref<128x128xf32, #tpu.memory_space<vmem>>) dst(%dma_wait3A_160 : memref<10240x128xf32, #tpu.memory_space<vmem_shared>>)
      %dma_start3A_161 = arith.constant 6 : i32
      %dma_start3A_162 = arith.constant 0 : i32
      %dma_start3A_163 = tpu.memref_slice %arg7[%dma_start3A_161, %dma_start3A_162] : memref<16x128xi32, #tpu.memory_space<vmem>> -> memref<1x128xi32, #tpu.memory_space<vmem>>
      %dma_start3A_164 = tpu.memref_squeeze %dma_start3A_163 : memref<1x128xi32, #tpu.memory_space<vmem>> -> memref<128xi32, #tpu.memory_space<vmem>>
      %dma_start3A_165 = arith.constant 0 : i32
      %dma_start3A_166 = arith.constant 0 : i32
      %dma_start3A_167 = tpu.memref_slice %arg2[%dma_start3A_165, %dma_start3A_166] : memref<10240x128xf32, #tpu.memory_space<hbm>> -> memref<10240x128xf32, #tpu.memory_space<hbm>>
      tpu.enqueue_indirect_dma source(%dma_start3A_167 : memref<10240x128xf32, #tpu.memory_space<hbm>>) target(%arg9 : memref<128x128xf32, #tpu.memory_space<vmem>>) offsets(%dma_start3A_164 : memref<128xi32, #tpu.memory_space<vmem>>) semaphore(%arg12 : memref<!tpu.dma_semaphore, #tpu.memory_space<semaphore_mem>>)
      %dma_wait3A_168 = arith.constant 5 : i32
      %dma_wait3A_169 = arith.constant 0 : i32
      %dma_wait3A_170 = tpu.memref_slice %arg7[%dma_wait3A_168, %dma_wait3A_169] : memref<16x128xi32, #tpu.memory_space<vmem>> -> memref<1x128xi32, #tpu.memory_space<vmem>>
      %dma_wait3A_171 = tpu.memref_squeeze %dma_wait3A_170 : memref<1x128xi32, #tpu.memory_space<vmem>> -> memref<128xi32, #tpu.memory_space<vmem>>
      %dma_wait3A_172 = arith.constant 0 : i32
      %dma_wait3A_173 = arith.constant 0 : i32
      %dma_wait3A_174 = tpu.memref_slice %arg2[%dma_wait3A_172, %dma_wait3A_173] : memref<10240x128xf32, #tpu.memory_space<hbm>> -> memref<10240x128xf32, #tpu.memory_space<hbm>>
      tpu.wait_indirect_dma semaphore(%arg13 : memref<!tpu.dma_semaphore, #tpu.memory_space<semaphore_mem>>) src(%dma_wait3A_174 : memref<10240x128xf32, #tpu.memory_space<hbm>>) dst(%arg10 : memref<128x128xf32, #tpu.memory_space<vmem>>)
      %dma_start3A_175 = arith.constant 5 : i32
      %dma_start3A_176 = arith.constant 0 : i32
      %dma_start3A_177 = tpu.memref_slice %arg8[%dma_start3A_175, %dma_start3A_176] : memref<16x128xi32, #tpu.memory_space<vmem>> -> memref<1x128xi32, #tpu.memory_space<vmem>>
      %dma_start3A_178 = tpu.memref_squeeze %dma_start3A_177 : memref<1x128xi32, #tpu.memory_space<vmem>> -> memref<128xi32, #tpu.memory_space<vmem>>
      %dma_start3A_179 = arith.constant 0 : i32
      %dma_start3A_180 = arith.constant 0 : i32
      %dma_start3A_181 = tpu.memref_slice %arg11[%dma_start3A_179, %dma_start3A_180] : memref<10240x128xf32, #tpu.memory_space<vmem_shared>> -> memref<10240x128xf32, #tpu.memory_space<vmem_shared>>
      tpu.enqueue_indirect_dma source(%arg10 : memref<128x128xf32, #tpu.memory_space<vmem>>) target(%dma_start3A_181 : memref<10240x128xf32, #tpu.memory_space<vmem_shared>>) offsets(%dma_start3A_178 : memref<128xi32, #tpu.memory_space<vmem>>) semaphore(%arg15 : memref<!tpu.dma_semaphore, #tpu.memory_space<semaphore_mem>>) {add = true}
      %dma_wait3A_182 = arith.constant 5 : i32
      %dma_wait3A_183 = arith.constant 0 : i32
      %dma_wait3A_184 = tpu.memref_slice %arg8[%dma_wait3A_182, %dma_wait3A_183] : memref<16x128xi32, #tpu.memory_space<vmem>> -> memref<1x128xi32, #tpu.memory_space<vmem>>
      %dma_wait3A_185 = tpu.memref_squeeze %dma_wait3A_184 : memref<1x128xi32, #tpu.memory_space<vmem>> -> memref<128xi32, #tpu.memory_space<vmem>>
      %dma_wait3A_186 = arith.constant 0 : i32
      %dma_wait3A_187 = arith.constant 0 : i32
      %dma_wait3A_188 = tpu.memref_slice %arg11[%dma_wait3A_186, %dma_wait3A_187] : memref<10240x128xf32, #tpu.memory_space<vmem_shared>> -> memref<10240x128xf32, #tpu.memory_space<vmem_shared>>
      tpu.wait_indirect_dma semaphore(%arg15 : memref<!tpu.dma_semaphore, #tpu.memory_space<semaphore_mem>>) src(%arg10 : memref<128x128xf32, #tpu.memory_space<vmem>>) dst(%dma_wait3A_188 : memref<10240x128xf32, #tpu.memory_space<vmem_shared>>)
      %dma_start3A_189 = arith.constant 7 : i32
      %dma_start3A_190 = arith.constant 0 : i32
      %dma_start3A_191 = tpu.memref_slice %arg7[%dma_start3A_189, %dma_start3A_190] : memref<16x128xi32, #tpu.memory_space<vmem>> -> memref<1x128xi32, #tpu.memory_space<vmem>>
      %dma_start3A_192 = tpu.memref_squeeze %dma_start3A_191 : memref<1x128xi32, #tpu.memory_space<vmem>> -> memref<128xi32, #tpu.memory_space<vmem>>
      %dma_start3A_193 = arith.constant 0 : i32
      %dma_start3A_194 = arith.constant 0 : i32
      %dma_start3A_195 = tpu.memref_slice %arg2[%dma_start3A_193, %dma_start3A_194] : memref<10240x128xf32, #tpu.memory_space<hbm>> -> memref<10240x128xf32, #tpu.memory_space<hbm>>
      tpu.enqueue_indirect_dma source(%dma_start3A_195 : memref<10240x128xf32, #tpu.memory_space<hbm>>) target(%arg10 : memref<128x128xf32, #tpu.memory_space<vmem>>) offsets(%dma_start3A_192 : memref<128xi32, #tpu.memory_space<vmem>>) semaphore(%arg13 : memref<!tpu.dma_semaphore, #tpu.memory_space<semaphore_mem>>)
      %dma_wait3A_196 = arith.constant 6 : i32
      %dma_wait3A_197 = arith.constant 0 : i32
      %dma_wait3A_198 = tpu.memref_slice %arg7[%dma_wait3A_196, %dma_wait3A_197] : memref<16x128xi32, #tpu.memory_space<vmem>> -> memref<1x128xi32, #tpu.memory_space<vmem>>
      %dma_wait3A_199 = tpu.memref_squeeze %dma_wait3A_198 : memref<1x128xi32, #tpu.memory_space<vmem>> -> memref<128xi32, #tpu.memory_space<vmem>>
      %dma_wait3A_200 = arith.constant 0 : i32
      %dma_wait3A_201 = arith.constant 0 : i32
      %dma_wait3A_202 = tpu.memref_slice %arg2[%dma_wait3A_200, %dma_wait3A_201] : memref<10240x128xf32, #tpu.memory_space<hbm>> -> memref<10240x128xf32, #tpu.memory_space<hbm>>
      tpu.wait_indirect_dma semaphore(%arg12 : memref<!tpu.dma_semaphore, #tpu.memory_space<semaphore_mem>>) src(%dma_wait3A_202 : memref<10240x128xf32, #tpu.memory_space<hbm>>) dst(%arg9 : memref<128x128xf32, #tpu.memory_space<vmem>>)
      %dma_start3A_203 = arith.constant 6 : i32
      %dma_start3A_204 = arith.constant 0 : i32
      %dma_start3A_205 = tpu.memref_slice %arg8[%dma_start3A_203, %dma_start3A_204] : memref<16x128xi32, #tpu.memory_space<vmem>> -> memref<1x128xi32, #tpu.memory_space<vmem>>
      %dma_start3A_206 = tpu.memref_squeeze %dma_start3A_205 : memref<1x128xi32, #tpu.memory_space<vmem>> -> memref<128xi32, #tpu.memory_space<vmem>>
      %dma_start3A_207 = arith.constant 0 : i32
      %dma_start3A_208 = arith.constant 0 : i32
      %dma_start3A_209 = tpu.memref_slice %arg11[%dma_start3A_207, %dma_start3A_208] : memref<10240x128xf32, #tpu.memory_space<vmem_shared>> -> memref<10240x128xf32, #tpu.memory_space<vmem_shared>>
      tpu.enqueue_indirect_dma source(%arg9 : memref<128x128xf32, #tpu.memory_space<vmem>>) target(%dma_start3A_209 : memref<10240x128xf32, #tpu.memory_space<vmem_shared>>) offsets(%dma_start3A_206 : memref<128xi32, #tpu.memory_space<vmem>>) semaphore(%arg14 : memref<!tpu.dma_semaphore, #tpu.memory_space<semaphore_mem>>) {add = true}
      %dma_wait3A_210 = arith.constant 6 : i32
      %dma_wait3A_211 = arith.constant 0 : i32
      %dma_wait3A_212 = tpu.memref_slice %arg8[%dma_wait3A_210, %dma_wait3A_211] : memref<16x128xi32, #tpu.memory_space<vmem>> -> memref<1x128xi32, #tpu.memory_space<vmem>>
      %dma_wait3A_213 = tpu.memref_squeeze %dma_wait3A_212 : memref<1x128xi32, #tpu.memory_space<vmem>> -> memref<128xi32, #tpu.memory_space<vmem>>
      %dma_wait3A_214 = arith.constant 0 : i32
      %dma_wait3A_215 = arith.constant 0 : i32
      %dma_wait3A_216 = tpu.memref_slice %arg11[%dma_wait3A_214, %dma_wait3A_215] : memref<10240x128xf32, #tpu.memory_space<vmem_shared>> -> memref<10240x128xf32, #tpu.memory_space<vmem_shared>>
      tpu.wait_indirect_dma semaphore(%arg14 : memref<!tpu.dma_semaphore, #tpu.memory_space<semaphore_mem>>) src(%arg9 : memref<128x128xf32, #tpu.memory_space<vmem>>) dst(%dma_wait3A_216 : memref<10240x128xf32, #tpu.memory_space<vmem_shared>>)
      %dma_start3A_217 = arith.constant 8 : i32
      %dma_start3A_218 = arith.constant 0 : i32
      %dma_start3A_219 = tpu.memref_slice %arg7[%dma_start3A_217, %dma_start3A_218] : memref<16x128xi32, #tpu.memory_space<vmem>> -> memref<1x128xi32, #tpu.memory_space<vmem>>
      %dma_start3A_220 = tpu.memref_squeeze %dma_start3A_219 : memref<1x128xi32, #tpu.memory_space<vmem>> -> memref<128xi32, #tpu.memory_space<vmem>>
      %dma_start3A_221 = arith.constant 0 : i32
      %dma_start3A_222 = arith.constant 0 : i32
      %dma_start3A_223 = tpu.memref_slice %arg2[%dma_start3A_221, %dma_start3A_222] : memref<10240x128xf32, #tpu.memory_space<hbm>> -> memref<10240x128xf32, #tpu.memory_space<hbm>>
      tpu.enqueue_indirect_dma source(%dma_start3A_223 : memref<10240x128xf32, #tpu.memory_space<hbm>>) target(%arg9 : memref<128x128xf32, #tpu.memory_space<vmem>>) offsets(%dma_start3A_220 : memref<128xi32, #tpu.memory_space<vmem>>) semaphore(%arg12 : memref<!tpu.dma_semaphore, #tpu.memory_space<semaphore_mem>>)
      %dma_wait3A_224 = arith.constant 7 : i32
      %dma_wait3A_225 = arith.constant 0 : i32
      %dma_wait3A_226 = tpu.memref_slice %arg7[%dma_wait3A_224, %dma_wait3A_225] : memref<16x128xi32, #tpu.memory_space<vmem>> -> memref<1x128xi32, #tpu.memory_space<vmem>>
      %dma_wait3A_227 = tpu.memref_squeeze %dma_wait3A_226 : memref<1x128xi32, #tpu.memory_space<vmem>> -> memref<128xi32, #tpu.memory_space<vmem>>
      %dma_wait3A_228 = arith.constant 0 : i32
      %dma_wait3A_229 = arith.constant 0 : i32
      %dma_wait3A_230 = tpu.memref_slice %arg2[%dma_wait3A_228, %dma_wait3A_229] : memref<10240x128xf32, #tpu.memory_space<hbm>> -> memref<10240x128xf32, #tpu.memory_space<hbm>>
      tpu.wait_indirect_dma semaphore(%arg13 : memref<!tpu.dma_semaphore, #tpu.memory_space<semaphore_mem>>) src(%dma_wait3A_230 : memref<10240x128xf32, #tpu.memory_space<hbm>>) dst(%arg10 : memref<128x128xf32, #tpu.memory_space<vmem>>)
      %dma_start3A_231 = arith.constant 7 : i32
      %dma_start3A_232 = arith.constant 0 : i32
      %dma_start3A_233 = tpu.memref_slice %arg8[%dma_start3A_231, %dma_start3A_232] : memref<16x128xi32, #tpu.memory_space<vmem>> -> memref<1x128xi32, #tpu.memory_space<vmem>>
      %dma_start3A_234 = tpu.memref_squeeze %dma_start3A_233 : memref<1x128xi32, #tpu.memory_space<vmem>> -> memref<128xi32, #tpu.memory_space<vmem>>
      %dma_start3A_235 = arith.constant 0 : i32
      %dma_start3A_236 = arith.constant 0 : i32
      %dma_start3A_237 = tpu.memref_slice %arg11[%dma_start3A_235, %dma_start3A_236] : memref<10240x128xf32, #tpu.memory_space<vmem_shared>> -> memref<10240x128xf32, #tpu.memory_space<vmem_shared>>
      tpu.enqueue_indirect_dma source(%arg10 : memref<128x128xf32, #tpu.memory_space<vmem>>) target(%dma_start3A_237 : memref<10240x128xf32, #tpu.memory_space<vmem_shared>>) offsets(%dma_start3A_234 : memref<128xi32, #tpu.memory_space<vmem>>) semaphore(%arg15 : memref<!tpu.dma_semaphore, #tpu.memory_space<semaphore_mem>>) {add = true}
      %dma_wait3A_238 = arith.constant 7 : i32
      %dma_wait3A_239 = arith.constant 0 : i32
      %dma_wait3A_240 = tpu.memref_slice %arg8[%dma_wait3A_238, %dma_wait3A_239] : memref<16x128xi32, #tpu.memory_space<vmem>> -> memref<1x128xi32, #tpu.memory_space<vmem>>
      %dma_wait3A_241 = tpu.memref_squeeze %dma_wait3A_240 : memref<1x128xi32, #tpu.memory_space<vmem>> -> memref<128xi32, #tpu.memory_space<vmem>>
      %dma_wait3A_242 = arith.constant 0 : i32
      %dma_wait3A_243 = arith.constant 0 : i32
      %dma_wait3A_244 = tpu.memref_slice %arg11[%dma_wait3A_242, %dma_wait3A_243] : memref<10240x128xf32, #tpu.memory_space<vmem_shared>> -> memref<10240x128xf32, #tpu.memory_space<vmem_shared>>
      tpu.wait_indirect_dma semaphore(%arg15 : memref<!tpu.dma_semaphore, #tpu.memory_space<semaphore_mem>>) src(%arg10 : memref<128x128xf32, #tpu.memory_space<vmem>>) dst(%dma_wait3A_244 : memref<10240x128xf32, #tpu.memory_space<vmem_shared>>)
      %dma_start3A_245 = arith.constant 9 : i32
      %dma_start3A_246 = arith.constant 0 : i32
      %dma_start3A_247 = tpu.memref_slice %arg7[%dma_start3A_245, %dma_start3A_246] : memref<16x128xi32, #tpu.memory_space<vmem>> -> memref<1x128xi32, #tpu.memory_space<vmem>>
      %dma_start3A_248 = tpu.memref_squeeze %dma_start3A_247 : memref<1x128xi32, #tpu.memory_space<vmem>> -> memref<128xi32, #tpu.memory_space<vmem>>
      %dma_start3A_249 = arith.constant 0 : i32
      %dma_start3A_250 = arith.constant 0 : i32
      %dma_start3A_251 = tpu.memref_slice %arg2[%dma_start3A_249, %dma_start3A_250] : memref<10240x128xf32, #tpu.memory_space<hbm>> -> memref<10240x128xf32, #tpu.memory_space<hbm>>
      tpu.enqueue_indirect_dma source(%dma_start3A_251 : memref<10240x128xf32, #tpu.memory_space<hbm>>) target(%arg10 : memref<128x128xf32, #tpu.memory_space<vmem>>) offsets(%dma_start3A_248 : memref<128xi32, #tpu.memory_space<vmem>>) semaphore(%arg13 : memref<!tpu.dma_semaphore, #tpu.memory_space<semaphore_mem>>)
      %dma_wait3A_252 = arith.constant 8 : i32
      %dma_wait3A_253 = arith.constant 0 : i32
      %dma_wait3A_254 = tpu.memref_slice %arg7[%dma_wait3A_252, %dma_wait3A_253] : memref<16x128xi32, #tpu.memory_space<vmem>> -> memref<1x128xi32, #tpu.memory_space<vmem>>
      %dma_wait3A_255 = tpu.memref_squeeze %dma_wait3A_254 : memref<1x128xi32, #tpu.memory_space<vmem>> -> memref<128xi32, #tpu.memory_space<vmem>>
      %dma_wait3A_256 = arith.constant 0 : i32
      %dma_wait3A_257 = arith.constant 0 : i32
      %dma_wait3A_258 = tpu.memref_slice %arg2[%dma_wait3A_256, %dma_wait3A_257] : memref<10240x128xf32, #tpu.memory_space<hbm>> -> memref<10240x128xf32, #tpu.memory_space<hbm>>
      tpu.wait_indirect_dma semaphore(%arg12 : memref<!tpu.dma_semaphore, #tpu.memory_space<semaphore_mem>>) src(%dma_wait3A_258 : memref<10240x128xf32, #tpu.memory_space<hbm>>) dst(%arg9 : memref<128x128xf32, #tpu.memory_space<vmem>>)
      %dma_start3A_259 = arith.constant 8 : i32
      %dma_start3A_260 = arith.constant 0 : i32
      %dma_start3A_261 = tpu.memref_slice %arg8[%dma_start3A_259, %dma_start3A_260] : memref<16x128xi32, #tpu.memory_space<vmem>> -> memref<1x128xi32, #tpu.memory_space<vmem>>
      %dma_start3A_262 = tpu.memref_squeeze %dma_start3A_261 : memref<1x128xi32, #tpu.memory_space<vmem>> -> memref<128xi32, #tpu.memory_space<vmem>>
      %dma_start3A_263 = arith.constant 0 : i32
      %dma_start3A_264 = arith.constant 0 : i32
      %dma_start3A_265 = tpu.memref_slice %arg11[%dma_start3A_263, %dma_start3A_264] : memref<10240x128xf32, #tpu.memory_space<vmem_shared>> -> memref<10240x128xf32, #tpu.memory_space<vmem_shared>>
      tpu.enqueue_indirect_dma source(%arg9 : memref<128x128xf32, #tpu.memory_space<vmem>>) target(%dma_start3A_265 : memref<10240x128xf32, #tpu.memory_space<vmem_shared>>) offsets(%dma_start3A_262 : memref<128xi32, #tpu.memory_space<vmem>>) semaphore(%arg14 : memref<!tpu.dma_semaphore, #tpu.memory_space<semaphore_mem>>) {add = true}
      %dma_wait3A_266 = arith.constant 8 : i32
      %dma_wait3A_267 = arith.constant 0 : i32
      %dma_wait3A_268 = tpu.memref_slice %arg8[%dma_wait3A_266, %dma_wait3A_267] : memref<16x128xi32, #tpu.memory_space<vmem>> -> memref<1x128xi32, #tpu.memory_space<vmem>>
      %dma_wait3A_269 = tpu.memref_squeeze %dma_wait3A_268 : memref<1x128xi32, #tpu.memory_space<vmem>> -> memref<128xi32, #tpu.memory_space<vmem>>
      %dma_wait3A_270 = arith.constant 0 : i32
      %dma_wait3A_271 = arith.constant 0 : i32
      %dma_wait3A_272 = tpu.memref_slice %arg11[%dma_wait3A_270, %dma_wait3A_271] : memref<10240x128xf32, #tpu.memory_space<vmem_shared>> -> memref<10240x128xf32, #tpu.memory_space<vmem_shared>>
      tpu.wait_indirect_dma semaphore(%arg14 : memref<!tpu.dma_semaphore, #tpu.memory_space<semaphore_mem>>) src(%arg9 : memref<128x128xf32, #tpu.memory_space<vmem>>) dst(%dma_wait3A_272 : memref<10240x128xf32, #tpu.memory_space<vmem_shared>>)
      %dma_start3A_273 = arith.constant 10 : i32
      %dma_start3A_274 = arith.constant 0 : i32
      %dma_start3A_275 = tpu.memref_slice %arg7[%dma_start3A_273, %dma_start3A_274] : memref<16x128xi32, #tpu.memory_space<vmem>> -> memref<1x128xi32, #tpu.memory_space<vmem>>
      %dma_start3A_276 = tpu.memref_squeeze %dma_start3A_275 : memref<1x128xi32, #tpu.memory_space<vmem>> -> memref<128xi32, #tpu.memory_space<vmem>>
      %dma_start3A_277 = arith.constant 0 : i32
      %dma_start3A_278 = arith.constant 0 : i32
      %dma_start3A_279 = tpu.memref_slice %arg2[%dma_start3A_277, %dma_start3A_278] : memref<10240x128xf32, #tpu.memory_space<hbm>> -> memref<10240x128xf32, #tpu.memory_space<hbm>>
      tpu.enqueue_indirect_dma source(%dma_start3A_279 : memref<10240x128xf32, #tpu.memory_space<hbm>>) target(%arg9 : memref<128x128xf32, #tpu.memory_space<vmem>>) offsets(%dma_start3A_276 : memref<128xi32, #tpu.memory_space<vmem>>) semaphore(%arg12 : memref<!tpu.dma_semaphore, #tpu.memory_space<semaphore_mem>>)
      %dma_wait3A_280 = arith.constant 9 : i32
      %dma_wait3A_281 = arith.constant 0 : i32
      %dma_wait3A_282 = tpu.memref_slice %arg7[%dma_wait3A_280, %dma_wait3A_281] : memref<16x128xi32, #tpu.memory_space<vmem>> -> memref<1x128xi32, #tpu.memory_space<vmem>>
      %dma_wait3A_283 = tpu.memref_squeeze %dma_wait3A_282 : memref<1x128xi32, #tpu.memory_space<vmem>> -> memref<128xi32, #tpu.memory_space<vmem>>
      %dma_wait3A_284 = arith.constant 0 : i32
      %dma_wait3A_285 = arith.constant 0 : i32
      %dma_wait3A_286 = tpu.memref_slice %arg2[%dma_wait3A_284, %dma_wait3A_285] : memref<10240x128xf32, #tpu.memory_space<hbm>> -> memref<10240x128xf32, #tpu.memory_space<hbm>>
      tpu.wait_indirect_dma semaphore(%arg13 : memref<!tpu.dma_semaphore, #tpu.memory_space<semaphore_mem>>) src(%dma_wait3A_286 : memref<10240x128xf32, #tpu.memory_space<hbm>>) dst(%arg10 : memref<128x128xf32, #tpu.memory_space<vmem>>)
      %dma_start3A_287 = arith.constant 9 : i32
      %dma_start3A_288 = arith.constant 0 : i32
      %dma_start3A_289 = tpu.memref_slice %arg8[%dma_start3A_287, %dma_start3A_288] : memref<16x128xi32, #tpu.memory_space<vmem>> -> memref<1x128xi32, #tpu.memory_space<vmem>>
      %dma_start3A_290 = tpu.memref_squeeze %dma_start3A_289 : memref<1x128xi32, #tpu.memory_space<vmem>> -> memref<128xi32, #tpu.memory_space<vmem>>
      %dma_start3A_291 = arith.constant 0 : i32
      %dma_start3A_292 = arith.constant 0 : i32
      %dma_start3A_293 = tpu.memref_slice %arg11[%dma_start3A_291, %dma_start3A_292] : memref<10240x128xf32, #tpu.memory_space<vmem_shared>> -> memref<10240x128xf32, #tpu.memory_space<vmem_shared>>
      tpu.enqueue_indirect_dma source(%arg10 : memref<128x128xf32, #tpu.memory_space<vmem>>) target(%dma_start3A_293 : memref<10240x128xf32, #tpu.memory_space<vmem_shared>>) offsets(%dma_start3A_290 : memref<128xi32, #tpu.memory_space<vmem>>) semaphore(%arg15 : memref<!tpu.dma_semaphore, #tpu.memory_space<semaphore_mem>>) {add = true}
      %dma_wait3A_294 = arith.constant 9 : i32
      %dma_wait3A_295 = arith.constant 0 : i32
      %dma_wait3A_296 = tpu.memref_slice %arg8[%dma_wait3A_294, %dma_wait3A_295] : memref<16x128xi32, #tpu.memory_space<vmem>> -> memref<1x128xi32, #tpu.memory_space<vmem>>
      %dma_wait3A_297 = tpu.memref_squeeze %dma_wait3A_296 : memref<1x128xi32, #tpu.memory_space<vmem>> -> memref<128xi32, #tpu.memory_space<vmem>>
      %dma_wait3A_298 = arith.constant 0 : i32
      %dma_wait3A_299 = arith.constant 0 : i32
      %dma_wait3A_300 = tpu.memref_slice %arg11[%dma_wait3A_298, %dma_wait3A_299] : memref<10240x128xf32, #tpu.memory_space<vmem_shared>> -> memref<10240x128xf32, #tpu.memory_space<vmem_shared>>
      tpu.wait_indirect_dma semaphore(%arg15 : memref<!tpu.dma_semaphore, #tpu.memory_space<semaphore_mem>>) src(%arg10 : memref<128x128xf32, #tpu.memory_space<vmem>>) dst(%dma_wait3A_300 : memref<10240x128xf32, #tpu.memory_space<vmem_shared>>)
      %dma_start3A_301 = arith.constant 11 : i32
      %dma_start3A_302 = arith.constant 0 : i32
      %dma_start3A_303 = tpu.memref_slice %arg7[%dma_start3A_301, %dma_start3A_302] : memref<16x128xi32, #tpu.memory_space<vmem>> -> memref<1x128xi32, #tpu.memory_space<vmem>>
      %dma_start3A_304 = tpu.memref_squeeze %dma_start3A_303 : memref<1x128xi32, #tpu.memory_space<vmem>> -> memref<128xi32, #tpu.memory_space<vmem>>
      %dma_start3A_305 = arith.constant 0 : i32
      %dma_start3A_306 = arith.constant 0 : i32
      %dma_start3A_307 = tpu.memref_slice %arg2[%dma_start3A_305, %dma_start3A_306] : memref<10240x128xf32, #tpu.memory_space<hbm>> -> memref<10240x128xf32, #tpu.memory_space<hbm>>
      tpu.enqueue_indirect_dma source(%dma_start3A_307 : memref<10240x128xf32, #tpu.memory_space<hbm>>) target(%arg10 : memref<128x128xf32, #tpu.memory_space<vmem>>) offsets(%dma_start3A_304 : memref<128xi32, #tpu.memory_space<vmem>>) semaphore(%arg13 : memref<!tpu.dma_semaphore, #tpu.memory_space<semaphore_mem>>)
      %dma_wait3A_308 = arith.constant 10 : i32
      %dma_wait3A_309 = arith.constant 0 : i32
      %dma_wait3A_310 = tpu.memref_slice %arg7[%dma_wait3A_308, %dma_wait3A_309] : memref<16x128xi32, #tpu.memory_space<vmem>> -> memref<1x128xi32, #tpu.memory_space<vmem>>
      %dma_wait3A_311 = tpu.memref_squeeze %dma_wait3A_310 : memref<1x128xi32, #tpu.memory_space<vmem>> -> memref<128xi32, #tpu.memory_space<vmem>>
      %dma_wait3A_312 = arith.constant 0 : i32
      %dma_wait3A_313 = arith.constant 0 : i32
      %dma_wait3A_314 = tpu.memref_slice %arg2[%dma_wait3A_312, %dma_wait3A_313] : memref<10240x128xf32, #tpu.memory_space<hbm>> -> memref<10240x128xf32, #tpu.memory_space<hbm>>
      tpu.wait_indirect_dma semaphore(%arg12 : memref<!tpu.dma_semaphore, #tpu.memory_space<semaphore_mem>>) src(%dma_wait3A_314 : memref<10240x128xf32, #tpu.memory_space<hbm>>) dst(%arg9 : memref<128x128xf32, #tpu.memory_space<vmem>>)
      %dma_start3A_315 = arith.constant 10 : i32
      %dma_start3A_316 = arith.constant 0 : i32
      %dma_start3A_317 = tpu.memref_slice %arg8[%dma_start3A_315, %dma_start3A_316] : memref<16x128xi32, #tpu.memory_space<vmem>> -> memref<1x128xi32, #tpu.memory_space<vmem>>
      %dma_start3A_318 = tpu.memref_squeeze %dma_start3A_317 : memref<1x128xi32, #tpu.memory_space<vmem>> -> memref<128xi32, #tpu.memory_space<vmem>>
      %dma_start3A_319 = arith.constant 0 : i32
      %dma_start3A_320 = arith.constant 0 : i32
      %dma_start3A_321 = tpu.memref_slice %arg11[%dma_start3A_319, %dma_start3A_320] : memref<10240x128xf32, #tpu.memory_space<vmem_shared>> -> memref<10240x128xf32, #tpu.memory_space<vmem_shared>>
      tpu.enqueue_indirect_dma source(%arg9 : memref<128x128xf32, #tpu.memory_space<vmem>>) target(%dma_start3A_321 : memref<10240x128xf32, #tpu.memory_space<vmem_shared>>) offsets(%dma_start3A_318 : memref<128xi32, #tpu.memory_space<vmem>>) semaphore(%arg14 : memref<!tpu.dma_semaphore, #tpu.memory_space<semaphore_mem>>) {add = true}
      %dma_wait3A_322 = arith.constant 10 : i32
      %dma_wait3A_323 = arith.constant 0 : i32
      %dma_wait3A_324 = tpu.memref_slice %arg8[%dma_wait3A_322, %dma_wait3A_323] : memref<16x128xi32, #tpu.memory_space<vmem>> -> memref<1x128xi32, #tpu.memory_space<vmem>>
      %dma_wait3A_325 = tpu.memref_squeeze %dma_wait3A_324 : memref<1x128xi32, #tpu.memory_space<vmem>> -> memref<128xi32, #tpu.memory_space<vmem>>
      %dma_wait3A_326 = arith.constant 0 : i32
      %dma_wait3A_327 = arith.constant 0 : i32
      %dma_wait3A_328 = tpu.memref_slice %arg11[%dma_wait3A_326, %dma_wait3A_327] : memref<10240x128xf32, #tpu.memory_space<vmem_shared>> -> memref<10240x128xf32, #tpu.memory_space<vmem_shared>>
      tpu.wait_indirect_dma semaphore(%arg14 : memref<!tpu.dma_semaphore, #tpu.memory_space<semaphore_mem>>) src(%arg9 : memref<128x128xf32, #tpu.memory_space<vmem>>) dst(%dma_wait3A_328 : memref<10240x128xf32, #tpu.memory_space<vmem_shared>>)
      %dma_start3A_329 = arith.constant 12 : i32
      %dma_start3A_330 = arith.constant 0 : i32
      %dma_start3A_331 = tpu.memref_slice %arg7[%dma_start3A_329, %dma_start3A_330] : memref<16x128xi32, #tpu.memory_space<vmem>> -> memref<1x128xi32, #tpu.memory_space<vmem>>
      %dma_start3A_332 = tpu.memref_squeeze %dma_start3A_331 : memref<1x128xi32, #tpu.memory_space<vmem>> -> memref<128xi32, #tpu.memory_space<vmem>>
      %dma_start3A_333 = arith.constant 0 : i32
      %dma_start3A_334 = arith.constant 0 : i32
      %dma_start3A_335 = tpu.memref_slice %arg2[%dma_start3A_333, %dma_start3A_334] : memref<10240x128xf32, #tpu.memory_space<hbm>> -> memref<10240x128xf32, #tpu.memory_space<hbm>>
      tpu.enqueue_indirect_dma source(%dma_start3A_335 : memref<10240x128xf32, #tpu.memory_space<hbm>>) target(%arg9 : memref<128x128xf32, #tpu.memory_space<vmem>>) offsets(%dma_start3A_332 : memref<128xi32, #tpu.memory_space<vmem>>) semaphore(%arg12 : memref<!tpu.dma_semaphore, #tpu.memory_space<semaphore_mem>>)
      %dma_wait3A_336 = arith.constant 11 : i32
      %dma_wait3A_337 = arith.constant 0 : i32
      %dma_wait3A_338 = tpu.memref_slice %arg7[%dma_wait3A_336, %dma_wait3A_337] : memref<16x128xi32, #tpu.memory_space<vmem>> -> memref<1x128xi32, #tpu.memory_space<vmem>>
      %dma_wait3A_339 = tpu.memref_squeeze %dma_wait3A_338 : memref<1x128xi32, #tpu.memory_space<vmem>> -> memref<128xi32, #tpu.memory_space<vmem>>
      %dma_wait3A_340 = arith.constant 0 : i32
      %dma_wait3A_341 = arith.constant 0 : i32
      %dma_wait3A_342 = tpu.memref_slice %arg2[%dma_wait3A_340, %dma_wait3A_341] : memref<10240x128xf32, #tpu.memory_space<hbm>> -> memref<10240x128xf32, #tpu.memory_space<hbm>>
      tpu.wait_indirect_dma semaphore(%arg13 : memref<!tpu.dma_semaphore, #tpu.memory_space<semaphore_mem>>) src(%dma_wait3A_342 : memref<10240x128xf32, #tpu.memory_space<hbm>>) dst(%arg10 : memref<128x128xf32, #tpu.memory_space<vmem>>)
      %dma_start3A_343 = arith.constant 11 : i32
      %dma_start3A_344 = arith.constant 0 : i32
      %dma_start3A_345 = tpu.memref_slice %arg8[%dma_start3A_343, %dma_start3A_344] : memref<16x128xi32, #tpu.memory_space<vmem>> -> memref<1x128xi32, #tpu.memory_space<vmem>>
      %dma_start3A_346 = tpu.memref_squeeze %dma_start3A_345 : memref<1x128xi32, #tpu.memory_space<vmem>> -> memref<128xi32, #tpu.memory_space<vmem>>
      %dma_start3A_347 = arith.constant 0 : i32
      %dma_start3A_348 = arith.constant 0 : i32
      %dma_start3A_349 = tpu.memref_slice %arg11[%dma_start3A_347, %dma_start3A_348] : memref<10240x128xf32, #tpu.memory_space<vmem_shared>> -> memref<10240x128xf32, #tpu.memory_space<vmem_shared>>
      tpu.enqueue_indirect_dma source(%arg10 : memref<128x128xf32, #tpu.memory_space<vmem>>) target(%dma_start3A_349 : memref<10240x128xf32, #tpu.memory_space<vmem_shared>>) offsets(%dma_start3A_346 : memref<128xi32, #tpu.memory_space<vmem>>) semaphore(%arg15 : memref<!tpu.dma_semaphore, #tpu.memory_space<semaphore_mem>>) {add = true}
      %dma_wait3A_350 = arith.constant 11 : i32
      %dma_wait3A_351 = arith.constant 0 : i32
      %dma_wait3A_352 = tpu.memref_slice %arg8[%dma_wait3A_350, %dma_wait3A_351] : memref<16x128xi32, #tpu.memory_space<vmem>> -> memref<1x128xi32, #tpu.memory_space<vmem>>
      %dma_wait3A_353 = tpu.memref_squeeze %dma_wait3A_352 : memref<1x128xi32, #tpu.memory_space<vmem>> -> memref<128xi32, #tpu.memory_space<vmem>>
      %dma_wait3A_354 = arith.constant 0 : i32
      %dma_wait3A_355 = arith.constant 0 : i32
      %dma_wait3A_356 = tpu.memref_slice %arg11[%dma_wait3A_354, %dma_wait3A_355] : memref<10240x128xf32, #tpu.memory_space<vmem_shared>> -> memref<10240x128xf32, #tpu.memory_space<vmem_shared>>
      tpu.wait_indirect_dma semaphore(%arg15 : memref<!tpu.dma_semaphore, #tpu.memory_space<semaphore_mem>>) src(%arg10 : memref<128x128xf32, #tpu.memory_space<vmem>>) dst(%dma_wait3A_356 : memref<10240x128xf32, #tpu.memory_space<vmem_shared>>)
      %dma_start3A_357 = arith.constant 13 : i32
      %dma_start3A_358 = arith.constant 0 : i32
      %dma_start3A_359 = tpu.memref_slice %arg7[%dma_start3A_357, %dma_start3A_358] : memref<16x128xi32, #tpu.memory_space<vmem>> -> memref<1x128xi32, #tpu.memory_space<vmem>>
      %dma_start3A_360 = tpu.memref_squeeze %dma_start3A_359 : memref<1x128xi32, #tpu.memory_space<vmem>> -> memref<128xi32, #tpu.memory_space<vmem>>
      %dma_start3A_361 = arith.constant 0 : i32
      %dma_start3A_362 = arith.constant 0 : i32
      %dma_start3A_363 = tpu.memref_slice %arg2[%dma_start3A_361, %dma_start3A_362] : memref<10240x128xf32, #tpu.memory_space<hbm>> -> memref<10240x128xf32, #tpu.memory_space<hbm>>
      tpu.enqueue_indirect_dma source(%dma_start3A_363 : memref<10240x128xf32, #tpu.memory_space<hbm>>) target(%arg10 : memref<128x128xf32, #tpu.memory_space<vmem>>) offsets(%dma_start3A_360 : memref<128xi32, #tpu.memory_space<vmem>>) semaphore(%arg13 : memref<!tpu.dma_semaphore, #tpu.memory_space<semaphore_mem>>)
      %dma_wait3A_364 = arith.constant 12 : i32
      %dma_wait3A_365 = arith.constant 0 : i32
      %dma_wait3A_366 = tpu.memref_slice %arg7[%dma_wait3A_364, %dma_wait3A_365] : memref<16x128xi32, #tpu.memory_space<vmem>> -> memref<1x128xi32, #tpu.memory_space<vmem>>
      %dma_wait3A_367 = tpu.memref_squeeze %dma_wait3A_366 : memref<1x128xi32, #tpu.memory_space<vmem>> -> memref<128xi32, #tpu.memory_space<vmem>>
      %dma_wait3A_368 = arith.constant 0 : i32
      %dma_wait3A_369 = arith.constant 0 : i32
      %dma_wait3A_370 = tpu.memref_slice %arg2[%dma_wait3A_368, %dma_wait3A_369] : memref<10240x128xf32, #tpu.memory_space<hbm>> -> memref<10240x128xf32, #tpu.memory_space<hbm>>
      tpu.wait_indirect_dma semaphore(%arg12 : memref<!tpu.dma_semaphore, #tpu.memory_space<semaphore_mem>>) src(%dma_wait3A_370 : memref<10240x128xf32, #tpu.memory_space<hbm>>) dst(%arg9 : memref<128x128xf32, #tpu.memory_space<vmem>>)
      %dma_start3A_371 = arith.constant 12 : i32
      %dma_start3A_372 = arith.constant 0 : i32
      %dma_start3A_373 = tpu.memref_slice %arg8[%dma_start3A_371, %dma_start3A_372] : memref<16x128xi32, #tpu.memory_space<vmem>> -> memref<1x128xi32, #tpu.memory_space<vmem>>
      %dma_start3A_374 = tpu.memref_squeeze %dma_start3A_373 : memref<1x128xi32, #tpu.memory_space<vmem>> -> memref<128xi32, #tpu.memory_space<vmem>>
      %dma_start3A_375 = arith.constant 0 : i32
      %dma_start3A_376 = arith.constant 0 : i32
      %dma_start3A_377 = tpu.memref_slice %arg11[%dma_start3A_375, %dma_start3A_376] : memref<10240x128xf32, #tpu.memory_space<vmem_shared>> -> memref<10240x128xf32, #tpu.memory_space<vmem_shared>>
      tpu.enqueue_indirect_dma source(%arg9 : memref<128x128xf32, #tpu.memory_space<vmem>>) target(%dma_start3A_377 : memref<10240x128xf32, #tpu.memory_space<vmem_shared>>) offsets(%dma_start3A_374 : memref<128xi32, #tpu.memory_space<vmem>>) semaphore(%arg14 : memref<!tpu.dma_semaphore, #tpu.memory_space<semaphore_mem>>) {add = true}
      %dma_wait3A_378 = arith.constant 12 : i32
      %dma_wait3A_379 = arith.constant 0 : i32
      %dma_wait3A_380 = tpu.memref_slice %arg8[%dma_wait3A_378, %dma_wait3A_379] : memref<16x128xi32, #tpu.memory_space<vmem>> -> memref<1x128xi32, #tpu.memory_space<vmem>>
      %dma_wait3A_381 = tpu.memref_squeeze %dma_wait3A_380 : memref<1x128xi32, #tpu.memory_space<vmem>> -> memref<128xi32, #tpu.memory_space<vmem>>
      %dma_wait3A_382 = arith.constant 0 : i32
      %dma_wait3A_383 = arith.constant 0 : i32
      %dma_wait3A_384 = tpu.memref_slice %arg11[%dma_wait3A_382, %dma_wait3A_383] : memref<10240x128xf32, #tpu.memory_space<vmem_shared>> -> memref<10240x128xf32, #tpu.memory_space<vmem_shared>>
      tpu.wait_indirect_dma semaphore(%arg14 : memref<!tpu.dma_semaphore, #tpu.memory_space<semaphore_mem>>) src(%arg9 : memref<128x128xf32, #tpu.memory_space<vmem>>) dst(%dma_wait3A_384 : memref<10240x128xf32, #tpu.memory_space<vmem_shared>>)
      %dma_start3A_385 = arith.constant 14 : i32
      %dma_start3A_386 = arith.constant 0 : i32
      %dma_start3A_387 = tpu.memref_slice %arg7[%dma_start3A_385, %dma_start3A_386] : memref<16x128xi32, #tpu.memory_space<vmem>> -> memref<1x128xi32, #tpu.memory_space<vmem>>
      %dma_start3A_388 = tpu.memref_squeeze %dma_start3A_387 : memref<1x128xi32, #tpu.memory_space<vmem>> -> memref<128xi32, #tpu.memory_space<vmem>>
      %dma_start3A_389 = arith.constant 0 : i32
      %dma_start3A_390 = arith.constant 0 : i32
      %dma_start3A_391 = tpu.memref_slice %arg2[%dma_start3A_389, %dma_start3A_390] : memref<10240x128xf32, #tpu.memory_space<hbm>> -> memref<10240x128xf32, #tpu.memory_space<hbm>>
      tpu.enqueue_indirect_dma source(%dma_start3A_391 : memref<10240x128xf32, #tpu.memory_space<hbm>>) target(%arg9 : memref<128x128xf32, #tpu.memory_space<vmem>>) offsets(%dma_start3A_388 : memref<128xi32, #tpu.memory_space<vmem>>) semaphore(%arg12 : memref<!tpu.dma_semaphore, #tpu.memory_space<semaphore_mem>>)
      %dma_wait3A_392 = arith.constant 13 : i32
      %dma_wait3A_393 = arith.constant 0 : i32
      %dma_wait3A_394 = tpu.memref_slice %arg7[%dma_wait3A_392, %dma_wait3A_393] : memref<16x128xi32, #tpu.memory_space<vmem>> -> memref<1x128xi32, #tpu.memory_space<vmem>>
      %dma_wait3A_395 = tpu.memref_squeeze %dma_wait3A_394 : memref<1x128xi32, #tpu.memory_space<vmem>> -> memref<128xi32, #tpu.memory_space<vmem>>
      %dma_wait3A_396 = arith.constant 0 : i32
      %dma_wait3A_397 = arith.constant 0 : i32
      %dma_wait3A_398 = tpu.memref_slice %arg2[%dma_wait3A_396, %dma_wait3A_397] : memref<10240x128xf32, #tpu.memory_space<hbm>> -> memref<10240x128xf32, #tpu.memory_space<hbm>>
      tpu.wait_indirect_dma semaphore(%arg13 : memref<!tpu.dma_semaphore, #tpu.memory_space<semaphore_mem>>) src(%dma_wait3A_398 : memref<10240x128xf32, #tpu.memory_space<hbm>>) dst(%arg10 : memref<128x128xf32, #tpu.memory_space<vmem>>)
      %dma_start3A_399 = arith.constant 13 : i32
      %dma_start3A_400 = arith.constant 0 : i32
      %dma_start3A_401 = tpu.memref_slice %arg8[%dma_start3A_399, %dma_start3A_400] : memref<16x128xi32, #tpu.memory_space<vmem>> -> memref<1x128xi32, #tpu.memory_space<vmem>>
      %dma_start3A_402 = tpu.memref_squeeze %dma_start3A_401 : memref<1x128xi32, #tpu.memory_space<vmem>> -> memref<128xi32, #tpu.memory_space<vmem>>
      %dma_start3A_403 = arith.constant 0 : i32
      %dma_start3A_404 = arith.constant 0 : i32
      %dma_start3A_405 = tpu.memref_slice %arg11[%dma_start3A_403, %dma_start3A_404] : memref<10240x128xf32, #tpu.memory_space<vmem_shared>> -> memref<10240x128xf32, #tpu.memory_space<vmem_shared>>
      tpu.enqueue_indirect_dma source(%arg10 : memref<128x128xf32, #tpu.memory_space<vmem>>) target(%dma_start3A_405 : memref<10240x128xf32, #tpu.memory_space<vmem_shared>>) offsets(%dma_start3A_402 : memref<128xi32, #tpu.memory_space<vmem>>) semaphore(%arg15 : memref<!tpu.dma_semaphore, #tpu.memory_space<semaphore_mem>>) {add = true}
      %dma_wait3A_406 = arith.constant 13 : i32
      %dma_wait3A_407 = arith.constant 0 : i32
      %dma_wait3A_408 = tpu.memref_slice %arg8[%dma_wait3A_406, %dma_wait3A_407] : memref<16x128xi32, #tpu.memory_space<vmem>> -> memref<1x128xi32, #tpu.memory_space<vmem>>
      %dma_wait3A_409 = tpu.memref_squeeze %dma_wait3A_408 : memref<1x128xi32, #tpu.memory_space<vmem>> -> memref<128xi32, #tpu.memory_space<vmem>>
      %dma_wait3A_410 = arith.constant 0 : i32
      %dma_wait3A_411 = arith.constant 0 : i32
      %dma_wait3A_412 = tpu.memref_slice %arg11[%dma_wait3A_410, %dma_wait3A_411] : memref<10240x128xf32, #tpu.memory_space<vmem_shared>> -> memref<10240x128xf32, #tpu.memory_space<vmem_shared>>
      tpu.wait_indirect_dma semaphore(%arg15 : memref<!tpu.dma_semaphore, #tpu.memory_space<semaphore_mem>>) src(%arg10 : memref<128x128xf32, #tpu.memory_space<vmem>>) dst(%dma_wait3A_412 : memref<10240x128xf32, #tpu.memory_space<vmem_shared>>)
      %dma_start3A_413 = arith.constant 15 : i32
      %dma_start3A_414 = arith.constant 0 : i32
      %dma_start3A_415 = tpu.memref_slice %arg7[%dma_start3A_413, %dma_start3A_414] : memref<16x128xi32, #tpu.memory_space<vmem>> -> memref<1x128xi32, #tpu.memory_space<vmem>>
      %dma_start3A_416 = tpu.memref_squeeze %dma_start3A_415 : memref<1x128xi32, #tpu.memory_space<vmem>> -> memref<128xi32, #tpu.memory_space<vmem>>
      %dma_start3A_417 = arith.constant 0 : i32
      %dma_start3A_418 = arith.constant 0 : i32
      %dma_start3A_419 = tpu.memref_slice %arg2[%dma_start3A_417, %dma_start3A_418] : memref<10240x128xf32, #tpu.memory_space<hbm>> -> memref<10240x128xf32, #tpu.memory_space<hbm>>
      tpu.enqueue_indirect_dma source(%dma_start3A_419 : memref<10240x128xf32, #tpu.memory_space<hbm>>) target(%arg10 : memref<128x128xf32, #tpu.memory_space<vmem>>) offsets(%dma_start3A_416 : memref<128xi32, #tpu.memory_space<vmem>>) semaphore(%arg13 : memref<!tpu.dma_semaphore, #tpu.memory_space<semaphore_mem>>)
      %dma_wait3A_420 = arith.constant 14 : i32
      %dma_wait3A_421 = arith.constant 0 : i32
      %dma_wait3A_422 = tpu.memref_slice %arg7[%dma_wait3A_420, %dma_wait3A_421] : memref<16x128xi32, #tpu.memory_space<vmem>> -> memref<1x128xi32, #tpu.memory_space<vmem>>
      %dma_wait3A_423 = tpu.memref_squeeze %dma_wait3A_422 : memref<1x128xi32, #tpu.memory_space<vmem>> -> memref<128xi32, #tpu.memory_space<vmem>>
      %dma_wait3A_424 = arith.constant 0 : i32
      %dma_wait3A_425 = arith.constant 0 : i32
      %dma_wait3A_426 = tpu.memref_slice %arg2[%dma_wait3A_424, %dma_wait3A_425] : memref<10240x128xf32, #tpu.memory_space<hbm>> -> memref<10240x128xf32, #tpu.memory_space<hbm>>
      tpu.wait_indirect_dma semaphore(%arg12 : memref<!tpu.dma_semaphore, #tpu.memory_space<semaphore_mem>>) src(%dma_wait3A_426 : memref<10240x128xf32, #tpu.memory_space<hbm>>) dst(%arg9 : memref<128x128xf32, #tpu.memory_space<vmem>>)
      %dma_start3A_427 = arith.constant 14 : i32
      %dma_start3A_428 = arith.constant 0 : i32
      %dma_start3A_429 = tpu.memref_slice %arg8[%dma_start3A_427, %dma_start3A_428] : memref<16x128xi32, #tpu.memory_space<vmem>> -> memref<1x128xi32, #tpu.memory_space<vmem>>
      %dma_start3A_430 = tpu.memref_squeeze %dma_start3A_429 : memref<1x128xi32, #tpu.memory_space<vmem>> -> memref<128xi32, #tpu.memory_space<vmem>>
      %dma_start3A_431 = arith.constant 0 : i32
      %dma_start3A_432 = arith.constant 0 : i32
      %dma_start3A_433 = tpu.memref_slice %arg11[%dma_start3A_431, %dma_start3A_432] : memref<10240x128xf32, #tpu.memory_space<vmem_shared>> -> memref<10240x128xf32, #tpu.memory_space<vmem_shared>>
      tpu.enqueue_indirect_dma source(%arg9 : memref<128x128xf32, #tpu.memory_space<vmem>>) target(%dma_start3A_433 : memref<10240x128xf32, #tpu.memory_space<vmem_shared>>) offsets(%dma_start3A_430 : memref<128xi32, #tpu.memory_space<vmem>>) semaphore(%arg14 : memref<!tpu.dma_semaphore, #tpu.memory_space<semaphore_mem>>) {add = true}
      %dma_wait3A_434 = arith.constant 14 : i32
      %dma_wait3A_435 = arith.constant 0 : i32
      %dma_wait3A_436 = tpu.memref_slice %arg8[%dma_wait3A_434, %dma_wait3A_435] : memref<16x128xi32, #tpu.memory_space<vmem>> -> memref<1x128xi32, #tpu.memory_space<vmem>>
      %dma_wait3A_437 = tpu.memref_squeeze %dma_wait3A_436 : memref<1x128xi32, #tpu.memory_space<vmem>> -> memref<128xi32, #tpu.memory_space<vmem>>
      %dma_wait3A_438 = arith.constant 0 : i32
      %dma_wait3A_439 = arith.constant 0 : i32
      %dma_wait3A_440 = tpu.memref_slice %arg11[%dma_wait3A_438, %dma_wait3A_439] : memref<10240x128xf32, #tpu.memory_space<vmem_shared>> -> memref<10240x128xf32, #tpu.memory_space<vmem_shared>>
      tpu.wait_indirect_dma semaphore(%arg14 : memref<!tpu.dma_semaphore, #tpu.memory_space<semaphore_mem>>) src(%arg9 : memref<128x128xf32, #tpu.memory_space<vmem>>) dst(%dma_wait3A_440 : memref<10240x128xf32, #tpu.memory_space<vmem_shared>>)
      %dma_wait3A_441 = arith.constant 15 : i32
      %dma_wait3A_442 = arith.constant 0 : i32
      %dma_wait3A_443 = tpu.memref_slice %arg7[%dma_wait3A_441, %dma_wait3A_442] : memref<16x128xi32, #tpu.memory_space<vmem>> -> memref<1x128xi32, #tpu.memory_space<vmem>>
      %dma_wait3A_444 = tpu.memref_squeeze %dma_wait3A_443 : memref<1x128xi32, #tpu.memory_space<vmem>> -> memref<128xi32, #tpu.memory_space<vmem>>
      %dma_wait3A_445 = arith.constant 0 : i32
      %dma_wait3A_446 = arith.constant 0 : i32
      %dma_wait3A_447 = tpu.memref_slice %arg2[%dma_wait3A_445, %dma_wait3A_446] : memref<10240x128xf32, #tpu.memory_space<hbm>> -> memref<10240x128xf32, #tpu.memory_space<hbm>>
      tpu.wait_indirect_dma semaphore(%arg13 : memref<!tpu.dma_semaphore, #tpu.memory_space<semaphore_mem>>) src(%dma_wait3A_447 : memref<10240x128xf32, #tpu.memory_space<hbm>>) dst(%arg10 : memref<128x128xf32, #tpu.memory_space<vmem>>)
      %dma_start3A_448 = arith.constant 15 : i32
      %dma_start3A_449 = arith.constant 0 : i32
      %dma_start3A_450 = tpu.memref_slice %arg8[%dma_start3A_448, %dma_start3A_449] : memref<16x128xi32, #tpu.memory_space<vmem>> -> memref<1x128xi32, #tpu.memory_space<vmem>>
      %dma_start3A_451 = tpu.memref_squeeze %dma_start3A_450 : memref<1x128xi32, #tpu.memory_space<vmem>> -> memref<128xi32, #tpu.memory_space<vmem>>
      %dma_start3A_452 = arith.constant 0 : i32
      %dma_start3A_453 = arith.constant 0 : i32
      %dma_start3A_454 = tpu.memref_slice %arg11[%dma_start3A_452, %dma_start3A_453] : memref<10240x128xf32, #tpu.memory_space<vmem_shared>> -> memref<10240x128xf32, #tpu.memory_space<vmem_shared>>
      tpu.enqueue_indirect_dma source(%arg10 : memref<128x128xf32, #tpu.memory_space<vmem>>) target(%dma_start3A_454 : memref<10240x128xf32, #tpu.memory_space<vmem_shared>>) offsets(%dma_start3A_451 : memref<128xi32, #tpu.memory_space<vmem>>) semaphore(%arg15 : memref<!tpu.dma_semaphore, #tpu.memory_space<semaphore_mem>>) {add = true}
      %dma_wait3A_455 = arith.constant 15 : i32
      %dma_wait3A_456 = arith.constant 0 : i32
      %dma_wait3A_457 = tpu.memref_slice %arg8[%dma_wait3A_455, %dma_wait3A_456] : memref<16x128xi32, #tpu.memory_space<vmem>> -> memref<1x128xi32, #tpu.memory_space<vmem>>
      %dma_wait3A_458 = tpu.memref_squeeze %dma_wait3A_457 : memref<1x128xi32, #tpu.memory_space<vmem>> -> memref<128xi32, #tpu.memory_space<vmem>>
      %dma_wait3A_459 = arith.constant 0 : i32
      %dma_wait3A_460 = arith.constant 0 : i32
      %dma_wait3A_461 = tpu.memref_slice %arg11[%dma_wait3A_459, %dma_wait3A_460] : memref<10240x128xf32, #tpu.memory_space<vmem_shared>> -> memref<10240x128xf32, #tpu.memory_space<vmem_shared>>
      tpu.wait_indirect_dma semaphore(%arg15 : memref<!tpu.dma_semaphore, #tpu.memory_space<semaphore_mem>>) src(%arg10 : memref<128x128xf32, #tpu.memory_space<vmem>>) dst(%dma_wait3A_461 : memref<10240x128xf32, #tpu.memory_space<vmem_shared>>)
    }
    %scan3A_9 = arith.constant 5 : i32
    %barrier3A_10 = arith.constant 0 : index
    tpu.barrier barrier_id(%barrier3A_10)
    %mul3A_11 = arith.constant 640 : i32
    %mul3A_12 = arith.muli %arg1, %mul3A_11 : i32
    %mul3A_13 = arith.constant 640 : i32
    %mul3A_14 = arith.muli %arg1, %mul3A_13 : i32
    "tpu.region"() ({
      %run_scoped3A = tpu.sem_alloc : memref<!tpu.dma_semaphore, #tpu.memory_space<semaphore_mem>>
      %dma_start3A = arith.constant 0 : i32
      %dma_start3A_15 = tpu.memref_slice %arg6[%arg0, %mul3A_14, %dma_start3A] : memref<2x10240x128xf32, #tpu.memory_space<hbm>> -> memref<1x640x128xf32, #tpu.memory_space<hbm>>
      %dma_start3A_16 = tpu.memref_squeeze %dma_start3A_15 : memref<1x640x128xf32, #tpu.memory_space<hbm>> -> memref<640x128xf32, #tpu.memory_space<hbm>>
      %dma_start3A_17 = arith.constant 0 : i32
      %dma_start3A_18 = tpu.memref_slice %arg11[%mul3A_12, %dma_start3A_17] : memref<10240x128xf32, #tpu.memory_space<vmem_shared>> -> memref<640x128xf32, #tpu.memory_space<vmem_shared>>
      tpu.enqueue_dma source(%dma_start3A_18 : memref<640x128xf32, #tpu.memory_space<vmem_shared>>) target(%dma_start3A_16 : memref<640x128xf32, #tpu.memory_space<hbm>>) target_semaphore(%run_scoped3A : memref<!tpu.dma_semaphore, #tpu.memory_space<semaphore_mem>>)
      %dma_wait3A = arith.constant 0 : i32
      %dma_wait3A_19 = tpu.memref_slice %arg6[%arg0, %mul3A_14, %dma_wait3A] : memref<2x10240x128xf32, #tpu.memory_space<hbm>> -> memref<1x640x128xf32, #tpu.memory_space<hbm>>
      %dma_wait3A_20 = tpu.memref_squeeze %dma_wait3A_19 : memref<1x640x128xf32, #tpu.memory_space<hbm>> -> memref<640x128xf32, #tpu.memory_space<hbm>>
      %dma_wait3A_21 = arith.constant 0 : i32
      %dma_wait3A_22 = tpu.memref_slice %arg11[%mul3A_12, %dma_wait3A_21] : memref<10240x128xf32, #tpu.memory_space<vmem_shared>> -> memref<640x128xf32, #tpu.memory_space<vmem_shared>>
      tpu.wait_dma2 semaphore(%run_scoped3A : memref<!tpu.dma_semaphore, #tpu.memory_space<semaphore_mem>>) src(%dma_wait3A_22 : memref<640x128xf32, #tpu.memory_space<vmem_shared>>) dst(%dma_wait3A_20 : memref<640x128xf32, #tpu.memory_space<hbm>>)
      tpu.yield
    }) : () -> ()
    return
  }
}

#map = affine_map<(d0, d1) -> (0, 0)>
#map1 = affine_map<(d0, d1) -> (0, 0, 0, 0)>
#map2 = affine_map<(d0, d1) -> (0, 0, 0)>
module attributes {stable_mosaic.version = 14 : i64} {
  func.func @_edge_body(%arg0: i32, %arg1: i32, %arg2: memref<10240x128xf32, #tpu.memory_space<hbm>>, %arg3: memref<32x5x16x128xi32, #tpu.memory_space<hbm>>, %arg4: memref<32x5x16x128xi32, #tpu.memory_space<hbm>>, %arg5: memref<10240x128xf32, #tpu.memory_space<hbm>>, %arg6: memref<2x10240x128xf32, #tpu.memory_space<hbm>>, %arg7: memref<16x128xi32, #tpu.memory_space<vmem>>, %arg8: memref<16x128xi32, #tpu.memory_space<vmem>>, %arg9: memref<128x128xf32, #tpu.memory_space<vmem>>, %arg10: memref<128x128xf32, #tpu.memory_space<vmem>>, %arg11: memref<10240x128xf32, #tpu.memory_space<vmem_shared>>, %arg12: memref<!tpu.dma_semaphore, #tpu.memory_space<semaphore_mem>>, %arg13: memref<!tpu.dma_semaphore, #tpu.memory_space<semaphore_mem>>, %arg14: memref<!tpu.dma_semaphore, #tpu.memory_space<semaphore_mem>>, %arg15: memref<!tpu.dma_semaphore, #tpu.memory_space<semaphore_mem>>) attributes {dimension_semantics = [#tpu.dimension_semantics<core_parallel>, #tpu.dimension_semantics<subcore_parallel>], iteration_bounds = array<i64: 2, 16>, scalar_prefetch = 0 : i64, scratch_operands = 9 : i64, tpu.core_type = #tpu.core_type<sc_vector_subcore>, window_params = [{transform_indices = #map}, {transform_indices = #map1}, {transform_indices = #map1}, {transform_indices = #map}, {transform_indices = #map2}]} {
    %mul3A = arith.constant 16 : i32
    %mul3A_0 = arith.muli %arg0, %mul3A : i32
    %add3A = arith.addi %mul3A_0, %arg1 : i32
    %mul3A_1 = arith.constant 640 : i32
    %mul3A_2 = arith.muli %arg1, %mul3A_1 : i32
    %mul3A_3 = arith.constant 640 : i32
    %mul3A_4 = arith.muli %arg1, %mul3A_3 : i32
    "tpu.region"() ({
      %run_scoped3A = tpu.sem_alloc : memref<!tpu.dma_semaphore, #tpu.memory_space<semaphore_mem>>
      %dma_start3A = arith.constant 0 : i32
      %dma_start3A_15 = tpu.memref_slice %arg11[%mul3A_4, %dma_start3A] : memref<10240x128xf32, #tpu.memory_space<vmem_shared>> -> memref<640x128xf32, #tpu.memory_space<vmem_shared>>
      %dma_start3A_16 = arith.constant 0 : i32
      %dma_start3A_17 = tpu.memref_slice %arg5[%mul3A_2, %dma_start3A_16] : memref<10240x128xf32, #tpu.memory_space<hbm>> -> memref<640x128xf32, #tpu.memory_space<hbm>>
      tpu.enqueue_dma source(%dma_start3A_17 : memref<640x128xf32, #tpu.memory_space<hbm>>) target(%dma_start3A_15 : memref<640x128xf32, #tpu.memory_space<vmem_shared>>) target_semaphore(%run_scoped3A : memref<!tpu.dma_semaphore, #tpu.memory_space<semaphore_mem>>)
      %dma_wait3A = arith.constant 0 : i32
      %dma_wait3A_18 = tpu.memref_slice %arg11[%mul3A_4, %dma_wait3A] : memref<10240x128xf32, #tpu.memory_space<vmem_shared>> -> memref<640x128xf32, #tpu.memory_space<vmem_shared>>
      %dma_wait3A_19 = arith.constant 0 : i32
      %dma_wait3A_20 = tpu.memref_slice %arg5[%mul3A_2, %dma_wait3A_19] : memref<10240x128xf32, #tpu.memory_space<hbm>> -> memref<640x128xf32, #tpu.memory_space<hbm>>
      tpu.wait_dma2 semaphore(%run_scoped3A : memref<!tpu.dma_semaphore, #tpu.memory_space<semaphore_mem>>) src(%dma_wait3A_20 : memref<640x128xf32, #tpu.memory_space<hbm>>) dst(%dma_wait3A_18 : memref<640x128xf32, #tpu.memory_space<vmem_shared>>)
      tpu.yield
    }) : () -> ()
    %barrier3A = arith.constant 0 : index
    tpu.barrier barrier_id(%barrier3A)
    %scan3A = arith.constant 0 : i32
    %scan3A_5 = arith.constant 0 : i32
    %scan3A_6 = arith.constant 5 : i32
    %scan3A_7 = arith.addi %scan3A_5, %scan3A_6 : i32
    %scan3A_8 = arith.constant 1 : i32
    scf.for %scan3A_15 = %scan3A_5 to %scan3A_7 step %scan3A_8  : i32 {
      "tpu.region"() ({
        %run_scoped3A = tpu.sem_alloc : memref<!tpu.dma_semaphore, #tpu.memory_space<semaphore_mem>>
        %dma_start3A_462 = arith.constant 0 : i32
        %dma_start3A_463 = arith.constant 0 : i32
        %dma_start3A_464 = arith.constant 0 : i32
        %dma_start3A_465 = tpu.memref_slice %arg3[%add3A, %dma_start3A_462, %dma_start3A_463, %dma_start3A_464] : memref<32x5x16x128xi32, #tpu.memory_space<hbm>> -> memref<1x5x16x128xi32, #tpu.memory_space<hbm>>
        %dma_start3A_466 = tpu.memref_squeeze %dma_start3A_465 : memref<1x5x16x128xi32, #tpu.memory_space<hbm>> -> memref<5x16x128xi32, #tpu.memory_space<hbm>>
        %dma_start3A_467 = arith.constant 0 : i32
        %dma_start3A_468 = arith.constant 0 : i32
        %dma_start3A_469 = tpu.memref_slice %dma_start3A_466[%scan3A_15, %dma_start3A_467, %dma_start3A_468] : memref<5x16x128xi32, #tpu.memory_space<hbm>> -> memref<1x16x128xi32, #tpu.memory_space<hbm>>
        %dma_start3A_470 = tpu.memref_squeeze %dma_start3A_469 : memref<1x16x128xi32, #tpu.memory_space<hbm>> -> memref<16x128xi32, #tpu.memory_space<hbm>>
        %dma_start3A_471 = arith.constant 0 : i32
        %dma_start3A_472 = arith.constant 0 : i32
        %dma_start3A_473 = arith.constant 0 : i32
        %dma_start3A_474 = tpu.memref_slice %arg3[%add3A, %dma_start3A_471, %dma_start3A_472, %dma_start3A_473] : memref<32x5x16x128xi32, #tpu.memory_space<hbm>> -> memref<1x5x16x128xi32, #tpu.memory_space<hbm>>
        %dma_start3A_475 = tpu.memref_squeeze %dma_start3A_474 : memref<1x5x16x128xi32, #tpu.memory_space<hbm>> -> memref<5x16x128xi32, #tpu.memory_space<hbm>>
        %dma_start3A_476 = arith.constant 0 : i32
        %dma_start3A_477 = arith.constant 0 : i32
        %dma_start3A_478 = tpu.memref_slice %dma_start3A_475[%scan3A_15, %dma_start3A_476, %dma_start3A_477] : memref<5x16x128xi32, #tpu.memory_space<hbm>> -> memref<1x16x128xi32, #tpu.memory_space<hbm>>
        %dma_start3A_479 = tpu.memref_squeeze %dma_start3A_478 : memref<1x16x128xi32, #tpu.memory_space<hbm>> -> memref<16x128xi32, #tpu.memory_space<hbm>>
        tpu.enqueue_dma source(%dma_start3A_479 : memref<16x128xi32, #tpu.memory_space<hbm>>) target(%arg7 : memref<16x128xi32, #tpu.memory_space<vmem>>) target_semaphore(%run_scoped3A : memref<!tpu.dma_semaphore, #tpu.memory_space<semaphore_mem>>)
        %dma_wait3A_480 = arith.constant 0 : i32
        %dma_wait3A_481 = arith.constant 0 : i32
        %dma_wait3A_482 = arith.constant 0 : i32
        %dma_wait3A_483 = tpu.memref_slice %arg3[%add3A, %dma_wait3A_480, %dma_wait3A_481, %dma_wait3A_482] : memref<32x5x16x128xi32, #tpu.memory_space<hbm>> -> memref<1x5x16x128xi32, #tpu.memory_space<hbm>>
        %dma_wait3A_484 = tpu.memref_squeeze %dma_wait3A_483 : memref<1x5x16x128xi32, #tpu.memory_space<hbm>> -> memref<5x16x128xi32, #tpu.memory_space<hbm>>
        %dma_wait3A_485 = arith.constant 0 : i32
        %dma_wait3A_486 = arith.constant 0 : i32
        %dma_wait3A_487 = tpu.memref_slice %dma_wait3A_484[%scan3A_15, %dma_wait3A_485, %dma_wait3A_486] : memref<5x16x128xi32, #tpu.memory_space<hbm>> -> memref<1x16x128xi32, #tpu.memory_space<hbm>>
        %dma_wait3A_488 = tpu.memref_squeeze %dma_wait3A_487 : memref<1x16x128xi32, #tpu.memory_space<hbm>> -> memref<16x128xi32, #tpu.memory_space<hbm>>
        %dma_wait3A_489 = arith.constant 0 : i32
        %dma_wait3A_490 = arith.constant 0 : i32
        %dma_wait3A_491 = arith.constant 0 : i32
        %dma_wait3A_492 = tpu.memref_slice %arg3[%add3A, %dma_wait3A_489, %dma_wait3A_490, %dma_wait3A_491] : memref<32x5x16x128xi32, #tpu.memory_space<hbm>> -> memref<1x5x16x128xi32, #tpu.memory_space<hbm>>
        %dma_wait3A_493 = tpu.memref_squeeze %dma_wait3A_492 : memref<1x5x16x128xi32, #tpu.memory_space<hbm>> -> memref<5x16x128xi32, #tpu.memory_space<hbm>>
        %dma_wait3A_494 = arith.constant 0 : i32
        %dma_wait3A_495 = arith.constant 0 : i32
        %dma_wait3A_496 = tpu.memref_slice %dma_wait3A_493[%scan3A_15, %dma_wait3A_494, %dma_wait3A_495] : memref<5x16x128xi32, #tpu.memory_space<hbm>> -> memref<1x16x128xi32, #tpu.memory_space<hbm>>
        %dma_wait3A_497 = tpu.memref_squeeze %dma_wait3A_496 : memref<1x16x128xi32, #tpu.memory_space<hbm>> -> memref<16x128xi32, #tpu.memory_space<hbm>>
        tpu.wait_dma2 semaphore(%run_scoped3A : memref<!tpu.dma_semaphore, #tpu.memory_space<semaphore_mem>>) src(%dma_wait3A_497 : memref<16x128xi32, #tpu.memory_space<hbm>>) dst(%arg7 : memref<16x128xi32, #tpu.memory_space<vmem>>)
        tpu.yield
      }) : () -> ()
      "tpu.region"() ({
        %run_scoped3A = tpu.sem_alloc : memref<!tpu.dma_semaphore, #tpu.memory_space<semaphore_mem>>
        %dma_start3A_462 = arith.constant 0 : i32
        %dma_start3A_463 = arith.constant 0 : i32
        %dma_start3A_464 = arith.constant 0 : i32
        %dma_start3A_465 = tpu.memref_slice %arg4[%add3A, %dma_start3A_462, %dma_start3A_463, %dma_start3A_464] : memref<32x5x16x128xi32, #tpu.memory_space<hbm>> -> memref<1x5x16x128xi32, #tpu.memory_space<hbm>>
        %dma_start3A_466 = tpu.memref_squeeze %dma_start3A_465 : memref<1x5x16x128xi32, #tpu.memory_space<hbm>> -> memref<5x16x128xi32, #tpu.memory_space<hbm>>
        %dma_start3A_467 = arith.constant 0 : i32
        %dma_start3A_468 = arith.constant 0 : i32
        %dma_start3A_469 = tpu.memref_slice %dma_start3A_466[%scan3A_15, %dma_start3A_467, %dma_start3A_468] : memref<5x16x128xi32, #tpu.memory_space<hbm>> -> memref<1x16x128xi32, #tpu.memory_space<hbm>>
        %dma_start3A_470 = tpu.memref_squeeze %dma_start3A_469 : memref<1x16x128xi32, #tpu.memory_space<hbm>> -> memref<16x128xi32, #tpu.memory_space<hbm>>
        %dma_start3A_471 = arith.constant 0 : i32
        %dma_start3A_472 = arith.constant 0 : i32
        %dma_start3A_473 = arith.constant 0 : i32
        %dma_start3A_474 = tpu.memref_slice %arg4[%add3A, %dma_start3A_471, %dma_start3A_472, %dma_start3A_473] : memref<32x5x16x128xi32, #tpu.memory_space<hbm>> -> memref<1x5x16x128xi32, #tpu.memory_space<hbm>>
        %dma_start3A_475 = tpu.memref_squeeze %dma_start3A_474 : memref<1x5x16x128xi32, #tpu.memory_space<hbm>> -> memref<5x16x128xi32, #tpu.memory_space<hbm>>
        %dma_start3A_476 = arith.constant 0 : i32
        %dma_start3A_477 = arith.constant 0 : i32
        %dma_start3A_478 = tpu.memref_slice %dma_start3A_475[%scan3A_15, %dma_start3A_476, %dma_start3A_477] : memref<5x16x128xi32, #tpu.memory_space<hbm>> -> memref<1x16x128xi32, #tpu.memory_space<hbm>>
        %dma_start3A_479 = tpu.memref_squeeze %dma_start3A_478 : memref<1x16x128xi32, #tpu.memory_space<hbm>> -> memref<16x128xi32, #tpu.memory_space<hbm>>
        tpu.enqueue_dma source(%dma_start3A_479 : memref<16x128xi32, #tpu.memory_space<hbm>>) target(%arg8 : memref<16x128xi32, #tpu.memory_space<vmem>>) target_semaphore(%run_scoped3A : memref<!tpu.dma_semaphore, #tpu.memory_space<semaphore_mem>>)
        %dma_wait3A_480 = arith.constant 0 : i32
        %dma_wait3A_481 = arith.constant 0 : i32
        %dma_wait3A_482 = arith.constant 0 : i32
        %dma_wait3A_483 = tpu.memref_slice %arg4[%add3A, %dma_wait3A_480, %dma_wait3A_481, %dma_wait3A_482] : memref<32x5x16x128xi32, #tpu.memory_space<hbm>> -> memref<1x5x16x128xi32, #tpu.memory_space<hbm>>
        %dma_wait3A_484 = tpu.memref_squeeze %dma_wait3A_483 : memref<1x5x16x128xi32, #tpu.memory_space<hbm>> -> memref<5x16x128xi32, #tpu.memory_space<hbm>>
        %dma_wait3A_485 = arith.constant 0 : i32
        %dma_wait3A_486 = arith.constant 0 : i32
        %dma_wait3A_487 = tpu.memref_slice %dma_wait3A_484[%scan3A_15, %dma_wait3A_485, %dma_wait3A_486] : memref<5x16x128xi32, #tpu.memory_space<hbm>> -> memref<1x16x128xi32, #tpu.memory_space<hbm>>
        %dma_wait3A_488 = tpu.memref_squeeze %dma_wait3A_487 : memref<1x16x128xi32, #tpu.memory_space<hbm>> -> memref<16x128xi32, #tpu.memory_space<hbm>>
        %dma_wait3A_489 = arith.constant 0 : i32
        %dma_wait3A_490 = arith.constant 0 : i32
        %dma_wait3A_491 = arith.constant 0 : i32
        %dma_wait3A_492 = tpu.memref_slice %arg4[%add3A, %dma_wait3A_489, %dma_wait3A_490, %dma_wait3A_491] : memref<32x5x16x128xi32, #tpu.memory_space<hbm>> -> memref<1x5x16x128xi32, #tpu.memory_space<hbm>>
        %dma_wait3A_493 = tpu.memref_squeeze %dma_wait3A_492 : memref<1x5x16x128xi32, #tpu.memory_space<hbm>> -> memref<5x16x128xi32, #tpu.memory_space<hbm>>
        %dma_wait3A_494 = arith.constant 0 : i32
        %dma_wait3A_495 = arith.constant 0 : i32
        %dma_wait3A_496 = tpu.memref_slice %dma_wait3A_493[%scan3A_15, %dma_wait3A_494, %dma_wait3A_495] : memref<5x16x128xi32, #tpu.memory_space<hbm>> -> memref<1x16x128xi32, #tpu.memory_space<hbm>>
        %dma_wait3A_497 = tpu.memref_squeeze %dma_wait3A_496 : memref<1x16x128xi32, #tpu.memory_space<hbm>> -> memref<16x128xi32, #tpu.memory_space<hbm>>
        tpu.wait_dma2 semaphore(%run_scoped3A : memref<!tpu.dma_semaphore, #tpu.memory_space<semaphore_mem>>) src(%dma_wait3A_497 : memref<16x128xi32, #tpu.memory_space<hbm>>) dst(%arg8 : memref<16x128xi32, #tpu.memory_space<vmem>>)
        tpu.yield
      }) : () -> ()
      %dma_start3A = arith.constant 0 : i32
      %dma_start3A_16 = arith.constant 0 : i32
      %dma_start3A_17 = tpu.memref_slice %arg7[%dma_start3A, %dma_start3A_16] : memref<16x128xi32, #tpu.memory_space<vmem>> -> memref<1x128xi32, #tpu.memory_space<vmem>>
      %dma_start3A_18 = tpu.memref_squeeze %dma_start3A_17 : memref<1x128xi32, #tpu.memory_space<vmem>> -> memref<128xi32, #tpu.memory_space<vmem>>
      %dma_start3A_19 = arith.constant 0 : i32
      %dma_start3A_20 = arith.constant 0 : i32
      %dma_start3A_21 = tpu.memref_slice %arg2[%dma_start3A_19, %dma_start3A_20] : memref<10240x128xf32, #tpu.memory_space<hbm>> -> memref<10240x128xf32, #tpu.memory_space<hbm>>
      tpu.enqueue_indirect_dma source(%dma_start3A_21 : memref<10240x128xf32, #tpu.memory_space<hbm>>) target(%arg9 : memref<128x128xf32, #tpu.memory_space<vmem>>) offsets(%dma_start3A_18 : memref<128xi32, #tpu.memory_space<vmem>>) semaphore(%arg12 : memref<!tpu.dma_semaphore, #tpu.memory_space<semaphore_mem>>)
      %dma_start3A_22 = arith.constant 1 : i32
      %dma_start3A_23 = arith.constant 0 : i32
      %dma_start3A_24 = tpu.memref_slice %arg7[%dma_start3A_22, %dma_start3A_23] : memref<16x128xi32, #tpu.memory_space<vmem>> -> memref<1x128xi32, #tpu.memory_space<vmem>>
      %dma_start3A_25 = tpu.memref_squeeze %dma_start3A_24 : memref<1x128xi32, #tpu.memory_space<vmem>> -> memref<128xi32, #tpu.memory_space<vmem>>
      %dma_start3A_26 = arith.constant 0 : i32
      %dma_start3A_27 = arith.constant 0 : i32
      %dma_start3A_28 = tpu.memref_slice %arg2[%dma_start3A_26, %dma_start3A_27] : memref<10240x128xf32, #tpu.memory_space<hbm>> -> memref<10240x128xf32, #tpu.memory_space<hbm>>
      tpu.enqueue_indirect_dma source(%dma_start3A_28 : memref<10240x128xf32, #tpu.memory_space<hbm>>) target(%arg10 : memref<128x128xf32, #tpu.memory_space<vmem>>) offsets(%dma_start3A_25 : memref<128xi32, #tpu.memory_space<vmem>>) semaphore(%arg13 : memref<!tpu.dma_semaphore, #tpu.memory_space<semaphore_mem>>)
      %dma_wait3A = arith.constant 0 : i32
      %dma_wait3A_29 = arith.constant 0 : i32
      %dma_wait3A_30 = tpu.memref_slice %arg7[%dma_wait3A, %dma_wait3A_29] : memref<16x128xi32, #tpu.memory_space<vmem>> -> memref<1x128xi32, #tpu.memory_space<vmem>>
      %dma_wait3A_31 = tpu.memref_squeeze %dma_wait3A_30 : memref<1x128xi32, #tpu.memory_space<vmem>> -> memref<128xi32, #tpu.memory_space<vmem>>
      %dma_wait3A_32 = arith.constant 0 : i32
      %dma_wait3A_33 = arith.constant 0 : i32
      %dma_wait3A_34 = tpu.memref_slice %arg2[%dma_wait3A_32, %dma_wait3A_33] : memref<10240x128xf32, #tpu.memory_space<hbm>> -> memref<10240x128xf32, #tpu.memory_space<hbm>>
      tpu.wait_indirect_dma semaphore(%arg12 : memref<!tpu.dma_semaphore, #tpu.memory_space<semaphore_mem>>) src(%dma_wait3A_34 : memref<10240x128xf32, #tpu.memory_space<hbm>>) dst(%arg9 : memref<128x128xf32, #tpu.memory_space<vmem>>)
      %dma_start3A_35 = arith.constant 0 : i32
      %dma_start3A_36 = arith.constant 0 : i32
      %dma_start3A_37 = tpu.memref_slice %arg8[%dma_start3A_35, %dma_start3A_36] : memref<16x128xi32, #tpu.memory_space<vmem>> -> memref<1x128xi32, #tpu.memory_space<vmem>>
      %dma_start3A_38 = tpu.memref_squeeze %dma_start3A_37 : memref<1x128xi32, #tpu.memory_space<vmem>> -> memref<128xi32, #tpu.memory_space<vmem>>
      %dma_start3A_39 = arith.constant 0 : i32
      %dma_start3A_40 = arith.constant 0 : i32
      %dma_start3A_41 = tpu.memref_slice %arg11[%dma_start3A_39, %dma_start3A_40] : memref<10240x128xf32, #tpu.memory_space<vmem_shared>> -> memref<10240x128xf32, #tpu.memory_space<vmem_shared>>
      tpu.enqueue_indirect_dma source(%arg9 : memref<128x128xf32, #tpu.memory_space<vmem>>) target(%dma_start3A_41 : memref<10240x128xf32, #tpu.memory_space<vmem_shared>>) offsets(%dma_start3A_38 : memref<128xi32, #tpu.memory_space<vmem>>) semaphore(%arg14 : memref<!tpu.dma_semaphore, #tpu.memory_space<semaphore_mem>>) {add = true}
      %dma_wait3A_42 = arith.constant 0 : i32
      %dma_wait3A_43 = arith.constant 0 : i32
      %dma_wait3A_44 = tpu.memref_slice %arg8[%dma_wait3A_42, %dma_wait3A_43] : memref<16x128xi32, #tpu.memory_space<vmem>> -> memref<1x128xi32, #tpu.memory_space<vmem>>
      %dma_wait3A_45 = tpu.memref_squeeze %dma_wait3A_44 : memref<1x128xi32, #tpu.memory_space<vmem>> -> memref<128xi32, #tpu.memory_space<vmem>>
      %dma_wait3A_46 = arith.constant 0 : i32
      %dma_wait3A_47 = arith.constant 0 : i32
      %dma_wait3A_48 = tpu.memref_slice %arg11[%dma_wait3A_46, %dma_wait3A_47] : memref<10240x128xf32, #tpu.memory_space<vmem_shared>> -> memref<10240x128xf32, #tpu.memory_space<vmem_shared>>
      tpu.wait_indirect_dma semaphore(%arg14 : memref<!tpu.dma_semaphore, #tpu.memory_space<semaphore_mem>>) src(%arg9 : memref<128x128xf32, #tpu.memory_space<vmem>>) dst(%dma_wait3A_48 : memref<10240x128xf32, #tpu.memory_space<vmem_shared>>)
      %dma_start3A_49 = arith.constant 2 : i32
      %dma_start3A_50 = arith.constant 0 : i32
      %dma_start3A_51 = tpu.memref_slice %arg7[%dma_start3A_49, %dma_start3A_50] : memref<16x128xi32, #tpu.memory_space<vmem>> -> memref<1x128xi32, #tpu.memory_space<vmem>>
      %dma_start3A_52 = tpu.memref_squeeze %dma_start3A_51 : memref<1x128xi32, #tpu.memory_space<vmem>> -> memref<128xi32, #tpu.memory_space<vmem>>
      %dma_start3A_53 = arith.constant 0 : i32
      %dma_start3A_54 = arith.constant 0 : i32
      %dma_start3A_55 = tpu.memref_slice %arg2[%dma_start3A_53, %dma_start3A_54] : memref<10240x128xf32, #tpu.memory_space<hbm>> -> memref<10240x128xf32, #tpu.memory_space<hbm>>
      tpu.enqueue_indirect_dma source(%dma_start3A_55 : memref<10240x128xf32, #tpu.memory_space<hbm>>) target(%arg9 : memref<128x128xf32, #tpu.memory_space<vmem>>) offsets(%dma_start3A_52 : memref<128xi32, #tpu.memory_space<vmem>>) semaphore(%arg12 : memref<!tpu.dma_semaphore, #tpu.memory_space<semaphore_mem>>)
      %dma_wait3A_56 = arith.constant 1 : i32
      %dma_wait3A_57 = arith.constant 0 : i32
      %dma_wait3A_58 = tpu.memref_slice %arg7[%dma_wait3A_56, %dma_wait3A_57] : memref<16x128xi32, #tpu.memory_space<vmem>> -> memref<1x128xi32, #tpu.memory_space<vmem>>
      %dma_wait3A_59 = tpu.memref_squeeze %dma_wait3A_58 : memref<1x128xi32, #tpu.memory_space<vmem>> -> memref<128xi32, #tpu.memory_space<vmem>>
      %dma_wait3A_60 = arith.constant 0 : i32
      %dma_wait3A_61 = arith.constant 0 : i32
      %dma_wait3A_62 = tpu.memref_slice %arg2[%dma_wait3A_60, %dma_wait3A_61] : memref<10240x128xf32, #tpu.memory_space<hbm>> -> memref<10240x128xf32, #tpu.memory_space<hbm>>
      tpu.wait_indirect_dma semaphore(%arg13 : memref<!tpu.dma_semaphore, #tpu.memory_space<semaphore_mem>>) src(%dma_wait3A_62 : memref<10240x128xf32, #tpu.memory_space<hbm>>) dst(%arg10 : memref<128x128xf32, #tpu.memory_space<vmem>>)
      %dma_start3A_63 = arith.constant 1 : i32
      %dma_start3A_64 = arith.constant 0 : i32
      %dma_start3A_65 = tpu.memref_slice %arg8[%dma_start3A_63, %dma_start3A_64] : memref<16x128xi32, #tpu.memory_space<vmem>> -> memref<1x128xi32, #tpu.memory_space<vmem>>
      %dma_start3A_66 = tpu.memref_squeeze %dma_start3A_65 : memref<1x128xi32, #tpu.memory_space<vmem>> -> memref<128xi32, #tpu.memory_space<vmem>>
      %dma_start3A_67 = arith.constant 0 : i32
      %dma_start3A_68 = arith.constant 0 : i32
      %dma_start3A_69 = tpu.memref_slice %arg11[%dma_start3A_67, %dma_start3A_68] : memref<10240x128xf32, #tpu.memory_space<vmem_shared>> -> memref<10240x128xf32, #tpu.memory_space<vmem_shared>>
      tpu.enqueue_indirect_dma source(%arg10 : memref<128x128xf32, #tpu.memory_space<vmem>>) target(%dma_start3A_69 : memref<10240x128xf32, #tpu.memory_space<vmem_shared>>) offsets(%dma_start3A_66 : memref<128xi32, #tpu.memory_space<vmem>>) semaphore(%arg15 : memref<!tpu.dma_semaphore, #tpu.memory_space<semaphore_mem>>) {add = true}
      %dma_wait3A_70 = arith.constant 1 : i32
      %dma_wait3A_71 = arith.constant 0 : i32
      %dma_wait3A_72 = tpu.memref_slice %arg8[%dma_wait3A_70, %dma_wait3A_71] : memref<16x128xi32, #tpu.memory_space<vmem>> -> memref<1x128xi32, #tpu.memory_space<vmem>>
      %dma_wait3A_73 = tpu.memref_squeeze %dma_wait3A_72 : memref<1x128xi32, #tpu.memory_space<vmem>> -> memref<128xi32, #tpu.memory_space<vmem>>
      %dma_wait3A_74 = arith.constant 0 : i32
      %dma_wait3A_75 = arith.constant 0 : i32
      %dma_wait3A_76 = tpu.memref_slice %arg11[%dma_wait3A_74, %dma_wait3A_75] : memref<10240x128xf32, #tpu.memory_space<vmem_shared>> -> memref<10240x128xf32, #tpu.memory_space<vmem_shared>>
      tpu.wait_indirect_dma semaphore(%arg15 : memref<!tpu.dma_semaphore, #tpu.memory_space<semaphore_mem>>) src(%arg10 : memref<128x128xf32, #tpu.memory_space<vmem>>) dst(%dma_wait3A_76 : memref<10240x128xf32, #tpu.memory_space<vmem_shared>>)
      %dma_start3A_77 = arith.constant 3 : i32
      %dma_start3A_78 = arith.constant 0 : i32
      %dma_start3A_79 = tpu.memref_slice %arg7[%dma_start3A_77, %dma_start3A_78] : memref<16x128xi32, #tpu.memory_space<vmem>> -> memref<1x128xi32, #tpu.memory_space<vmem>>
      %dma_start3A_80 = tpu.memref_squeeze %dma_start3A_79 : memref<1x128xi32, #tpu.memory_space<vmem>> -> memref<128xi32, #tpu.memory_space<vmem>>
      %dma_start3A_81 = arith.constant 0 : i32
      %dma_start3A_82 = arith.constant 0 : i32
      %dma_start3A_83 = tpu.memref_slice %arg2[%dma_start3A_81, %dma_start3A_82] : memref<10240x128xf32, #tpu.memory_space<hbm>> -> memref<10240x128xf32, #tpu.memory_space<hbm>>
      tpu.enqueue_indirect_dma source(%dma_start3A_83 : memref<10240x128xf32, #tpu.memory_space<hbm>>) target(%arg10 : memref<128x128xf32, #tpu.memory_space<vmem>>) offsets(%dma_start3A_80 : memref<128xi32, #tpu.memory_space<vmem>>) semaphore(%arg13 : memref<!tpu.dma_semaphore, #tpu.memory_space<semaphore_mem>>)
      %dma_wait3A_84 = arith.constant 2 : i32
      %dma_wait3A_85 = arith.constant 0 : i32
      %dma_wait3A_86 = tpu.memref_slice %arg7[%dma_wait3A_84, %dma_wait3A_85] : memref<16x128xi32, #tpu.memory_space<vmem>> -> memref<1x128xi32, #tpu.memory_space<vmem>>
      %dma_wait3A_87 = tpu.memref_squeeze %dma_wait3A_86 : memref<1x128xi32, #tpu.memory_space<vmem>> -> memref<128xi32, #tpu.memory_space<vmem>>
      %dma_wait3A_88 = arith.constant 0 : i32
      %dma_wait3A_89 = arith.constant 0 : i32
      %dma_wait3A_90 = tpu.memref_slice %arg2[%dma_wait3A_88, %dma_wait3A_89] : memref<10240x128xf32, #tpu.memory_space<hbm>> -> memref<10240x128xf32, #tpu.memory_space<hbm>>
      tpu.wait_indirect_dma semaphore(%arg12 : memref<!tpu.dma_semaphore, #tpu.memory_space<semaphore_mem>>) src(%dma_wait3A_90 : memref<10240x128xf32, #tpu.memory_space<hbm>>) dst(%arg9 : memref<128x128xf32, #tpu.memory_space<vmem>>)
      %dma_start3A_91 = arith.constant 2 : i32
      %dma_start3A_92 = arith.constant 0 : i32
      %dma_start3A_93 = tpu.memref_slice %arg8[%dma_start3A_91, %dma_start3A_92] : memref<16x128xi32, #tpu.memory_space<vmem>> -> memref<1x128xi32, #tpu.memory_space<vmem>>
      %dma_start3A_94 = tpu.memref_squeeze %dma_start3A_93 : memref<1x128xi32, #tpu.memory_space<vmem>> -> memref<128xi32, #tpu.memory_space<vmem>>
      %dma_start3A_95 = arith.constant 0 : i32
      %dma_start3A_96 = arith.constant 0 : i32
      %dma_start3A_97 = tpu.memref_slice %arg11[%dma_start3A_95, %dma_start3A_96] : memref<10240x128xf32, #tpu.memory_space<vmem_shared>> -> memref<10240x128xf32, #tpu.memory_space<vmem_shared>>
      tpu.enqueue_indirect_dma source(%arg9 : memref<128x128xf32, #tpu.memory_space<vmem>>) target(%dma_start3A_97 : memref<10240x128xf32, #tpu.memory_space<vmem_shared>>) offsets(%dma_start3A_94 : memref<128xi32, #tpu.memory_space<vmem>>) semaphore(%arg14 : memref<!tpu.dma_semaphore, #tpu.memory_space<semaphore_mem>>) {add = true}
      %dma_wait3A_98 = arith.constant 2 : i32
      %dma_wait3A_99 = arith.constant 0 : i32
      %dma_wait3A_100 = tpu.memref_slice %arg8[%dma_wait3A_98, %dma_wait3A_99] : memref<16x128xi32, #tpu.memory_space<vmem>> -> memref<1x128xi32, #tpu.memory_space<vmem>>
      %dma_wait3A_101 = tpu.memref_squeeze %dma_wait3A_100 : memref<1x128xi32, #tpu.memory_space<vmem>> -> memref<128xi32, #tpu.memory_space<vmem>>
      %dma_wait3A_102 = arith.constant 0 : i32
      %dma_wait3A_103 = arith.constant 0 : i32
      %dma_wait3A_104 = tpu.memref_slice %arg11[%dma_wait3A_102, %dma_wait3A_103] : memref<10240x128xf32, #tpu.memory_space<vmem_shared>> -> memref<10240x128xf32, #tpu.memory_space<vmem_shared>>
      tpu.wait_indirect_dma semaphore(%arg14 : memref<!tpu.dma_semaphore, #tpu.memory_space<semaphore_mem>>) src(%arg9 : memref<128x128xf32, #tpu.memory_space<vmem>>) dst(%dma_wait3A_104 : memref<10240x128xf32, #tpu.memory_space<vmem_shared>>)
      %dma_start3A_105 = arith.constant 4 : i32
      %dma_start3A_106 = arith.constant 0 : i32
      %dma_start3A_107 = tpu.memref_slice %arg7[%dma_start3A_105, %dma_start3A_106] : memref<16x128xi32, #tpu.memory_space<vmem>> -> memref<1x128xi32, #tpu.memory_space<vmem>>
      %dma_start3A_108 = tpu.memref_squeeze %dma_start3A_107 : memref<1x128xi32, #tpu.memory_space<vmem>> -> memref<128xi32, #tpu.memory_space<vmem>>
      %dma_start3A_109 = arith.constant 0 : i32
      %dma_start3A_110 = arith.constant 0 : i32
      %dma_start3A_111 = tpu.memref_slice %arg2[%dma_start3A_109, %dma_start3A_110] : memref<10240x128xf32, #tpu.memory_space<hbm>> -> memref<10240x128xf32, #tpu.memory_space<hbm>>
      tpu.enqueue_indirect_dma source(%dma_start3A_111 : memref<10240x128xf32, #tpu.memory_space<hbm>>) target(%arg9 : memref<128x128xf32, #tpu.memory_space<vmem>>) offsets(%dma_start3A_108 : memref<128xi32, #tpu.memory_space<vmem>>) semaphore(%arg12 : memref<!tpu.dma_semaphore, #tpu.memory_space<semaphore_mem>>)
      %dma_wait3A_112 = arith.constant 3 : i32
      %dma_wait3A_113 = arith.constant 0 : i32
      %dma_wait3A_114 = tpu.memref_slice %arg7[%dma_wait3A_112, %dma_wait3A_113] : memref<16x128xi32, #tpu.memory_space<vmem>> -> memref<1x128xi32, #tpu.memory_space<vmem>>
      %dma_wait3A_115 = tpu.memref_squeeze %dma_wait3A_114 : memref<1x128xi32, #tpu.memory_space<vmem>> -> memref<128xi32, #tpu.memory_space<vmem>>
      %dma_wait3A_116 = arith.constant 0 : i32
      %dma_wait3A_117 = arith.constant 0 : i32
      %dma_wait3A_118 = tpu.memref_slice %arg2[%dma_wait3A_116, %dma_wait3A_117] : memref<10240x128xf32, #tpu.memory_space<hbm>> -> memref<10240x128xf32, #tpu.memory_space<hbm>>
      tpu.wait_indirect_dma semaphore(%arg13 : memref<!tpu.dma_semaphore, #tpu.memory_space<semaphore_mem>>) src(%dma_wait3A_118 : memref<10240x128xf32, #tpu.memory_space<hbm>>) dst(%arg10 : memref<128x128xf32, #tpu.memory_space<vmem>>)
      %dma_start3A_119 = arith.constant 3 : i32
      %dma_start3A_120 = arith.constant 0 : i32
      %dma_start3A_121 = tpu.memref_slice %arg8[%dma_start3A_119, %dma_start3A_120] : memref<16x128xi32, #tpu.memory_space<vmem>> -> memref<1x128xi32, #tpu.memory_space<vmem>>
      %dma_start3A_122 = tpu.memref_squeeze %dma_start3A_121 : memref<1x128xi32, #tpu.memory_space<vmem>> -> memref<128xi32, #tpu.memory_space<vmem>>
      %dma_start3A_123 = arith.constant 0 : i32
      %dma_start3A_124 = arith.constant 0 : i32
      %dma_start3A_125 = tpu.memref_slice %arg11[%dma_start3A_123, %dma_start3A_124] : memref<10240x128xf32, #tpu.memory_space<vmem_shared>> -> memref<10240x128xf32, #tpu.memory_space<vmem_shared>>
      tpu.enqueue_indirect_dma source(%arg10 : memref<128x128xf32, #tpu.memory_space<vmem>>) target(%dma_start3A_125 : memref<10240x128xf32, #tpu.memory_space<vmem_shared>>) offsets(%dma_start3A_122 : memref<128xi32, #tpu.memory_space<vmem>>) semaphore(%arg15 : memref<!tpu.dma_semaphore, #tpu.memory_space<semaphore_mem>>) {add = true}
      %dma_wait3A_126 = arith.constant 3 : i32
      %dma_wait3A_127 = arith.constant 0 : i32
      %dma_wait3A_128 = tpu.memref_slice %arg8[%dma_wait3A_126, %dma_wait3A_127] : memref<16x128xi32, #tpu.memory_space<vmem>> -> memref<1x128xi32, #tpu.memory_space<vmem>>
      %dma_wait3A_129 = tpu.memref_squeeze %dma_wait3A_128 : memref<1x128xi32, #tpu.memory_space<vmem>> -> memref<128xi32, #tpu.memory_space<vmem>>
      %dma_wait3A_130 = arith.constant 0 : i32
      %dma_wait3A_131 = arith.constant 0 : i32
      %dma_wait3A_132 = tpu.memref_slice %arg11[%dma_wait3A_130, %dma_wait3A_131] : memref<10240x128xf32, #tpu.memory_space<vmem_shared>> -> memref<10240x128xf32, #tpu.memory_space<vmem_shared>>
      tpu.wait_indirect_dma semaphore(%arg15 : memref<!tpu.dma_semaphore, #tpu.memory_space<semaphore_mem>>) src(%arg10 : memref<128x128xf32, #tpu.memory_space<vmem>>) dst(%dma_wait3A_132 : memref<10240x128xf32, #tpu.memory_space<vmem_shared>>)
      %dma_start3A_133 = arith.constant 5 : i32
      %dma_start3A_134 = arith.constant 0 : i32
      %dma_start3A_135 = tpu.memref_slice %arg7[%dma_start3A_133, %dma_start3A_134] : memref<16x128xi32, #tpu.memory_space<vmem>> -> memref<1x128xi32, #tpu.memory_space<vmem>>
      %dma_start3A_136 = tpu.memref_squeeze %dma_start3A_135 : memref<1x128xi32, #tpu.memory_space<vmem>> -> memref<128xi32, #tpu.memory_space<vmem>>
      %dma_start3A_137 = arith.constant 0 : i32
      %dma_start3A_138 = arith.constant 0 : i32
      %dma_start3A_139 = tpu.memref_slice %arg2[%dma_start3A_137, %dma_start3A_138] : memref<10240x128xf32, #tpu.memory_space<hbm>> -> memref<10240x128xf32, #tpu.memory_space<hbm>>
      tpu.enqueue_indirect_dma source(%dma_start3A_139 : memref<10240x128xf32, #tpu.memory_space<hbm>>) target(%arg10 : memref<128x128xf32, #tpu.memory_space<vmem>>) offsets(%dma_start3A_136 : memref<128xi32, #tpu.memory_space<vmem>>) semaphore(%arg13 : memref<!tpu.dma_semaphore, #tpu.memory_space<semaphore_mem>>)
      %dma_wait3A_140 = arith.constant 4 : i32
      %dma_wait3A_141 = arith.constant 0 : i32
      %dma_wait3A_142 = tpu.memref_slice %arg7[%dma_wait3A_140, %dma_wait3A_141] : memref<16x128xi32, #tpu.memory_space<vmem>> -> memref<1x128xi32, #tpu.memory_space<vmem>>
      %dma_wait3A_143 = tpu.memref_squeeze %dma_wait3A_142 : memref<1x128xi32, #tpu.memory_space<vmem>> -> memref<128xi32, #tpu.memory_space<vmem>>
      %dma_wait3A_144 = arith.constant 0 : i32
      %dma_wait3A_145 = arith.constant 0 : i32
      %dma_wait3A_146 = tpu.memref_slice %arg2[%dma_wait3A_144, %dma_wait3A_145] : memref<10240x128xf32, #tpu.memory_space<hbm>> -> memref<10240x128xf32, #tpu.memory_space<hbm>>
      tpu.wait_indirect_dma semaphore(%arg12 : memref<!tpu.dma_semaphore, #tpu.memory_space<semaphore_mem>>) src(%dma_wait3A_146 : memref<10240x128xf32, #tpu.memory_space<hbm>>) dst(%arg9 : memref<128x128xf32, #tpu.memory_space<vmem>>)
      %dma_start3A_147 = arith.constant 4 : i32
      %dma_start3A_148 = arith.constant 0 : i32
      %dma_start3A_149 = tpu.memref_slice %arg8[%dma_start3A_147, %dma_start3A_148] : memref<16x128xi32, #tpu.memory_space<vmem>> -> memref<1x128xi32, #tpu.memory_space<vmem>>
      %dma_start3A_150 = tpu.memref_squeeze %dma_start3A_149 : memref<1x128xi32, #tpu.memory_space<vmem>> -> memref<128xi32, #tpu.memory_space<vmem>>
      %dma_start3A_151 = arith.constant 0 : i32
      %dma_start3A_152 = arith.constant 0 : i32
      %dma_start3A_153 = tpu.memref_slice %arg11[%dma_start3A_151, %dma_start3A_152] : memref<10240x128xf32, #tpu.memory_space<vmem_shared>> -> memref<10240x128xf32, #tpu.memory_space<vmem_shared>>
      tpu.enqueue_indirect_dma source(%arg9 : memref<128x128xf32, #tpu.memory_space<vmem>>) target(%dma_start3A_153 : memref<10240x128xf32, #tpu.memory_space<vmem_shared>>) offsets(%dma_start3A_150 : memref<128xi32, #tpu.memory_space<vmem>>) semaphore(%arg14 : memref<!tpu.dma_semaphore, #tpu.memory_space<semaphore_mem>>) {add = true}
      %dma_wait3A_154 = arith.constant 4 : i32
      %dma_wait3A_155 = arith.constant 0 : i32
      %dma_wait3A_156 = tpu.memref_slice %arg8[%dma_wait3A_154, %dma_wait3A_155] : memref<16x128xi32, #tpu.memory_space<vmem>> -> memref<1x128xi32, #tpu.memory_space<vmem>>
      %dma_wait3A_157 = tpu.memref_squeeze %dma_wait3A_156 : memref<1x128xi32, #tpu.memory_space<vmem>> -> memref<128xi32, #tpu.memory_space<vmem>>
      %dma_wait3A_158 = arith.constant 0 : i32
      %dma_wait3A_159 = arith.constant 0 : i32
      %dma_wait3A_160 = tpu.memref_slice %arg11[%dma_wait3A_158, %dma_wait3A_159] : memref<10240x128xf32, #tpu.memory_space<vmem_shared>> -> memref<10240x128xf32, #tpu.memory_space<vmem_shared>>
      tpu.wait_indirect_dma semaphore(%arg14 : memref<!tpu.dma_semaphore, #tpu.memory_space<semaphore_mem>>) src(%arg9 : memref<128x128xf32, #tpu.memory_space<vmem>>) dst(%dma_wait3A_160 : memref<10240x128xf32, #tpu.memory_space<vmem_shared>>)
      %dma_start3A_161 = arith.constant 6 : i32
      %dma_start3A_162 = arith.constant 0 : i32
      %dma_start3A_163 = tpu.memref_slice %arg7[%dma_start3A_161, %dma_start3A_162] : memref<16x128xi32, #tpu.memory_space<vmem>> -> memref<1x128xi32, #tpu.memory_space<vmem>>
      %dma_start3A_164 = tpu.memref_squeeze %dma_start3A_163 : memref<1x128xi32, #tpu.memory_space<vmem>> -> memref<128xi32, #tpu.memory_space<vmem>>
      %dma_start3A_165 = arith.constant 0 : i32
      %dma_start3A_166 = arith.constant 0 : i32
      %dma_start3A_167 = tpu.memref_slice %arg2[%dma_start3A_165, %dma_start3A_166] : memref<10240x128xf32, #tpu.memory_space<hbm>> -> memref<10240x128xf32, #tpu.memory_space<hbm>>
      tpu.enqueue_indirect_dma source(%dma_start3A_167 : memref<10240x128xf32, #tpu.memory_space<hbm>>) target(%arg9 : memref<128x128xf32, #tpu.memory_space<vmem>>) offsets(%dma_start3A_164 : memref<128xi32, #tpu.memory_space<vmem>>) semaphore(%arg12 : memref<!tpu.dma_semaphore, #tpu.memory_space<semaphore_mem>>)
      %dma_wait3A_168 = arith.constant 5 : i32
      %dma_wait3A_169 = arith.constant 0 : i32
      %dma_wait3A_170 = tpu.memref_slice %arg7[%dma_wait3A_168, %dma_wait3A_169] : memref<16x128xi32, #tpu.memory_space<vmem>> -> memref<1x128xi32, #tpu.memory_space<vmem>>
      %dma_wait3A_171 = tpu.memref_squeeze %dma_wait3A_170 : memref<1x128xi32, #tpu.memory_space<vmem>> -> memref<128xi32, #tpu.memory_space<vmem>>
      %dma_wait3A_172 = arith.constant 0 : i32
      %dma_wait3A_173 = arith.constant 0 : i32
      %dma_wait3A_174 = tpu.memref_slice %arg2[%dma_wait3A_172, %dma_wait3A_173] : memref<10240x128xf32, #tpu.memory_space<hbm>> -> memref<10240x128xf32, #tpu.memory_space<hbm>>
      tpu.wait_indirect_dma semaphore(%arg13 : memref<!tpu.dma_semaphore, #tpu.memory_space<semaphore_mem>>) src(%dma_wait3A_174 : memref<10240x128xf32, #tpu.memory_space<hbm>>) dst(%arg10 : memref<128x128xf32, #tpu.memory_space<vmem>>)
      %dma_start3A_175 = arith.constant 5 : i32
      %dma_start3A_176 = arith.constant 0 : i32
      %dma_start3A_177 = tpu.memref_slice %arg8[%dma_start3A_175, %dma_start3A_176] : memref<16x128xi32, #tpu.memory_space<vmem>> -> memref<1x128xi32, #tpu.memory_space<vmem>>
      %dma_start3A_178 = tpu.memref_squeeze %dma_start3A_177 : memref<1x128xi32, #tpu.memory_space<vmem>> -> memref<128xi32, #tpu.memory_space<vmem>>
      %dma_start3A_179 = arith.constant 0 : i32
      %dma_start3A_180 = arith.constant 0 : i32
      %dma_start3A_181 = tpu.memref_slice %arg11[%dma_start3A_179, %dma_start3A_180] : memref<10240x128xf32, #tpu.memory_space<vmem_shared>> -> memref<10240x128xf32, #tpu.memory_space<vmem_shared>>
      tpu.enqueue_indirect_dma source(%arg10 : memref<128x128xf32, #tpu.memory_space<vmem>>) target(%dma_start3A_181 : memref<10240x128xf32, #tpu.memory_space<vmem_shared>>) offsets(%dma_start3A_178 : memref<128xi32, #tpu.memory_space<vmem>>) semaphore(%arg15 : memref<!tpu.dma_semaphore, #tpu.memory_space<semaphore_mem>>) {add = true}
      %dma_wait3A_182 = arith.constant 5 : i32
      %dma_wait3A_183 = arith.constant 0 : i32
      %dma_wait3A_184 = tpu.memref_slice %arg8[%dma_wait3A_182, %dma_wait3A_183] : memref<16x128xi32, #tpu.memory_space<vmem>> -> memref<1x128xi32, #tpu.memory_space<vmem>>
      %dma_wait3A_185 = tpu.memref_squeeze %dma_wait3A_184 : memref<1x128xi32, #tpu.memory_space<vmem>> -> memref<128xi32, #tpu.memory_space<vmem>>
      %dma_wait3A_186 = arith.constant 0 : i32
      %dma_wait3A_187 = arith.constant 0 : i32
      %dma_wait3A_188 = tpu.memref_slice %arg11[%dma_wait3A_186, %dma_wait3A_187] : memref<10240x128xf32, #tpu.memory_space<vmem_shared>> -> memref<10240x128xf32, #tpu.memory_space<vmem_shared>>
      tpu.wait_indirect_dma semaphore(%arg15 : memref<!tpu.dma_semaphore, #tpu.memory_space<semaphore_mem>>) src(%arg10 : memref<128x128xf32, #tpu.memory_space<vmem>>) dst(%dma_wait3A_188 : memref<10240x128xf32, #tpu.memory_space<vmem_shared>>)
      %dma_start3A_189 = arith.constant 7 : i32
      %dma_start3A_190 = arith.constant 0 : i32
      %dma_start3A_191 = tpu.memref_slice %arg7[%dma_start3A_189, %dma_start3A_190] : memref<16x128xi32, #tpu.memory_space<vmem>> -> memref<1x128xi32, #tpu.memory_space<vmem>>
      %dma_start3A_192 = tpu.memref_squeeze %dma_start3A_191 : memref<1x128xi32, #tpu.memory_space<vmem>> -> memref<128xi32, #tpu.memory_space<vmem>>
      %dma_start3A_193 = arith.constant 0 : i32
      %dma_start3A_194 = arith.constant 0 : i32
      %dma_start3A_195 = tpu.memref_slice %arg2[%dma_start3A_193, %dma_start3A_194] : memref<10240x128xf32, #tpu.memory_space<hbm>> -> memref<10240x128xf32, #tpu.memory_space<hbm>>
      tpu.enqueue_indirect_dma source(%dma_start3A_195 : memref<10240x128xf32, #tpu.memory_space<hbm>>) target(%arg10 : memref<128x128xf32, #tpu.memory_space<vmem>>) offsets(%dma_start3A_192 : memref<128xi32, #tpu.memory_space<vmem>>) semaphore(%arg13 : memref<!tpu.dma_semaphore, #tpu.memory_space<semaphore_mem>>)
      %dma_wait3A_196 = arith.constant 6 : i32
      %dma_wait3A_197 = arith.constant 0 : i32
      %dma_wait3A_198 = tpu.memref_slice %arg7[%dma_wait3A_196, %dma_wait3A_197] : memref<16x128xi32, #tpu.memory_space<vmem>> -> memref<1x128xi32, #tpu.memory_space<vmem>>
      %dma_wait3A_199 = tpu.memref_squeeze %dma_wait3A_198 : memref<1x128xi32, #tpu.memory_space<vmem>> -> memref<128xi32, #tpu.memory_space<vmem>>
      %dma_wait3A_200 = arith.constant 0 : i32
      %dma_wait3A_201 = arith.constant 0 : i32
      %dma_wait3A_202 = tpu.memref_slice %arg2[%dma_wait3A_200, %dma_wait3A_201] : memref<10240x128xf32, #tpu.memory_space<hbm>> -> memref<10240x128xf32, #tpu.memory_space<hbm>>
      tpu.wait_indirect_dma semaphore(%arg12 : memref<!tpu.dma_semaphore, #tpu.memory_space<semaphore_mem>>) src(%dma_wait3A_202 : memref<10240x128xf32, #tpu.memory_space<hbm>>) dst(%arg9 : memref<128x128xf32, #tpu.memory_space<vmem>>)
      %dma_start3A_203 = arith.constant 6 : i32
      %dma_start3A_204 = arith.constant 0 : i32
      %dma_start3A_205 = tpu.memref_slice %arg8[%dma_start3A_203, %dma_start3A_204] : memref<16x128xi32, #tpu.memory_space<vmem>> -> memref<1x128xi32, #tpu.memory_space<vmem>>
      %dma_start3A_206 = tpu.memref_squeeze %dma_start3A_205 : memref<1x128xi32, #tpu.memory_space<vmem>> -> memref<128xi32, #tpu.memory_space<vmem>>
      %dma_start3A_207 = arith.constant 0 : i32
      %dma_start3A_208 = arith.constant 0 : i32
      %dma_start3A_209 = tpu.memref_slice %arg11[%dma_start3A_207, %dma_start3A_208] : memref<10240x128xf32, #tpu.memory_space<vmem_shared>> -> memref<10240x128xf32, #tpu.memory_space<vmem_shared>>
      tpu.enqueue_indirect_dma source(%arg9 : memref<128x128xf32, #tpu.memory_space<vmem>>) target(%dma_start3A_209 : memref<10240x128xf32, #tpu.memory_space<vmem_shared>>) offsets(%dma_start3A_206 : memref<128xi32, #tpu.memory_space<vmem>>) semaphore(%arg14 : memref<!tpu.dma_semaphore, #tpu.memory_space<semaphore_mem>>) {add = true}
      %dma_wait3A_210 = arith.constant 6 : i32
      %dma_wait3A_211 = arith.constant 0 : i32
      %dma_wait3A_212 = tpu.memref_slice %arg8[%dma_wait3A_210, %dma_wait3A_211] : memref<16x128xi32, #tpu.memory_space<vmem>> -> memref<1x128xi32, #tpu.memory_space<vmem>>
      %dma_wait3A_213 = tpu.memref_squeeze %dma_wait3A_212 : memref<1x128xi32, #tpu.memory_space<vmem>> -> memref<128xi32, #tpu.memory_space<vmem>>
      %dma_wait3A_214 = arith.constant 0 : i32
      %dma_wait3A_215 = arith.constant 0 : i32
      %dma_wait3A_216 = tpu.memref_slice %arg11[%dma_wait3A_214, %dma_wait3A_215] : memref<10240x128xf32, #tpu.memory_space<vmem_shared>> -> memref<10240x128xf32, #tpu.memory_space<vmem_shared>>
      tpu.wait_indirect_dma semaphore(%arg14 : memref<!tpu.dma_semaphore, #tpu.memory_space<semaphore_mem>>) src(%arg9 : memref<128x128xf32, #tpu.memory_space<vmem>>) dst(%dma_wait3A_216 : memref<10240x128xf32, #tpu.memory_space<vmem_shared>>)
      %dma_start3A_217 = arith.constant 8 : i32
      %dma_start3A_218 = arith.constant 0 : i32
      %dma_start3A_219 = tpu.memref_slice %arg7[%dma_start3A_217, %dma_start3A_218] : memref<16x128xi32, #tpu.memory_space<vmem>> -> memref<1x128xi32, #tpu.memory_space<vmem>>
      %dma_start3A_220 = tpu.memref_squeeze %dma_start3A_219 : memref<1x128xi32, #tpu.memory_space<vmem>> -> memref<128xi32, #tpu.memory_space<vmem>>
      %dma_start3A_221 = arith.constant 0 : i32
      %dma_start3A_222 = arith.constant 0 : i32
      %dma_start3A_223 = tpu.memref_slice %arg2[%dma_start3A_221, %dma_start3A_222] : memref<10240x128xf32, #tpu.memory_space<hbm>> -> memref<10240x128xf32, #tpu.memory_space<hbm>>
      tpu.enqueue_indirect_dma source(%dma_start3A_223 : memref<10240x128xf32, #tpu.memory_space<hbm>>) target(%arg9 : memref<128x128xf32, #tpu.memory_space<vmem>>) offsets(%dma_start3A_220 : memref<128xi32, #tpu.memory_space<vmem>>) semaphore(%arg12 : memref<!tpu.dma_semaphore, #tpu.memory_space<semaphore_mem>>)
      %dma_wait3A_224 = arith.constant 7 : i32
      %dma_wait3A_225 = arith.constant 0 : i32
      %dma_wait3A_226 = tpu.memref_slice %arg7[%dma_wait3A_224, %dma_wait3A_225] : memref<16x128xi32, #tpu.memory_space<vmem>> -> memref<1x128xi32, #tpu.memory_space<vmem>>
      %dma_wait3A_227 = tpu.memref_squeeze %dma_wait3A_226 : memref<1x128xi32, #tpu.memory_space<vmem>> -> memref<128xi32, #tpu.memory_space<vmem>>
      %dma_wait3A_228 = arith.constant 0 : i32
      %dma_wait3A_229 = arith.constant 0 : i32
      %dma_wait3A_230 = tpu.memref_slice %arg2[%dma_wait3A_228, %dma_wait3A_229] : memref<10240x128xf32, #tpu.memory_space<hbm>> -> memref<10240x128xf32, #tpu.memory_space<hbm>>
      tpu.wait_indirect_dma semaphore(%arg13 : memref<!tpu.dma_semaphore, #tpu.memory_space<semaphore_mem>>) src(%dma_wait3A_230 : memref<10240x128xf32, #tpu.memory_space<hbm>>) dst(%arg10 : memref<128x128xf32, #tpu.memory_space<vmem>>)
      %dma_start3A_231 = arith.constant 7 : i32
      %dma_start3A_232 = arith.constant 0 : i32
      %dma_start3A_233 = tpu.memref_slice %arg8[%dma_start3A_231, %dma_start3A_232] : memref<16x128xi32, #tpu.memory_space<vmem>> -> memref<1x128xi32, #tpu.memory_space<vmem>>
      %dma_start3A_234 = tpu.memref_squeeze %dma_start3A_233 : memref<1x128xi32, #tpu.memory_space<vmem>> -> memref<128xi32, #tpu.memory_space<vmem>>
      %dma_start3A_235 = arith.constant 0 : i32
      %dma_start3A_236 = arith.constant 0 : i32
      %dma_start3A_237 = tpu.memref_slice %arg11[%dma_start3A_235, %dma_start3A_236] : memref<10240x128xf32, #tpu.memory_space<vmem_shared>> -> memref<10240x128xf32, #tpu.memory_space<vmem_shared>>
      tpu.enqueue_indirect_dma source(%arg10 : memref<128x128xf32, #tpu.memory_space<vmem>>) target(%dma_start3A_237 : memref<10240x128xf32, #tpu.memory_space<vmem_shared>>) offsets(%dma_start3A_234 : memref<128xi32, #tpu.memory_space<vmem>>) semaphore(%arg15 : memref<!tpu.dma_semaphore, #tpu.memory_space<semaphore_mem>>) {add = true}
      %dma_wait3A_238 = arith.constant 7 : i32
      %dma_wait3A_239 = arith.constant 0 : i32
      %dma_wait3A_240 = tpu.memref_slice %arg8[%dma_wait3A_238, %dma_wait3A_239] : memref<16x128xi32, #tpu.memory_space<vmem>> -> memref<1x128xi32, #tpu.memory_space<vmem>>
      %dma_wait3A_241 = tpu.memref_squeeze %dma_wait3A_240 : memref<1x128xi32, #tpu.memory_space<vmem>> -> memref<128xi32, #tpu.memory_space<vmem>>
      %dma_wait3A_242 = arith.constant 0 : i32
      %dma_wait3A_243 = arith.constant 0 : i32
      %dma_wait3A_244 = tpu.memref_slice %arg11[%dma_wait3A_242, %dma_wait3A_243] : memref<10240x128xf32, #tpu.memory_space<vmem_shared>> -> memref<10240x128xf32, #tpu.memory_space<vmem_shared>>
      tpu.wait_indirect_dma semaphore(%arg15 : memref<!tpu.dma_semaphore, #tpu.memory_space<semaphore_mem>>) src(%arg10 : memref<128x128xf32, #tpu.memory_space<vmem>>) dst(%dma_wait3A_244 : memref<10240x128xf32, #tpu.memory_space<vmem_shared>>)
      %dma_start3A_245 = arith.constant 9 : i32
      %dma_start3A_246 = arith.constant 0 : i32
      %dma_start3A_247 = tpu.memref_slice %arg7[%dma_start3A_245, %dma_start3A_246] : memref<16x128xi32, #tpu.memory_space<vmem>> -> memref<1x128xi32, #tpu.memory_space<vmem>>
      %dma_start3A_248 = tpu.memref_squeeze %dma_start3A_247 : memref<1x128xi32, #tpu.memory_space<vmem>> -> memref<128xi32, #tpu.memory_space<vmem>>
      %dma_start3A_249 = arith.constant 0 : i32
      %dma_start3A_250 = arith.constant 0 : i32
      %dma_start3A_251 = tpu.memref_slice %arg2[%dma_start3A_249, %dma_start3A_250] : memref<10240x128xf32, #tpu.memory_space<hbm>> -> memref<10240x128xf32, #tpu.memory_space<hbm>>
      tpu.enqueue_indirect_dma source(%dma_start3A_251 : memref<10240x128xf32, #tpu.memory_space<hbm>>) target(%arg10 : memref<128x128xf32, #tpu.memory_space<vmem>>) offsets(%dma_start3A_248 : memref<128xi32, #tpu.memory_space<vmem>>) semaphore(%arg13 : memref<!tpu.dma_semaphore, #tpu.memory_space<semaphore_mem>>)
      %dma_wait3A_252 = arith.constant 8 : i32
      %dma_wait3A_253 = arith.constant 0 : i32
      %dma_wait3A_254 = tpu.memref_slice %arg7[%dma_wait3A_252, %dma_wait3A_253] : memref<16x128xi32, #tpu.memory_space<vmem>> -> memref<1x128xi32, #tpu.memory_space<vmem>>
      %dma_wait3A_255 = tpu.memref_squeeze %dma_wait3A_254 : memref<1x128xi32, #tpu.memory_space<vmem>> -> memref<128xi32, #tpu.memory_space<vmem>>
      %dma_wait3A_256 = arith.constant 0 : i32
      %dma_wait3A_257 = arith.constant 0 : i32
      %dma_wait3A_258 = tpu.memref_slice %arg2[%dma_wait3A_256, %dma_wait3A_257] : memref<10240x128xf32, #tpu.memory_space<hbm>> -> memref<10240x128xf32, #tpu.memory_space<hbm>>
      tpu.wait_indirect_dma semaphore(%arg12 : memref<!tpu.dma_semaphore, #tpu.memory_space<semaphore_mem>>) src(%dma_wait3A_258 : memref<10240x128xf32, #tpu.memory_space<hbm>>) dst(%arg9 : memref<128x128xf32, #tpu.memory_space<vmem>>)
      %dma_start3A_259 = arith.constant 8 : i32
      %dma_start3A_260 = arith.constant 0 : i32
      %dma_start3A_261 = tpu.memref_slice %arg8[%dma_start3A_259, %dma_start3A_260] : memref<16x128xi32, #tpu.memory_space<vmem>> -> memref<1x128xi32, #tpu.memory_space<vmem>>
      %dma_start3A_262 = tpu.memref_squeeze %dma_start3A_261 : memref<1x128xi32, #tpu.memory_space<vmem>> -> memref<128xi32, #tpu.memory_space<vmem>>
      %dma_start3A_263 = arith.constant 0 : i32
      %dma_start3A_264 = arith.constant 0 : i32
      %dma_start3A_265 = tpu.memref_slice %arg11[%dma_start3A_263, %dma_start3A_264] : memref<10240x128xf32, #tpu.memory_space<vmem_shared>> -> memref<10240x128xf32, #tpu.memory_space<vmem_shared>>
      tpu.enqueue_indirect_dma source(%arg9 : memref<128x128xf32, #tpu.memory_space<vmem>>) target(%dma_start3A_265 : memref<10240x128xf32, #tpu.memory_space<vmem_shared>>) offsets(%dma_start3A_262 : memref<128xi32, #tpu.memory_space<vmem>>) semaphore(%arg14 : memref<!tpu.dma_semaphore, #tpu.memory_space<semaphore_mem>>) {add = true}
      %dma_wait3A_266 = arith.constant 8 : i32
      %dma_wait3A_267 = arith.constant 0 : i32
      %dma_wait3A_268 = tpu.memref_slice %arg8[%dma_wait3A_266, %dma_wait3A_267] : memref<16x128xi32, #tpu.memory_space<vmem>> -> memref<1x128xi32, #tpu.memory_space<vmem>>
      %dma_wait3A_269 = tpu.memref_squeeze %dma_wait3A_268 : memref<1x128xi32, #tpu.memory_space<vmem>> -> memref<128xi32, #tpu.memory_space<vmem>>
      %dma_wait3A_270 = arith.constant 0 : i32
      %dma_wait3A_271 = arith.constant 0 : i32
      %dma_wait3A_272 = tpu.memref_slice %arg11[%dma_wait3A_270, %dma_wait3A_271] : memref<10240x128xf32, #tpu.memory_space<vmem_shared>> -> memref<10240x128xf32, #tpu.memory_space<vmem_shared>>
      tpu.wait_indirect_dma semaphore(%arg14 : memref<!tpu.dma_semaphore, #tpu.memory_space<semaphore_mem>>) src(%arg9 : memref<128x128xf32, #tpu.memory_space<vmem>>) dst(%dma_wait3A_272 : memref<10240x128xf32, #tpu.memory_space<vmem_shared>>)
      %dma_start3A_273 = arith.constant 10 : i32
      %dma_start3A_274 = arith.constant 0 : i32
      %dma_start3A_275 = tpu.memref_slice %arg7[%dma_start3A_273, %dma_start3A_274] : memref<16x128xi32, #tpu.memory_space<vmem>> -> memref<1x128xi32, #tpu.memory_space<vmem>>
      %dma_start3A_276 = tpu.memref_squeeze %dma_start3A_275 : memref<1x128xi32, #tpu.memory_space<vmem>> -> memref<128xi32, #tpu.memory_space<vmem>>
      %dma_start3A_277 = arith.constant 0 : i32
      %dma_start3A_278 = arith.constant 0 : i32
      %dma_start3A_279 = tpu.memref_slice %arg2[%dma_start3A_277, %dma_start3A_278] : memref<10240x128xf32, #tpu.memory_space<hbm>> -> memref<10240x128xf32, #tpu.memory_space<hbm>>
      tpu.enqueue_indirect_dma source(%dma_start3A_279 : memref<10240x128xf32, #tpu.memory_space<hbm>>) target(%arg9 : memref<128x128xf32, #tpu.memory_space<vmem>>) offsets(%dma_start3A_276 : memref<128xi32, #tpu.memory_space<vmem>>) semaphore(%arg12 : memref<!tpu.dma_semaphore, #tpu.memory_space<semaphore_mem>>)
      %dma_wait3A_280 = arith.constant 9 : i32
      %dma_wait3A_281 = arith.constant 0 : i32
      %dma_wait3A_282 = tpu.memref_slice %arg7[%dma_wait3A_280, %dma_wait3A_281] : memref<16x128xi32, #tpu.memory_space<vmem>> -> memref<1x128xi32, #tpu.memory_space<vmem>>
      %dma_wait3A_283 = tpu.memref_squeeze %dma_wait3A_282 : memref<1x128xi32, #tpu.memory_space<vmem>> -> memref<128xi32, #tpu.memory_space<vmem>>
      %dma_wait3A_284 = arith.constant 0 : i32
      %dma_wait3A_285 = arith.constant 0 : i32
      %dma_wait3A_286 = tpu.memref_slice %arg2[%dma_wait3A_284, %dma_wait3A_285] : memref<10240x128xf32, #tpu.memory_space<hbm>> -> memref<10240x128xf32, #tpu.memory_space<hbm>>
      tpu.wait_indirect_dma semaphore(%arg13 : memref<!tpu.dma_semaphore, #tpu.memory_space<semaphore_mem>>) src(%dma_wait3A_286 : memref<10240x128xf32, #tpu.memory_space<hbm>>) dst(%arg10 : memref<128x128xf32, #tpu.memory_space<vmem>>)
      %dma_start3A_287 = arith.constant 9 : i32
      %dma_start3A_288 = arith.constant 0 : i32
      %dma_start3A_289 = tpu.memref_slice %arg8[%dma_start3A_287, %dma_start3A_288] : memref<16x128xi32, #tpu.memory_space<vmem>> -> memref<1x128xi32, #tpu.memory_space<vmem>>
      %dma_start3A_290 = tpu.memref_squeeze %dma_start3A_289 : memref<1x128xi32, #tpu.memory_space<vmem>> -> memref<128xi32, #tpu.memory_space<vmem>>
      %dma_start3A_291 = arith.constant 0 : i32
      %dma_start3A_292 = arith.constant 0 : i32
      %dma_start3A_293 = tpu.memref_slice %arg11[%dma_start3A_291, %dma_start3A_292] : memref<10240x128xf32, #tpu.memory_space<vmem_shared>> -> memref<10240x128xf32, #tpu.memory_space<vmem_shared>>
      tpu.enqueue_indirect_dma source(%arg10 : memref<128x128xf32, #tpu.memory_space<vmem>>) target(%dma_start3A_293 : memref<10240x128xf32, #tpu.memory_space<vmem_shared>>) offsets(%dma_start3A_290 : memref<128xi32, #tpu.memory_space<vmem>>) semaphore(%arg15 : memref<!tpu.dma_semaphore, #tpu.memory_space<semaphore_mem>>) {add = true}
      %dma_wait3A_294 = arith.constant 9 : i32
      %dma_wait3A_295 = arith.constant 0 : i32
      %dma_wait3A_296 = tpu.memref_slice %arg8[%dma_wait3A_294, %dma_wait3A_295] : memref<16x128xi32, #tpu.memory_space<vmem>> -> memref<1x128xi32, #tpu.memory_space<vmem>>
      %dma_wait3A_297 = tpu.memref_squeeze %dma_wait3A_296 : memref<1x128xi32, #tpu.memory_space<vmem>> -> memref<128xi32, #tpu.memory_space<vmem>>
      %dma_wait3A_298 = arith.constant 0 : i32
      %dma_wait3A_299 = arith.constant 0 : i32
      %dma_wait3A_300 = tpu.memref_slice %arg11[%dma_wait3A_298, %dma_wait3A_299] : memref<10240x128xf32, #tpu.memory_space<vmem_shared>> -> memref<10240x128xf32, #tpu.memory_space<vmem_shared>>
      tpu.wait_indirect_dma semaphore(%arg15 : memref<!tpu.dma_semaphore, #tpu.memory_space<semaphore_mem>>) src(%arg10 : memref<128x128xf32, #tpu.memory_space<vmem>>) dst(%dma_wait3A_300 : memref<10240x128xf32, #tpu.memory_space<vmem_shared>>)
      %dma_start3A_301 = arith.constant 11 : i32
      %dma_start3A_302 = arith.constant 0 : i32
      %dma_start3A_303 = tpu.memref_slice %arg7[%dma_start3A_301, %dma_start3A_302] : memref<16x128xi32, #tpu.memory_space<vmem>> -> memref<1x128xi32, #tpu.memory_space<vmem>>
      %dma_start3A_304 = tpu.memref_squeeze %dma_start3A_303 : memref<1x128xi32, #tpu.memory_space<vmem>> -> memref<128xi32, #tpu.memory_space<vmem>>
      %dma_start3A_305 = arith.constant 0 : i32
      %dma_start3A_306 = arith.constant 0 : i32
      %dma_start3A_307 = tpu.memref_slice %arg2[%dma_start3A_305, %dma_start3A_306] : memref<10240x128xf32, #tpu.memory_space<hbm>> -> memref<10240x128xf32, #tpu.memory_space<hbm>>
      tpu.enqueue_indirect_dma source(%dma_start3A_307 : memref<10240x128xf32, #tpu.memory_space<hbm>>) target(%arg10 : memref<128x128xf32, #tpu.memory_space<vmem>>) offsets(%dma_start3A_304 : memref<128xi32, #tpu.memory_space<vmem>>) semaphore(%arg13 : memref<!tpu.dma_semaphore, #tpu.memory_space<semaphore_mem>>)
      %dma_wait3A_308 = arith.constant 10 : i32
      %dma_wait3A_309 = arith.constant 0 : i32
      %dma_wait3A_310 = tpu.memref_slice %arg7[%dma_wait3A_308, %dma_wait3A_309] : memref<16x128xi32, #tpu.memory_space<vmem>> -> memref<1x128xi32, #tpu.memory_space<vmem>>
      %dma_wait3A_311 = tpu.memref_squeeze %dma_wait3A_310 : memref<1x128xi32, #tpu.memory_space<vmem>> -> memref<128xi32, #tpu.memory_space<vmem>>
      %dma_wait3A_312 = arith.constant 0 : i32
      %dma_wait3A_313 = arith.constant 0 : i32
      %dma_wait3A_314 = tpu.memref_slice %arg2[%dma_wait3A_312, %dma_wait3A_313] : memref<10240x128xf32, #tpu.memory_space<hbm>> -> memref<10240x128xf32, #tpu.memory_space<hbm>>
      tpu.wait_indirect_dma semaphore(%arg12 : memref<!tpu.dma_semaphore, #tpu.memory_space<semaphore_mem>>) src(%dma_wait3A_314 : memref<10240x128xf32, #tpu.memory_space<hbm>>) dst(%arg9 : memref<128x128xf32, #tpu.memory_space<vmem>>)
      %dma_start3A_315 = arith.constant 10 : i32
      %dma_start3A_316 = arith.constant 0 : i32
      %dma_start3A_317 = tpu.memref_slice %arg8[%dma_start3A_315, %dma_start3A_316] : memref<16x128xi32, #tpu.memory_space<vmem>> -> memref<1x128xi32, #tpu.memory_space<vmem>>
      %dma_start3A_318 = tpu.memref_squeeze %dma_start3A_317 : memref<1x128xi32, #tpu.memory_space<vmem>> -> memref<128xi32, #tpu.memory_space<vmem>>
      %dma_start3A_319 = arith.constant 0 : i32
      %dma_start3A_320 = arith.constant 0 : i32
      %dma_start3A_321 = tpu.memref_slice %arg11[%dma_start3A_319, %dma_start3A_320] : memref<10240x128xf32, #tpu.memory_space<vmem_shared>> -> memref<10240x128xf32, #tpu.memory_space<vmem_shared>>
      tpu.enqueue_indirect_dma source(%arg9 : memref<128x128xf32, #tpu.memory_space<vmem>>) target(%dma_start3A_321 : memref<10240x128xf32, #tpu.memory_space<vmem_shared>>) offsets(%dma_start3A_318 : memref<128xi32, #tpu.memory_space<vmem>>) semaphore(%arg14 : memref<!tpu.dma_semaphore, #tpu.memory_space<semaphore_mem>>) {add = true}
      %dma_wait3A_322 = arith.constant 10 : i32
      %dma_wait3A_323 = arith.constant 0 : i32
      %dma_wait3A_324 = tpu.memref_slice %arg8[%dma_wait3A_322, %dma_wait3A_323] : memref<16x128xi32, #tpu.memory_space<vmem>> -> memref<1x128xi32, #tpu.memory_space<vmem>>
      %dma_wait3A_325 = tpu.memref_squeeze %dma_wait3A_324 : memref<1x128xi32, #tpu.memory_space<vmem>> -> memref<128xi32, #tpu.memory_space<vmem>>
      %dma_wait3A_326 = arith.constant 0 : i32
      %dma_wait3A_327 = arith.constant 0 : i32
      %dma_wait3A_328 = tpu.memref_slice %arg11[%dma_wait3A_326, %dma_wait3A_327] : memref<10240x128xf32, #tpu.memory_space<vmem_shared>> -> memref<10240x128xf32, #tpu.memory_space<vmem_shared>>
      tpu.wait_indirect_dma semaphore(%arg14 : memref<!tpu.dma_semaphore, #tpu.memory_space<semaphore_mem>>) src(%arg9 : memref<128x128xf32, #tpu.memory_space<vmem>>) dst(%dma_wait3A_328 : memref<10240x128xf32, #tpu.memory_space<vmem_shared>>)
      %dma_start3A_329 = arith.constant 12 : i32
      %dma_start3A_330 = arith.constant 0 : i32
      %dma_start3A_331 = tpu.memref_slice %arg7[%dma_start3A_329, %dma_start3A_330] : memref<16x128xi32, #tpu.memory_space<vmem>> -> memref<1x128xi32, #tpu.memory_space<vmem>>
      %dma_start3A_332 = tpu.memref_squeeze %dma_start3A_331 : memref<1x128xi32, #tpu.memory_space<vmem>> -> memref<128xi32, #tpu.memory_space<vmem>>
      %dma_start3A_333 = arith.constant 0 : i32
      %dma_start3A_334 = arith.constant 0 : i32
      %dma_start3A_335 = tpu.memref_slice %arg2[%dma_start3A_333, %dma_start3A_334] : memref<10240x128xf32, #tpu.memory_space<hbm>> -> memref<10240x128xf32, #tpu.memory_space<hbm>>
      tpu.enqueue_indirect_dma source(%dma_start3A_335 : memref<10240x128xf32, #tpu.memory_space<hbm>>) target(%arg9 : memref<128x128xf32, #tpu.memory_space<vmem>>) offsets(%dma_start3A_332 : memref<128xi32, #tpu.memory_space<vmem>>) semaphore(%arg12 : memref<!tpu.dma_semaphore, #tpu.memory_space<semaphore_mem>>)
      %dma_wait3A_336 = arith.constant 11 : i32
      %dma_wait3A_337 = arith.constant 0 : i32
      %dma_wait3A_338 = tpu.memref_slice %arg7[%dma_wait3A_336, %dma_wait3A_337] : memref<16x128xi32, #tpu.memory_space<vmem>> -> memref<1x128xi32, #tpu.memory_space<vmem>>
      %dma_wait3A_339 = tpu.memref_squeeze %dma_wait3A_338 : memref<1x128xi32, #tpu.memory_space<vmem>> -> memref<128xi32, #tpu.memory_space<vmem>>
      %dma_wait3A_340 = arith.constant 0 : i32
      %dma_wait3A_341 = arith.constant 0 : i32
      %dma_wait3A_342 = tpu.memref_slice %arg2[%dma_wait3A_340, %dma_wait3A_341] : memref<10240x128xf32, #tpu.memory_space<hbm>> -> memref<10240x128xf32, #tpu.memory_space<hbm>>
      tpu.wait_indirect_dma semaphore(%arg13 : memref<!tpu.dma_semaphore, #tpu.memory_space<semaphore_mem>>) src(%dma_wait3A_342 : memref<10240x128xf32, #tpu.memory_space<hbm>>) dst(%arg10 : memref<128x128xf32, #tpu.memory_space<vmem>>)
      %dma_start3A_343 = arith.constant 11 : i32
      %dma_start3A_344 = arith.constant 0 : i32
      %dma_start3A_345 = tpu.memref_slice %arg8[%dma_start3A_343, %dma_start3A_344] : memref<16x128xi32, #tpu.memory_space<vmem>> -> memref<1x128xi32, #tpu.memory_space<vmem>>
      %dma_start3A_346 = tpu.memref_squeeze %dma_start3A_345 : memref<1x128xi32, #tpu.memory_space<vmem>> -> memref<128xi32, #tpu.memory_space<vmem>>
      %dma_start3A_347 = arith.constant 0 : i32
      %dma_start3A_348 = arith.constant 0 : i32
      %dma_start3A_349 = tpu.memref_slice %arg11[%dma_start3A_347, %dma_start3A_348] : memref<10240x128xf32, #tpu.memory_space<vmem_shared>> -> memref<10240x128xf32, #tpu.memory_space<vmem_shared>>
      tpu.enqueue_indirect_dma source(%arg10 : memref<128x128xf32, #tpu.memory_space<vmem>>) target(%dma_start3A_349 : memref<10240x128xf32, #tpu.memory_space<vmem_shared>>) offsets(%dma_start3A_346 : memref<128xi32, #tpu.memory_space<vmem>>) semaphore(%arg15 : memref<!tpu.dma_semaphore, #tpu.memory_space<semaphore_mem>>) {add = true}
      %dma_wait3A_350 = arith.constant 11 : i32
      %dma_wait3A_351 = arith.constant 0 : i32
      %dma_wait3A_352 = tpu.memref_slice %arg8[%dma_wait3A_350, %dma_wait3A_351] : memref<16x128xi32, #tpu.memory_space<vmem>> -> memref<1x128xi32, #tpu.memory_space<vmem>>
      %dma_wait3A_353 = tpu.memref_squeeze %dma_wait3A_352 : memref<1x128xi32, #tpu.memory_space<vmem>> -> memref<128xi32, #tpu.memory_space<vmem>>
      %dma_wait3A_354 = arith.constant 0 : i32
      %dma_wait3A_355 = arith.constant 0 : i32
      %dma_wait3A_356 = tpu.memref_slice %arg11[%dma_wait3A_354, %dma_wait3A_355] : memref<10240x128xf32, #tpu.memory_space<vmem_shared>> -> memref<10240x128xf32, #tpu.memory_space<vmem_shared>>
      tpu.wait_indirect_dma semaphore(%arg15 : memref<!tpu.dma_semaphore, #tpu.memory_space<semaphore_mem>>) src(%arg10 : memref<128x128xf32, #tpu.memory_space<vmem>>) dst(%dma_wait3A_356 : memref<10240x128xf32, #tpu.memory_space<vmem_shared>>)
      %dma_start3A_357 = arith.constant 13 : i32
      %dma_start3A_358 = arith.constant 0 : i32
      %dma_start3A_359 = tpu.memref_slice %arg7[%dma_start3A_357, %dma_start3A_358] : memref<16x128xi32, #tpu.memory_space<vmem>> -> memref<1x128xi32, #tpu.memory_space<vmem>>
      %dma_start3A_360 = tpu.memref_squeeze %dma_start3A_359 : memref<1x128xi32, #tpu.memory_space<vmem>> -> memref<128xi32, #tpu.memory_space<vmem>>
      %dma_start3A_361 = arith.constant 0 : i32
      %dma_start3A_362 = arith.constant 0 : i32
      %dma_start3A_363 = tpu.memref_slice %arg2[%dma_start3A_361, %dma_start3A_362] : memref<10240x128xf32, #tpu.memory_space<hbm>> -> memref<10240x128xf32, #tpu.memory_space<hbm>>
      tpu.enqueue_indirect_dma source(%dma_start3A_363 : memref<10240x128xf32, #tpu.memory_space<hbm>>) target(%arg10 : memref<128x128xf32, #tpu.memory_space<vmem>>) offsets(%dma_start3A_360 : memref<128xi32, #tpu.memory_space<vmem>>) semaphore(%arg13 : memref<!tpu.dma_semaphore, #tpu.memory_space<semaphore_mem>>)
      %dma_wait3A_364 = arith.constant 12 : i32
      %dma_wait3A_365 = arith.constant 0 : i32
      %dma_wait3A_366 = tpu.memref_slice %arg7[%dma_wait3A_364, %dma_wait3A_365] : memref<16x128xi32, #tpu.memory_space<vmem>> -> memref<1x128xi32, #tpu.memory_space<vmem>>
      %dma_wait3A_367 = tpu.memref_squeeze %dma_wait3A_366 : memref<1x128xi32, #tpu.memory_space<vmem>> -> memref<128xi32, #tpu.memory_space<vmem>>
      %dma_wait3A_368 = arith.constant 0 : i32
      %dma_wait3A_369 = arith.constant 0 : i32
      %dma_wait3A_370 = tpu.memref_slice %arg2[%dma_wait3A_368, %dma_wait3A_369] : memref<10240x128xf32, #tpu.memory_space<hbm>> -> memref<10240x128xf32, #tpu.memory_space<hbm>>
      tpu.wait_indirect_dma semaphore(%arg12 : memref<!tpu.dma_semaphore, #tpu.memory_space<semaphore_mem>>) src(%dma_wait3A_370 : memref<10240x128xf32, #tpu.memory_space<hbm>>) dst(%arg9 : memref<128x128xf32, #tpu.memory_space<vmem>>)
      %dma_start3A_371 = arith.constant 12 : i32
      %dma_start3A_372 = arith.constant 0 : i32
      %dma_start3A_373 = tpu.memref_slice %arg8[%dma_start3A_371, %dma_start3A_372] : memref<16x128xi32, #tpu.memory_space<vmem>> -> memref<1x128xi32, #tpu.memory_space<vmem>>
      %dma_start3A_374 = tpu.memref_squeeze %dma_start3A_373 : memref<1x128xi32, #tpu.memory_space<vmem>> -> memref<128xi32, #tpu.memory_space<vmem>>
      %dma_start3A_375 = arith.constant 0 : i32
      %dma_start3A_376 = arith.constant 0 : i32
      %dma_start3A_377 = tpu.memref_slice %arg11[%dma_start3A_375, %dma_start3A_376] : memref<10240x128xf32, #tpu.memory_space<vmem_shared>> -> memref<10240x128xf32, #tpu.memory_space<vmem_shared>>
      tpu.enqueue_indirect_dma source(%arg9 : memref<128x128xf32, #tpu.memory_space<vmem>>) target(%dma_start3A_377 : memref<10240x128xf32, #tpu.memory_space<vmem_shared>>) offsets(%dma_start3A_374 : memref<128xi32, #tpu.memory_space<vmem>>) semaphore(%arg14 : memref<!tpu.dma_semaphore, #tpu.memory_space<semaphore_mem>>) {add = true}
      %dma_wait3A_378 = arith.constant 12 : i32
      %dma_wait3A_379 = arith.constant 0 : i32
      %dma_wait3A_380 = tpu.memref_slice %arg8[%dma_wait3A_378, %dma_wait3A_379] : memref<16x128xi32, #tpu.memory_space<vmem>> -> memref<1x128xi32, #tpu.memory_space<vmem>>
      %dma_wait3A_381 = tpu.memref_squeeze %dma_wait3A_380 : memref<1x128xi32, #tpu.memory_space<vmem>> -> memref<128xi32, #tpu.memory_space<vmem>>
      %dma_wait3A_382 = arith.constant 0 : i32
      %dma_wait3A_383 = arith.constant 0 : i32
      %dma_wait3A_384 = tpu.memref_slice %arg11[%dma_wait3A_382, %dma_wait3A_383] : memref<10240x128xf32, #tpu.memory_space<vmem_shared>> -> memref<10240x128xf32, #tpu.memory_space<vmem_shared>>
      tpu.wait_indirect_dma semaphore(%arg14 : memref<!tpu.dma_semaphore, #tpu.memory_space<semaphore_mem>>) src(%arg9 : memref<128x128xf32, #tpu.memory_space<vmem>>) dst(%dma_wait3A_384 : memref<10240x128xf32, #tpu.memory_space<vmem_shared>>)
      %dma_start3A_385 = arith.constant 14 : i32
      %dma_start3A_386 = arith.constant 0 : i32
      %dma_start3A_387 = tpu.memref_slice %arg7[%dma_start3A_385, %dma_start3A_386] : memref<16x128xi32, #tpu.memory_space<vmem>> -> memref<1x128xi32, #tpu.memory_space<vmem>>
      %dma_start3A_388 = tpu.memref_squeeze %dma_start3A_387 : memref<1x128xi32, #tpu.memory_space<vmem>> -> memref<128xi32, #tpu.memory_space<vmem>>
      %dma_start3A_389 = arith.constant 0 : i32
      %dma_start3A_390 = arith.constant 0 : i32
      %dma_start3A_391 = tpu.memref_slice %arg2[%dma_start3A_389, %dma_start3A_390] : memref<10240x128xf32, #tpu.memory_space<hbm>> -> memref<10240x128xf32, #tpu.memory_space<hbm>>
      tpu.enqueue_indirect_dma source(%dma_start3A_391 : memref<10240x128xf32, #tpu.memory_space<hbm>>) target(%arg9 : memref<128x128xf32, #tpu.memory_space<vmem>>) offsets(%dma_start3A_388 : memref<128xi32, #tpu.memory_space<vmem>>) semaphore(%arg12 : memref<!tpu.dma_semaphore, #tpu.memory_space<semaphore_mem>>)
      %dma_wait3A_392 = arith.constant 13 : i32
      %dma_wait3A_393 = arith.constant 0 : i32
      %dma_wait3A_394 = tpu.memref_slice %arg7[%dma_wait3A_392, %dma_wait3A_393] : memref<16x128xi32, #tpu.memory_space<vmem>> -> memref<1x128xi32, #tpu.memory_space<vmem>>
      %dma_wait3A_395 = tpu.memref_squeeze %dma_wait3A_394 : memref<1x128xi32, #tpu.memory_space<vmem>> -> memref<128xi32, #tpu.memory_space<vmem>>
      %dma_wait3A_396 = arith.constant 0 : i32
      %dma_wait3A_397 = arith.constant 0 : i32
      %dma_wait3A_398 = tpu.memref_slice %arg2[%dma_wait3A_396, %dma_wait3A_397] : memref<10240x128xf32, #tpu.memory_space<hbm>> -> memref<10240x128xf32, #tpu.memory_space<hbm>>
      tpu.wait_indirect_dma semaphore(%arg13 : memref<!tpu.dma_semaphore, #tpu.memory_space<semaphore_mem>>) src(%dma_wait3A_398 : memref<10240x128xf32, #tpu.memory_space<hbm>>) dst(%arg10 : memref<128x128xf32, #tpu.memory_space<vmem>>)
      %dma_start3A_399 = arith.constant 13 : i32
      %dma_start3A_400 = arith.constant 0 : i32
      %dma_start3A_401 = tpu.memref_slice %arg8[%dma_start3A_399, %dma_start3A_400] : memref<16x128xi32, #tpu.memory_space<vmem>> -> memref<1x128xi32, #tpu.memory_space<vmem>>
      %dma_start3A_402 = tpu.memref_squeeze %dma_start3A_401 : memref<1x128xi32, #tpu.memory_space<vmem>> -> memref<128xi32, #tpu.memory_space<vmem>>
      %dma_start3A_403 = arith.constant 0 : i32
      %dma_start3A_404 = arith.constant 0 : i32
      %dma_start3A_405 = tpu.memref_slice %arg11[%dma_start3A_403, %dma_start3A_404] : memref<10240x128xf32, #tpu.memory_space<vmem_shared>> -> memref<10240x128xf32, #tpu.memory_space<vmem_shared>>
      tpu.enqueue_indirect_dma source(%arg10 : memref<128x128xf32, #tpu.memory_space<vmem>>) target(%dma_start3A_405 : memref<10240x128xf32, #tpu.memory_space<vmem_shared>>) offsets(%dma_start3A_402 : memref<128xi32, #tpu.memory_space<vmem>>) semaphore(%arg15 : memref<!tpu.dma_semaphore, #tpu.memory_space<semaphore_mem>>) {add = true}
      %dma_wait3A_406 = arith.constant 13 : i32
      %dma_wait3A_407 = arith.constant 0 : i32
      %dma_wait3A_408 = tpu.memref_slice %arg8[%dma_wait3A_406, %dma_wait3A_407] : memref<16x128xi32, #tpu.memory_space<vmem>> -> memref<1x128xi32, #tpu.memory_space<vmem>>
      %dma_wait3A_409 = tpu.memref_squeeze %dma_wait3A_408 : memref<1x128xi32, #tpu.memory_space<vmem>> -> memref<128xi32, #tpu.memory_space<vmem>>
      %dma_wait3A_410 = arith.constant 0 : i32
      %dma_wait3A_411 = arith.constant 0 : i32
      %dma_wait3A_412 = tpu.memref_slice %arg11[%dma_wait3A_410, %dma_wait3A_411] : memref<10240x128xf32, #tpu.memory_space<vmem_shared>> -> memref<10240x128xf32, #tpu.memory_space<vmem_shared>>
      tpu.wait_indirect_dma semaphore(%arg15 : memref<!tpu.dma_semaphore, #tpu.memory_space<semaphore_mem>>) src(%arg10 : memref<128x128xf32, #tpu.memory_space<vmem>>) dst(%dma_wait3A_412 : memref<10240x128xf32, #tpu.memory_space<vmem_shared>>)
      %dma_start3A_413 = arith.constant 15 : i32
      %dma_start3A_414 = arith.constant 0 : i32
      %dma_start3A_415 = tpu.memref_slice %arg7[%dma_start3A_413, %dma_start3A_414] : memref<16x128xi32, #tpu.memory_space<vmem>> -> memref<1x128xi32, #tpu.memory_space<vmem>>
      %dma_start3A_416 = tpu.memref_squeeze %dma_start3A_415 : memref<1x128xi32, #tpu.memory_space<vmem>> -> memref<128xi32, #tpu.memory_space<vmem>>
      %dma_start3A_417 = arith.constant 0 : i32
      %dma_start3A_418 = arith.constant 0 : i32
      %dma_start3A_419 = tpu.memref_slice %arg2[%dma_start3A_417, %dma_start3A_418] : memref<10240x128xf32, #tpu.memory_space<hbm>> -> memref<10240x128xf32, #tpu.memory_space<hbm>>
      tpu.enqueue_indirect_dma source(%dma_start3A_419 : memref<10240x128xf32, #tpu.memory_space<hbm>>) target(%arg10 : memref<128x128xf32, #tpu.memory_space<vmem>>) offsets(%dma_start3A_416 : memref<128xi32, #tpu.memory_space<vmem>>) semaphore(%arg13 : memref<!tpu.dma_semaphore, #tpu.memory_space<semaphore_mem>>)
      %dma_wait3A_420 = arith.constant 14 : i32
      %dma_wait3A_421 = arith.constant 0 : i32
      %dma_wait3A_422 = tpu.memref_slice %arg7[%dma_wait3A_420, %dma_wait3A_421] : memref<16x128xi32, #tpu.memory_space<vmem>> -> memref<1x128xi32, #tpu.memory_space<vmem>>
      %dma_wait3A_423 = tpu.memref_squeeze %dma_wait3A_422 : memref<1x128xi32, #tpu.memory_space<vmem>> -> memref<128xi32, #tpu.memory_space<vmem>>
      %dma_wait3A_424 = arith.constant 0 : i32
      %dma_wait3A_425 = arith.constant 0 : i32
      %dma_wait3A_426 = tpu.memref_slice %arg2[%dma_wait3A_424, %dma_wait3A_425] : memref<10240x128xf32, #tpu.memory_space<hbm>> -> memref<10240x128xf32, #tpu.memory_space<hbm>>
      tpu.wait_indirect_dma semaphore(%arg12 : memref<!tpu.dma_semaphore, #tpu.memory_space<semaphore_mem>>) src(%dma_wait3A_426 : memref<10240x128xf32, #tpu.memory_space<hbm>>) dst(%arg9 : memref<128x128xf32, #tpu.memory_space<vmem>>)
      %dma_start3A_427 = arith.constant 14 : i32
      %dma_start3A_428 = arith.constant 0 : i32
      %dma_start3A_429 = tpu.memref_slice %arg8[%dma_start3A_427, %dma_start3A_428] : memref<16x128xi32, #tpu.memory_space<vmem>> -> memref<1x128xi32, #tpu.memory_space<vmem>>
      %dma_start3A_430 = tpu.memref_squeeze %dma_start3A_429 : memref<1x128xi32, #tpu.memory_space<vmem>> -> memref<128xi32, #tpu.memory_space<vmem>>
      %dma_start3A_431 = arith.constant 0 : i32
      %dma_start3A_432 = arith.constant 0 : i32
      %dma_start3A_433 = tpu.memref_slice %arg11[%dma_start3A_431, %dma_start3A_432] : memref<10240x128xf32, #tpu.memory_space<vmem_shared>> -> memref<10240x128xf32, #tpu.memory_space<vmem_shared>>
      tpu.enqueue_indirect_dma source(%arg9 : memref<128x128xf32, #tpu.memory_space<vmem>>) target(%dma_start3A_433 : memref<10240x128xf32, #tpu.memory_space<vmem_shared>>) offsets(%dma_start3A_430 : memref<128xi32, #tpu.memory_space<vmem>>) semaphore(%arg14 : memref<!tpu.dma_semaphore, #tpu.memory_space<semaphore_mem>>) {add = true}
      %dma_wait3A_434 = arith.constant 14 : i32
      %dma_wait3A_435 = arith.constant 0 : i32
      %dma_wait3A_436 = tpu.memref_slice %arg8[%dma_wait3A_434, %dma_wait3A_435] : memref<16x128xi32, #tpu.memory_space<vmem>> -> memref<1x128xi32, #tpu.memory_space<vmem>>
      %dma_wait3A_437 = tpu.memref_squeeze %dma_wait3A_436 : memref<1x128xi32, #tpu.memory_space<vmem>> -> memref<128xi32, #tpu.memory_space<vmem>>
      %dma_wait3A_438 = arith.constant 0 : i32
      %dma_wait3A_439 = arith.constant 0 : i32
      %dma_wait3A_440 = tpu.memref_slice %arg11[%dma_wait3A_438, %dma_wait3A_439] : memref<10240x128xf32, #tpu.memory_space<vmem_shared>> -> memref<10240x128xf32, #tpu.memory_space<vmem_shared>>
      tpu.wait_indirect_dma semaphore(%arg14 : memref<!tpu.dma_semaphore, #tpu.memory_space<semaphore_mem>>) src(%arg9 : memref<128x128xf32, #tpu.memory_space<vmem>>) dst(%dma_wait3A_440 : memref<10240x128xf32, #tpu.memory_space<vmem_shared>>)
      %dma_wait3A_441 = arith.constant 15 : i32
      %dma_wait3A_442 = arith.constant 0 : i32
      %dma_wait3A_443 = tpu.memref_slice %arg7[%dma_wait3A_441, %dma_wait3A_442] : memref<16x128xi32, #tpu.memory_space<vmem>> -> memref<1x128xi32, #tpu.memory_space<vmem>>
      %dma_wait3A_444 = tpu.memref_squeeze %dma_wait3A_443 : memref<1x128xi32, #tpu.memory_space<vmem>> -> memref<128xi32, #tpu.memory_space<vmem>>
      %dma_wait3A_445 = arith.constant 0 : i32
      %dma_wait3A_446 = arith.constant 0 : i32
      %dma_wait3A_447 = tpu.memref_slice %arg2[%dma_wait3A_445, %dma_wait3A_446] : memref<10240x128xf32, #tpu.memory_space<hbm>> -> memref<10240x128xf32, #tpu.memory_space<hbm>>
      tpu.wait_indirect_dma semaphore(%arg13 : memref<!tpu.dma_semaphore, #tpu.memory_space<semaphore_mem>>) src(%dma_wait3A_447 : memref<10240x128xf32, #tpu.memory_space<hbm>>) dst(%arg10 : memref<128x128xf32, #tpu.memory_space<vmem>>)
      %dma_start3A_448 = arith.constant 15 : i32
      %dma_start3A_449 = arith.constant 0 : i32
      %dma_start3A_450 = tpu.memref_slice %arg8[%dma_start3A_448, %dma_start3A_449] : memref<16x128xi32, #tpu.memory_space<vmem>> -> memref<1x128xi32, #tpu.memory_space<vmem>>
      %dma_start3A_451 = tpu.memref_squeeze %dma_start3A_450 : memref<1x128xi32, #tpu.memory_space<vmem>> -> memref<128xi32, #tpu.memory_space<vmem>>
      %dma_start3A_452 = arith.constant 0 : i32
      %dma_start3A_453 = arith.constant 0 : i32
      %dma_start3A_454 = tpu.memref_slice %arg11[%dma_start3A_452, %dma_start3A_453] : memref<10240x128xf32, #tpu.memory_space<vmem_shared>> -> memref<10240x128xf32, #tpu.memory_space<vmem_shared>>
      tpu.enqueue_indirect_dma source(%arg10 : memref<128x128xf32, #tpu.memory_space<vmem>>) target(%dma_start3A_454 : memref<10240x128xf32, #tpu.memory_space<vmem_shared>>) offsets(%dma_start3A_451 : memref<128xi32, #tpu.memory_space<vmem>>) semaphore(%arg15 : memref<!tpu.dma_semaphore, #tpu.memory_space<semaphore_mem>>) {add = true}
      %dma_wait3A_455 = arith.constant 15 : i32
      %dma_wait3A_456 = arith.constant 0 : i32
      %dma_wait3A_457 = tpu.memref_slice %arg8[%dma_wait3A_455, %dma_wait3A_456] : memref<16x128xi32, #tpu.memory_space<vmem>> -> memref<1x128xi32, #tpu.memory_space<vmem>>
      %dma_wait3A_458 = tpu.memref_squeeze %dma_wait3A_457 : memref<1x128xi32, #tpu.memory_space<vmem>> -> memref<128xi32, #tpu.memory_space<vmem>>
      %dma_wait3A_459 = arith.constant 0 : i32
      %dma_wait3A_460 = arith.constant 0 : i32
      %dma_wait3A_461 = tpu.memref_slice %arg11[%dma_wait3A_459, %dma_wait3A_460] : memref<10240x128xf32, #tpu.memory_space<vmem_shared>> -> memref<10240x128xf32, #tpu.memory_space<vmem_shared>>
      tpu.wait_indirect_dma semaphore(%arg15 : memref<!tpu.dma_semaphore, #tpu.memory_space<semaphore_mem>>) src(%arg10 : memref<128x128xf32, #tpu.memory_space<vmem>>) dst(%dma_wait3A_461 : memref<10240x128xf32, #tpu.memory_space<vmem_shared>>)
    }
    %scan3A_9 = arith.constant 5 : i32
    %barrier3A_10 = arith.constant 0 : index
    tpu.barrier barrier_id(%barrier3A_10)
    %mul3A_11 = arith.constant 640 : i32
    %mul3A_12 = arith.muli %arg1, %mul3A_11 : i32
    %mul3A_13 = arith.constant 640 : i32
    %mul3A_14 = arith.muli %arg1, %mul3A_13 : i32
    "tpu.region"() ({
      %run_scoped3A = tpu.sem_alloc : memref<!tpu.dma_semaphore, #tpu.memory_space<semaphore_mem>>
      %dma_start3A = arith.constant 0 : i32
      %dma_start3A_15 = tpu.memref_slice %arg6[%arg0, %mul3A_14, %dma_start3A] : memref<2x10240x128xf32, #tpu.memory_space<hbm>> -> memref<1x640x128xf32, #tpu.memory_space<hbm>>
      %dma_start3A_16 = tpu.memref_squeeze %dma_start3A_15 : memref<1x640x128xf32, #tpu.memory_space<hbm>> -> memref<640x128xf32, #tpu.memory_space<hbm>>
      %dma_start3A_17 = arith.constant 0 : i32
      %dma_start3A_18 = tpu.memref_slice %arg11[%mul3A_12, %dma_start3A_17] : memref<10240x128xf32, #tpu.memory_space<vmem_shared>> -> memref<640x128xf32, #tpu.memory_space<vmem_shared>>
      tpu.enqueue_dma source(%dma_start3A_18 : memref<640x128xf32, #tpu.memory_space<vmem_shared>>) target(%dma_start3A_16 : memref<640x128xf32, #tpu.memory_space<hbm>>) target_semaphore(%run_scoped3A : memref<!tpu.dma_semaphore, #tpu.memory_space<semaphore_mem>>)
      %dma_wait3A = arith.constant 0 : i32
      %dma_wait3A_19 = tpu.memref_slice %arg6[%arg0, %mul3A_14, %dma_wait3A] : memref<2x10240x128xf32, #tpu.memory_space<hbm>> -> memref<1x640x128xf32, #tpu.memory_space<hbm>>
      %dma_wait3A_20 = tpu.memref_squeeze %dma_wait3A_19 : memref<1x640x128xf32, #tpu.memory_space<hbm>> -> memref<640x128xf32, #tpu.memory_space<hbm>>
      %dma_wait3A_21 = arith.constant 0 : i32
      %dma_wait3A_22 = tpu.memref_slice %arg11[%mul3A_12, %dma_wait3A_21] : memref<10240x128xf32, #tpu.memory_space<vmem_shared>> -> memref<640x128xf32, #tpu.memory_space<vmem_shared>>
      tpu.wait_dma2 semaphore(%run_scoped3A : memref<!tpu.dma_semaphore, #tpu.memory_space<semaphore_mem>>) src(%dma_wait3A_22 : memref<640x128xf32, #tpu.memory_space<vmem_shared>>) dst(%dma_wait3A_20 : memref<640x128xf32, #tpu.memory_space<hbm>>)
      tpu.yield
    }) : () -> ()
    return
  }
}

module attributes {stable_mosaic.version = 14 : i64} {
  func.func @_mm_body(%arg0: i32, %arg1: memref<1024x128xf32, #tpu.memory_space<vmem>>, %arg2: memref<128x128xf32, #tpu.memory_space<vmem>>, %arg3: memref<1024x128xf32, #tpu.memory_space<vmem>>) attributes {dimension_semantics = [#tpu.dimension_semantics<arbitrary>], iteration_bounds = array<i64: 10>, scalar_prefetch = 0 : i64, scratch_operands = 0 : i64, tpu.core_type = #tpu.core_type<tc>, window_params = [{transform_indices = @transform_0, window_bounds = array<i64: 1024, 128>}, {pipeline_mode = #tpu.pipeline_mode<synchronous>, transform_indices = @transform_1, window_bounds = array<i64: 128, 128>}, {transform_indices = @transform_2, window_bounds = array<i64: 1024, 128>}]} {
    %get3A = arith.constant 0 : index
    %get3A_0 = arith.constant 0 : index
    %get3A_1 = vector.load %arg1[%get3A, %get3A_0] : memref<1024x128xf32, #tpu.memory_space<vmem>>, vector<1024x128xf32>
    %get3A_2 = arith.constant 0 : index
    %get3A_3 = arith.constant 0 : index
    %get3A_4 = vector.load %arg2[%get3A_2, %get3A_3] : memref<128x128xf32, #tpu.memory_space<vmem>>, vector<128x128xf32>
    %dot_general3A = arith.constant dense<0.000000e+00> : vector<1024x128xf32>
    %dot_general3A_5 = tpu.matmul %get3A_1, %get3A_4, %dot_general3A {dimension_numbers = #tpu.dot_dimension_numbers<[1], [0], [0], [1], [0, 0, 1, 1], [], []>, transpose_lhs_hint = false} : vector<1024x128xf32>, vector<128x128xf32>, vector<1024x128xf32> -> vector<1024x128xf32>
    %swap3A = arith.constant 0 : index
    %swap3A_6 = arith.constant 0 : index
    %swap3A_7 = vector.load %arg3[%swap3A, %swap3A_6] : memref<1024x128xf32, #tpu.memory_space<vmem>>, vector<1024x128xf32>
    tpu.vector_store %arg3[%swap3A, %swap3A_6], %dot_general3A_5 {strides = array<i32>} : memref<1024x128xf32, #tpu.memory_space<vmem>>, vector<1024x128xf32>,
    return
  }
  func.func @transform_0(%arg0: i32) -> (i32, i32) {
    %c0_i32 = arith.constant 0 : i32
    %c0_i32_0 = arith.constant 0 : i32
    return %arg0, %c0_i32 : i32, i32
  }
  func.func @transform_1(%arg0: i32) -> (i32, i32) {
    %c0_i32 = arith.constant 0 : i32
    %c0_i32_0 = arith.constant 0 : i32
    %c0_i32_1 = arith.constant 0 : i32
    return %c0_i32, %c0_i32_0 : i32, i32
  }
  func.func @transform_2(%arg0: i32) -> (i32, i32) {
    %c0_i32 = arith.constant 0 : i32
    %c0_i32_0 = arith.constant 0 : i32
    return %arg0, %c0_i32 : i32, i32
  }
}

module attributes {stable_mosaic.version = 14 : i64} {
  func.func @_scale_body(%arg0: i32, %arg1: memref<1024x128xf32, #tpu.memory_space<vmem>>, %arg2: memref<2x1024x128xf32, #tpu.memory_space<vmem>>, %arg3: memref<1024x128xf32, #tpu.memory_space<vmem>>, %arg4: memref<1024x1xf32, #tpu.memory_space<vmem>>) attributes {dimension_semantics = [#tpu.dimension_semantics<arbitrary>], iteration_bounds = array<i64: 10>, scalar_prefetch = 0 : i64, scratch_operands = 0 : i64, tpu.core_type = #tpu.core_type<tc>, window_params = [{transform_indices = @transform_0, window_bounds = array<i64: 1024, 128>}, {transform_indices = @transform_1, window_bounds = array<i64: 2, 1024, 128>}, {transform_indices = @transform_2, window_bounds = array<i64: 1024, 128>}, {transform_indices = @transform_3, window_bounds = array<i64: 1024, 1>}]} {
    %get3A = arith.constant 0 : index
    %get3A_0 = arith.constant 0 : index
    %get3A_1 = arith.constant 0 : index
    %get3A_2 = vector.load %arg2[%get3A, %get3A_0, %get3A_1] : memref<2x1024x128xf32, #tpu.memory_space<vmem>>, vector<1x1024x1xf32>
    %get3A_3 = vector.shape_cast %get3A_2 : vector<1x1024x1xf32> to vector<1024xf32>
    %add3A = arith.constant 1.000000e+00 : f32
    %add3A_4 = vector.broadcast %add3A : f32 to vector<1024xf32>
    %add3A_5 = arith.addf %add3A_4, %get3A_3 : vector<1024xf32>
    %get3A_6 = arith.constant 1 : index
    %get3A_7 = arith.constant 0 : index
    %get3A_8 = arith.constant 0 : index
    %get3A_9 = vector.load %arg2[%get3A_6, %get3A_7, %get3A_8] : memref<2x1024x128xf32, #tpu.memory_space<vmem>>, vector<1x1024x1xf32>
    %get3A_10 = vector.shape_cast %get3A_9 : vector<1x1024x1xf32> to vector<1024xf32>
    %add3A_11 = arith.addf %add3A_5, %get3A_10 : vector<1024xf32>
    %rsqrt3A = math.rsqrt %add3A_11 : vector<1024xf32>
    %broadcast_in_dim3A = vector.shape_cast %rsqrt3A : vector<1024xf32> to vector<1024x1xf32>
    %get3A_12 = arith.constant 0 : index
    %get3A_13 = arith.constant 0 : index
    %get3A_14 = vector.load %arg1[%get3A_12, %get3A_13] : memref<1024x128xf32, #tpu.memory_space<vmem>>, vector<1024x128xf32>
    %mul3A = vector.broadcast %broadcast_in_dim3A : vector<1024x1xf32> to vector<1024x128xf32>
    %mul3A_15 = arith.mulf %get3A_14, %mul3A : vector<1024x128xf32>
    %swap3A = arith.constant 0 : index
    %swap3A_16 = arith.constant 0 : index
    %swap3A_17 = vector.load %arg3[%swap3A, %swap3A_16] : memref<1024x128xf32, #tpu.memory_space<vmem>>, vector<1024x128xf32>
    tpu.vector_store %arg3[%swap3A, %swap3A_16], %mul3A_15 {strides = array<i32>} : memref<1024x128xf32, #tpu.memory_space<vmem>>, vector<1024x128xf32>,
    %swap3A_18 = arith.constant 0 : index
    %swap3A_19 = arith.constant 0 : index
    %swap3A_20 = vector.load %arg4[%swap3A_18, %swap3A_19] : memref<1024x1xf32, #tpu.memory_space<vmem>>, vector<1024x1xf32>
    tpu.vector_store %arg4[%swap3A_18, %swap3A_19], %broadcast_in_dim3A {strides = array<i32>} : memref<1024x1xf32, #tpu.memory_space<vmem>>, vector<1024x1xf32>,
    return
  }
  func.func @transform_0(%arg0: i32) -> (i32, i32) {
    %c0_i32 = arith.constant 0 : i32
    %c0_i32_0 = arith.constant 0 : i32
    return %arg0, %c0_i32 : i32, i32
  }
  func.func @transform_1(%arg0: i32) -> (i32, i32, i32) {
    %c0_i32 = arith.constant 0 : i32
    %c0_i32_0 = arith.constant 0 : i32
    %c0_i32_1 = arith.constant 0 : i32
    return %c0_i32, %arg0, %c0_i32_0 : i32, i32, i32
  }
  func.func @transform_2(%arg0: i32) -> (i32, i32) {
    %c0_i32 = arith.constant 0 : i32
    %c0_i32_0 = arith.constant 0 : i32
    return %arg0, %c0_i32 : i32, i32
  }
  func.func @transform_3(%arg0: i32) -> (i32, i32) {
    %c0_i32 = arith.constant 0 : i32
    %c0_i32_0 = arith.constant 0 : i32
    return %arg0, %c0_i32 : i32, i32
  }
}

module attributes {stable_mosaic.version = 14 : i64} {
  func.func @_mid_body(%arg0: i32, %arg1: memref<2x1024x128xf32, #tpu.memory_space<vmem>>, %arg2: memref<1024x128xf32, #tpu.memory_space<vmem>>, %arg3: memref<1024x1xf32, #tpu.memory_space<vmem>>, %arg4: memref<1x128xf32, #tpu.memory_space<vmem>>, %arg5: memref<1x128xf32, #tpu.memory_space<vmem>>, %arg6: memref<1x128xf32, #tpu.memory_space<vmem>>, %arg7: memref<128x128xf32, #tpu.memory_space<vmem>>, %arg8: memref<1024x128xf32, #tpu.memory_space<vmem>>) attributes {dimension_semantics = [#tpu.dimension_semantics<arbitrary>], iteration_bounds = array<i64: 10>, scalar_prefetch = 0 : i64, scratch_operands = 0 : i64, tpu.core_type = #tpu.core_type<tc>, window_params = [{transform_indices = @transform_0, window_bounds = array<i64: 2, 1024, 128>}, {transform_indices = @transform_1, window_bounds = array<i64: 1024, 128>}, {transform_indices = @transform_2, window_bounds = array<i64: 1024, 1>}, {pipeline_mode = #tpu.pipeline_mode<synchronous>, transform_indices = @transform_3, window_bounds = array<i64: 1, 128>}, {pipeline_mode = #tpu.pipeline_mode<synchronous>, transform_indices = @transform_4, window_bounds = array<i64: 1, 128>}, {pipeline_mode = #tpu.pipeline_mode<synchronous>, transform_indices = @transform_5, window_bounds = array<i64: 1, 128>}, {pipeline_mode = #tpu.pipeline_mode<synchronous>, transform_indices = @transform_6, window_bounds = array<i64: 128, 128>}, {transform_indices = @transform_7, window_bounds = array<i64: 1024, 128>}]} {
    %get3A = arith.constant 0 : index
    %get3A_0 = arith.constant 0 : index
    %get3A_1 = vector.load %arg3[%get3A, %get3A_0] : memref<1024x1xf32, #tpu.memory_space<vmem>>, vector<1024x1xf32>
    %get3A_2 = arith.constant 0 : index
    %get3A_3 = arith.constant 0 : index
    %get3A_4 = arith.constant 0 : index
    %get3A_5 = vector.load %arg1[%get3A_2, %get3A_3, %get3A_4] : memref<2x1024x128xf32, #tpu.memory_space<vmem>>, vector<1x1024x128xf32>
    %get3A_6 = vector.shape_cast %get3A_5 : vector<1x1024x128xf32> to vector<1024x128xf32>
    %get3A_7 = arith.constant 1 : index
    %get3A_8 = arith.constant 0 : index
    %get3A_9 = arith.constant 0 : index
    %get3A_10 = vector.load %arg1[%get3A_7, %get3A_8, %get3A_9] : memref<2x1024x128xf32, #tpu.memory_space<vmem>>, vector<1x1024x128xf32>
    %get3A_11 = vector.shape_cast %get3A_10 : vector<1x1024x128xf32> to vector<1024x128xf32>
    %add3A = arith.addf %get3A_6, %get3A_11 : vector<1024x128xf32>
    %get3A_12 = arith.constant 0 : index
    %get3A_13 = arith.constant 0 : index
    %get3A_14 = vector.load %arg2[%get3A_12, %get3A_13] : memref<1024x128xf32, #tpu.memory_space<vmem>>, vector<1024x128xf32>
    %add3A_15 = arith.addf %add3A, %get3A_14 : vector<1024x128xf32>
    %mul3A = vector.broadcast %get3A_1 : vector<1024x1xf32> to vector<1024x128xf32>
    %mul3A_16 = arith.mulf %mul3A, %add3A_15 : vector<1024x128xf32>
    %get3A_17 = arith.constant 0 : index
    %get3A_18 = arith.constant 0 : index
    %get3A_19 = vector.load %arg4[%get3A_17, %get3A_18] : memref<1x128xf32, #tpu.memory_space<vmem>>, vector<1x128xf32>
    %add3A_20 = vector.broadcast %get3A_19 : vector<1x128xf32> to vector<1024x128xf32>
    %add3A_21 = arith.addf %mul3A_16, %add3A_20 : vector<1024x128xf32>
    %get3A_22 = arith.constant 0 : index
    %get3A_23 = arith.constant 0 : index
    %get3A_24 = vector.load %arg5[%get3A_22, %get3A_23] : memref<1x128xf32, #tpu.memory_space<vmem>>, vector<1x128xf32>
    %mul3A_25 = arith.constant 0.999994993 : f32
    %mul3A_26 = vector.broadcast %mul3A_25 : f32 to vector<1x128xf32>
    %mul3A_27 = arith.mulf %get3A_24, %mul3A_26 : vector<1x128xf32>
    %mul3A_28 = vector.broadcast %mul3A_27 : vector<1x128xf32> to vector<1024x128xf32>
    %mul3A_29 = arith.mulf %add3A_21, %mul3A_28 : vector<1024x128xf32>
    %get3A_30 = arith.constant 0 : index
    %get3A_31 = arith.constant 0 : index
    %get3A_32 = vector.load %arg6[%get3A_30, %get3A_31] : memref<1x128xf32, #tpu.memory_space<vmem>>, vector<1x128xf32>
    %add3A_33 = vector.broadcast %get3A_32 : vector<1x128xf32> to vector<1024x128xf32>
    %add3A_34 = arith.addf %mul3A_29, %add3A_33 : vector<1024x128xf32>
    %max3A = arith.constant 0.000000e+00 : f32
    %max3A_35 = vector.broadcast %max3A : f32 to vector<1024x128xf32>
    %max3A_36 = arith.maximumf %add3A_34, %max3A_35 : vector<1024x128xf32>
    %get3A_37 = arith.constant 0 : index
    %get3A_38 = arith.constant 0 : index
    %get3A_39 = vector.load %arg7[%get3A_37, %get3A_38] : memref<128x128xf32, #tpu.memory_space<vmem>>, vector<128x128xf32>
    %dot_general3A = arith.constant dense<0.000000e+00> : vector<1024x128xf32>
    %dot_general3A_40 = tpu.matmul %max3A_36, %get3A_39, %dot_general3A {dimension_numbers = #tpu.dot_dimension_numbers<[1], [0], [0], [1], [0, 0, 1, 1], [], []>, transpose_lhs_hint = false} : vector<1024x128xf32>, vector<128x128xf32>, vector<1024x128xf32> -> vector<1024x128xf32>
    %mul3A_41 = vector.broadcast %get3A_1 : vector<1024x1xf32> to vector<1024x128xf32>
    %mul3A_42 = arith.mulf %dot_general3A_40, %mul3A_41 : vector<1024x128xf32>
    %swap3A = arith.constant 0 : index
    %swap3A_43 = arith.constant 0 : index
    %swap3A_44 = vector.load %arg8[%swap3A, %swap3A_43] : memref<1024x128xf32, #tpu.memory_space<vmem>>, vector<1024x128xf32>
    tpu.vector_store %arg8[%swap3A, %swap3A_43], %mul3A_42 {strides = array<i32>} : memref<1024x128xf32, #tpu.memory_space<vmem>>, vector<1024x128xf32>,
    return
  }
  func.func @transform_0(%arg0: i32) -> (i32, i32, i32) {
    %c0_i32 = arith.constant 0 : i32
    %c0_i32_0 = arith.constant 0 : i32
    %c0_i32_1 = arith.constant 0 : i32
    return %c0_i32, %arg0, %c0_i32_0 : i32, i32, i32
  }
  func.func @transform_1(%arg0: i32) -> (i32, i32) {
    %c0_i32 = arith.constant 0 : i32
    %c0_i32_0 = arith.constant 0 : i32
    return %arg0, %c0_i32 : i32, i32
  }
  func.func @transform_2(%arg0: i32) -> (i32, i32) {
    %c0_i32 = arith.constant 0 : i32
    %c0_i32_0 = arith.constant 0 : i32
    return %arg0, %c0_i32 : i32, i32
  }
  func.func @transform_3(%arg0: i32) -> (i32, i32) {
    %c0_i32 = arith.constant 0 : i32
    %c0_i32_0 = arith.constant 0 : i32
    %c0_i32_1 = arith.constant 0 : i32
    return %c0_i32, %c0_i32_0 : i32, i32
  }
  func.func @transform_4(%arg0: i32) -> (i32, i32) {
    %c0_i32 = arith.constant 0 : i32
    %c0_i32_0 = arith.constant 0 : i32
    %c0_i32_1 = arith.constant 0 : i32
    return %c0_i32, %c0_i32_0 : i32, i32
  }
  func.func @transform_5(%arg0: i32) -> (i32, i32) {
    %c0_i32 = arith.constant 0 : i32
    %c0_i32_0 = arith.constant 0 : i32
    %c0_i32_1 = arith.constant 0 : i32
    return %c0_i32, %c0_i32_0 : i32, i32
  }
  func.func @transform_6(%arg0: i32) -> (i32, i32) {
    %c0_i32 = arith.constant 0 : i32
    %c0_i32_0 = arith.constant 0 : i32
    %c0_i32_1 = arith.constant 0 : i32
    return %c0_i32, %c0_i32_0 : i32, i32
  }
  func.func @transform_7(%arg0: i32) -> (i32, i32) {
    %c0_i32 = arith.constant 0 : i32
    %c0_i32_0 = arith.constant 0 : i32
    return %arg0, %c0_i32 : i32, i32
  }
}

module attributes {stable_mosaic.version = 14 : i64} {
  func.func @_fin_body(%arg0: i32, %arg1: memref<2x1024x128xf32, #tpu.memory_space<vmem>>, %arg2: memref<1024x128xf32, #tpu.memory_space<vmem>>, %arg3: memref<1024x1xf32, #tpu.memory_space<vmem>>, %arg4: memref<1x128xf32, #tpu.memory_space<vmem>>, %arg5: memref<1024x128xf32, #tpu.memory_space<vmem>>) attributes {dimension_semantics = [#tpu.dimension_semantics<arbitrary>], iteration_bounds = array<i64: 10>, scalar_prefetch = 0 : i64, scratch_operands = 0 : i64, tpu.core_type = #tpu.core_type<tc>, window_params = [{transform_indices = @transform_0, window_bounds = array<i64: 2, 1024, 128>}, {transform_indices = @transform_1, window_bounds = array<i64: 1024, 128>}, {transform_indices = @transform_2, window_bounds = array<i64: 1024, 1>}, {pipeline_mode = #tpu.pipeline_mode<synchronous>, transform_indices = @transform_3, window_bounds = array<i64: 1, 128>}, {transform_indices = @transform_4, window_bounds = array<i64: 1024, 128>}]} {
    %get3A = arith.constant 0 : index
    %get3A_0 = arith.constant 0 : index
    %get3A_1 = vector.load %arg3[%get3A, %get3A_0] : memref<1024x1xf32, #tpu.memory_space<vmem>>, vector<1024x1xf32>
    %get3A_2 = arith.constant 0 : index
    %get3A_3 = arith.constant 0 : index
    %get3A_4 = arith.constant 0 : index
    %get3A_5 = vector.load %arg1[%get3A_2, %get3A_3, %get3A_4] : memref<2x1024x128xf32, #tpu.memory_space<vmem>>, vector<1x1024x128xf32>
    %get3A_6 = vector.shape_cast %get3A_5 : vector<1x1024x128xf32> to vector<1024x128xf32>
    %get3A_7 = arith.constant 1 : index
    %get3A_8 = arith.constant 0 : index
    %get3A_9 = arith.constant 0 : index
    %get3A_10 = vector.load %arg1[%get3A_7, %get3A_8, %get3A_9] : memref<2x1024x128xf32, #tpu.memory_space<vmem>>, vector<1x1024x128xf32>
    %get3A_11 = vector.shape_cast %get3A_10 : vector<1x1024x128xf32> to vector<1024x128xf32>
    %add3A = arith.addf %get3A_6, %get3A_11 : vector<1024x128xf32>
    %get3A_12 = arith.constant 0 : index
    %get3A_13 = arith.constant 0 : index
    %get3A_14 = vector.load %arg2[%get3A_12, %get3A_13] : memref<1024x128xf32, #tpu.memory_space<vmem>>, vector<1024x128xf32>
    %add3A_15 = arith.addf %add3A, %get3A_14 : vector<1024x128xf32>
    %mul3A = vector.broadcast %get3A_1 : vector<1024x1xf32> to vector<1024x128xf32>
    %mul3A_16 = arith.mulf %mul3A, %add3A_15 : vector<1024x128xf32>
    %get3A_17 = arith.constant 0 : index
    %get3A_18 = arith.constant 0 : index
    %get3A_19 = vector.load %arg4[%get3A_17, %get3A_18] : memref<1x128xf32, #tpu.memory_space<vmem>>, vector<1x128xf32>
    %add3A_20 = vector.broadcast %get3A_19 : vector<1x128xf32> to vector<1024x128xf32>
    %add3A_21 = arith.addf %mul3A_16, %add3A_20 : vector<1024x128xf32>
    %swap3A = arith.constant 0 : index
    %swap3A_22 = arith.constant 0 : index
    %swap3A_23 = vector.load %arg5[%swap3A, %swap3A_22] : memref<1024x128xf32, #tpu.memory_space<vmem>>, vector<1024x128xf32>
    tpu.vector_store %arg5[%swap3A, %swap3A_22], %add3A_21 {strides = array<i32>} : memref<1024x128xf32, #tpu.memory_space<vmem>>, vector<1024x128xf32>,
    return
  }
  func.func @transform_0(%arg0: i32) -> (i32, i32, i32) {
    %c0_i32 = arith.constant 0 : i32
    %c0_i32_0 = arith.constant 0 : i32
    %c0_i32_1 = arith.constant 0 : i32
    return %c0_i32, %arg0, %c0_i32_0 : i32, i32, i32
  }
  func.func @transform_1(%arg0: i32) -> (i32, i32) {
    %c0_i32 = arith.constant 0 : i32
    %c0_i32_0 = arith.constant 0 : i32
    return %arg0, %c0_i32 : i32, i32
  }
  func.func @transform_2(%arg0: i32) -> (i32, i32) {
    %c0_i32 = arith.constant 0 : i32
    %c0_i32_0 = arith.constant 0 : i32
    return %arg0, %c0_i32 : i32, i32
  }
  func.func @transform_3(%arg0: i32) -> (i32, i32) {
    %c0_i32 = arith.constant 0 : i32
    %c0_i32_0 = arith.constant 0 : i32
    %c0_i32_1 = arith.constant 0 : i32
    return %c0_i32, %c0_i32_0 : i32, i32
  }
  func.func @transform_4(%arg0: i32) -> (i32, i32) {
    %c0_i32 = arith.constant 0 : i32
    %c0_i32_0 = arith.constant 0 : i32
    return %arg0, %c0_i32 : i32, i32
  }
}

</mosaic_0001>

<sc_bundles>
// kernel: kernel.11.cloned.1.call-start
scs
__scs_entry_jumppad:
0x0: {  	(pc) =	sbr.rel $0x88, $3  }
0x1: {  	(tag) =	ssettag $0x0;
	lr =	simm.s32 $0x1  }
0x2: {  	[smem:$0x3F95] =	sst lr;
	_ =	strace $0xD0000000  }
0x3: {  	_ = 	snop  }
0x4: {  	_ = 	snop  }
0x5: {  	_ = 	snop  }
0x6: {  	_ = 	snop  }
0x7: {  	_ = 	snop  }
__scs_overlays_trampoline_lowered:
0x8: {  	[smem:$0x3FA4] =	sst s0  }
0x9: {  	[smem:$0x3FA5] =	sst s1  }
0xa: {  	[smem:$0x3FA6] =	sst s2  }
0xb: {  	[smem:$0x3FA7] =	sst s3  }
0xc: {  	[smem:$0x3FA8] =	sst s4  }
0xd: {  	[smem:$0x3FA9] =	sst s5  }
0xe: {  	[smem:$0x3FAA] =	sst s6  }
0xf: {  	[smem:$0x3FAB] =	sst s7  }
0x10: {  	[smem:$0x3FAC] =	sst s8  }
0x11: {  	[smem:$0x3FAD] =	sst s9;
	s0 =	simm.s32 @!p0 $0x0  }
0x12: {  	s1 =	sld [smem:$0x3F93];
	s0 =	simm.s32 @p0 $0x1  }
0x13: {  	[smem:$0x3FAE] =	sst s0;
	s0 =	simm.s32 @!p1 $0x0  }
0x14: {  	s2 =	sld [smem:$0x3F92];
	s0 =	simm.s32 @p1 $0x1  }
0x15: {  	[smem:$0x3FAF] =	sst s0;
	s0 =	simm.s32 @!p2 $0x0  }
0x16: {  	s3 =	sld [smem:$0x3FDB];
	s0 =	simm.s32 @p2 $0x1  }
0x17: {  	s4 =	simm.s32 $0x1BF5;
	[smem:$0x3FB1] =	sst s0  }
0x18: {  	s0 =	sld [smem:$0x3F94];
	_ =	swait.ge [sflag:s4], $0x0  }
0x19: {  	s7 =	sld [smem:$0x3F95]  }
0x1a: {  	s8 =	sadd.s32 $0xFFFFE003, lr  }
0x1b: {  	s9 =	sadd.s32 $0xFFFFFEF7, lr;
	s5 =	simm.s32 $0xFFFFFFFF;
	p2 =	slt.u32 s8, $0xFFFFF086  }
0x1c: {  	p1 =	slt.u32 s9, $0xF7A;
	s5 =	simm.s32 @!p2 $0x0  }
0x1d: {  	s5 =	simm.s32 @p1 $0x1;
	p0 =	seq.s32 s7, s2  }
0x1e: {  	s7 =	smul.u32 @!p0 $0xF7A, s2;
	p2 =	seq.s32 @!p0 s5, $0x0  }
0x1f: {  	s9 =	smul.u32 $0xF7A, s1;
	s8 =	simm.s32 @!p0 $0x1BF5;
	p2 =	por !p2, p0  }
0x20: {  	[sflag:s8] =	ssyncset.s32 @!p0 $0xFFFFF086;
	s6 =	sadd.s32 @!p0 s3, s7;
	s7 =	simm.s32 @!p0 $0x108  }
0x21: {  	s3 =	sadd.s32 s3, s9;
	s6 =	sadd.s32 @!p0 $0x88, s6;
	s7 =	simm.s32 @p2 $0x1082  }
0x22: {  	[simem:s7], [sflag:s8] =	dma.local @!p0 [hbm:s6], $0xF7A  }
0x23: {  	s9 =	sor.u32 $0xD0000000, s2;
	s6 =	simm.s32 $0x108;
	_ =	swait.ge @!p0 [sflag:s8], $0x0  }
0x24: {  	s3 =	sadd.s32 $0x88, s3;
	s6 =	simm.s32 @!p1 $0x1082;
	[sflag:s4] =	ssyncset.s32 $0xFFFFF086  }
0x25: {  	[simem:s6], [sflag:s4] =	dma.local [hbm:s3], $0xF7A  }
0x26: {  	[smem:$0x3F95] =	sst s1;
	(tag) =	ssettag s2;
	_ =	strace s9  }
0x27: {  	s1 =	sld [smem:$0x3FA5]  }
0x28: {  	s2 =	sld [smem:$0x3FA6]  }
0x29: {  	s4 =	sld [smem:$0x3FA8]  }
0x2a: {  	p0 =	seq.s32 s5, $0x0;
	s5 =	sld [smem:$0x3FA9]  }
0x2b: {  	s6 =	sld [smem:$0x3FAA]  }
0x2c: {  	s7 =	sld [smem:$0x3FAB]  }
0x2d: {  	s3 =	simm.s32 $0x108;
	s8 =	sld [smem:$0x3FAC]  }
0x2e: {  	s3 =	simm.s32 @!p0 $0x1082;
	s9 =	sld [smem:$0x3FAD]  }
0x2f: {  	lr =	sadd.s32 s0, s3;
	s0 =	sld [smem:$0x3FA4]  }
0x30: {  	s3 =	sld [smem:$0x3FA7]  }
0x31: {  	[smem:$0x3FB0] =	sst s10  }
0x32: {  	s10 =	sld [smem:$0x3FAE];
	_ =	sdelay $0x3  }
0x33: {  	p0 =	seq.s32 s10, $0x1;
	s10 =	sld [smem:$0x3FB0];
	_ =	sdelay $0x3  }
0x34: {  	[smem:$0x3FB0] =	sst s10  }
0x35: {  	s10 =	sld [smem:$0x3FAF];
	_ =	sdelay $0x3  }
0x36: {  	p1 =	seq.s32 s10, $0x1;
	s10 =	sld [smem:$0x3FB0];
	_ =	sdelay $0x3  }
0x37: {  	[smem:$0x3FB0] =	sst s10  }
0x38: {  	s10 =	sld [smem:$0x3FB1]  }
0x39: {  	_ = 	snop;
	(pc) =	sbr.ind lr, $3  }
0x3a: {  	_ = 	snop  }
0x3b: {  	_ = 	snop  }
0x3c: {  	p2 =	seq.s32 s10, $0x1;
	s10 =	sld [smem:$0x3FB0]  }
0x3d: {  	_ =	shalt  }
0x3e: {  	_ =	shalt  }
0x3f: {  	_ =	shalt  }
0x40: {  	_ =	shalt  }
0x41: {  	_ =	shalt  }
0x42: {  	_ =	shalt  }
0x43: {  	_ =	shalt  }
0x44: {  	_ =	shalt  }
0x45: {  	_ =	shalt  }
0x46: {  	_ =	shalt  }
0x47: {  	_ =	shalt  }
0x48: {  	_ =	shalt  }
0x49: {  	_ =	shalt  }
0x4a: {  	_ =	shalt  }
0x4b: {  	_ =	shalt  }
0x4c: {  	_ =	shalt  }
0x4d: {  	_ =	shalt  }
0x4e: {  	_ =	shalt  }
0x4f: {  	_ =	shalt  }
0x50: {  	_ =	shalt  }
0x51: {  	_ =	shalt  }
0x52: {  	_ =	shalt  }
0x53: {  	_ =	shalt  }
0x54: {  	_ =	shalt  }
0x55: {  	_ =	shalt  }
0x56: {  	_ =	shalt  }
0x57: {  	_ =	shalt  }
0x58: {  	_ =	shalt  }
0x59: {  	_ =	shalt  }
0x5a: {  	_ =	shalt  }
0x5b: {  	_ =	shalt  }
0x5c: {  	_ =	shalt  }
0x5d: {  	_ =	shalt  }
0x5e: {  	_ =	shalt  }
0x5f: {  	_ =	shalt  }
0x60: {  	_ =	shalt  }
0x61: {  	_ =	shalt  }
0x62: {  	_ =	shalt  }
0x63: {  	_ =	shalt  }
0x64: {  	_ =	shalt  }
0x65: {  	_ =	shalt  }
0x66: {  	_ =	shalt  }
0x67: {  	_ =	shalt  }
0x68: {  	_ =	shalt  }
0x69: {  	_ =	shalt  }
0x6a: {  	_ =	shalt  }
0x6b: {  	_ =	shalt  }
0x6c: {  	_ =	shalt  }
0x6d: {  	_ =	shalt  }
0x6e: {  	_ =	shalt  }
0x6f: {  	_ =	shalt  }
0x70: {  	_ =	shalt  }
0x71: {  	_ =	shalt  }
0x72: {  	_ =	shalt  }
0x73: {  	_ =	shalt  }
0x74: {  	_ =	shalt  }
0x75: {  	_ =	shalt  }
0x76: {  	_ =	shalt  }
0x77: {  	_ =	shalt  }
0x78: {  	_ =	shalt  }
0x79: {  	_ =	shalt  }
0x7a: {  	_ =	shalt  }
0x7b: {  	_ =	shalt  }
0x7c: {  	_ =	shalt  }
0x7d: {  	_ =	shalt  }
0x7e: {  	_ =	shalt  }
0x7f: {  	_ =	shalt  }
0x80: {  	_ =	shalt  }
0x81: {  	_ =	shalt  }
0x82: {  	_ =	shalt  }
0x83: {  	_ =	shalt  }
0x84: {  	_ =	shalt  }
0x85: {  	_ =	shalt  }
0x86: {  	_ =	shalt  }
0x87: {  	_ =	shalt  }
.Lfunc_end0:
.L_simem_size_0:
called_computation_lowered:
.L_overlay_start_0:
0x88: {  	s2 =	sld [smem:$0x3FD9]  }
0x89: {  	s3 =	sld [smem:$0x3FFE];
	_ =	sdelay $0x1  }
0x8a: {  	s1 =	srdreg.scid  }
0x8b: {  	s0 =	sand.u32 $0x1, s1  }
0x8c: {  	s16 =	sshll.u32 s0, $0xA;
	s2 =	sadd.s32 s3, s2  }
0x8d: {  	s2 =	sadd.s32 s2, s16  }
0x8e: {  	[smem:$0x3FBC] =	sst s2  }
0x8f: {  	_ = 	snop  }
0x90: {  	(tm) =	ssettm $0x1  }
0x91: {  	s17 =	sld [smem:$0x3FFB];
	_ =	sdelay $0x3  }
0x92: {  	_ =	strace s17  }
0x93: {  	s2 =	sld [smem:$0x3FFC];
	_ =	sdelay $0x3  }
0x94: {  	_ =	strace s2  }
0x95: {  	s2 =	sld [smem:$0x3FFD];
	_ =	sdelay $0x3  }
0x96: {  	_ =	strace s2  }
0x97: {  	_ =	strace $0x8FFFFFFF  }
0x98: {  	s18 =	sld [smem:$0x3FDB];
	_ =	sdelay $0x1  }
0x99: {  	s19 =	simm.s32 $_scs_section_size  }
0x9a: {  	s4 =	simm.s32 $_size__tile_overlayer_lowered;
	s5 =	simm.s32 $_tile_overlayer_lowered  }
0x9b: {  	s22 =	simm.s32 $0x1BFF;
	s21 =	sshll.u32 s5, $0x1;
	s2 =	sadd.s32 s19, s18  }
0x9c: {  	s6 =	simm.s32 $0x0;
	s20 =	sshll.u32 s4, $0x1;
	s4 =	sadd.s32 s21, s2  }
0x9d: {  	[timem:s6], [sflag:s22] =	dma.local [hbm:s4], s20  }
0x9e: {  	_ =	swait.ge [sflag:s22], s20  }
0x9f: {  	s3 =	ssub.s32 $0x0, s20;
	[sflag:s22] =	ssyncset.done $0x0  }
0xa0: {  	[sflag:s22] =	ssyncadd.s32 s3;
	_ =	sdelay $0x1  }
0xa1: {  	s23 =	simm.s32 $0x1B8B  }
0xa2: {  	_ =	swait.ge [sflag:s23], $0x1  }
0xa3: {  	[sflag:s23] =	ssyncset.done $0x0  }
0xa4: {  	s25 =	simm.s32 $0x1B8E;
	s24 =	sld [smem:$0x3FFE];
	[sflag:s23] =	ssyncadd.s32 $0xFFFFFFFF  }
0xa5: {  	s26 =	simm.s32 $execute0_lowered;
	[smem:$0x3FD2] =	sst s25  }
0xa6: {  	s4 =	sshll.u32 s26, $0x1;
	_ =	strace $0x80000046;
	[dreg:$0x1] =	wrdreg $0xFFFFFFFF  }
0xa7: {  	s28 =	simm.s32 $_size_execute0_lowered;
	s2 =	sadd.s32 s2, s4;
	[dreg:$0x0] =	wrdreg $0x0  }
0xa8: {  	s4 =	sshll.u32 s28, $0x1;
	[dreg:$0x2] =	wrdreg s2  }
0xa9: {  	[dreg:$0x3] =	wrdreg s4  }
0xaa: {  	[dreg:$0x4] =	wrdreg $0xC0  }
0xab: {  	_ =	task [dreg:s6], $0x5FFFF  }
0xac: {  	[dreg:$0x1] =	wrdreg $0xFFFFFFFF  }
0xad: {  	[dreg:$0x0] =	wrdreg $0x60  }
0xae: {  	[dreg:$0x2] =	wrdreg s24  }
0xaf: {  	[dreg:$0x3] =	wrdreg $0x48000  }
0xb0: {  	[dreg:$0x4] =	wrdreg $0x9  }
0xb1: {  	_ =	task.clear_ibuf [dreg:s6], $0x5FFFF;
	_ =	strace $0x90000046  }
0xb2: {  	s29 =	simm.s32 $0x9;
	_ =	strace $0x80000048  }
0xb3: {  	_ =	swait.ge [sflag:s29], $0x1  }
0xb4: {  	[sflag:s29] =	ssyncadd.s32 $0xFFFFFFFF  }
0xb5: {  	_ =	strace $0x90000048  }
0xb6: {  	_ =	sfence  }
0xb7: {  	s30 =	sld [smem:$0x0];
	_ =	sdelay $0x2  }
0xb8: {  	s31 =	sshll.u32 s1, $0xD;
	s1 =	sshrl.u32 s1, $0x2  }
0xb9: {  	s3 =	sand.u32 $0x4000, s31;
	s1 =	sadd.s32 s1, s30  }
0xba: {  	s0 =	sor.u32 s3, s0;
	s1 =	sshll.u32 s1, $0x11  }
0xbb: {  	s0 =	sor.u32 s1, s0  }
0xbc: {  	s0 =	sadd.s32 $0x8F2B, s0  }
0xbd: {  	[sflag:s0] =	ssyncadd.remote.s32 $0x1  }
0xbe: {  	_ =	sfence.sel $0xFFFF  }
0xbf: {  	[dreg:$0x0] =	wrdreg $0xFFFFFFFF;
	(pc) =	sbr.abs _section_cstart, $3  }
0xc0: {  	[dreg:$0x1] =	wrdreg $0xFFFFFFFF  }
0xc1: {  	_ =	task.clear_ibuf [dreg:s6], $0x2FFFF;
	_ =	strace $0x9FFFFFFF  }
0xc2: {  	(tm) =	ssettm $0x7FFFFFFF  }
0xc3: {  	_ =	shalt  }
tec
execute0_lowered:
.L_overlay_start_1:
0x0: {  	(tag) =	ssettag $0x1  }
0x1: {  	s0 =	srdreg.scid;
	s4 =	rddreg [dreg:$0x0]  }
0x2: {  	s8 =	stileid.u32;
	s2 =	rddreg [dreg:$0x1]  }
0x3: {  	s3 =	simm.s32 $0x0;
	s11 =	simm.s32 $0x3;
	s12 =	simm.s32 $0x800  }
0x4: {  	s13 =	simm.s32 $0x80;
	s14 =	simm.s32 $0x1;
	s15 =	simm.s32 $0x100  }
0x5: {  	s16 =	simm.s32 $0x2;
	s17 =	simm.s32 $0x180;
	s18 =	simm.s32 $0x200  }
0x6: {  	s19 =	simm.s32 $0x280;
	s20 =	simm.s32 $0x300;
	s21 =	simm.s32 $0x380  }
0x7: {  	s28 =	simm.s32 $0x680;
	s29 =	simm.s32 $0x700;
	s30 =	simm.s32 $0x780  }
0x8: {  	s31 =	simm.s32 $0x0;
	s0 =	sand.u32 $0x1, s0;
	s5 =	smul.u32 $0x14000, s8  }
0x9: {  	[smem:$0x7FF] =	sst s3;
	s22 =	smul.u32 $0x50000, s8;
	s9 =	sadd.s32 $0xDA00, s4  }
0xa: {  	s25 =	sshll.u32 s8, $0x6;
	s1 =	sshll.u32 s0, $0x4;
	s6 =	smul.u32 $0x140000, s0  }
0xb: {  	_ =	strace $0x80000047;
	s0 =	ssub.s32 $0x2, s0;
	[dreg:$0x3] =	wrdreg s9  }
0xc: {  	s1 =	sor.u32 s8, s1;
	s7 =	sshrl.u32 s5, $0x3;
	s23 =	sshrl.u32 s0, $0x1  }
0xd: {  	s24 =	sshrl.u32 s22, $0x2;
	s22 =	simm.s32 $0x400;
	s1 =	smul.u32 $0x500, s1  }
0xe: {  	s7 =	sadd.s32 s7, s4;
	s5 =	sadd.s32 s5, s6;
	s0 =	ssub.s32 s0, s23  }
0xf: {  	s10 =	sadd.s32 s24, s2;
	s6 =	sor.u32 $0x1C03, s25;
	s23 =	simm.s32 $0x480  }
0x10: {  	s24 =	simm.s32 $0x500;
	s25 =	simm.s32 $0x580;
	s5 =	sshrl.u32 s5, $0x3  }
0x11: {  	s26 =	sadd.s32 $0xE200, s7;
	s9 =	smax.u32 s0, $0x1;
	s10 =	sshrl.u32 s10, $0x3  }
0x12: {  	s1 =	sadd.s32 s1, s4;
	s4 =	sadd.s32 s5, s4;
	[dreg:$0x4] =	wrdreg s26  }
0x13: {  	s26 =	simm.s32 $0x600;
	s7 =	sadd.s32 $0x3A00, s1;
	s8 =	sadd.s32 $0x36200, s4  }
.LBB2_1:
0x14: {  	s0 =	rddreg [dreg:$0x4]  }
0x15: {  	[spmem:s10], [sflag:s6] =	dma.local [hbm:s0], $0x2800  }
0x16: {  	_ =	swait.ge [sflag:s11], $0x2800  }
0x17: {  	[sflag:s11] =	ssyncset.done $0x0  }
0x18: {  	s4 =	rddreg [dreg:$0x3];
	[sflag:s11] =	ssyncadd.s32 $0xFFFFD800  }
0x19: {  	[tilespmem:s12], [sflag:$0x3] =	stream.linear.gather [hbm4b:s4+s3], $0x4000, $0x38;
	[tilespmem:$0x18800] =	vst v63  }
0x1a: {  	_ =	swait.ge [sflag:s11], $0x4000  }
0x1b: {  	[sflag:s11] =	ssyncset.done $0x0  }
0x1c: {  	[sflag:s11] =	ssyncadd.s32 $0xFFFFC000  }
0x1d: {  	s5 =	sadd.s32 $0x0, s7;
	[bflag:$0x0] =	sbarrier.arrive $0xFFFF  }
0x1e: {  	[tilespmem:s3], [sflag:$0x3] =	stream.linear.gather [hbm4b:s5+s3], $0x800, $0x38;
	[tilespmem:$0x18800] =	vst v63  }
0x1f: {  	_ =	swait.ge [sflag:s11], $0x800  }
0x20: {  	[sflag:s11] =	ssyncset.done $0x0  }
0x21: {  	[sflag:s11] =	ssyncadd.s32 $0xFFFFF800  }
0x22: {  	[spmem:s2] =	stream.indirect.scatter.add.f32 [tilespmem:s12], [sflag:$0x1], $0x80, s3, s13, $0xb8;
	[tilespmem:$0x18800] =	vst v63  }
0x23: {  	_ = 	snop  }
0x24: {  	[spmem:s2] =	stream.indirect.scatter.add.f32 [tilespmem:s12], [sflag:$0x2], $0x80, s13, s13, $0xb8;
	[tilespmem:$0x18800] =	vst v63  }
0x25: {  	_ =	swait.ge [sflag:s14], $0x4000  }
0x26: {  	[sflag:s14] =	ssyncset.done $0x0  }
0x27: {  	[sflag:s14] =	ssyncadd.s32 $0xFFFFC000  }
0x28: {  	[spmem:s2] =	stream.indirect.scatter.add.f32 [tilespmem:s12], [sflag:$0x1], $0x80, s15, s13, $0xb8;
	[tilespmem:$0x18800] =	vst v63  }
0x29: {  	_ =	swait.ge [sflag:s16], $0x4000  }
0x2a: {  	[sflag:s16] =	ssyncset.done $0x0  }
0x2b: {  	[sflag:s16] =	ssyncadd.s32 $0xFFFFC000  }
0x2c: {  	[spmem:s2] =	stream.indirect.scatter.add.f32 [tilespmem:s12], [sflag:$0x2], $0x80, s17, s13, $0xb8;
	[tilespmem:$0x18800] =	vst v63  }
0x2d: {  	_ =	swait.ge [sflag:s14], $0x4000  }
0x2e: {  	[sflag:s14] =	ssyncset.done $0x0  }
0x2f: {  	[sflag:s14] =	ssyncadd.s32 $0xFFFFC000  }
0x30: {  	[spmem:s2] =	stream.indirect.scatter.add.f32 [tilespmem:s12], [sflag:$0x1], $0x80, s18, s13, $0xb8;
	[tilespmem:$0x18800] =	vst v63  }
0x31: {  	_ =	swait.ge [sflag:s16], $0x4000  }
0x32: {  	[sflag:s16] =	ssyncset.done $0x0  }
0x33: {  	[sflag:s16] =	ssyncadd.s32 $0xFFFFC000  }
0x34: {  	[spmem:s2] =	stream.indirect.scatter.add.f32 [tilespmem:s12], [sflag:$0x2], $0x80, s19, s13, $0xb8;
	[tilespmem:$0x18800] =	vst v63  }
0x35: {  	_ =	swait.ge [sflag:s14], $0x4000  }
0x36: {  	[sflag:s14] =	ssyncset.done $0x0  }
0x37: {  	[sflag:s14] =	ssyncadd.s32 $0xFFFFC000  }
0x38: {  	[spmem:s2] =	stream.indirect.scatter.add.f32 [tilespmem:s12], [sflag:$0x1], $0x80, s20, s13, $0xb8;
	[tilespmem:$0x18800] =	vst v63  }
0x39: {  	_ =	swait.ge [sflag:s16], $0x4000  }
0x3a: {  	[sflag:s16] =	ssyncset.done $0x0  }
0x3b: {  	[sflag:s16] =	ssyncadd.s32 $0xFFFFC000  }
0x3c: {  	[spmem:s2] =	stream.indirect.scatter.add.f32 [tilespmem:s12], [sflag:$0x2], $0x80, s21, s13, $0xb8;
	[tilespmem:$0x18800] =	vst v63  }
0x3d: {  	_ =	swait.ge [sflag:s14], $0x4000  }
0x3e: {  	[sflag:s14] =	ssyncset.done $0x0  }
0x3f: {  	[sflag:s14] =	ssyncadd.s32 $0xFFFFC000  }
0x40: {  	[spmem:s2] =	stream.indirect.scatter.add.f32 [tilespmem:s12], [sflag:$0x1], $0x80, s22, s13, $0xb8;
	[tilespmem:$0x18800] =	vst v63  }
0x41: {  	_ =	swait.ge [sflag:s16], $0x4000  }
0x42: {  	[sflag:s16] =	ssyncset.done $0x0  }
0x43: {  	[sflag:s16] =	ssyncadd.s32 $0xFFFFC000  }
0x44: {  	[spmem:s2] =	stream.indirect.scatter.add.f32 [tilespmem:s12], [sflag:$0x2], $0x80, s23, s13, $0xb8;
	[tilespmem:$0x18800] =	vst v63  }
0x45: {  	_ =	swait.ge [sflag:s14], $0x4000  }
0x46: {  	[sflag:s14] =	ssyncset.done $0x0  }
0x47: {  	[sflag:s14] =	ssyncadd.s32 $0xFFFFC000  }
0x48: {  	[spmem:s2] =	stream.indirect.scatter.add.f32 [tilespmem:s12], [sflag:$0x1], $0x80, s24, s13, $0xb8;
	[tilespmem:$0x18800] =	vst v63  }
0x49: {  	_ =	swait.ge [sflag:s16], $0x4000  }
0x4a: {  	[sflag:s16] =	ssyncset.done $0x0  }
0x4b: {  	[sflag:s16] =	ssyncadd.s32 $0xFFFFC000  }
0x4c: {  	[spmem:s2] =	stream.indirect.scatter.add.f32 [tilespmem:s12], [sflag:$0x2], $0x80, s25, s13, $0xb8;
	[tilespmem:$0x18800] =	vst v63  }
0x4d: {  	_ =	swait.ge [sflag:s14], $0x4000  }
0x4e: {  	[sflag:s14] =	ssyncset.done $0x0  }
0x4f: {  	[sflag:s14] =	ssyncadd.s32 $0xFFFFC000  }
0x50: {  	[spmem:s2] =	stream.indirect.scatter.add.f32 [tilespmem:s12], [sflag:$0x1], $0x80, s26, s13, $0xb8;
	[tilespmem:$0x18800] =	vst v63  }
0x51: {  	_ =	swait.ge [sflag:s16], $0x4000  }
0x52: {  	[sflag:s16] =	ssyncset.done $0x0  }
0x53: {  	[sflag:s16] =	ssyncadd.s32 $0xFFFFC000  }
0x54: {  	[spmem:s2] =	stream.indirect.scatter.add.f32 [tilespmem:s12], [sflag:$0x2], $0x80, s28, s13, $0xb8;
	[tilespmem:$0x18800] =	vst v63  }
0x55: {  	_ =	swait.ge [sflag:s14], $0x4000  }
0x56: {  	[sflag:s14] =	ssyncset.done $0x0  }
0x57: {  	[sflag:s14] =	ssyncadd.s32 $0xFFFFC000  }
0x58: {  	[spmem:s2] =	stream.indirect.scatter.add.f32 [tilespmem:s12], [sflag:$0x1], $0x80, s29, s13, $0xb8;
	[tilespmem:$0x18800] =	vst v63  }
0x59: {  	_ =	swait.ge [sflag:s16], $0x4000  }
0x5a: {  	[sflag:s16] =	ssyncset.done $0x0  }
0x5b: {  	[sflag:s16] =	ssyncadd.s32 $0xFFFFC000  }
0x5c: {  	[spmem:s2] =	stream.indirect.scatter.add.f32 [tilespmem:s12], [sflag:$0x2], $0x80, s30, s13, $0xb8;
	[tilespmem:$0x18800] =	vst v63  }
0x5d: {  	_ =	swait.ge [sflag:s14], $0x4000  }
0x5e: {  	[sflag:s14] =	ssyncset.done $0x0  }
0x5f: {  	[sflag:s14] =	ssyncadd.s32 $0xFFFFC000  }
0x60: {  	_ =	swait.ge [sflag:s16], $0x4000  }
0x61: {  	s1 =	simm.s32 $0x100;
	s0 =	simm.s32 $0x200;
	[sflag:s16] =	ssyncset.done $0x0  }
.LBB2_2:
0x62: {  	s5 =	sadd.s32 s1, s7  }
0x63: {  	[sflag:s16] =	ssyncadd.s32 $0xFFFFC000;
	s1 =	smov.u32 s0;
	s4 =	sadd.s32 $0x100, s0  }
0x64: {  	[tilespmem:s3], [sflag:$0x3] =	stream.linear.gather [hbm4b:s5+s3], $0x800, $0x38;
	[tilespmem:$0x18800] =	vst v63  }
0x65: {  	p0 =	sne.s32 s0, $0x400;
	_ =	swait.ge [sflag:s11], $0x800  }
0x66: {  	[sflag:s11] =	ssyncset.done $0x0  }
0x67: {  	[sflag:s11] =	ssyncadd.s32 $0xFFFFF800  }
0x68: {  	[spmem:s2] =	stream.indirect.scatter.add.f32 [tilespmem:s12], [sflag:$0x1], $0x80, s3, s13, $0xb8;
	[tilespmem:$0x18800] =	vst v63  }
0x69: {  	_ = 	snop  }
0x6a: {  	[spmem:s2] =	stream.indirect.scatter.add.f32 [tilespmem:s12], [sflag:$0x2], $0x80, s13, s13, $0xb8;
	[tilespmem:$0x18800] =	vst v63  }
0x6b: {  	_ =	swait.ge [sflag:s14], $0x4000  }
0x6c: {  	[sflag:s14] =	ssyncset.done $0x0  }
0x6d: {  	[sflag:s14] =	ssyncadd.s32 $0xFFFFC000  }
0x6e: {  	[spmem:s2] =	stream.indirect.scatter.add.f32 [tilespmem:s12], [sflag:$0x1], $0x80, s15, s13, $0xb8;
	[tilespmem:$0x18800] =	vst v63  }
0x6f: {  	_ =	swait.ge [sflag:s16], $0x4000  }
0x70: {  	[sflag:s16] =	ssyncset.done $0x0  }
0x71: {  	[sflag:s16] =	ssyncadd.s32 $0xFFFFC000  }
0x72: {  	[spmem:s2] =	stream.indirect.scatter.add.f32 [tilespmem:s12], [sflag:$0x2], $0x80, s17, s13, $0xb8;
	[tilespmem:$0x18800] =	vst v63  }
0x73: {  	_ =	swait.ge [sflag:s14], $0x4000  }
0x74: {  	[sflag:s14] =	ssyncset.done $0x0  }
0x75: {  	[sflag:s14] =	ssyncadd.s32 $0xFFFFC000  }
0x76: {  	[spmem:s2] =	stream.indirect.scatter.add.f32 [tilespmem:s12], [sflag:$0x1], $0x80, s18, s13, $0xb8;
	[tilespmem:$0x18800] =	vst v63  }
0x77: {  	_ =	swait.ge [sflag:s16], $0x4000  }
0x78: {  	[sflag:s16] =	ssyncset.done $0x0  }
0x79: {  	[sflag:s16] =	ssyncadd.s32 $0xFFFFC000  }
0x7a: {  	[spmem:s2] =	stream.indirect.scatter.add.f32 [tilespmem:s12], [sflag:$0x2], $0x80, s19, s13, $0xb8;
	[tilespmem:$0x18800] =	vst v63  }
0x7b: {  	_ =	swait.ge [sflag:s14], $0x4000  }
0x7c: {  	[sflag:s14] =	ssyncset.done $0x0  }
0x7d: {  	[sflag:s14] =	ssyncadd.s32 $0xFFFFC000  }
0x7e: {  	[spmem:s2] =	stream.indirect.scatter.add.f32 [tilespmem:s12], [sflag:$0x1], $0x80, s20, s13, $0xb8;
	[tilespmem:$0x18800] =	vst v63  }
0x7f: {  	_ =	swait.ge [sflag:s16], $0x4000  }
0x80: {  	[sflag:s16] =	ssyncset.done $0x0  }
0x81: {  	[sflag:s16] =	ssyncadd.s32 $0xFFFFC000  }
0x82: {  	[spmem:s2] =	stream.indirect.scatter.add.f32 [tilespmem:s12], [sflag:$0x2], $0x80, s21, s13, $0xb8;
	[tilespmem:$0x18800] =	vst v63  }
0x83: {  	_ =	swait.ge [sflag:s14], $0x4000  }
0x84: {  	[sflag:s14] =	ssyncset.done $0x0  }
0x85: {  	[sflag:s14] =	ssyncadd.s32 $0xFFFFC000  }
0x86: {  	[spmem:s2] =	stream.indirect.scatter.add.f32 [tilespmem:s12], [sflag:$0x1], $0x80, s22, s13, $0xb8;
	[tilespmem:$0x18800] =	vst v63  }
0x87: {  	_ =	swait.ge [sflag:s16], $0x4000  }
0x88: {  	[sflag:s16] =	ssyncset.done $0x0  }
0x89: {  	[sflag:s16] =	ssyncadd.s32 $0xFFFFC000  }
0x8a: {  	[spmem:s2] =	stream.indirect.scatter.add.f32 [tilespmem:s12], [sflag:$0x2], $0x80, s23, s13, $0xb8;
	[tilespmem:$0x18800] =	vst v63  }
0x8b: {  	_ =	swait.ge [sflag:s14], $0x4000  }
0x8c: {  	[sflag:s14] =	ssyncset.done $0x0  }
0x8d: {  	[sflag:s14] =	ssyncadd.s32 $0xFFFFC000  }
0x8e: {  	[spmem:s2] =	stream.indirect.scatter.add.f32 [tilespmem:s12], [sflag:$0x1], $0x80, s24, s13, $0xb8;
	[tilespmem:$0x18800] =	vst v63  }
0x8f: {  	_ =	swait.ge [sflag:s16], $0x4000  }
0x90: {  	[sflag:s16] =	ssyncset.done $0x0  }
0x91: {  	[sflag:s16] =	ssyncadd.s32 $0xFFFFC000  }
0x92: {  	[spmem:s2] =	stream.indirect.scatter.add.f32 [tilespmem:s12], [sflag:$0x2], $0x80, s25, s13, $0xb8;
	[tilespmem:$0x18800] =	vst v63  }
0x93: {  	_ =	swait.ge [sflag:s14], $0x4000  }
0x94: {  	[sflag:s14] =	ssyncset.done $0x0  }
0x95: {  	[sflag:s14] =	ssyncadd.s32 $0xFFFFC000  }
0x96: {  	[spmem:s2] =	stream.indirect.scatter.add.f32 [tilespmem:s12], [sflag:$0x1], $0x80, s26, s13, $0xb8;
	[tilespmem:$0x18800] =	vst v63  }
0x97: {  	_ =	swait.ge [sflag:s16], $0x4000  }
0x98: {  	[sflag:s16] =	ssyncset.done $0x0  }
0x99: {  	[sflag:s16] =	ssyncadd.s32 $0xFFFFC000  }
0x9a: {  	[spmem:s2] =	stream.indirect.scatter.add.f32 [tilespmem:s12], [sflag:$0x2], $0x80, s28, s13, $0xb8;
	[tilespmem:$0x18800] =	vst v63  }
0x9b: {  	_ =	swait.ge [sflag:s14], $0x4000  }
0x9c: {  	[sflag:s14] =	ssyncset.done $0x0  }
0x9d: {  	[sflag:s14] =	ssyncadd.s32 $0xFFFFC000  }
0x9e: {  	[spmem:s2] =	stream.indirect.scatter.add.f32 [tilespmem:s12], [sflag:$0x1], $0x80, s29, s13, $0xb8;
	[tilespmem:$0x18800] =	vst v63  }
0x9f: {  	_ =	swait.ge [sflag:s16], $0x4000  }
0xa0: {  	[sflag:s16] =	ssyncset.done $0x0  }
0xa1: {  	[sflag:s16] =	ssyncadd.s32 $0xFFFFC000  }
0xa2: {  	[spmem:s2] =	stream.indirect.scatter.add.f32 [tilespmem:s12], [sflag:$0x2], $0x80, s30, s13, $0xb8;
	[tilespmem:$0x18800] =	vst v63  }
.Ltmp0:
0xa3: {  	_ =	swait.ge [sflag:s14], $0x4000;
	(pc) =	sbr.rel @p0 .LBB2_2-.Ltmp0, $4  }
0xa4: {  	[sflag:s14] =	ssyncset.done $0x0  }
0xa5: {  	[sflag:s14] =	ssyncadd.s32 $0xFFFFC000  }
0xa6: {  	_ =	swait.ge [sflag:s16], $0x4000  }
0xa7: {  	s0 =	smov.u32 s4;
	[sflag:s16] =	ssyncset.done $0x0  }
0xa8: {  	s0 =	sadd.s32 s1, s7;
	[sflag:s16] =	ssyncadd.s32 $0xFFFFC000  }
0xa9: {  	[tilespmem:s3], [sflag:$0x3] =	stream.linear.gather [hbm4b:s0+s3], $0x800, $0x38;
	[tilespmem:$0x18800] =	vst v63  }
0xaa: {  	_ =	swait.ge [sflag:s11], $0x800  }
0xab: {  	[sflag:s11] =	ssyncset.done $0x0  }
0xac: {  	[sflag:s11] =	ssyncadd.s32 $0xFFFFF800  }
0xad: {  	[spmem:s2] =	stream.indirect.scatter.add.f32 [tilespmem:s12], [sflag:$0x1], $0x80, s3, s13, $0xb8;
	[tilespmem:$0x18800] =	vst v63  }
0xae: {  	_ = 	snop  }
0xaf: {  	[spmem:s2] =	stream.indirect.scatter.add.f32 [tilespmem:s12], [sflag:$0x2], $0x80, s13, s13, $0xb8;
	[tilespmem:$0x18800] =	vst v63  }
0xb0: {  	_ =	swait.ge [sflag:s14], $0x4000  }
0xb1: {  	[sflag:s14] =	ssyncset.done $0x0  }
0xb2: {  	[sflag:s14] =	ssyncadd.s32 $0xFFFFC000  }
0xb3: {  	[spmem:s2] =	stream.indirect.scatter.add.f32 [tilespmem:s12], [sflag:$0x1], $0x80, s15, s13, $0xb8;
	[tilespmem:$0x18800] =	vst v63  }
0xb4: {  	_ =	swait.ge [sflag:s16], $0x4000  }
0xb5: {  	[sflag:s16] =	ssyncset.done $0x0  }
0xb6: {  	[sflag:s16] =	ssyncadd.s32 $0xFFFFC000  }
0xb7: {  	[spmem:s2] =	stream.indirect.scatter.add.f32 [tilespmem:s12], [sflag:$0x2], $0x80, s17, s13, $0xb8;
	[tilespmem:$0x18800] =	vst v63  }
0xb8: {  	_ =	swait.ge [sflag:s14], $0x4000  }
0xb9: {  	[sflag:s14] =	ssyncset.done $0x0  }
0xba: {  	[sflag:s14] =	ssyncadd.s32 $0xFFFFC000  }
0xbb: {  	[spmem:s2] =	stream.indirect.scatter.add.f32 [tilespmem:s12], [sflag:$0x1], $0x80, s18, s13, $0xb8;
	[tilespmem:$0x18800] =	vst v63  }
0xbc: {  	_ =	swait.ge [sflag:s16], $0x4000  }
0xbd: {  	[sflag:s16] =	ssyncset.done $0x0  }
0xbe: {  	[sflag:s16] =	ssyncadd.s32 $0xFFFFC000  }
0xbf: {  	[spmem:s2] =	stream.indirect.scatter.add.f32 [tilespmem:s12], [sflag:$0x2], $0x80, s19, s13, $0xb8;
	[tilespmem:$0x18800] =	vst v63  }
0xc0: {  	_ =	swait.ge [sflag:s14], $0x4000  }
0xc1: {  	[sflag:s14] =	ssyncset.done $0x0  }
0xc2: {  	[sflag:s14] =	ssyncadd.s32 $0xFFFFC000  }
0xc3: {  	[spmem:s2] =	stream.indirect.scatter.add.f32 [tilespmem:s12], [sflag:$0x1], $0x80, s20, s13, $0xb8;
	[tilespmem:$0x18800] =	vst v63  }
0xc4: {  	_ =	swait.ge [sflag:s16], $0x4000  }
0xc5: {  	[sflag:s16] =	ssyncset.done $0x0  }
0xc6: {  	[sflag:s16] =	ssyncadd.s32 $0xFFFFC000  }
0xc7: {  	[spmem:s2] =	stream.indirect.scatter.add.f32 [tilespmem:s12], [sflag:$0x2], $0x80, s21, s13, $0xb8;
	[tilespmem:$0x18800] =	vst v63  }
0xc8: {  	_ =	swait.ge [sflag:s14], $0x4000  }
0xc9: {  	[sflag:s14] =	ssyncset.done $0x0  }
0xca: {  	[sflag:s14] =	ssyncadd.s32 $0xFFFFC000  }
0xcb: {  	[spmem:s2] =	stream.indirect.scatter.add.f32 [tilespmem:s12], [sflag:$0x1], $0x80, s22, s13, $0xb8;
	[tilespmem:$0x18800] =	vst v63  }
0xcc: {  	_ =	swait.ge [sflag:s16], $0x4000  }
0xcd: {  	[sflag:s16] =	ssyncset.done $0x0  }
0xce: {  	[sflag:s16] =	ssyncadd.s32 $0xFFFFC000  }
0xcf: {  	[spmem:s2] =	stream.indirect.scatter.add.f32 [tilespmem:s12], [sflag:$0x2], $0x80, s23, s13, $0xb8;
	[tilespmem:$0x18800] =	vst v63  }
0xd0: {  	_ =	swait.ge [sflag:s14], $0x4000  }
0xd1: {  	[sflag:s14] =	ssyncset.done $0x0  }
0xd2: {  	[sflag:s14] =	ssyncadd.s32 $0xFFFFC000  }
0xd3: {  	[spmem:s2] =	stream.indirect.scatter.add.f32 [tilespmem:s12], [sflag:$0x1], $0x80, s24, s13, $0xb8;
	[tilespmem:$0x18800] =	vst v63  }
0xd4: {  	_ =	swait.ge [sflag:s16], $0x4000  }
0xd5: {  	[sflag:s16] =	ssyncset.done $0x0  }
0xd6: {  	[sflag:s16] =	ssyncadd.s32 $0xFFFFC000  }
0xd7: {  	[spmem:s2] =	stream.indirect.scatter.add.f32 [tilespmem:s12], [sflag:$0x2], $0x80, s25, s13, $0xb8;
	[tilespmem:$0x18800] =	vst v63  }
0xd8: {  	_ =	swait.ge [sflag:s14], $0x4000  }
0xd9: {  	[sflag:s14] =	ssyncset.done $0x0  }
0xda: {  	[sflag:s14] =	ssyncadd.s32 $0xFFFFC000  }
0xdb: {  	[spmem:s2] =	stream.indirect.scatter.add.f32 [tilespmem:s12], [sflag:$0x1], $0x80, s26, s13, $0xb8;
	[tilespmem:$0x18800] =	vst v63  }
0xdc: {  	_ =	swait.ge [sflag:s16], $0x4000  }
0xdd: {  	[sflag:s16] =	ssyncset.done $0x0  }
0xde: {  	[sflag:s16] =	ssyncadd.s32 $0xFFFFC000  }
0xdf: {  	[spmem:s2] =	stream.indirect.scatter.add.f32 [tilespmem:s12], [sflag:$0x2], $0x80, s28, s13, $0xb8;
	[tilespmem:$0x18800] =	vst v63  }
0xe0: {  	_ =	swait.ge [sflag:s14], $0x4000  }
0xe1: {  	[sflag:s14] =	ssyncset.done $0x0  }
0xe2: {  	[sflag:s14] =	ssyncadd.s32 $0xFFFFC000  }
0xe3: {  	[spmem:s2] =	stream.indirect.scatter.add.f32 [tilespmem:s12], [sflag:$0x1], $0x80, s29, s13, $0xb8;
	[tilespmem:$0x18800] =	vst v63  }
0xe4: {  	_ =	swait.ge [sflag:s16], $0x4000  }
0xe5: {  	[sflag:s16] =	ssyncset.done $0x0  }
0xe6: {  	[sflag:s16] =	ssyncadd.s32 $0xFFFFC000  }
0xe7: {  	[spmem:s2] =	stream.indirect.scatter.add.f32 [tilespmem:s12], [sflag:$0x2], $0x80, s30, s13, $0xb8;
	[tilespmem:$0x18800] =	vst v63  }
0xe8: {  	_ =	swait.ge [sflag:s14], $0x4000  }
0xe9: {  	[sflag:s14] =	ssyncset.done $0x0  }
0xea: {  	[sflag:s14] =	ssyncadd.s32 $0xFFFFC000  }
0xeb: {  	_ =	swait.ge [sflag:s16], $0x4000  }
0xec: {  	s31 =	sadd.s32 $0x1, s31;
	[sflag:s16] =	ssyncset.done $0x0  }
0xed: {  	p0 =	sne.s32 s31, s9;
	[sflag:s16] =	ssyncadd.s32 $0xFFFFC000  }
.Ltmp1:
0xee: {  	[bflag:$0x0] =	sbarrier.arrive $0xFFFF;
	(pc) =	sbr.rel @p0 .LBB2_1-.Ltmp1, $4  }
0xef: {  	[hbm:s8], [sflag:s6] =	dma.local [spmem:s10], $0x2800  }
0xf0: {  	_ =	swait.ge [sflag:s11], $0x2800  }
0xf1: {  	[sflag:s11] =	ssyncset.done $0x0  }
0xf2: {  	[sflag:s11] =	ssyncadd.s32 $0xFFFFD800  }
0xf3: {  	_ =	sfence.sel $0x180000  }
0xf4: {  	[bflag:$0x0] =	sbarrier.arrive $0xFFFF  }
0xf5: {  	_ =	strace $0x90000047  }
0xf6: {  	s0 =	stileid.u32;
	[bflag:$0x2] =	sbarrier.arrive $0xFFFF  }
0xf7: {  	p0 =	sne.s32 s0, $0x0;
	s0 =	rddreg [dreg:$0x2]  }
0xf8: {  	s0 =	sadd.s32 @!p0 $0x100000, s0  }
0xf9: {  	[sflag:s0] =	ssyncadd.tile.s32 @!p0 $0x1;
	_ =	shalt  }
.Lfunc_end2:
_tile_overlayer_lowered:
.L_overlay_start_2:
0xfa: {  	(tag) =	ssettag $0x2  }
0xfb: {  	s0 =	rddreg [dreg:$0x0];
	s2 =	stileid.u32  }
0xfc: {  	s1 =	rddreg [dreg:$0x1];
	p0 =	sne.s32 s2, $0x0  }
0xfd: {  	s3 =	rddreg [dreg:$0x2];
	[bflag:$0x3] =	sbarrier.arrive $0xFFFF;
	s2 =	simm.s32 @!p0 $0x1C03  }
0xfe: {  	[timem:s3], [sflag:s2] =	dma.local @!p0 [hbm:s0], s1  }
0xff: {  	s0 =	simm.s32 @!p0 $0x3  }
0x100: {  	_ =	swait.ge @!p0 [sflag:s0], s1  }
0x101: {  	s1 =	ssub.s32 @!p0 $0x0, s1;
	[sflag:s0] =	ssyncset.done @!p0 $0x0  }
0x102: {  	[sflag:s0] =	ssyncadd.s32 @!p0 s1  }
0x103: {  	[bflag:$0x3] =	sbarrier.arrive $0xFFFF  }
0x104: {  	_ =	shalt  }

// kernel: kernel.14.cloned.1.call-start
scs
__scs_entry_jumppad:
0x0: {  	(pc) =	sbr.rel $0x88, $3  }
0x1: {  	(tag) =	ssettag $0x0;
	lr =	simm.s32 $0x1  }
0x2: {  	[smem:$0x3F95] =	sst lr;
	_ =	strace $0xD0000000  }
0x3: {  	_ = 	snop  }
0x4: {  	_ = 	snop  }
0x5: {  	_ = 	snop  }
0x6: {  	_ = 	snop  }
0x7: {  	_ = 	snop  }
__scs_overlays_trampoline_lowered:
0x8: {  	[smem:$0x3FA4] =	sst s0  }
0x9: {  	[smem:$0x3FA5] =	sst s1  }
0xa: {  	[smem:$0x3FA6] =	sst s2  }
0xb: {  	[smem:$0x3FA7] =	sst s3  }
0xc: {  	[smem:$0x3FA8] =	sst s4  }
0xd: {  	[smem:$0x3FA9] =	sst s5  }
0xe: {  	[smem:$0x3FAA] =	sst s6  }
0xf: {  	[smem:$0x3FAB] =	sst s7  }
0x10: {  	[smem:$0x3FAC] =	sst s8  }
0x11: {  	[smem:$0x3FAD] =	sst s9;
	s0 =	simm.s32 @!p0 $0x0  }
0x12: {  	s1 =	sld [smem:$0x3F93];
	s0 =	simm.s32 @p0 $0x1  }
0x13: {  	[smem:$0x3FAE] =	sst s0;
	s0 =	simm.s32 @!p1 $0x0  }
0x14: {  	s2 =	sld [smem:$0x3F92];
	s0 =	simm.s32 @p1 $0x1  }
0x15: {  	[smem:$0x3FAF] =	sst s0;
	s0 =	simm.s32 @!p2 $0x0  }
0x16: {  	s3 =	sld [smem:$0x3FDB];
	s0 =	simm.s32 @p2 $0x1  }
0x17: {  	s4 =	simm.s32 $0x1BF5;
	[smem:$0x3FB1] =	sst s0  }
0x18: {  	s0 =	sld [smem:$0x3F94];
	_ =	swait.ge [sflag:s4], $0x0  }
0x19: {  	s7 =	sld [smem:$0x3F95]  }
0x1a: {  	s8 =	sadd.s32 $0xFFFFE003, lr  }
0x1b: {  	s9 =	sadd.s32 $0xFFFFFEF7, lr;
	s5 =	simm.s32 $0xFFFFFFFF;
	p2 =	slt.u32 s8, $0xFFFFF086  }
0x1c: {  	p1 =	slt.u32 s9, $0xF7A;
	s5 =	simm.s32 @!p2 $0x0  }
0x1d: {  	s5 =	simm.s32 @p1 $0x1;
	p0 =	seq.s32 s7, s2  }
0x1e: {  	s7 =	smul.u32 @!p0 $0xF7A, s2;
	p2 =	seq.s32 @!p0 s5, $0x0  }
0x1f: {  	s9 =	smul.u32 $0xF7A, s1;
	s8 =	simm.s32 @!p0 $0x1BF5;
	p2 =	por !p2, p0  }
0x20: {  	[sflag:s8] =	ssyncset.s32 @!p0 $0xFFFFF086;
	s6 =	sadd.s32 @!p0 s3, s7;
	s7 =	simm.s32 @!p0 $0x108  }
0x21: {  	s3 =	sadd.s32 s3, s9;
	s6 =	sadd.s32 @!p0 $0x88, s6;
	s7 =	simm.s32 @p2 $0x1082  }
0x22: {  	[simem:s7], [sflag:s8] =	dma.local @!p0 [hbm:s6], $0xF7A  }
0x23: {  	s9 =	sor.u32 $0xD0000000, s2;
	s6 =	simm.s32 $0x108;
	_ =	swait.ge @!p0 [sflag:s8], $0x0  }
0x24: {  	s3 =	sadd.s32 $0x88, s3;
	s6 =	simm.s32 @!p1 $0x1082;
	[sflag:s4] =	ssyncset.s32 $0xFFFFF086  }
0x25: {  	[simem:s6], [sflag:s4] =	dma.local [hbm:s3], $0xF7A  }
0x26: {  	[smem:$0x3F95] =	sst s1;
	(tag) =	ssettag s2;
	_ =	strace s9  }
0x27: {  	s1 =	sld [smem:$0x3FA5]  }
0x28: {  	s2 =	sld [smem:$0x3FA6]  }
0x29: {  	s4 =	sld [smem:$0x3FA8]  }
0x2a: {  	p0 =	seq.s32 s5, $0x0;
	s5 =	sld [smem:$0x3FA9]  }
0x2b: {  	s6 =	sld [smem:$0x3FAA]  }
0x2c: {  	s7 =	sld [smem:$0x3FAB]  }
0x2d: {  	s3 =	simm.s32 $0x108;
	s8 =	sld [smem:$0x3FAC]  }
0x2e: {  	s3 =	simm.s32 @!p0 $0x1082;
	s9 =	sld [smem:$0x3FAD]  }
0x2f: {  	lr =	sadd.s32 s0, s3;
	s0 =	sld [smem:$0x3FA4]  }
0x30: {  	s3 =	sld [smem:$0x3FA7]  }
0x31: {  	[smem:$0x3FB0] =	sst s10  }
0x32: {  	s10 =	sld [smem:$0x3FAE];
	_ =	sdelay $0x3  }
0x33: {  	p0 =	seq.s32 s10, $0x1;
	s10 =	sld [smem:$0x3FB0];
	_ =	sdelay $0x3  }
0x34: {  	[smem:$0x3FB0] =	sst s10  }
0x35: {  	s10 =	sld [smem:$0x3FAF];
	_ =	sdelay $0x3  }
0x36: {  	p1 =	seq.s32 s10, $0x1;
	s10 =	sld [smem:$0x3FB0];
	_ =	sdelay $0x3  }
0x37: {  	[smem:$0x3FB0] =	sst s10  }
0x38: {  	s10 =	sld [smem:$0x3FB1]  }
0x39: {  	_ = 	snop;
	(pc) =	sbr.ind lr, $3  }
0x3a: {  	_ = 	snop  }
0x3b: {  	_ = 	snop  }
0x3c: {  	p2 =	seq.s32 s10, $0x1;
	s10 =	sld [smem:$0x3FB0]  }
0x3d: {  	_ =	shalt  }
0x3e: {  	_ =	shalt  }
0x3f: {  	_ =	shalt  }
0x40: {  	_ =	shalt  }
0x41: {  	_ =	shalt  }
0x42: {  	_ =	shalt  }
0x43: {  	_ =	shalt  }
0x44: {  	_ =	shalt  }
0x45: {  	_ =	shalt  }
0x46: {  	_ =	shalt  }
0x47: {  	_ =	shalt  }
0x48: {  	_ =	shalt  }
0x49: {  	_ =	shalt  }
0x4a: {  	_ =	shalt  }
0x4b: {  	_ =	shalt  }
0x4c: {  	_ =	shalt  }
0x4d: {  	_ =	shalt  }
0x4e: {  	_ =	shalt  }
0x4f: {  	_ =	shalt  }
0x50: {  	_ =	shalt  }
0x51: {  	_ =	shalt  }
0x52: {  	_ =	shalt  }
0x53: {  	_ =	shalt  }
0x54: {  	_ =	shalt  }
0x55: {  	_ =	shalt  }
0x56: {  	_ =	shalt  }
0x57: {  	_ =	shalt  }
0x58: {  	_ =	shalt  }
0x59: {  	_ =	shalt  }
0x5a: {  	_ =	shalt  }
0x5b: {  	_ =	shalt  }
0x5c: {  	_ =	shalt  }
0x5d: {  	_ =	shalt  }
0x5e: {  	_ =	shalt  }
0x5f: {  	_ =	shalt  }
0x60: {  	_ =	shalt  }
0x61: {  	_ =	shalt  }
0x62: {  	_ =	shalt  }
0x63: {  	_ =	shalt  }
0x64: {  	_ =	shalt  }
0x65: {  	_ =	shalt  }
0x66: {  	_ =	shalt  }
0x67: {  	_ =	shalt  }
0x68: {  	_ =	shalt  }
0x69: {  	_ =	shalt  }
0x6a: {  	_ =	shalt  }
0x6b: {  	_ =	shalt  }
0x6c: {  	_ =	shalt  }
0x6d: {  	_ =	shalt  }
0x6e: {  	_ =	shalt  }
0x6f: {  	_ =	shalt  }
0x70: {  	_ =	shalt  }
0x71: {  	_ =	shalt  }
0x72: {  	_ =	shalt  }
0x73: {  	_ =	shalt  }
0x74: {  	_ =	shalt  }
0x75: {  	_ =	shalt  }
0x76: {  	_ =	shalt  }
0x77: {  	_ =	shalt  }
0x78: {  	_ =	shalt  }
0x79: {  	_ =	shalt  }
0x7a: {  	_ =	shalt  }
0x7b: {  	_ =	shalt  }
0x7c: {  	_ =	shalt  }
0x7d: {  	_ =	shalt  }
0x7e: {  	_ =	shalt  }
0x7f: {  	_ =	shalt  }
0x80: {  	_ =	shalt  }
0x81: {  	_ =	shalt  }
0x82: {  	_ =	shalt  }
0x83: {  	_ =	shalt  }
0x84: {  	_ =	shalt  }
0x85: {  	_ =	shalt  }
0x86: {  	_ =	shalt  }
0x87: {  	_ =	shalt  }
.Lfunc_end0:
.L_simem_size_0:
called_computation.1_lowered:
.L_overlay_start_0:
0x88: {  	s2 =	sld [smem:$0x3FD9]  }
0x89: {  	s3 =	sld [smem:$0x3FFE];
	_ =	sdelay $0x1  }
0x8a: {  	s1 =	srdreg.scid  }
0x8b: {  	s0 =	sand.u32 $0x1, s1  }
0x8c: {  	s17 =	sshll.u32 s0, $0xA;
	s2 =	sadd.s32 s3, s2  }
0x8d: {  	s2 =	sadd.s32 s2, s17  }
0x8e: {  	[smem:$0x3FBC] =	sst s2  }
0x8f: {  	_ = 	snop  }
0x90: {  	s2 =	sld [smem:$0x3FD0];
	(tm) =	ssettm $0x1  }
0x91: {  	s18 =	sld [smem:$0x3FFB];
	_ =	sdelay $0x3  }
0x92: {  	_ =	strace s18  }
0x93: {  	s3 =	sld [smem:$0x3FFC];
	_ =	sdelay $0x3  }
0x94: {  	_ =	strace s3  }
0x95: {  	s3 =	sld [smem:$0x3FFD];
	_ =	sdelay $0x3  }
0x96: {  	_ =	strace s3  }
0x97: {  	_ =	strace $0x8FFFFFFF  }
0x98: {  	s19 =	sld [smem:$0x3FDB];
	_ =	sdelay $0x1  }
0x99: {  	s4 =	simm.s32 $_scs_section_size  }
0x9a: {  	s5 =	simm.s32 $_size__tile_overlayer_lowered;
	s6 =	simm.s32 $_tile_overlayer_lowered  }
0x9b: {  	s22 =	simm.s32 $0x1BFF;
	s21 =	sshll.u32 s6, $0x1;
	s3 =	sadd.s32 s4, s19  }
0x9c: {  	s7 =	simm.s32 $0x0;
	s20 =	sshll.u32 s5, $0x1;
	s5 =	sadd.s32 s21, s3  }
0x9d: {  	[timem:s7], [sflag:s22] =	dma.local [hbm:s5], s20  }
0x9e: {  	_ =	swait.ge [sflag:s22], s20  }
0x9f: {  	s4 =	ssub.s32 $0x0, s20;
	[sflag:s22] =	ssyncset.done $0x0  }
0xa0: {  	[sflag:s22] =	ssyncadd.s32 s4;
	_ =	sdelay $0x1  }
0xa1: {  	s23 =	simm.s32 $0x1B8B  }
0xa2: {  	_ =	swait.ge [sflag:s23], $0x1  }
0xa3: {  	[sflag:s23] =	ssyncset.done $0x0  }
0xa4: {  	s25 =	simm.s32 $0x1B8E;
	s24 =	sld [smem:$0x3FFE];
	[sflag:s23] =	ssyncadd.s32 $0xFFFFFFFF  }
0xa5: {  	s26 =	simm.s32 $execute0_lowered;
	[smem:$0x3FD2] =	sst s25  }
0xa6: {  	s5 =	sshll.u32 s26, $0x1;
	_ =	strace $0x80000049;
	[dreg:$0x1] =	wrdreg $0xFFFFFFFF  }
0xa7: {  	s28 =	simm.s32 $_size_execute0_lowered;
	s3 =	sadd.s32 s3, s5;
	[dreg:$0x0] =	wrdreg $0x0  }
0xa8: {  	s5 =	sshll.u32 s28, $0x1;
	[dreg:$0x2] =	wrdreg s3  }
0xa9: {  	[dreg:$0x3] =	wrdreg s5  }
0xaa: {  	[dreg:$0x4] =	wrdreg $0xC0  }
0xab: {  	_ =	task [dreg:s7], $0x5FFFF  }
0xac: {  	[dreg:$0x1] =	wrdreg $0xFFFFFFFF  }
0xad: {  	[dreg:$0x0] =	wrdreg $0x60  }
0xae: {  	[dreg:$0x2] =	wrdreg s24  }
0xaf: {  	[dreg:$0x3] =	wrdreg s2  }
0xb0: {  	[dreg:$0x4] =	wrdreg $0x90000  }
0xb1: {  	[dreg:$0x5] =	wrdreg $0x9  }
0xb2: {  	_ =	task.clear_ibuf [dreg:s7], $0x6FFFF;
	_ =	strace $0x90000049  }
0xb3: {  	s29 =	simm.s32 $0x9;
	_ =	strace $0x8000004B  }
0xb4: {  	_ =	swait.ge [sflag:s29], $0x1  }
0xb5: {  	[sflag:s29] =	ssyncadd.s32 $0xFFFFFFFF  }
0xb6: {  	_ =	strace $0x9000004B  }
0xb7: {  	_ =	sfence  }
0xb8: {  	s30 =	sld [smem:$0x0];
	_ =	sdelay $0x2  }
0xb9: {  	s31 =	sshll.u32 s1, $0xD;
	s1 =	sshrl.u32 s1, $0x2  }
0xba: {  	s3 =	sand.u32 $0x4000, s31;
	s1 =	sadd.s32 s1, s30  }
0xbb: {  	s0 =	sor.u32 s3, s0;
	s1 =	sshll.u32 s1, $0x11  }
0xbc: {  	s0 =	sor.u32 s1, s0  }
0xbd: {  	s0 =	sadd.s32 $0x8F2B, s0  }
0xbe: {  	[sflag:s0] =	ssyncadd.remote.s32 $0x1  }
0xbf: {  	_ =	sfence.sel $0xFFFF  }
0xc0: {  	[dreg:$0x0] =	wrdreg $0xFFFFFFFF;
	(pc) =	sbr.abs _section_cstart, $3  }
0xc1: {  	[dreg:$0x1] =	wrdreg $0xFFFFFFFF  }
0xc2: {  	_ =	task.clear_ibuf [dreg:s7], $0x2FFFF;
	_ =	strace $0x9FFFFFFF  }
0xc3: {  	(tm) =	ssettm $0x7FFFFFFF  }
tec
execute0_lowered:
.L_overlay_start_1:
0x0: {  	(tag) =	ssettag $0x1  }
0x1: {  	s0 =	srdreg.scid;
	s1 =	rddreg [dreg:$0x0]  }
0x2: {  	s11 =	stileid.u32;
	s5 =	rddreg [dreg:$0x1];
	s12 =	simm.s32 $0x100  }
0x3: {  	s14 =	simm.s32 $0x880;
	s15 =	simm.s32 $0x180;
	s16 =	simm.s32 $0x900  }
0x4: {  	s17 =	simm.s32 $0x200;
	s18 =	simm.s32 $0x980;
	s19 =	simm.s32 $0x280  }
0x5: {  	s20 =	simm.s32 $0xA00;
	s21 =	simm.s32 $0x300;
	s22 =	simm.s32 $0xA80  }
0x6: {  	s23 =	simm.s32 $0x380;
	s0 =	sand.u32 $0x1, s0;
	s7 =	smul.u32 $0x14000, s11  }
0x7: {  	s28 =	simm.s32 $0x680;
	s29 =	simm.s32 $0xE00;
	s2 =	sshll.u32 s0, $0x4  }
0x8: {  	s3 =	sor.u32 s11, s2;
	s2 =	rddreg [dreg:$0x2];
	s10 =	sshrl.u32 s7, $0x3  }
0x9: {  	s6 =	smul.u32 $0x500, s3;
	s3 =	simm.s32 $0x0;
	s10 =	sadd.s32 s10, s1  }
0xa: {  	s8 =	smul.u32 $0x140000, s0;
	[smem:$0x7FF] =	sst s3;
	s10 =	sadd.s32 $0xE200, s10  }
0xb: {  	s0 =	ssub.s32 $0x2, s0;
	_ =	strace $0x8000004A;
	[dreg:$0x14] =	wrdreg s10  }
0xc: {  	s30 =	simm.s32 $0x700;
	s25 =	sshrl.u32 s0, $0x1;
	[dreg:$0x6] =	wrdreg s12  }
0xd: {  	s31 =	simm.s32 $0xE80;
	s0 =	ssub.s32 s0, s25;
	[dreg:$0x7] =	wrdreg s14  }
0xe: {  	s24 =	smul.u32 $0x50000, s11;
	s0 =	smax.u32 s0, $0x1;
	[dreg:$0x8] =	wrdreg s15  }
0xf: {  	s4 =	sadd.s32 $0x36200, s1;
	s13 =	sshll.u32 s11, $0x6;
	[dreg:$0x17] =	wrdreg s0  }
0x10: {  	s26 =	sshrl.u32 s24, $0x2;
	s11 =	simm.s32 $0x800;
	[dreg:$0x9] =	wrdreg s16  }
0x11: {  	s24 =	simm.s32 $0xB00;
	s7 =	sadd.s32 s7, s8;
	[dreg:$0xa] =	wrdreg s17  }
0x12: {  	s8 =	sadd.s32 s26, s2;
	s25 =	simm.s32 $0x400;
	[dreg:$0xb] =	wrdreg s18  }
0x13: {  	s26 =	simm.s32 $0xB80;
	s7 =	sshrl.u32 s7, $0x3;
	[dreg:$0xc] =	wrdreg s19  }
0x14: {  	s8 =	sshrl.u32 s8, $0x3;
	s9 =	sadd.s32 s6, s1;
	[dreg:$0xd] =	wrdreg s20  }
0x15: {  	s1 =	sadd.s32 s7, s1;
	s5 =	sadd.s32 s5, s6;
	[dreg:$0xe] =	wrdreg s21  }
0x16: {  	s7 =	sor.u32 $0x1C05, s13;
	s10 =	simm.s32 $0x5;
	[dreg:$0xf] =	wrdreg s22  }
0x17: {  	s12 =	simm.s32 $0x80;
	s13 =	simm.s32 $0x1000;
	[dreg:$0x10] =	wrdreg s23  }
0x18: {  	s14 =	simm.s32 $0x5000;
	s15 =	simm.s32 $0x1;
	[dreg:$0x11] =	wrdreg s24  }
0x19: {  	s16 =	simm.s32 $0x3;
	s17 =	simm.s32 $0x2;
	[dreg:$0x12] =	wrdreg s25  }
0x1a: {  	s18 =	simm.s32 $0x4;
	[dreg:$0x13] =	wrdreg s26;
	s19 =	simm.s32 $0x480  }
0x1b: {  	s20 =	simm.s32 $0xC00;
	s21 =	simm.s32 $0x500;
	s22 =	simm.s32 $0xC80  }
0x1c: {  	s23 =	simm.s32 $0x580;
	s24 =	simm.s32 $0xD00;
	[dreg:$0x18] =	wrdreg s8  }
0x1d: {  	s25 =	simm.s32 $0x600;
	s26 =	simm.s32 $0xD80;
	[dreg:$0x4] =	wrdreg s5  }
0x1e: {  	s0 =	simm.s32 $0xF00;
	s9 =	sadd.s32 $0x3A00, s9;
	[dreg:$0x15] =	wrdreg s7  }
0x1f: {  	s1 =	sadd.s32 $0x5E200, s1;
	s5 =	simm.s32 $0xF80;
	[dreg:$0x5] =	wrdreg s9  }
0x20: {  	[dreg:$0x16] =	wrdreg s1;
	s1 =	simm.s32 $0x780;
	s9 =	simm.s32 $0x0  }
.LBB2_1:
0x21: {  	[dreg:$0x19] =	wrdreg s9  }
0x22: {  	s6 =	rddreg [dreg:$0x14]  }
0x23: {  	[spmem:s8], [sflag:s7] =	dma.local [hbm:s6], $0x2800  }
0x24: {  	_ =	swait.ge [sflag:s10], $0x2800  }
0x25: {  	[sflag:s10] =	ssyncset.done $0x0  }
0x26: {  	[sflag:s10] =	ssyncadd.s32 $0xFFFFD800  }
0x27: {  	[bflag:$0x0] =	sbarrier.arrive $0xFFFF  }
0x28: {  	s9 =	rddreg [dreg:$0x4]  }
0x29: {  	s6 =	sadd.s32 $0x0, s9  }
0x2a: {  	[tilespmem:s3], [sflag:$0x5] =	stream.linear.gather [hbm4b:s6+s3], $0x800, $0x38;
	[tilespmem:$0x1D000] =	vst v63  }
0x2b: {  	_ =	swait.ge [sflag:s10], $0x800  }
0x2c: {  	s7 =	rddreg [dreg:$0x5];
	[sflag:s10] =	ssyncset.done $0x0  }
0x2d: {  	[sflag:s10] =	ssyncadd.s32 $0xFFFFF800;
	s6 =	sadd.s32 $0x0, s7  }
0x2e: {  	[tilespmem:s11], [sflag:$0x5] =	stream.linear.gather [hbm4b:s6+s3], $0x800, $0x38;
	[tilespmem:$0x1D000] =	vst v63  }
0x2f: {  	_ =	swait.ge [sflag:s10], $0x800  }
0x30: {  	[sflag:s10] =	ssyncset.done $0x0  }
0x31: {  	[sflag:s10] =	ssyncadd.s32 $0xFFFFF800  }
0x32: {  	[tilespmem:s13], [sflag:$0x1] =	stream.indirect.gather [hbm4b:s4+s12], $0x80, s3, s12, $0xb8;
	[tilespmem:$0x1D000] =	vst v63  }
0x33: {  	_ = 	snop  }
0x34: {  	[tilespmem:s14], [sflag:$0x2] =	stream.indirect.gather [hbm4b:s4+s12], $0x80, s12, s12, $0xb8;
	[tilespmem:$0x1D000] =	vst v63  }
0x35: {  	_ =	swait.ge [sflag:s15], $0x4000  }
0x36: {  	[sflag:s15] =	ssyncset.done $0x0  }
0x37: {  	[sflag:s15] =	ssyncadd.s32 $0xFFFFC000  }
0x38: {  	[spmem:s2] =	stream.indirect.scatter.add.f32 [tilespmem:s13], [sflag:$0x3], $0x80, s11, s12, $0xb8;
	[tilespmem:$0x1D000] =	vst v63  }
0x39: {  	_ =	swait.ge [sflag:s16], $0x4000  }
0x3a: {  	[sflag:s16] =	ssyncset.done $0x0  }
0x3b: {  	s8 =	rddreg [dreg:$0x6];
	[sflag:s16] =	ssyncadd.s32 $0xFFFFC000  }
0x3c: {  	[tilespmem:s13], [sflag:$0x1] =	stream.indirect.gather [hbm4b:s4+s12], $0x80, s8, s12, $0xb8;
	[tilespmem:$0x1D000] =	vst v63  }
0x3d: {  	_ =	swait.ge [sflag:s17], $0x4000  }
0x3e: {  	[sflag:s17] =	ssyncset.done $0x0  }
0x3f: {  	s9 =	rddreg [dreg:$0x7];
	[sflag:s17] =	ssyncadd.s32 $0xFFFFC000  }
0x40: {  	[spmem:s2] =	stream.indirect.scatter.add.f32 [tilespmem:s14], [sflag:$0x4], $0x80, s9, s12, $0xb8;
	[tilespmem:$0x1D000] =	vst v63  }
0x41: {  	_ =	swait.ge [sflag:s18], $0x4000  }
0x42: {  	[sflag:s18] =	ssyncset.done $0x0  }
0x43: {  	s7 =	rddreg [dreg:$0x8];
	[sflag:s18] =	ssyncadd.s32 $0xFFFFC000  }
0x44: {  	[tilespmem:s14], [sflag:$0x2] =	stream.indirect.gather [hbm4b:s4+s12], $0x80, s7, s12, $0xb8;
	[tilespmem:$0x1D000] =	vst v63  }
0x45: {  	_ =	swait.ge [sflag:s15], $0x4000  }
0x46: {  	[sflag:s15] =	ssyncset.done $0x0  }
0x47: {  	s8 =	rddreg [dreg:$0x9];
	[sflag:s15] =	ssyncadd.s32 $0xFFFFC000  }
0x48: {  	[spmem:s2] =	stream.indirect.scatter.add.f32 [tilespmem:s13], [sflag:$0x3], $0x80, s8, s12, $0xb8;
	[tilespmem:$0x1D000] =	vst v63  }
0x49: {  	_ =	swait.ge [sflag:s16], $0x4000  }
0x4a: {  	[sflag:s16] =	ssyncset.done $0x0  }
0x4b: {  	s9 =	rddreg [dreg:$0xa];
	[sflag:s16] =	ssyncadd.s32 $0xFFFFC000  }
0x4c: {  	[tilespmem:s13], [sflag:$0x1] =	stream.indirect.gather [hbm4b:s4+s12], $0x80, s9, s12, $0xb8;
	[tilespmem:$0x1D000] =	vst v63  }
0x4d: {  	_ =	swait.ge [sflag:s17], $0x4000  }
0x4e: {  	[sflag:s17] =	ssyncset.done $0x0  }
0x4f: {  	s7 =	rddreg [dreg:$0xb];
	[sflag:s17] =	ssyncadd.s32 $0xFFFFC000  }
0x50: {  	[spmem:s2] =	stream.indirect.scatter.add.f32 [tilespmem:s14], [sflag:$0x4], $0x80, s7, s12, $0xb8;
	[tilespmem:$0x1D000] =	vst v63  }
0x51: {  	_ =	swait.ge [sflag:s18], $0x4000  }
0x52: {  	[sflag:s18] =	ssyncset.done $0x0  }
0x53: {  	s8 =	rddreg [dreg:$0xc];
	[sflag:s18] =	ssyncadd.s32 $0xFFFFC000  }
0x54: {  	[tilespmem:s14], [sflag:$0x2] =	stream.indirect.gather [hbm4b:s4+s12], $0x80, s8, s12, $0xb8;
	[tilespmem:$0x1D000] =	vst v63  }
0x55: {  	_ =	swait.ge [sflag:s15], $0x4000  }
0x56: {  	[sflag:s15] =	ssyncset.done $0x0  }
0x57: {  	s9 =	rddreg [dreg:$0xd];
	[sflag:s15] =	ssyncadd.s32 $0xFFFFC000  }
0x58: {  	[spmem:s2] =	stream.indirect.scatter.add.f32 [tilespmem:s13], [sflag:$0x3], $0x80, s9, s12, $0xb8;
	[tilespmem:$0x1D000] =	vst v63  }
0x59: {  	_ =	swait.ge [sflag:s16], $0x4000  }
0x5a: {  	[sflag:s16] =	ssyncset.done $0x0  }
0x5b: {  	s7 =	rddreg [dreg:$0xe];
	[sflag:s16] =	ssyncadd.s32 $0xFFFFC000  }
0x5c: {  	[tilespmem:s13], [sflag:$0x1] =	stream.indirect.gather [hbm4b:s4+s12], $0x80, s7, s12, $0xb8;
	[tilespmem:$0x1D000] =	vst v63  }
0x5d: {  	_ =	swait.ge [sflag:s17], $0x4000  }
0x5e: {  	[sflag:s17] =	ssyncset.done $0x0  }
0x5f: {  	s8 =	rddreg [dreg:$0xf];
	[sflag:s17] =	ssyncadd.s32 $0xFFFFC000  }
0x60: {  	[spmem:s2] =	stream.indirect.scatter.add.f32 [tilespmem:s14], [sflag:$0x4], $0x80, s8, s12, $0xb8;
	[tilespmem:$0x1D000] =	vst v63  }
0x61: {  	_ =	swait.ge [sflag:s18], $0x4000  }
0x62: {  	[sflag:s18] =	ssyncset.done $0x0  }
0x63: {  	s9 =	rddreg [dreg:$0x10];
	[sflag:s18] =	ssyncadd.s32 $0xFFFFC000  }
0x64: {  	[tilespmem:s14], [sflag:$0x2] =	stream.indirect.gather [hbm4b:s4+s12], $0x80, s9, s12, $0xb8;
	[tilespmem:$0x1D000] =	vst v63  }
0x65: {  	_ =	swait.ge [sflag:s15], $0x4000  }
0x66: {  	[sflag:s15] =	ssyncset.done $0x0  }
0x67: {  	s7 =	rddreg [dreg:$0x11];
	[sflag:s15] =	ssyncadd.s32 $0xFFFFC000  }
0x68: {  	[spmem:s2] =	stream.indirect.scatter.add.f32 [tilespmem:s13], [sflag:$0x3], $0x80, s7, s12, $0xb8;
	[tilespmem:$0x1D000] =	vst v63  }
0x69: {  	_ =	swait.ge [sflag:s16], $0x4000  }
0x6a: {  	[sflag:s16] =	ssyncset.done $0x0  }
0x6b: {  	s8 =	rddreg [dreg:$0x12];
	[sflag:s16] =	ssyncadd.s32 $0xFFFFC000  }
0x6c: {  	[tilespmem:s13], [sflag:$0x1] =	stream.indirect.gather [hbm4b:s4+s12], $0x80, s8, s12, $0xb8;
	[tilespmem:$0x1D000] =	vst v63  }
0x6d: {  	_ =	swait.ge [sflag:s17], $0x4000  }
0x6e: {  	[sflag:s17] =	ssyncset.done $0x0  }
0x6f: {  	s9 =	rddreg [dreg:$0x13];
	[sflag:s17] =	ssyncadd.s32 $0xFFFFC000  }
0x70: {  	[spmem:s2] =	stream.indirect.scatter.add.f32 [tilespmem:s14], [sflag:$0x4], $0x80, s9, s12, $0xb8;
	[tilespmem:$0x1D000] =	vst v63  }
0x71: {  	_ =	swait.ge [sflag:s18], $0x4000  }
0x72: {  	[sflag:s18] =	ssyncset.done $0x0  }
0x73: {  	[sflag:s18] =	ssyncadd.s32 $0xFFFFC000  }
0x74: {  	[tilespmem:s14], [sflag:$0x2] =	stream.indirect.gather [hbm4b:s4+s12], $0x80, s19, s12, $0xb8;
	[tilespmem:$0x1D000] =	vst v63  }
0x75: {  	_ =	swait.ge [sflag:s15], $0x4000  }
0x76: {  	[sflag:s15] =	ssyncset.done $0x0  }
0x77: {  	[sflag:s15] =	ssyncadd.s32 $0xFFFFC000  }
0x78: {  	[spmem:s2] =	stream.indirect.scatter.add.f32 [tilespmem:s13], [sflag:$0x3], $0x80, s20, s12, $0xb8;
	[tilespmem:$0x1D000] =	vst v63  }
0x79: {  	_ =	swait.ge [sflag:s16], $0x4000  }
0x7a: {  	[sflag:s16] =	ssyncset.done $0x0  }
0x7b: {  	[sflag:s16] =	ssyncadd.s32 $0xFFFFC000  }
0x7c: {  	[tilespmem:s13], [sflag:$0x1] =	stream.indirect.gather [hbm4b:s4+s12], $0x80, s21, s12, $0xb8;
	[tilespmem:$0x1D000] =	vst v63  }
0x7d: {  	_ =	swait.ge [sflag:s17], $0x4000  }
0x7e: {  	[sflag:s17] =	ssyncset.done $0x0  }
0x7f: {  	[sflag:s17] =	ssyncadd.s32 $0xFFFFC000  }
0x80: {  	[spmem:s2] =	stream.indirect.scatter.add.f32 [tilespmem:s14], [sflag:$0x4], $0x80, s22, s12, $0xb8;
	[tilespmem:$0x1D000] =	vst v63  }
0x81: {  	_ =	swait.ge [sflag:s18], $0x4000  }
0x82: {  	[sflag:s18] =	ssyncset.done $0x0  }
0x83: {  	[sflag:s18] =	ssyncadd.s32 $0xFFFFC000  }
0x84: {  	[tilespmem:s14], [sflag:$0x2] =	stream.indirect.gather [hbm4b:s4+s12], $0x80, s23, s12, $0xb8;
	[tilespmem:$0x1D000] =	vst v63  }
0x85: {  	_ =	swait.ge [sflag:s15], $0x4000  }
0x86: {  	[sflag:s15] =	ssyncset.done $0x0  }
0x87: {  	[sflag:s15] =	ssyncadd.s32 $0xFFFFC000  }
0x88: {  	[spmem:s2] =	stream.indirect.scatter.add.f32 [tilespmem:s13], [sflag:$0x3], $0x80, s24, s12, $0xb8;
	[tilespmem:$0x1D000] =	vst v63  }
0x89: {  	_ =	swait.ge [sflag:s16], $0x4000  }
0x8a: {  	[sflag:s16] =	ssyncset.done $0x0  }
0x8b: {  	[sflag:s16] =	ssyncadd.s32 $0xFFFFC000  }
0x8c: {  	[tilespmem:s13], [sflag:$0x1] =	stream.indirect.gather [hbm4b:s4+s12], $0x80, s25, s12, $0xb8;
	[tilespmem:$0x1D000] =	vst v63  }
0x8d: {  	_ =	swait.ge [sflag:s17], $0x4000  }
0x8e: {  	[sflag:s17] =	ssyncset.done $0x0  }
0x8f: {  	[sflag:s17] =	ssyncadd.s32 $0xFFFFC000  }
0x90: {  	[spmem:s2] =	stream.indirect.scatter.add.f32 [tilespmem:s14], [sflag:$0x4], $0x80, s26, s12, $0xb8;
	[tilespmem:$0x1D000] =	vst v63  }
0x91: {  	_ =	swait.ge [sflag:s18], $0x4000  }
0x92: {  	[sflag:s18] =	ssyncset.done $0x0  }
0x93: {  	[sflag:s18] =	ssyncadd.s32 $0xFFFFC000  }
0x94: {  	[tilespmem:s14], [sflag:$0x2] =	stream.indirect.gather [hbm4b:s4+s12], $0x80, s28, s12, $0xb8;
	[tilespmem:$0x1D000] =	vst v63  }
0x95: {  	_ =	swait.ge [sflag:s15], $0x4000  }
0x96: {  	[sflag:s15] =	ssyncset.done $0x0  }
0x97: {  	[sflag:s15] =	ssyncadd.s32 $0xFFFFC000  }
0x98: {  	[spmem:s2] =	stream.indirect.scatter.add.f32 [tilespmem:s13], [sflag:$0x3], $0x80, s29, s12, $0xb8;
	[tilespmem:$0x1D000] =	vst v63  }
0x99: {  	_ =	swait.ge [sflag:s16], $0x4000  }
0x9a: {  	[sflag:s16] =	ssyncset.done $0x0  }
0x9b: {  	[sflag:s16] =	ssyncadd.s32 $0xFFFFC000  }
0x9c: {  	[tilespmem:s13], [sflag:$0x1] =	stream.indirect.gather [hbm4b:s4+s12], $0x80, s30, s12, $0xb8;
	[tilespmem:$0x1D000] =	vst v63  }
0x9d: {  	_ =	swait.ge [sflag:s17], $0x4000  }
0x9e: {  	[sflag:s17] =	ssyncset.done $0x0  }
0x9f: {  	[sflag:s17] =	ssyncadd.s32 $0xFFFFC000  }
0xa0: {  	[spmem:s2] =	stream.indirect.scatter.add.f32 [tilespmem:s14], [sflag:$0x4], $0x80, s31, s12, $0xb8;
	[tilespmem:$0x1D000] =	vst v63  }
0xa1: {  	_ =	swait.ge [sflag:s18], $0x4000  }
0xa2: {  	[sflag:s18] =	ssyncset.done $0x0  }
0xa3: {  	[sflag:s18] =	ssyncadd.s32 $0xFFFFC000  }
0xa4: {  	[tilespmem:s14], [sflag:$0x2] =	stream.indirect.gather [hbm4b:s4+s12], $0x80, s1, s12, $0xb8;
	[tilespmem:$0x1D000] =	vst v63  }
0xa5: {  	_ =	swait.ge [sflag:s15], $0x4000  }
0xa6: {  	[sflag:s15] =	ssyncset.done $0x0  }
0xa7: {  	[sflag:s15] =	ssyncadd.s32 $0xFFFFC000  }
0xa8: {  	[spmem:s2] =	stream.indirect.scatter.add.f32 [tilespmem:s13], [sflag:$0x3], $0x80, s0, s12, $0xb8;
	[tilespmem:$0x1D000] =	vst v63  }
0xa9: {  	_ =	swait.ge [sflag:s16], $0x4000  }
0xaa: {  	[sflag:s16] =	ssyncset.done $0x0  }
0xab: {  	[sflag:s16] =	ssyncadd.s32 $0xFFFFC000  }
0xac: {  	_ =	swait.ge [sflag:s17], $0x4000  }
0xad: {  	[sflag:s17] =	ssyncset.done $0x0  }
0xae: {  	[sflag:s17] =	ssyncadd.s32 $0xFFFFC000  }
0xaf: {  	[spmem:s2] =	stream.indirect.scatter.add.f32 [tilespmem:s14], [sflag:$0x4], $0x80, s5, s12, $0xb8;
	[tilespmem:$0x1D000] =	vst v63  }
0xb0: {  	s6 =	simm.s32 $0x200;
	_ =	swait.ge [sflag:s18], $0x4000  }
0xb1: {  	s8 =	simm.s32 $0x100;
	s9 =	rddreg [dreg:$0x4];
	[sflag:s18] =	ssyncset.done $0x0  }
.LBB2_2:
0xb2: {  	[sflag:s18] =	ssyncadd.s32 $0xFFFFC000;
	s9 =	sadd.s32 s8, s9  }
0xb3: {  	[tilespmem:s3], [sflag:$0x5] =	stream.linear.gather [hbm4b:s9+s3], $0x800, $0x38;
	[tilespmem:$0x1D000] =	vst v63  }
0xb4: {  	_ =	swait.ge [sflag:s10], $0x800  }
0xb5: {  	s9 =	rddreg [dreg:$0x5];
	[sflag:s10] =	ssyncset.done $0x0  }
0xb6: {  	[sflag:s10] =	ssyncadd.s32 $0xFFFFF800;
	s9 =	sadd.s32 s8, s9  }
0xb7: {  	[tilespmem:s11], [sflag:$0x5] =	stream.linear.gather [hbm4b:s9+s3], $0x800, $0x38;
	[tilespmem:$0x1D000] =	vst v63  }
0xb8: {  	_ =	swait.ge [sflag:s10], $0x800  }
0xb9: {  	[sflag:s10] =	ssyncset.done $0x0  }
0xba: {  	[sflag:s10] =	ssyncadd.s32 $0xFFFFF800  }
0xbb: {  	[tilespmem:s13], [sflag:$0x1] =	stream.indirect.gather [hbm4b:s4+s12], $0x80, s3, s12, $0xb8;
	[tilespmem:$0x1D000] =	vst v63  }
0xbc: {  	_ = 	snop  }
0xbd: {  	[tilespmem:s14], [sflag:$0x2] =	stream.indirect.gather [hbm4b:s4+s12], $0x80, s12, s12, $0xb8;
	[tilespmem:$0x1D000] =	vst v63  }
0xbe: {  	_ =	swait.ge [sflag:s15], $0x4000  }
0xbf: {  	[sflag:s15] =	ssyncset.done $0x0  }
0xc0: {  	[sflag:s15] =	ssyncadd.s32 $0xFFFFC000  }
0xc1: {  	[spmem:s2] =	stream.indirect.scatter.add.f32 [tilespmem:s13], [sflag:$0x3], $0x80, s11, s12, $0xb8;
	[tilespmem:$0x1D000] =	vst v63  }
0xc2: {  	_ =	swait.ge [sflag:s16], $0x4000  }
0xc3: {  	[sflag:s16] =	ssyncset.done $0x0  }
0xc4: {  	s9 =	rddreg [dreg:$0x6];
	[sflag:s16] =	ssyncadd.s32 $0xFFFFC000  }
0xc5: {  	[tilespmem:s13], [sflag:$0x1] =	stream.indirect.gather [hbm4b:s4+s12], $0x80, s9, s12, $0xb8;
	[tilespmem:$0x1D000] =	vst v63  }
0xc6: {  	_ =	swait.ge [sflag:s17], $0x4000  }
0xc7: {  	[sflag:s17] =	ssyncset.done $0x0  }
0xc8: {  	s9 =	rddreg [dreg:$0x7];
	[sflag:s17] =	ssyncadd.s32 $0xFFFFC000  }
0xc9: {  	[spmem:s2] =	stream.indirect.scatter.add.f32 [tilespmem:s14], [sflag:$0x4], $0x80, s9, s12, $0xb8;
	[tilespmem:$0x1D000] =	vst v63  }
0xca: {  	_ =	swait.ge [sflag:s18], $0x4000  }
0xcb: {  	[sflag:s18] =	ssyncset.done $0x0  }
0xcc: {  	s9 =	rddreg [dreg:$0x8];
	[sflag:s18] =	ssyncadd.s32 $0xFFFFC000  }
0xcd: {  	[tilespmem:s14], [sflag:$0x2] =	stream.indirect.gather [hbm4b:s4+s12], $0x80, s9, s12, $0xb8;
	[tilespmem:$0x1D000] =	vst v63  }
0xce: {  	_ =	swait.ge [sflag:s15], $0x4000  }
0xcf: {  	[sflag:s15] =	ssyncset.done $0x0  }
0xd0: {  	s9 =	rddreg [dreg:$0x9];
	[sflag:s15] =	ssyncadd.s32 $0xFFFFC000  }
0xd1: {  	[spmem:s2] =	stream.indirect.scatter.add.f32 [tilespmem:s13], [sflag:$0x3], $0x80, s9, s12, $0xb8;
	[tilespmem:$0x1D000] =	vst v63  }
0xd2: {  	_ =	swait.ge [sflag:s16], $0x4000  }
0xd3: {  	[sflag:s16] =	ssyncset.done $0x0  }
0xd4: {  	s9 =	rddreg [dreg:$0xa];
	[sflag:s16] =	ssyncadd.s32 $0xFFFFC000  }
0xd5: {  	[tilespmem:s13], [sflag:$0x1] =	stream.indirect.gather [hbm4b:s4+s12], $0x80, s9, s12, $0xb8;
	[tilespmem:$0x1D000] =	vst v63  }
0xd6: {  	_ =	swait.ge [sflag:s17], $0x4000  }
0xd7: {  	[sflag:s17] =	ssyncset.done $0x0  }
0xd8: {  	s9 =	rddreg [dreg:$0xb];
	[sflag:s17] =	ssyncadd.s32 $0xFFFFC000  }
0xd9: {  	[spmem:s2] =	stream.indirect.scatter.add.f32 [tilespmem:s14], [sflag:$0x4], $0x80, s9, s12, $0xb8;
	[tilespmem:$0x1D000] =	vst v63  }
0xda: {  	_ =	swait.ge [sflag:s18], $0x4000  }
0xdb: {  	[sflag:s18] =	ssyncset.done $0x0  }
0xdc: {  	s9 =	rddreg [dreg:$0xc];
	[sflag:s18] =	ssyncadd.s32 $0xFFFFC000  }
0xdd: {  	[tilespmem:s14], [sflag:$0x2] =	stream.indirect.gather [hbm4b:s4+s12], $0x80, s9, s12, $0xb8;
	[tilespmem:$0x1D000] =	vst v63  }
0xde: {  	_ =	swait.ge [sflag:s15], $0x4000  }
0xdf: {  	[sflag:s15] =	ssyncset.done $0x0  }
0xe0: {  	s9 =	rddreg [dreg:$0xd];
	[sflag:s15] =	ssyncadd.s32 $0xFFFFC000  }
0xe1: {  	[spmem:s2] =	stream.indirect.scatter.add.f32 [tilespmem:s13], [sflag:$0x3], $0x80, s9, s12, $0xb8;
	[tilespmem:$0x1D000] =	vst v63  }
0xe2: {  	_ =	swait.ge [sflag:s16], $0x4000  }
0xe3: {  	[sflag:s16] =	ssyncset.done $0x0  }
0xe4: {  	s9 =	rddreg [dreg:$0xe];
	[sflag:s16] =	ssyncadd.s32 $0xFFFFC000  }
0xe5: {  	[tilespmem:s13], [sflag:$0x1] =	stream.indirect.gather [hbm4b:s4+s12], $0x80, s9, s12, $0xb8;
	[tilespmem:$0x1D000] =	vst v63  }
0xe6: {  	_ =	swait.ge [sflag:s17], $0x4000  }
0xe7: {  	[sflag:s17] =	ssyncset.done $0x0  }
0xe8: {  	s9 =	rddreg [dreg:$0xf];
	[sflag:s17] =	ssyncadd.s32 $0xFFFFC000  }
0xe9: {  	[spmem:s2] =	stream.indirect.scatter.add.f32 [tilespmem:s14], [sflag:$0x4], $0x80, s9, s12, $0xb8;
	[tilespmem:$0x1D000] =	vst v63  }
0xea: {  	_ =	swait.ge [sflag:s18], $0x4000  }
0xeb: {  	[sflag:s18] =	ssyncset.done $0x0  }
0xec: {  	s9 =	rddreg [dreg:$0x10];
	[sflag:s18] =	ssyncadd.s32 $0xFFFFC000  }
0xed: {  	[tilespmem:s14], [sflag:$0x2] =	stream.indirect.gather [hbm4b:s4+s12], $0x80, s9, s12, $0xb8;
	[tilespmem:$0x1D000] =	vst v63  }
0xee: {  	_ =	swait.ge [sflag:s15], $0x4000  }
0xef: {  	[sflag:s15] =	ssyncset.done $0x0  }
0xf0: {  	s9 =	rddreg [dreg:$0x11];
	[sflag:s15] =	ssyncadd.s32 $0xFFFFC000  }
0xf1: {  	[spmem:s2] =	stream.indirect.scatter.add.f32 [tilespmem:s13], [sflag:$0x3], $0x80, s9, s12, $0xb8;
	[tilespmem:$0x1D000] =	vst v63  }
0xf2: {  	_ =	swait.ge [sflag:s16], $0x4000  }
0xf3: {  	[sflag:s16] =	ssyncset.done $0x0  }
0xf4: {  	s9 =	rddreg [dreg:$0x12];
	[sflag:s16] =	ssyncadd.s32 $0xFFFFC000  }
0xf5: {  	[tilespmem:s13], [sflag:$0x1] =	stream.indirect.gather [hbm4b:s4+s12], $0x80, s9, s12, $0xb8;
	[tilespmem:$0x1D000] =	vst v63  }
0xf6: {  	_ =	swait.ge [sflag:s17], $0x4000  }
0xf7: {  	[sflag:s17] =	ssyncset.done $0x0  }
0xf8: {  	s9 =	rddreg [dreg:$0x13];
	[sflag:s17] =	ssyncadd.s32 $0xFFFFC000  }
0xf9: {  	[spmem:s2] =	stream.indirect.scatter.add.f32 [tilespmem:s14], [sflag:$0x4], $0x80, s9, s12, $0xb8;
	[tilespmem:$0x1D000] =	vst v63  }
0xfa: {  	_ =	swait.ge [sflag:s18], $0x4000  }
0xfb: {  	[sflag:s18] =	ssyncset.done $0x0  }
0xfc: {  	[sflag:s18] =	ssyncadd.s32 $0xFFFFC000  }
0xfd: {  	[tilespmem:s14], [sflag:$0x2] =	stream.indirect.gather [hbm4b:s4+s12], $0x80, s19, s12, $0xb8;
	[tilespmem:$0x1D000] =	vst v63  }
0xfe: {  	_ =	swait.ge [sflag:s15], $0x4000  }
0xff: {  	[sflag:s15] =	ssyncset.done $0x0  }
0x100: {  	[sflag:s15] =	ssyncadd.s32 $0xFFFFC000  }
0x101: {  	[spmem:s2] =	stream.indirect.scatter.add.f32 [tilespmem:s13], [sflag:$0x3], $0x80, s20, s12, $0xb8;
	[tilespmem:$0x1D000] =	vst v63  }
0x102: {  	_ =	swait.ge [sflag:s16], $0x4000  }
0x103: {  	[sflag:s16] =	ssyncset.done $0x0  }
0x104: {  	[sflag:s16] =	ssyncadd.s32 $0xFFFFC000  }
0x105: {  	[tilespmem:s13], [sflag:$0x1] =	stream.indirect.gather [hbm4b:s4+s12], $0x80, s21, s12, $0xb8;
	[tilespmem:$0x1D000] =	vst v63  }
0x106: {  	_ =	swait.ge [sflag:s17], $0x4000  }
0x107: {  	[sflag:s17] =	ssyncset.done $0x0  }
0x108: {  	[sflag:s17] =	ssyncadd.s32 $0xFFFFC000  }
0x109: {  	[spmem:s2] =	stream.indirect.scatter.add.f32 [tilespmem:s14], [sflag:$0x4], $0x80, s22, s12, $0xb8;
	[tilespmem:$0x1D000] =	vst v63  }
0x10a: {  	_ =	swait.ge [sflag:s18], $0x4000  }
0x10b: {  	[sflag:s18] =	ssyncset.done $0x0  }
0x10c: {  	[sflag:s18] =	ssyncadd.s32 $0xFFFFC000  }
0x10d: {  	[tilespmem:s14], [sflag:$0x2] =	stream.indirect.gather [hbm4b:s4+s12], $0x80, s23, s12, $0xb8;
	[tilespmem:$0x1D000] =	vst v63  }
0x10e: {  	_ =	swait.ge [sflag:s15], $0x4000  }
0x10f: {  	[sflag:s15] =	ssyncset.done $0x0  }
0x110: {  	[sflag:s15] =	ssyncadd.s32 $0xFFFFC000  }
0x111: {  	[spmem:s2] =	stream.indirect.scatter.add.f32 [tilespmem:s13], [sflag:$0x3], $0x80, s24, s12, $0xb8;
	[tilespmem:$0x1D000] =	vst v63  }
0x112: {  	_ =	swait.ge [sflag:s16], $0x4000  }
0x113: {  	[sflag:s16] =	ssyncset.done $0x0  }
0x114: {  	[sflag:s16] =	ssyncadd.s32 $0xFFFFC000  }
0x115: {  	[tilespmem:s13], [sflag:$0x1] =	stream.indirect.gather [hbm4b:s4+s12], $0x80, s25, s12, $0xb8;
	[tilespmem:$0x1D000] =	vst v63  }
0x116: {  	_ =	swait.ge [sflag:s17], $0x4000  }
0x117: {  	[sflag:s17] =	ssyncset.done $0x0  }
0x118: {  	[sflag:s17] =	ssyncadd.s32 $0xFFFFC000  }
0x119: {  	[spmem:s2] =	stream.indirect.scatter.add.f32 [tilespmem:s14], [sflag:$0x4], $0x80, s26, s12, $0xb8;
	[tilespmem:$0x1D000] =	vst v63  }
0x11a: {  	_ =	swait.ge [sflag:s18], $0x4000  }
0x11b: {  	[sflag:s18] =	ssyncset.done $0x0  }
0x11c: {  	[sflag:s18] =	ssyncadd.s32 $0xFFFFC000  }
0x11d: {  	[tilespmem:s14], [sflag:$0x2] =	stream.indirect.gather [hbm4b:s4+s12], $0x80, s28, s12, $0xb8;
	[tilespmem:$0x1D000] =	vst v63  }
0x11e: {  	_ =	swait.ge [sflag:s15], $0x4000  }
0x11f: {  	[sflag:s15] =	ssyncset.done $0x0  }
0x120: {  	[sflag:s15] =	ssyncadd.s32 $0xFFFFC000  }
0x121: {  	[spmem:s2] =	stream.indirect.scatter.add.f32 [tilespmem:s13], [sflag:$0x3], $0x80, s29, s12, $0xb8;
	[tilespmem:$0x1D000] =	vst v63  }
0x122: {  	_ =	swait.ge [sflag:s16], $0x4000  }
0x123: {  	[sflag:s16] =	ssyncset.done $0x0  }
0x124: {  	[sflag:s16] =	ssyncadd.s32 $0xFFFFC000  }
0x125: {  	[tilespmem:s13], [sflag:$0x1] =	stream.indirect.gather [hbm4b:s4+s12], $0x80, s30, s12, $0xb8;
	[tilespmem:$0x1D000] =	vst v63  }
0x126: {  	_ =	swait.ge [sflag:s17], $0x4000  }
0x127: {  	[sflag:s17] =	ssyncset.done $0x0  }
0x128: {  	[sflag:s17] =	ssyncadd.s32 $0xFFFFC000  }
0x129: {  	[spmem:s2] =	stream.indirect.scatter.add.f32 [tilespmem:s14], [sflag:$0x4], $0x80, s31, s12, $0xb8;
	[tilespmem:$0x1D000] =	vst v63  }
0x12a: {  	_ =	swait.ge [sflag:s18], $0x4000  }
0x12b: {  	[sflag:s18] =	ssyncset.done $0x0  }
0x12c: {  	[sflag:s18] =	ssyncadd.s32 $0xFFFFC000  }
0x12d: {  	[tilespmem:s14], [sflag:$0x2] =	stream.indirect.gather [hbm4b:s4+s12], $0x80, s1, s12, $0xb8;
	[tilespmem:$0x1D000] =	vst v63  }
0x12e: {  	_ =	swait.ge [sflag:s15], $0x4000  }
0x12f: {  	[sflag:s15] =	ssyncset.done $0x0  }
0x130: {  	[sflag:s15] =	ssyncadd.s32 $0xFFFFC000  }
0x131: {  	[spmem:s2] =	stream.indirect.scatter.add.f32 [tilespmem:s13], [sflag:$0x3], $0x80, s0, s12, $0xb8;
	[tilespmem:$0x1D000] =	vst v63  }
0x132: {  	_ =	swait.ge [sflag:s16], $0x4000  }
0x133: {  	[sflag:s16] =	ssyncset.done $0x0  }
0x134: {  	[sflag:s16] =	ssyncadd.s32 $0xFFFFC000  }
0x135: {  	p0 =	sne.s32 s6, $0x400;
	_ =	swait.ge [sflag:s17], $0x4000  }
.Ltmp0:
0x136: {  	[sflag:s17] =	ssyncset.done $0x0;
	(pc) =	sbr.rel @p0 .LBB2_2-.Ltmp0, $4  }
0x137: {  	[sflag:s17] =	ssyncadd.s32 $0xFFFFC000  }
0x138: {  	[spmem:s2] =	stream.indirect.scatter.add.f32 [tilespmem:s14], [sflag:$0x4], $0x80, s5, s12, $0xb8;
	[tilespmem:$0x1D000] =	vst v63  }
0x139: {  	s7 =	smov.u32 s6;
	s6 =	sadd.s32 $0x100, s6;
	_ =	swait.ge [sflag:s18], $0x4000  }
0x13a: {  	s8 =	smov.u32 s7;
	s9 =	rddreg [dreg:$0x4];
	[sflag:s18] =	ssyncset.done $0x0  }
0x13b: {  	[sflag:s18] =	ssyncadd.s32 $0xFFFFC000;
	s6 =	sadd.s32 s8, s9  }
0x13c: {  	[tilespmem:s3], [sflag:$0x5] =	stream.linear.gather [hbm4b:s6+s3], $0x800, $0x38;
	[tilespmem:$0x1D000] =	vst v63  }
0x13d: {  	_ =	swait.ge [sflag:s10], $0x800  }
0x13e: {  	s9 =	rddreg [dreg:$0x5];
	[sflag:s10] =	ssyncset.done $0x0  }
0x13f: {  	s6 =	sadd.s32 s8, s9;
	[sflag:s10] =	ssyncadd.s32 $0xFFFFF800  }
0x140: {  	[tilespmem:s11], [sflag:$0x5] =	stream.linear.gather [hbm4b:s6+s3], $0x800, $0x38;
	[tilespmem:$0x1D000] =	vst v63  }
0x141: {  	_ =	swait.ge [sflag:s10], $0x800  }
0x142: {  	[sflag:s10] =	ssyncset.done $0x0  }
0x143: {  	[sflag:s10] =	ssyncadd.s32 $0xFFFFF800  }
0x144: {  	[tilespmem:s13], [sflag:$0x1] =	stream.indirect.gather [hbm4b:s4+s12], $0x80, s3, s12, $0xb8;
	[tilespmem:$0x1D000] =	vst v63  }
0x145: {  	_ = 	snop  }
0x146: {  	[tilespmem:s14], [sflag:$0x2] =	stream.indirect.gather [hbm4b:s4+s12], $0x80, s12, s12, $0xb8;
	[tilespmem:$0x1D000] =	vst v63  }
0x147: {  	_ =	swait.ge [sflag:s15], $0x4000  }
0x148: {  	[sflag:s15] =	ssyncset.done $0x0  }
0x149: {  	[sflag:s15] =	ssyncadd.s32 $0xFFFFC000  }
0x14a: {  	[spmem:s2] =	stream.indirect.scatter.add.f32 [tilespmem:s13], [sflag:$0x3], $0x80, s11, s12, $0xb8;
	[tilespmem:$0x1D000] =	vst v63  }
0x14b: {  	_ =	swait.ge [sflag:s16], $0x4000  }
0x14c: {  	[sflag:s16] =	ssyncset.done $0x0  }
0x14d: {  	s7 =	rddreg [dreg:$0x6];
	[sflag:s16] =	ssyncadd.s32 $0xFFFFC000  }
0x14e: {  	[tilespmem:s13], [sflag:$0x1] =	stream.indirect.gather [hbm4b:s4+s12], $0x80, s7, s12, $0xb8;
	[tilespmem:$0x1D000] =	vst v63  }
0x14f: {  	_ =	swait.ge [sflag:s17], $0x4000  }
0x150: {  	[sflag:s17] =	ssyncset.done $0x0  }
0x151: {  	s8 =	rddreg [dreg:$0x7];
	[sflag:s17] =	ssyncadd.s32 $0xFFFFC000  }
0x152: {  	[spmem:s2] =	stream.indirect.scatter.add.f32 [tilespmem:s14], [sflag:$0x4], $0x80, s8, s12, $0xb8;
	[tilespmem:$0x1D000] =	vst v63  }
0x153: {  	_ =	swait.ge [sflag:s18], $0x4000  }
0x154: {  	[sflag:s18] =	ssyncset.done $0x0  }
0x155: {  	s9 =	rddreg [dreg:$0x8];
	[sflag:s18] =	ssyncadd.s32 $0xFFFFC000  }
0x156: {  	[tilespmem:s14], [sflag:$0x2] =	stream.indirect.gather [hbm4b:s4+s12], $0x80, s9, s12, $0xb8;
	[tilespmem:$0x1D000] =	vst v63  }
0x157: {  	_ =	swait.ge [sflag:s15], $0x4000  }
0x158: {  	[sflag:s15] =	ssyncset.done $0x0  }
0x159: {  	s7 =	rddreg [dreg:$0x9];
	[sflag:s15] =	ssyncadd.s32 $0xFFFFC000  }
0x15a: {  	[spmem:s2] =	stream.indirect.scatter.add.f32 [tilespmem:s13], [sflag:$0x3], $0x80, s7, s12, $0xb8;
	[tilespmem:$0x1D000] =	vst v63  }
0x15b: {  	_ =	swait.ge [sflag:s16], $0x4000  }
0x15c: {  	[sflag:s16] =	ssyncset.done $0x0  }
0x15d: {  	s8 =	rddreg [dreg:$0xa];
	[sflag:s16] =	ssyncadd.s32 $0xFFFFC000  }
0x15e: {  	[tilespmem:s13], [sflag:$0x1] =	stream.indirect.gather [hbm4b:s4+s12], $0x80, s8, s12, $0xb8;
	[tilespmem:$0x1D000] =	vst v63  }
0x15f: {  	_ =	swait.ge [sflag:s17], $0x4000  }
0x160: {  	[sflag:s17] =	ssyncset.done $0x0  }
0x161: {  	s9 =	rddreg [dreg:$0xb];
	[sflag:s17] =	ssyncadd.s32 $0xFFFFC000  }
0x162: {  	[spmem:s2] =	stream.indirect.scatter.add.f32 [tilespmem:s14], [sflag:$0x4], $0x80, s9, s12, $0xb8;
	[tilespmem:$0x1D000] =	vst v63  }
0x163: {  	_ =	swait.ge [sflag:s18], $0x4000  }
0x164: {  	[sflag:s18] =	ssyncset.done $0x0  }
0x165: {  	s7 =	rddreg [dreg:$0xc];
	[sflag:s18] =	ssyncadd.s32 $0xFFFFC000  }
0x166: {  	[tilespmem:s14], [sflag:$0x2] =	stream.indirect.gather [hbm4b:s4+s12], $0x80, s7, s12, $0xb8;
	[tilespmem:$0x1D000] =	vst v63  }
0x167: {  	_ =	swait.ge [sflag:s15], $0x4000  }
0x168: {  	[sflag:s15] =	ssyncset.done $0x0  }
0x169: {  	s8 =	rddreg [dreg:$0xd];
	[sflag:s15] =	ssyncadd.s32 $0xFFFFC000  }
0x16a: {  	[spmem:s2] =	stream.indirect.scatter.add.f32 [tilespmem:s13], [sflag:$0x3], $0x80, s8, s12, $0xb8;
	[tilespmem:$0x1D000] =	vst v63  }
0x16b: {  	_ =	swait.ge [sflag:s16], $0x4000  }
0x16c: {  	[sflag:s16] =	ssyncset.done $0x0  }
0x16d: {  	s9 =	rddreg [dreg:$0xe];
	[sflag:s16] =	ssyncadd.s32 $0xFFFFC000  }
0x16e: {  	[tilespmem:s13], [sflag:$0x1] =	stream.indirect.gather [hbm4b:s4+s12], $0x80, s9, s12, $0xb8;
	[tilespmem:$0x1D000] =	vst v63  }
0x16f: {  	_ =	swait.ge [sflag:s17], $0x4000  }
0x170: {  	[sflag:s17] =	ssyncset.done $0x0  }
0x171: {  	s7 =	rddreg [dreg:$0xf];
	[sflag:s17] =	ssyncadd.s32 $0xFFFFC000  }
0x172: {  	[spmem:s2] =	stream.indirect.scatter.add.f32 [tilespmem:s14], [sflag:$0x4], $0x80, s7, s12, $0xb8;
	[tilespmem:$0x1D000] =	vst v63  }
0x173: {  	_ =	swait.ge [sflag:s18], $0x4000  }
0x174: {  	[sflag:s18] =	ssyncset.done $0x0  }
0x175: {  	s8 =	rddreg [dreg:$0x10];
	[sflag:s18] =	ssyncadd.s32 $0xFFFFC000  }
0x176: {  	[tilespmem:s14], [sflag:$0x2] =	stream.indirect.gather [hbm4b:s4+s12], $0x80, s8, s12, $0xb8;
	[tilespmem:$0x1D000] =	vst v63  }
0x177: {  	_ =	swait.ge [sflag:s15], $0x4000  }
0x178: {  	[sflag:s15] =	ssyncset.done $0x0  }
0x179: {  	s9 =	rddreg [dreg:$0x11];
	[sflag:s15] =	ssyncadd.s32 $0xFFFFC000  }
0x17a: {  	[spmem:s2] =	stream.indirect.scatter.add.f32 [tilespmem:s13], [sflag:$0x3], $0x80, s9, s12, $0xb8;
	[tilespmem:$0x1D000] =	vst v63  }
0x17b: {  	_ =	swait.ge [sflag:s16], $0x4000  }
0x17c: {  	[sflag:s16] =	ssyncset.done $0x0  }
0x17d: {  	s7 =	rddreg [dreg:$0x12];
	[sflag:s16] =	ssyncadd.s32 $0xFFFFC000  }
0x17e: {  	[tilespmem:s13], [sflag:$0x1] =	stream.indirect.gather [hbm4b:s4+s12], $0x80, s7, s12, $0xb8;
	[tilespmem:$0x1D000] =	vst v63  }
0x17f: {  	_ =	swait.ge [sflag:s17], $0x4000  }
0x180: {  	[sflag:s17] =	ssyncset.done $0x0  }
0x181: {  	s8 =	rddreg [dreg:$0x13];
	[sflag:s17] =	ssyncadd.s32 $0xFFFFC000  }
0x182: {  	[spmem:s2] =	stream.indirect.scatter.add.f32 [tilespmem:s14], [sflag:$0x4], $0x80, s8, s12, $0xb8;
	[tilespmem:$0x1D000] =	vst v63  }
0x183: {  	_ =	swait.ge [sflag:s18], $0x4000  }
0x184: {  	[sflag:s18] =	ssyncset.done $0x0  }
0x185: {  	[sflag:s18] =	ssyncadd.s32 $0xFFFFC000  }
0x186: {  	[tilespmem:s14], [sflag:$0x2] =	stream.indirect.gather [hbm4b:s4+s12], $0x80, s19, s12, $0xb8;
	[tilespmem:$0x1D000] =	vst v63  }
0x187: {  	_ =	swait.ge [sflag:s15], $0x4000  }
0x188: {  	[sflag:s15] =	ssyncset.done $0x0  }
0x189: {  	[sflag:s15] =	ssyncadd.s32 $0xFFFFC000  }
0x18a: {  	[spmem:s2] =	stream.indirect.scatter.add.f32 [tilespmem:s13], [sflag:$0x3], $0x80, s20, s12, $0xb8;
	[tilespmem:$0x1D000] =	vst v63  }
0x18b: {  	_ =	swait.ge [sflag:s16], $0x4000  }
0x18c: {  	[sflag:s16] =	ssyncset.done $0x0  }
0x18d: {  	[sflag:s16] =	ssyncadd.s32 $0xFFFFC000  }
0x18e: {  	[tilespmem:s13], [sflag:$0x1] =	stream.indirect.gather [hbm4b:s4+s12], $0x80, s21, s12, $0xb8;
	[tilespmem:$0x1D000] =	vst v63  }
0x18f: {  	_ =	swait.ge [sflag:s17], $0x4000  }
0x190: {  	[sflag:s17] =	ssyncset.done $0x0  }
0x191: {  	[sflag:s17] =	ssyncadd.s32 $0xFFFFC000  }
0x192: {  	[spmem:s2] =	stream.indirect.scatter.add.f32 [tilespmem:s14], [sflag:$0x4], $0x80, s22, s12, $0xb8;
	[tilespmem:$0x1D000] =	vst v63  }
0x193: {  	_ =	swait.ge [sflag:s18], $0x4000  }
0x194: {  	[sflag:s18] =	ssyncset.done $0x0  }
0x195: {  	[sflag:s18] =	ssyncadd.s32 $0xFFFFC000  }
0x196: {  	[tilespmem:s14], [sflag:$0x2] =	stream.indirect.gather [hbm4b:s4+s12], $0x80, s23, s12, $0xb8;
	[tilespmem:$0x1D000] =	vst v63  }
0x197: {  	_ =	swait.ge [sflag:s15], $0x4000  }
0x198: {  	[sflag:s15] =	ssyncset.done $0x0  }
0x199: {  	[sflag:s15] =	ssyncadd.s32 $0xFFFFC000  }
0x19a: {  	[spmem:s2] =	stream.indirect.scatter.add.f32 [tilespmem:s13], [sflag:$0x3], $0x80, s24, s12, $0xb8;
	[tilespmem:$0x1D000] =	vst v63  }
0x19b: {  	_ =	swait.ge [sflag:s16], $0x4000  }
0x19c: {  	[sflag:s16] =	ssyncset.done $0x0  }
0x19d: {  	[sflag:s16] =	ssyncadd.s32 $0xFFFFC000  }
0x19e: {  	[tilespmem:s13], [sflag:$0x1] =	stream.indirect.gather [hbm4b:s4+s12], $0x80, s25, s12, $0xb8;
	[tilespmem:$0x1D000] =	vst v63  }
0x19f: {  	_ =	swait.ge [sflag:s17], $0x4000  }
0x1a0: {  	[sflag:s17] =	ssyncset.done $0x0  }
0x1a1: {  	[sflag:s17] =	ssyncadd.s32 $0xFFFFC000  }
0x1a2: {  	[spmem:s2] =	stream.indirect.scatter.add.f32 [tilespmem:s14], [sflag:$0x4], $0x80, s26, s12, $0xb8;
	[tilespmem:$0x1D000] =	vst v63  }
0x1a3: {  	_ =	swait.ge [sflag:s18], $0x4000  }
0x1a4: {  	[sflag:s18] =	ssyncset.done $0x0  }
0x1a5: {  	[sflag:s18] =	ssyncadd.s32 $0xFFFFC000  }
0x1a6: {  	[tilespmem:s14], [sflag:$0x2] =	stream.indirect.gather [hbm4b:s4+s12], $0x80, s28, s12, $0xb8;
	[tilespmem:$0x1D000] =	vst v63  }
0x1a7: {  	_ =	swait.ge [sflag:s15], $0x4000  }
0x1a8: {  	[sflag:s15] =	ssyncset.done $0x0  }
0x1a9: {  	[sflag:s15] =	ssyncadd.s32 $0xFFFFC000  }
0x1aa: {  	[spmem:s2] =	stream.indirect.scatter.add.f32 [tilespmem:s13], [sflag:$0x3], $0x80, s29, s12, $0xb8;
	[tilespmem:$0x1D000] =	vst v63  }
0x1ab: {  	_ =	swait.ge [sflag:s16], $0x4000  }
0x1ac: {  	[sflag:s16] =	ssyncset.done $0x0  }
0x1ad: {  	[sflag:s16] =	ssyncadd.s32 $0xFFFFC000  }
0x1ae: {  	[tilespmem:s13], [sflag:$0x1] =	stream.indirect.gather [hbm4b:s4+s12], $0x80, s30, s12, $0xb8;
	[tilespmem:$0x1D000] =	vst v63  }
0x1af: {  	_ =	swait.ge [sflag:s17], $0x4000  }
0x1b0: {  	[sflag:s17] =	ssyncset.done $0x0  }
0x1b1: {  	[sflag:s17] =	ssyncadd.s32 $0xFFFFC000  }
0x1b2: {  	[spmem:s2] =	stream.indirect.scatter.add.f32 [tilespmem:s14], [sflag:$0x4], $0x80, s31, s12, $0xb8;
	[tilespmem:$0x1D000] =	vst v63  }
0x1b3: {  	_ =	swait.ge [sflag:s18], $0x4000  }
0x1b4: {  	[sflag:s18] =	ssyncset.done $0x0  }
0x1b5: {  	[sflag:s18] =	ssyncadd.s32 $0xFFFFC000  }
0x1b6: {  	[tilespmem:s14], [sflag:$0x2] =	stream.indirect.gather [hbm4b:s4+s12], $0x80, s1, s12, $0xb8;
	[tilespmem:$0x1D000] =	vst v63  }
0x1b7: {  	_ =	swait.ge [sflag:s15], $0x4000  }
0x1b8: {  	[sflag:s15] =	ssyncset.done $0x0  }
0x1b9: {  	[sflag:s15] =	ssyncadd.s32 $0xFFFFC000  }
0x1ba: {  	[spmem:s2] =	stream.indirect.scatter.add.f32 [tilespmem:s13], [sflag:$0x3], $0x80, s0, s12, $0xb8;
	[tilespmem:$0x1D000] =	vst v63  }
0x1bb: {  	_ =	swait.ge [sflag:s16], $0x4000  }
0x1bc: {  	[sflag:s16] =	ssyncset.done $0x0  }
0x1bd: {  	[sflag:s16] =	ssyncadd.s32 $0xFFFFC000  }
0x1be: {  	_ =	swait.ge [sflag:s17], $0x4000  }
0x1bf: {  	[sflag:s17] =	ssyncset.done $0x0  }
0x1c0: {  	[sflag:s17] =	ssyncadd.s32 $0xFFFFC000  }
0x1c1: {  	[spmem:s2] =	stream.indirect.scatter.add.f32 [tilespmem:s14], [sflag:$0x4], $0x80, s5, s12, $0xb8;
	[tilespmem:$0x1D000] =	vst v63  }
0x1c2: {  	_ =	swait.ge [sflag:s18], $0x4000  }
0x1c3: {  	[sflag:s18] =	ssyncset.done $0x0  }
0x1c4: {  	[sflag:s18] =	ssyncadd.s32 $0xFFFFC000  }
0x1c5: {  	[bflag:$0x0] =	sbarrier.arrive $0xFFFF  }
0x1c6: {  	s7 =	rddreg [dreg:$0x15]  }
0x1c7: {  	s9 =	rddreg [dreg:$0x16]  }
0x1c8: {  	s8 =	rddreg [dreg:$0x18]  }
0x1c9: {  	[hbm:s9], [sflag:s7] =	dma.local [spmem:s8], $0x2800  }
0x1ca: {  	_ =	swait.ge [sflag:s10], $0x2800  }
0x1cb: {  	s6 =	rddreg [dreg:$0x19]  }
0x1cc: {  	s9 =	sadd.s32 $0x1, s6;
	s6 =	rddreg [dreg:$0x17]  }
0x1cd: {  	p0 =	sne.s32 s9, s6  }
.Ltmp1:
0x1ce: {  	_ = 	snop;
	(pc) =	sbr.rel @p0 .LBB2_1-.Ltmp1, $3  }
0x1cf: {  	_ =	sdelay $0x1  }
0x1d0: {  	[sflag:s10] =	ssyncset.done $0x0  }
0x1d1: {  	[sflag:s10] =	ssyncadd.s32 $0xFFFFD800  }
0x1d2: {  	_ =	sfence.sel $0x180000  }
0x1d3: {  	[bflag:$0x0] =	sbarrier.arrive $0xFFFF  }
0x1d4: {  	_ =	strace $0x9000004A  }
0x1d5: {  	s0 =	stileid.u32;
	[bflag:$0x2] =	sbarrier.arrive $0xFFFF  }
0x1d6: {  	p0 =	sne.s32 s0, $0x0;
	s0 =	rddreg [dreg:$0x3]  }
0x1d7: {  	s0 =	sadd.s32 @!p0 $0x100000, s0  }
0x1d8: {  	[sflag:s0] =	ssyncadd.tile.s32 @!p0 $0x1;
	_ =	shalt  }
.Lfunc_end2:
_tile_overlayer_lowered:
.L_overlay_start_2:
0x1d9: {  	(tag) =	ssettag $0x2  }
0x1da: {  	s0 =	rddreg [dreg:$0x0];
	s2 =	stileid.u32  }
0x1db: {  	s1 =	rddreg [dreg:$0x1];
	p0 =	sne.s32 s2, $0x0  }
0x1dc: {  	s3 =	rddreg [dreg:$0x2];
	[bflag:$0x3] =	sbarrier.arrive $0xFFFF;
	s2 =	simm.s32 @!p0 $0x1C05  }
0x1dd: {  	[timem:s3], [sflag:s2] =	dma.local @!p0 [hbm:s0], s1  }
0x1de: {  	s0 =	simm.s32 @!p0 $0x5  }
0x1df: {  	_ =	swait.ge @!p0 [sflag:s0], s1  }
0x1e0: {  	s1 =	ssub.s32 @!p0 $0x0, s1;
	[sflag:s0] =	ssyncset.done @!p0 $0x0  }
0x1e1: {  	[sflag:s0] =	ssyncadd.s32 @!p0 s1  }
0x1e2: {  	[bflag:$0x3] =	sbarrier.arrive $0xFFFF  }
0x1e3: {  	_ =	shalt  }

// kernel: kernel.17.cloned.1.call-start
scs
__scs_entry_jumppad:
0x0: {  	(pc) =	sbr.rel $0x88, $3  }
0x1: {  	(tag) =	ssettag $0x0;
	lr =	simm.s32 $0x1  }
0x2: {  	[smem:$0x3F95] =	sst lr;
	_ =	strace $0xD0000000  }
0x3: {  	_ = 	snop  }
0x4: {  	_ = 	snop  }
0x5: {  	_ = 	snop  }
0x6: {  	_ = 	snop  }
0x7: {  	_ = 	snop  }
__scs_overlays_trampoline_lowered:
0x8: {  	[smem:$0x3FA4] =	sst s0  }
0x9: {  	[smem:$0x3FA5] =	sst s1  }
0xa: {  	[smem:$0x3FA6] =	sst s2  }
0xb: {  	[smem:$0x3FA7] =	sst s3  }
0xc: {  	[smem:$0x3FA8] =	sst s4  }
0xd: {  	[smem:$0x3FA9] =	sst s5  }
0xe: {  	[smem:$0x3FAA] =	sst s6  }
0xf: {  	[smem:$0x3FAB] =	sst s7  }
0x10: {  	[smem:$0x3FAC] =	sst s8  }
0x11: {  	[smem:$0x3FAD] =	sst s9;
	s0 =	simm.s32 @!p0 $0x0  }
0x12: {  	s1 =	sld [smem:$0x3F93];
	s0 =	simm.s32 @p0 $0x1  }
0x13: {  	[smem:$0x3FAE] =	sst s0;
	s0 =	simm.s32 @!p1 $0x0  }
0x14: {  	s2 =	sld [smem:$0x3F92];
	s0 =	simm.s32 @p1 $0x1  }
0x15: {  	[smem:$0x3FAF] =	sst s0;
	s0 =	simm.s32 @!p2 $0x0  }
0x16: {  	s3 =	sld [smem:$0x3FDB];
	s0 =	simm.s32 @p2 $0x1  }
0x17: {  	s4 =	simm.s32 $0x1BF5;
	[smem:$0x3FB1] =	sst s0  }
0x18: {  	s0 =	sld [smem:$0x3F94];
	_ =	swait.ge [sflag:s4], $0x0  }
0x19: {  	s7 =	sld [smem:$0x3F95]  }
0x1a: {  	s8 =	sadd.s32 $0xFFFFE003, lr  }
0x1b: {  	s9 =	sadd.s32 $0xFFFFFEF7, lr;
	s5 =	simm.s32 $0xFFFFFFFF;
	p2 =	slt.u32 s8, $0xFFFFF086  }
0x1c: {  	p1 =	slt.u32 s9, $0xF7A;
	s5 =	simm.s32 @!p2 $0x0  }
0x1d: {  	s5 =	simm.s32 @p1 $0x1;
	p0 =	seq.s32 s7, s2  }
0x1e: {  	s7 =	smul.u32 @!p0 $0xF7A, s2;
	p2 =	seq.s32 @!p0 s5, $0x0  }
0x1f: {  	s9 =	smul.u32 $0xF7A, s1;
	s8 =	simm.s32 @!p0 $0x1BF5;
	p2 =	por !p2, p0  }
0x20: {  	[sflag:s8] =	ssyncset.s32 @!p0 $0xFFFFF086;
	s6 =	sadd.s32 @!p0 s3, s7;
	s7 =	simm.s32 @!p0 $0x108  }
0x21: {  	s3 =	sadd.s32 s3, s9;
	s6 =	sadd.s32 @!p0 $0x88, s6;
	s7 =	simm.s32 @p2 $0x1082  }
0x22: {  	[simem:s7], [sflag:s8] =	dma.local @!p0 [hbm:s6], $0xF7A  }
0x23: {  	s9 =	sor.u32 $0xD0000000, s2;
	s6 =	simm.s32 $0x108;
	_ =	swait.ge @!p0 [sflag:s8], $0x0  }
0x24: {  	s3 =	sadd.s32 $0x88, s3;
	s6 =	simm.s32 @!p1 $0x1082;
	[sflag:s4] =	ssyncset.s32 $0xFFFFF086  }
0x25: {  	[simem:s6], [sflag:s4] =	dma.local [hbm:s3], $0xF7A  }
0x26: {  	[smem:$0x3F95] =	sst s1;
	(tag) =	ssettag s2;
	_ =	strace s9  }
0x27: {  	s1 =	sld [smem:$0x3FA5]  }
0x28: {  	s2 =	sld [smem:$0x3FA6]  }
0x29: {  	s4 =	sld [smem:$0x3FA8]  }
0x2a: {  	p0 =	seq.s32 s5, $0x0;
	s5 =	sld [smem:$0x3FA9]  }
0x2b: {  	s6 =	sld [smem:$0x3FAA]  }
0x2c: {  	s7 =	sld [smem:$0x3FAB]  }
0x2d: {  	s3 =	simm.s32 $0x108;
	s8 =	sld [smem:$0x3FAC]  }
0x2e: {  	s3 =	simm.s32 @!p0 $0x1082;
	s9 =	sld [smem:$0x3FAD]  }
0x2f: {  	lr =	sadd.s32 s0, s3;
	s0 =	sld [smem:$0x3FA4]  }
0x30: {  	s3 =	sld [smem:$0x3FA7]  }
0x31: {  	[smem:$0x3FB0] =	sst s10  }
0x32: {  	s10 =	sld [smem:$0x3FAE];
	_ =	sdelay $0x3  }
0x33: {  	p0 =	seq.s32 s10, $0x1;
	s10 =	sld [smem:$0x3FB0];
	_ =	sdelay $0x3  }
0x34: {  	[smem:$0x3FB0] =	sst s10  }
0x35: {  	s10 =	sld [smem:$0x3FAF];
	_ =	sdelay $0x3  }
0x36: {  	p1 =	seq.s32 s10, $0x1;
	s10 =	sld [smem:$0x3FB0];
	_ =	sdelay $0x3  }
0x37: {  	[smem:$0x3FB0] =	sst s10  }
0x38: {  	s10 =	sld [smem:$0x3FB1]  }
0x39: {  	_ = 	snop;
	(pc) =	sbr.ind lr, $3  }
0x3a: {  	_ = 	snop  }
0x3b: {  	_ = 	snop  }
0x3c: {  	p2 =	seq.s32 s10, $0x1;
	s10 =	sld [smem:$0x3FB0]  }
0x3d: {  	_ =	shalt  }
0x3e: {  	_ =	shalt  }
0x3f: {  	_ =	shalt  }
0x40: {  	_ =	shalt  }
0x41: {  	_ =	shalt  }
0x42: {  	_ =	shalt  }
0x43: {  	_ =	shalt  }
0x44: {  	_ =	shalt  }
0x45: {  	_ =	shalt  }
0x46: {  	_ =	shalt  }
0x47: {  	_ =	shalt  }
0x48: {  	_ =	shalt  }
0x49: {  	_ =	shalt  }
0x4a: {  	_ =	shalt  }
0x4b: {  	_ =	shalt  }
0x4c: {  	_ =	shalt  }
0x4d: {  	_ =	shalt  }
0x4e: {  	_ =	shalt  }
0x4f: {  	_ =	shalt  }
0x50: {  	_ =	shalt  }
0x51: {  	_ =	shalt  }
0x52: {  	_ =	shalt  }
0x53: {  	_ =	shalt  }
0x54: {  	_ =	shalt  }
0x55: {  	_ =	shalt  }
0x56: {  	_ =	shalt  }
0x57: {  	_ =	shalt  }
0x58: {  	_ =	shalt  }
0x59: {  	_ =	shalt  }
0x5a: {  	_ =	shalt  }
0x5b: {  	_ =	shalt  }
0x5c: {  	_ =	shalt  }
0x5d: {  	_ =	shalt  }
0x5e: {  	_ =	shalt  }
0x5f: {  	_ =	shalt  }
0x60: {  	_ =	shalt  }
0x61: {  	_ =	shalt  }
0x62: {  	_ =	shalt  }
0x63: {  	_ =	shalt  }
0x64: {  	_ =	shalt  }
0x65: {  	_ =	shalt  }
0x66: {  	_ =	shalt  }
0x67: {  	_ =	shalt  }
0x68: {  	_ =	shalt  }
0x69: {  	_ =	shalt  }
0x6a: {  	_ =	shalt  }
0x6b: {  	_ =	shalt  }
0x6c: {  	_ =	shalt  }
0x6d: {  	_ =	shalt  }
0x6e: {  	_ =	shalt  }
0x6f: {  	_ =	shalt  }
0x70: {  	_ =	shalt  }
0x71: {  	_ =	shalt  }
0x72: {  	_ =	shalt  }
0x73: {  	_ =	shalt  }
0x74: {  	_ =	shalt  }
0x75: {  	_ =	shalt  }
0x76: {  	_ =	shalt  }
0x77: {  	_ =	shalt  }
0x78: {  	_ =	shalt  }
0x79: {  	_ =	shalt  }
0x7a: {  	_ =	shalt  }
0x7b: {  	_ =	shalt  }
0x7c: {  	_ =	shalt  }
0x7d: {  	_ =	shalt  }
0x7e: {  	_ =	shalt  }
0x7f: {  	_ =	shalt  }
0x80: {  	_ =	shalt  }
0x81: {  	_ =	shalt  }
0x82: {  	_ =	shalt  }
0x83: {  	_ =	shalt  }
0x84: {  	_ =	shalt  }
0x85: {  	_ =	shalt  }
0x86: {  	_ =	shalt  }
0x87: {  	_ =	shalt  }
.Lfunc_end0:
.L_simem_size_0:
called_computation.2_lowered:
.L_overlay_start_0:
0x88: {  	s2 =	sld [smem:$0x3FD9]  }
0x89: {  	s3 =	sld [smem:$0x3FFE];
	_ =	sdelay $0x1  }
0x8a: {  	s1 =	srdreg.scid  }
0x8b: {  	s0 =	sand.u32 $0x1, s1  }
0x8c: {  	s17 =	sshll.u32 s0, $0xA;
	s2 =	sadd.s32 s3, s2  }
0x8d: {  	s2 =	sadd.s32 s2, s17  }
0x8e: {  	[smem:$0x3FBC] =	sst s2  }
0x8f: {  	_ = 	snop  }
0x90: {  	s2 =	sld [smem:$0x3FD0];
	(tm) =	ssettm $0x1  }
0x91: {  	s18 =	sld [smem:$0x3FFB];
	_ =	sdelay $0x3  }
0x92: {  	_ =	strace s18  }
0x93: {  	s3 =	sld [smem:$0x3FFC];
	_ =	sdelay $0x3  }
0x94: {  	_ =	strace s3  }
0x95: {  	s3 =	sld [smem:$0x3FFD];
	_ =	sdelay $0x3  }
0x96: {  	_ =	strace s3  }
0x97: {  	_ =	strace $0x8FFFFFFF  }
0x98: {  	s19 =	sld [smem:$0x3FDB];
	_ =	sdelay $0x1  }
0x99: {  	s4 =	simm.s32 $_scs_section_size  }
0x9a: {  	s5 =	simm.s32 $_size__tile_overlayer_lowered;
	s6 =	simm.s32 $_tile_overlayer_lowered  }
0x9b: {  	s22 =	simm.s32 $0x1BFF;
	s21 =	sshll.u32 s6, $0x1;
	s3 =	sadd.s32 s4, s19  }
0x9c: {  	s7 =	simm.s32 $0x0;
	s20 =	sshll.u32 s5, $0x1;
	s5 =	sadd.s32 s21, s3  }
0x9d: {  	[timem:s7], [sflag:s22] =	dma.local [hbm:s5], s20  }
0x9e: {  	_ =	swait.ge [sflag:s22], s20  }
0x9f: {  	s4 =	ssub.s32 $0x0, s20;
	[sflag:s22] =	ssyncset.done $0x0  }
0xa0: {  	[sflag:s22] =	ssyncadd.s32 s4;
	_ =	sdelay $0x1  }
0xa1: {  	s23 =	simm.s32 $0x1B8B  }
0xa2: {  	_ =	swait.ge [sflag:s23], $0x1  }
0xa3: {  	[sflag:s23] =	ssyncset.done $0x0  }
0xa4: {  	s25 =	simm.s32 $0x1B8E;
	s24 =	sld [smem:$0x3FFE];
	[sflag:s23] =	ssyncadd.s32 $0xFFFFFFFF  }
0xa5: {  	s26 =	simm.s32 $execute0_lowered;
	[smem:$0x3FD2] =	sst s25  }
0xa6: {  	s5 =	sshll.u32 s26, $0x1;
	_ =	strace $0x8000004C;
	[dreg:$0x1] =	wrdreg $0xFFFFFFFF  }
0xa7: {  	s28 =	simm.s32 $_size_execute0_lowered;
	s3 =	sadd.s32 s3, s5;
	[dreg:$0x0] =	wrdreg $0x0  }
0xa8: {  	s5 =	sshll.u32 s28, $0x1;
	[dreg:$0x2] =	wrdreg s3  }
0xa9: {  	[dreg:$0x3] =	wrdreg s5  }
0xaa: {  	[dreg:$0x4] =	wrdreg $0xC0  }
0xab: {  	_ =	task [dreg:s7], $0x5FFFF  }
0xac: {  	[dreg:$0x1] =	wrdreg $0xFFFFFFFF  }
0xad: {  	[dreg:$0x0] =	wrdreg $0x60  }
0xae: {  	[dreg:$0x2] =	wrdreg s24  }
0xaf: {  	[dreg:$0x3] =	wrdreg s2  }
0xb0: {  	[dreg:$0x4] =	wrdreg $0x90000  }
0xb1: {  	[dreg:$0x5] =	wrdreg $0x9  }
0xb2: {  	_ =	task.clear_ibuf [dreg:s7], $0x6FFFF;
	_ =	strace $0x9000004C  }
0xb3: {  	s29 =	simm.s32 $0x9;
	_ =	strace $0x8000004E  }
0xb4: {  	_ =	swait.ge [sflag:s29], $0x1  }
0xb5: {  	[sflag:s29] =	ssyncadd.s32 $0xFFFFFFFF  }
0xb6: {  	_ =	strace $0x9000004E  }
0xb7: {  	_ =	sfence  }
0xb8: {  	s30 =	sld [smem:$0x0];
	_ =	sdelay $0x2  }
0xb9: {  	s31 =	sshll.u32 s1, $0xD;
	s1 =	sshrl.u32 s1, $0x2  }
0xba: {  	s3 =	sand.u32 $0x4000, s31;
	s1 =	sadd.s32 s1, s30  }
0xbb: {  	s0 =	sor.u32 s3, s0;
	s1 =	sshll.u32 s1, $0x11  }
0xbc: {  	s0 =	sor.u32 s1, s0  }
0xbd: {  	s0 =	sadd.s32 $0x8F2B, s0  }
0xbe: {  	[sflag:s0] =	ssyncadd.remote.s32 $0x1  }
0xbf: {  	_ =	sfence.sel $0xFFFF  }
0xc0: {  	[dreg:$0x0] =	wrdreg $0xFFFFFFFF;
	(pc) =	sbr.abs _section_cstart, $3  }
0xc1: {  	[dreg:$0x1] =	wrdreg $0xFFFFFFFF  }
0xc2: {  	_ =	task.clear_ibuf [dreg:s7], $0x2FFFF;
	_ =	strace $0x9FFFFFFF  }
0xc3: {  	(tm) =	ssettm $0x7FFFFFFF  }
tec
execute0_lowered:
.L_overlay_start_1:
0x0: {  	(tag) =	ssettag $0x1  }
0x1: {  	s0 =	srdreg.scid;
	s1 =	rddreg [dreg:$0x0]  }
0x2: {  	s11 =	stileid.u32;
	s5 =	rddreg [dreg:$0x1];
	s12 =	simm.s32 $0x100  }
0x3: {  	s14 =	simm.s32 $0x880;
	s15 =	simm.s32 $0x180;
	s16 =	simm.s32 $0x900  }
0x4: {  	s17 =	simm.s32 $0x200;
	s18 =	simm.s32 $0x980;
	s19 =	simm.s32 $0x280  }
0x5: {  	s20 =	simm.s32 $0xA00;
	s21 =	simm.s32 $0x300;
	s22 =	simm.s32 $0xA80  }
0x6: {  	s23 =	simm.s32 $0x380;
	s0 =	sand.u32 $0x1, s0;
	s7 =	smul.u32 $0x14000, s11  }
0x7: {  	s28 =	simm.s32 $0x680;
	s29 =	simm.s32 $0xE00;
	s2 =	sshll.u32 s0, $0x4  }
0x8: {  	s3 =	sor.u32 s11, s2;
	s2 =	rddreg [dreg:$0x2];
	s10 =	sshrl.u32 s7, $0x3  }
0x9: {  	s6 =	smul.u32 $0x500, s3;
	s3 =	simm.s32 $0x0;
	s10 =	sadd.s32 s10, s1  }
0xa: {  	s8 =	smul.u32 $0x140000, s0;
	[smem:$0x7FF] =	sst s3;
	s10 =	sadd.s32 $0xE200, s10  }
0xb: {  	s0 =	ssub.s32 $0x2, s0;
	_ =	strace $0x8000004D;
	[dreg:$0x14] =	wrdreg s10  }
0xc: {  	s30 =	simm.s32 $0x700;
	s25 =	sshrl.u32 s0, $0x1;
	[dreg:$0x6] =	wrdreg s12  }
0xd: {  	s31 =	simm.s32 $0xE80;
	s0 =	ssub.s32 s0, s25;
	[dreg:$0x7] =	wrdreg s14  }
0xe: {  	s24 =	smul.u32 $0x50000, s11;
	s0 =	smax.u32 s0, $0x1;
	[dreg:$0x8] =	wrdreg s15  }
0xf: {  	s4 =	sadd.s32 $0x36200, s1;
	s13 =	sshll.u32 s11, $0x6;
	[dreg:$0x17] =	wrdreg s0  }
0x10: {  	s26 =	sshrl.u32 s24, $0x2;
	s11 =	simm.s32 $0x800;
	[dreg:$0x9] =	wrdreg s16  }
0x11: {  	s24 =	simm.s32 $0xB00;
	s7 =	sadd.s32 s7, s8;
	[dreg:$0xa] =	wrdreg s17  }
0x12: {  	s8 =	sadd.s32 s26, s2;
	s25 =	simm.s32 $0x400;
	[dreg:$0xb] =	wrdreg s18  }
0x13: {  	s26 =	simm.s32 $0xB80;
	s7 =	sshrl.u32 s7, $0x3;
	[dreg:$0xc] =	wrdreg s19  }
0x14: {  	s8 =	sshrl.u32 s8, $0x3;
	s9 =	sadd.s32 s6, s1;
	[dreg:$0xd] =	wrdreg s20  }
0x15: {  	s1 =	sadd.s32 s7, s1;
	s5 =	sadd.s32 s5, s6;
	[dreg:$0xe] =	wrdreg s21  }
0x16: {  	s7 =	sor.u32 $0x1C05, s13;
	s10 =	simm.s32 $0x5;
	[dreg:$0xf] =	wrdreg s22  }
0x17: {  	s12 =	simm.s32 $0x80;
	s13 =	simm.s32 $0x1000;
	[dreg:$0x10] =	wrdreg s23  }
0x18: {  	s14 =	simm.s32 $0x5000;
	s15 =	simm.s32 $0x1;
	[dreg:$0x11] =	wrdreg s24  }
0x19: {  	s16 =	simm.s32 $0x3;
	s17 =	simm.s32 $0x2;
	[dreg:$0x12] =	wrdreg s25  }
0x1a: {  	s18 =	simm.s32 $0x4;
	[dreg:$0x13] =	wrdreg s26;
	s19 =	simm.s32 $0x480  }
0x1b: {  	s20 =	simm.s32 $0xC00;
	s21 =	simm.s32 $0x500;
	s22 =	simm.s32 $0xC80  }
0x1c: {  	s23 =	simm.s32 $0x580;
	s24 =	simm.s32 $0xD00;
	[dreg:$0x18] =	wrdreg s8  }
0x1d: {  	s25 =	simm.s32 $0x600;
	s26 =	simm.s32 $0xD80;
	[dreg:$0x4] =	wrdreg s5  }
0x1e: {  	s0 =	simm.s32 $0xF00;
	s9 =	sadd.s32 $0x3A00, s9;
	[dreg:$0x15] =	wrdreg s7  }
0x1f: {  	s1 =	sadd.s32 $0x5E200, s1;
	s5 =	simm.s32 $0xF80;
	[dreg:$0x5] =	wrdreg s9  }
0x20: {  	[dreg:$0x16] =	wrdreg s1;
	s1 =	simm.s32 $0x780;
	s9 =	simm.s32 $0x0  }
.LBB2_1:
0x21: {  	[dreg:$0x19] =	wrdreg s9  }
0x22: {  	s6 =	rddreg [dreg:$0x14]  }
0x23: {  	[spmem:s8], [sflag:s7] =	dma.local [hbm:s6], $0x2800  }
0x24: {  	_ =	swait.ge [sflag:s10], $0x2800  }
0x25: {  	[sflag:s10] =	ssyncset.done $0x0  }
0x26: {  	[sflag:s10] =	ssyncadd.s32 $0xFFFFD800  }
0x27: {  	[bflag:$0x0] =	sbarrier.arrive $0xFFFF  }
0x28: {  	s9 =	rddreg [dreg:$0x4]  }
0x29: {  	s6 =	sadd.s32 $0x0, s9  }
0x2a: {  	[tilespmem:s3], [sflag:$0x5] =	stream.linear.gather [hbm4b:s6+s3], $0x800, $0x38;
	[tilespmem:$0x1D000] =	vst v63  }
0x2b: {  	_ =	swait.ge [sflag:s10], $0x800  }
0x2c: {  	s7 =	rddreg [dreg:$0x5];
	[sflag:s10] =	ssyncset.done $0x0  }
0x2d: {  	[sflag:s10] =	ssyncadd.s32 $0xFFFFF800;
	s6 =	sadd.s32 $0x0, s7  }
0x2e: {  	[tilespmem:s11], [sflag:$0x5] =	stream.linear.gather [hbm4b:s6+s3], $0x800, $0x38;
	[tilespmem:$0x1D000] =	vst v63  }
0x2f: {  	_ =	swait.ge [sflag:s10], $0x800  }
0x30: {  	[sflag:s10] =	ssyncset.done $0x0  }
0x31: {  	[sflag:s10] =	ssyncadd.s32 $0xFFFFF800  }
0x32: {  	[tilespmem:s13], [sflag:$0x1] =	stream.indirect.gather [hbm4b:s4+s12], $0x80, s3, s12, $0xb8;
	[tilespmem:$0x1D000] =	vst v63  }
0x33: {  	_ = 	snop  }
0x34: {  	[tilespmem:s14], [sflag:$0x2] =	stream.indirect.gather [hbm4b:s4+s12], $0x80, s12, s12, $0xb8;
	[tilespmem:$0x1D000] =	vst v63  }
0x35: {  	_ =	swait.ge [sflag:s15], $0x4000  }
0x36: {  	[sflag:s15] =	ssyncset.done $0x0  }
0x37: {  	[sflag:s15] =	ssyncadd.s32 $0xFFFFC000  }
0x38: {  	[spmem:s2] =	stream.indirect.scatter.add.f32 [tilespmem:s13], [sflag:$0x3], $0x80, s11, s12, $0xb8;
	[tilespmem:$0x1D000] =	vst v63  }
0x39: {  	_ =	swait.ge [sflag:s16], $0x4000  }
0x3a: {  	[sflag:s16] =	ssyncset.done $0x0  }
0x3b: {  	s8 =	rddreg [dreg:$0x6];
	[sflag:s16] =	ssyncadd.s32 $0xFFFFC000  }
0x3c: {  	[tilespmem:s13], [sflag:$0x1] =	stream.indirect.gather [hbm4b:s4+s12], $0x80, s8, s12, $0xb8;
	[tilespmem:$0x1D000] =	vst v63  }
0x3d: {  	_ =	swait.ge [sflag:s17], $0x4000  }
0x3e: {  	[sflag:s17] =	ssyncset.done $0x0  }
0x3f: {  	s9 =	rddreg [dreg:$0x7];
	[sflag:s17] =	ssyncadd.s32 $0xFFFFC000  }
0x40: {  	[spmem:s2] =	stream.indirect.scatter.add.f32 [tilespmem:s14], [sflag:$0x4], $0x80, s9, s12, $0xb8;
	[tilespmem:$0x1D000] =	vst v63  }
0x41: {  	_ =	swait.ge [sflag:s18], $0x4000  }
0x42: {  	[sflag:s18] =	ssyncset.done $0x0  }
0x43: {  	s7 =	rddreg [dreg:$0x8];
	[sflag:s18] =	ssyncadd.s32 $0xFFFFC000  }
0x44: {  	[tilespmem:s14], [sflag:$0x2] =	stream.indirect.gather [hbm4b:s4+s12], $0x80, s7, s12, $0xb8;
	[tilespmem:$0x1D000] =	vst v63  }
0x45: {  	_ =	swait.ge [sflag:s15], $0x4000  }
0x46: {  	[sflag:s15] =	ssyncset.done $0x0  }
0x47: {  	s8 =	rddreg [dreg:$0x9];
	[sflag:s15] =	ssyncadd.s32 $0xFFFFC000  }
0x48: {  	[spmem:s2] =	stream.indirect.scatter.add.f32 [tilespmem:s13], [sflag:$0x3], $0x80, s8, s12, $0xb8;
	[tilespmem:$0x1D000] =	vst v63  }
0x49: {  	_ =	swait.ge [sflag:s16], $0x4000  }
0x4a: {  	[sflag:s16] =	ssyncset.done $0x0  }
0x4b: {  	s9 =	rddreg [dreg:$0xa];
	[sflag:s16] =	ssyncadd.s32 $0xFFFFC000  }
0x4c: {  	[tilespmem:s13], [sflag:$0x1] =	stream.indirect.gather [hbm4b:s4+s12], $0x80, s9, s12, $0xb8;
	[tilespmem:$0x1D000] =	vst v63  }
0x4d: {  	_ =	swait.ge [sflag:s17], $0x4000  }
0x4e: {  	[sflag:s17] =	ssyncset.done $0x0  }
0x4f: {  	s7 =	rddreg [dreg:$0xb];
	[sflag:s17] =	ssyncadd.s32 $0xFFFFC000  }
0x50: {  	[spmem:s2] =	stream.indirect.scatter.add.f32 [tilespmem:s14], [sflag:$0x4], $0x80, s7, s12, $0xb8;
	[tilespmem:$0x1D000] =	vst v63  }
0x51: {  	_ =	swait.ge [sflag:s18], $0x4000  }
0x52: {  	[sflag:s18] =	ssyncset.done $0x0  }
0x53: {  	s8 =	rddreg [dreg:$0xc];
	[sflag:s18] =	ssyncadd.s32 $0xFFFFC000  }
0x54: {  	[tilespmem:s14], [sflag:$0x2] =	stream.indirect.gather [hbm4b:s4+s12], $0x80, s8, s12, $0xb8;
	[tilespmem:$0x1D000] =	vst v63  }
0x55: {  	_ =	swait.ge [sflag:s15], $0x4000  }
0x56: {  	[sflag:s15] =	ssyncset.done $0x0  }
0x57: {  	s9 =	rddreg [dreg:$0xd];
	[sflag:s15] =	ssyncadd.s32 $0xFFFFC000  }
0x58: {  	[spmem:s2] =	stream.indirect.scatter.add.f32 [tilespmem:s13], [sflag:$0x3], $0x80, s9, s12, $0xb8;
	[tilespmem:$0x1D000] =	vst v63  }
0x59: {  	_ =	swait.ge [sflag:s16], $0x4000  }
0x5a: {  	[sflag:s16] =	ssyncset.done $0x0  }
0x5b: {  	s7 =	rddreg [dreg:$0xe];
	[sflag:s16] =	ssyncadd.s32 $0xFFFFC000  }
0x5c: {  	[tilespmem:s13], [sflag:$0x1] =	stream.indirect.gather [hbm4b:s4+s12], $0x80, s7, s12, $0xb8;
	[tilespmem:$0x1D000] =	vst v63  }
0x5d: {  	_ =	swait.ge [sflag:s17], $0x4000  }
0x5e: {  	[sflag:s17] =	ssyncset.done $0x0  }
0x5f: {  	s8 =	rddreg [dreg:$0xf];
	[sflag:s17] =	ssyncadd.s32 $0xFFFFC000  }
0x60: {  	[spmem:s2] =	stream.indirect.scatter.add.f32 [tilespmem:s14], [sflag:$0x4], $0x80, s8, s12, $0xb8;
	[tilespmem:$0x1D000] =	vst v63  }
0x61: {  	_ =	swait.ge [sflag:s18], $0x4000  }
0x62: {  	[sflag:s18] =	ssyncset.done $0x0  }
0x63: {  	s9 =	rddreg [dreg:$0x10];
	[sflag:s18] =	ssyncadd.s32 $0xFFFFC000  }
0x64: {  	[tilespmem:s14], [sflag:$0x2] =	stream.indirect.gather [hbm4b:s4+s12], $0x80, s9, s12, $0xb8;
	[tilespmem:$0x1D000] =	vst v63  }
0x65: {  	_ =	swait.ge [sflag:s15], $0x4000  }
0x66: {  	[sflag:s15] =	ssyncset.done $0x0  }
0x67: {  	s7 =	rddreg [dreg:$0x11];
	[sflag:s15] =	ssyncadd.s32 $0xFFFFC000  }
0x68: {  	[spmem:s2] =	stream.indirect.scatter.add.f32 [tilespmem:s13], [sflag:$0x3], $0x80, s7, s12, $0xb8;
	[tilespmem:$0x1D000] =	vst v63  }
0x69: {  	_ =	swait.ge [sflag:s16], $0x4000  }
0x6a: {  	[sflag:s16] =	ssyncset.done $0x0  }
0x6b: {  	s8 =	rddreg [dreg:$0x12];
	[sflag:s16] =	ssyncadd.s32 $0xFFFFC000  }
0x6c: {  	[tilespmem:s13], [sflag:$0x1] =	stream.indirect.gather [hbm4b:s4+s12], $0x80, s8, s12, $0xb8;
	[tilespmem:$0x1D000] =	vst v63  }
0x6d: {  	_ =	swait.ge [sflag:s17], $0x4000  }
0x6e: {  	[sflag:s17] =	ssyncset.done $0x0  }
0x6f: {  	s9 =	rddreg [dreg:$0x13];
	[sflag:s17] =	ssyncadd.s32 $0xFFFFC000  }
0x70: {  	[spmem:s2] =	stream.indirect.scatter.add.f32 [tilespmem:s14], [sflag:$0x4], $0x80, s9, s12, $0xb8;
	[tilespmem:$0x1D000] =	vst v63  }
0x71: {  	_ =	swait.ge [sflag:s18], $0x4000  }
0x72: {  	[sflag:s18] =	ssyncset.done $0x0  }
0x73: {  	[sflag:s18] =	ssyncadd.s32 $0xFFFFC000  }
0x74: {  	[tilespmem:s14], [sflag:$0x2] =	stream.indirect.gather [hbm4b:s4+s12], $0x80, s19, s12, $0xb8;
	[tilespmem:$0x1D000] =	vst v63  }
0x75: {  	_ =	swait.ge [sflag:s15], $0x4000  }
0x76: {  	[sflag:s15] =	ssyncset.done $0x0  }
0x77: {  	[sflag:s15] =	ssyncadd.s32 $0xFFFFC000  }
0x78: {  	[spmem:s2] =	stream.indirect.scatter.add.f32 [tilespmem:s13], [sflag:$0x3], $0x80, s20, s12, $0xb8;
	[tilespmem:$0x1D000] =	vst v63  }
0x79: {  	_ =	swait.ge [sflag:s16], $0x4000  }
0x7a: {  	[sflag:s16] =	ssyncset.done $0x0  }
0x7b: {  	[sflag:s16] =	ssyncadd.s32 $0xFFFFC000  }
0x7c: {  	[tilespmem:s13], [sflag:$0x1] =	stream.indirect.gather [hbm4b:s4+s12], $0x80, s21, s12, $0xb8;
	[tilespmem:$0x1D000] =	vst v63  }
0x7d: {  	_ =	swait.ge [sflag:s17], $0x4000  }
0x7e: {  	[sflag:s17] =	ssyncset.done $0x0  }
0x7f: {  	[sflag:s17] =	ssyncadd.s32 $0xFFFFC000  }
0x80: {  	[spmem:s2] =	stream.indirect.scatter.add.f32 [tilespmem:s14], [sflag:$0x4], $0x80, s22, s12, $0xb8;
	[tilespmem:$0x1D000] =	vst v63  }
0x81: {  	_ =	swait.ge [sflag:s18], $0x4000  }
0x82: {  	[sflag:s18] =	ssyncset.done $0x0  }
0x83: {  	[sflag:s18] =	ssyncadd.s32 $0xFFFFC000  }
0x84: {  	[tilespmem:s14], [sflag:$0x2] =	stream.indirect.gather [hbm4b:s4+s12], $0x80, s23, s12, $0xb8;
	[tilespmem:$0x1D000] =	vst v63  }
0x85: {  	_ =	swait.ge [sflag:s15], $0x4000  }
0x86: {  	[sflag:s15] =	ssyncset.done $0x0  }
0x87: {  	[sflag:s15] =	ssyncadd.s32 $0xFFFFC000  }
0x88: {  	[spmem:s2] =	stream.indirect.scatter.add.f32 [tilespmem:s13], [sflag:$0x3], $0x80, s24, s12, $0xb8;
	[tilespmem:$0x1D000] =	vst v63  }
0x89: {  	_ =	swait.ge [sflag:s16], $0x4000  }
0x8a: {  	[sflag:s16] =	ssyncset.done $0x0  }
0x8b: {  	[sflag:s16] =	ssyncadd.s32 $0xFFFFC000  }
0x8c: {  	[tilespmem:s13], [sflag:$0x1] =	stream.indirect.gather [hbm4b:s4+s12], $0x80, s25, s12, $0xb8;
	[tilespmem:$0x1D000] =	vst v63  }
0x8d: {  	_ =	swait.ge [sflag:s17], $0x4000  }
0x8e: {  	[sflag:s17] =	ssyncset.done $0x0  }
0x8f: {  	[sflag:s17] =	ssyncadd.s32 $0xFFFFC000  }
0x90: {  	[spmem:s2] =	stream.indirect.scatter.add.f32 [tilespmem:s14], [sflag:$0x4], $0x80, s26, s12, $0xb8;
	[tilespmem:$0x1D000] =	vst v63  }
0x91: {  	_ =	swait.ge [sflag:s18], $0x4000  }
0x92: {  	[sflag:s18] =	ssyncset.done $0x0  }
0x93: {  	[sflag:s18] =	ssyncadd.s32 $0xFFFFC000  }
0x94: {  	[tilespmem:s14], [sflag:$0x2] =	stream.indirect.gather [hbm4b:s4+s12], $0x80, s28, s12, $0xb8;
	[tilespmem:$0x1D000] =	vst v63  }
0x95: {  	_ =	swait.ge [sflag:s15], $0x4000  }
0x96: {  	[sflag:s15] =	ssyncset.done $0x0  }
0x97: {  	[sflag:s15] =	ssyncadd.s32 $0xFFFFC000  }
0x98: {  	[spmem:s2] =	stream.indirect.scatter.add.f32 [tilespmem:s13], [sflag:$0x3], $0x80, s29, s12, $0xb8;
	[tilespmem:$0x1D000] =	vst v63  }
0x99: {  	_ =	swait.ge [sflag:s16], $0x4000  }
0x9a: {  	[sflag:s16] =	ssyncset.done $0x0  }
0x9b: {  	[sflag:s16] =	ssyncadd.s32 $0xFFFFC000  }
0x9c: {  	[tilespmem:s13], [sflag:$0x1] =	stream.indirect.gather [hbm4b:s4+s12], $0x80, s30, s12, $0xb8;
	[tilespmem:$0x1D000] =	vst v63  }
0x9d: {  	_ =	swait.ge [sflag:s17], $0x4000  }
0x9e: {  	[sflag:s17] =	ssyncset.done $0x0  }
0x9f: {  	[sflag:s17] =	ssyncadd.s32 $0xFFFFC000  }
0xa0: {  	[spmem:s2] =	stream.indirect.scatter.add.f32 [tilespmem:s14], [sflag:$0x4], $0x80, s31, s12, $0xb8;
	[tilespmem:$0x1D000] =	vst v63  }
0xa1: {  	_ =	swait.ge [sflag:s18], $0x4000  }
0xa2: {  	[sflag:s18] =	ssyncset.done $0x0  }
0xa3: {  	[sflag:s18] =	ssyncadd.s32 $0xFFFFC000  }
0xa4: {  	[tilespmem:s14], [sflag:$0x2] =	stream.indirect.gather [hbm4b:s4+s12], $0x80, s1, s12, $0xb8;
	[tilespmem:$0x1D000] =	vst v63  }
0xa5: {  	_ =	swait.ge [sflag:s15], $0x4000  }
0xa6: {  	[sflag:s15] =	ssyncset.done $0x0  }
0xa7: {  	[sflag:s15] =	ssyncadd.s32 $0xFFFFC000  }
0xa8: {  	[spmem:s2] =	stream.indirect.scatter.add.f32 [tilespmem:s13], [sflag:$0x3], $0x80, s0, s12, $0xb8;
	[tilespmem:$0x1D000] =	vst v63  }
0xa9: {  	_ =	swait.ge [sflag:s16], $0x4000  }
0xaa: {  	[sflag:s16] =	ssyncset.done $0x0  }
0xab: {  	[sflag:s16] =	ssyncadd.s32 $0xFFFFC000  }
0xac: {  	_ =	swait.ge [sflag:s17], $0x4000  }
0xad: {  	[sflag:s17] =	ssyncset.done $0x0  }
0xae: {  	[sflag:s17] =	ssyncadd.s32 $0xFFFFC000  }
0xaf: {  	[spmem:s2] =	stream.indirect.scatter.add.f32 [tilespmem:s14], [sflag:$0x4], $0x80, s5, s12, $0xb8;
	[tilespmem:$0x1D000] =	vst v63  }
0xb0: {  	s6 =	simm.s32 $0x200;
	_ =	swait.ge [sflag:s18], $0x4000  }
0xb1: {  	s8 =	simm.s32 $0x100;
	s9 =	rddreg [dreg:$0x4];
	[sflag:s18] =	ssyncset.done $0x0  }
.LBB2_2:
0xb2: {  	[sflag:s18] =	ssyncadd.s32 $0xFFFFC000;
	s9 =	sadd.s32 s8, s9  }
0xb3: {  	[tilespmem:s3], [sflag:$0x5] =	stream.linear.gather [hbm4b:s9+s3], $0x800, $0x38;
	[tilespmem:$0x1D000] =	vst v63  }
0xb4: {  	_ =	swait.ge [sflag:s10], $0x800  }
0xb5: {  	s9 =	rddreg [dreg:$0x5];
	[sflag:s10] =	ssyncset.done $0x0  }
0xb6: {  	[sflag:s10] =	ssyncadd.s32 $0xFFFFF800;
	s9 =	sadd.s32 s8, s9  }
0xb7: {  	[tilespmem:s11], [sflag:$0x5] =	stream.linear.gather [hbm4b:s9+s3], $0x800, $0x38;
	[tilespmem:$0x1D000] =	vst v63  }
0xb8: {  	_ =	swait.ge [sflag:s10], $0x800  }
0xb9: {  	[sflag:s10] =	ssyncset.done $0x0  }
0xba: {  	[sflag:s10] =	ssyncadd.s32 $0xFFFFF800  }
0xbb: {  	[tilespmem:s13], [sflag:$0x1] =	stream.indirect.gather [hbm4b:s4+s12], $0x80, s3, s12, $0xb8;
	[tilespmem:$0x1D000] =	vst v63  }
0xbc: {  	_ = 	snop  }
0xbd: {  	[tilespmem:s14], [sflag:$0x2] =	stream.indirect.gather [hbm4b:s4+s12], $0x80, s12, s12, $0xb8;
	[tilespmem:$0x1D000] =	vst v63  }
0xbe: {  	_ =	swait.ge [sflag:s15], $0x4000  }
0xbf: {  	[sflag:s15] =	ssyncset.done $0x0  }
0xc0: {  	[sflag:s15] =	ssyncadd.s32 $0xFFFFC000  }
0xc1: {  	[spmem:s2] =	stream.indirect.scatter.add.f32 [tilespmem:s13], [sflag:$0x3], $0x80, s11, s12, $0xb8;
	[tilespmem:$0x1D000] =	vst v63  }
0xc2: {  	_ =	swait.ge [sflag:s16], $0x4000  }
0xc3: {  	[sflag:s16] =	ssyncset.done $0x0  }
0xc4: {  	s9 =	rddreg [dreg:$0x6];
	[sflag:s16] =	ssyncadd.s32 $0xFFFFC000  }
0xc5: {  	[tilespmem:s13], [sflag:$0x1] =	stream.indirect.gather [hbm4b:s4+s12], $0x80, s9, s12, $0xb8;
	[tilespmem:$0x1D000] =	vst v63  }
0xc6: {  	_ =	swait.ge [sflag:s17], $0x4000  }
0xc7: {  	[sflag:s17] =	ssyncset.done $0x0  }
0xc8: {  	s9 =	rddreg [dreg:$0x7];
	[sflag:s17] =	ssyncadd.s32 $0xFFFFC000  }
0xc9: {  	[spmem:s2] =	stream.indirect.scatter.add.f32 [tilespmem:s14], [sflag:$0x4], $0x80, s9, s12, $0xb8;
	[tilespmem:$0x1D000] =	vst v63  }
0xca: {  	_ =	swait.ge [sflag:s18], $0x4000  }
0xcb: {  	[sflag:s18] =	ssyncset.done $0x0  }
0xcc: {  	s9 =	rddreg [dreg:$0x8];
	[sflag:s18] =	ssyncadd.s32 $0xFFFFC000  }
0xcd: {  	[tilespmem:s14], [sflag:$0x2] =	stream.indirect.gather [hbm4b:s4+s12], $0x80, s9, s12, $0xb8;
	[tilespmem:$0x1D000] =	vst v63  }
0xce: {  	_ =	swait.ge [sflag:s15], $0x4000  }
0xcf: {  	[sflag:s15] =	ssyncset.done $0x0  }
0xd0: {  	s9 =	rddreg [dreg:$0x9];
	[sflag:s15] =	ssyncadd.s32 $0xFFFFC000  }
0xd1: {  	[spmem:s2] =	stream.indirect.scatter.add.f32 [tilespmem:s13], [sflag:$0x3], $0x80, s9, s12, $0xb8;
	[tilespmem:$0x1D000] =	vst v63  }
0xd2: {  	_ =	swait.ge [sflag:s16], $0x4000  }
0xd3: {  	[sflag:s16] =	ssyncset.done $0x0  }
0xd4: {  	s9 =	rddreg [dreg:$0xa];
	[sflag:s16] =	ssyncadd.s32 $0xFFFFC000  }
0xd5: {  	[tilespmem:s13], [sflag:$0x1] =	stream.indirect.gather [hbm4b:s4+s12], $0x80, s9, s12, $0xb8;
	[tilespmem:$0x1D000] =	vst v63  }
0xd6: {  	_ =	swait.ge [sflag:s17], $0x4000  }
0xd7: {  	[sflag:s17] =	ssyncset.done $0x0  }
0xd8: {  	s9 =	rddreg [dreg:$0xb];
	[sflag:s17] =	ssyncadd.s32 $0xFFFFC000  }
0xd9: {  	[spmem:s2] =	stream.indirect.scatter.add.f32 [tilespmem:s14], [sflag:$0x4], $0x80, s9, s12, $0xb8;
	[tilespmem:$0x1D000] =	vst v63  }
0xda: {  	_ =	swait.ge [sflag:s18], $0x4000  }
0xdb: {  	[sflag:s18] =	ssyncset.done $0x0  }
0xdc: {  	s9 =	rddreg [dreg:$0xc];
	[sflag:s18] =	ssyncadd.s32 $0xFFFFC000  }
0xdd: {  	[tilespmem:s14], [sflag:$0x2] =	stream.indirect.gather [hbm4b:s4+s12], $0x80, s9, s12, $0xb8;
	[tilespmem:$0x1D000] =	vst v63  }
0xde: {  	_ =	swait.ge [sflag:s15], $0x4000  }
0xdf: {  	[sflag:s15] =	ssyncset.done $0x0  }
0xe0: {  	s9 =	rddreg [dreg:$0xd];
	[sflag:s15] =	ssyncadd.s32 $0xFFFFC000  }
0xe1: {  	[spmem:s2] =	stream.indirect.scatter.add.f32 [tilespmem:s13], [sflag:$0x3], $0x80, s9, s12, $0xb8;
	[tilespmem:$0x1D000] =	vst v63  }
0xe2: {  	_ =	swait.ge [sflag:s16], $0x4000  }
0xe3: {  	[sflag:s16] =	ssyncset.done $0x0  }
0xe4: {  	s9 =	rddreg [dreg:$0xe];
	[sflag:s16] =	ssyncadd.s32 $0xFFFFC000  }
0xe5: {  	[tilespmem:s13], [sflag:$0x1] =	stream.indirect.gather [hbm4b:s4+s12], $0x80, s9, s12, $0xb8;
	[tilespmem:$0x1D000] =	vst v63  }
0xe6: {  	_ =	swait.ge [sflag:s17], $0x4000  }
0xe7: {  	[sflag:s17] =	ssyncset.done $0x0  }
0xe8: {  	s9 =	rddreg [dreg:$0xf];
	[sflag:s17] =	ssyncadd.s32 $0xFFFFC000  }
0xe9: {  	[spmem:s2] =	stream.indirect.scatter.add.f32 [tilespmem:s14], [sflag:$0x4], $0x80, s9, s12, $0xb8;
	[tilespmem:$0x1D000] =	vst v63  }
0xea: {  	_ =	swait.ge [sflag:s18], $0x4000  }
0xeb: {  	[sflag:s18] =	ssyncset.done $0x0  }
0xec: {  	s9 =	rddreg [dreg:$0x10];
	[sflag:s18] =	ssyncadd.s32 $0xFFFFC000  }
0xed: {  	[tilespmem:s14], [sflag:$0x2] =	stream.indirect.gather [hbm4b:s4+s12], $0x80, s9, s12, $0xb8;
	[tilespmem:$0x1D000] =	vst v63  }
0xee: {  	_ =	swait.ge [sflag:s15], $0x4000  }
0xef: {  	[sflag:s15] =	ssyncset.done $0x0  }
0xf0: {  	s9 =	rddreg [dreg:$0x11];
	[sflag:s15] =	ssyncadd.s32 $0xFFFFC000  }
0xf1: {  	[spmem:s2] =	stream.indirect.scatter.add.f32 [tilespmem:s13], [sflag:$0x3], $0x80, s9, s12, $0xb8;
	[tilespmem:$0x1D000] =	vst v63  }
0xf2: {  	_ =	swait.ge [sflag:s16], $0x4000  }
0xf3: {  	[sflag:s16] =	ssyncset.done $0x0  }
0xf4: {  	s9 =	rddreg [dreg:$0x12];
	[sflag:s16] =	ssyncadd.s32 $0xFFFFC000  }
0xf5: {  	[tilespmem:s13], [sflag:$0x1] =	stream.indirect.gather [hbm4b:s4+s12], $0x80, s9, s12, $0xb8;
	[tilespmem:$0x1D000] =	vst v63  }
0xf6: {  	_ =	swait.ge [sflag:s17], $0x4000  }
0xf7: {  	[sflag:s17] =	ssyncset.done $0x0  }
0xf8: {  	s9 =	rddreg [dreg:$0x13];
	[sflag:s17] =	ssyncadd.s32 $0xFFFFC000  }
0xf9: {  	[spmem:s2] =	stream.indirect.scatter.add.f32 [tilespmem:s14], [sflag:$0x4], $0x80, s9, s12, $0xb8;
	[tilespmem:$0x1D000] =	vst v63  }
0xfa: {  	_ =	swait.ge [sflag:s18], $0x4000  }
0xfb: {  	[sflag:s18] =	ssyncset.done $0x0  }
0xfc: {  	[sflag:s18] =	ssyncadd.s32 $0xFFFFC000  }
0xfd: {  	[tilespmem:s14], [sflag:$0x2] =	stream.indirect.gather [hbm4b:s4+s12], $0x80, s19, s12, $0xb8;
	[tilespmem:$0x1D000] =	vst v63  }
0xfe: {  	_ =	swait.ge [sflag:s15], $0x4000  }
0xff: {  	[sflag:s15] =	ssyncset.done $0x0  }
0x100: {  	[sflag:s15] =	ssyncadd.s32 $0xFFFFC000  }
0x101: {  	[spmem:s2] =	stream.indirect.scatter.add.f32 [tilespmem:s13], [sflag:$0x3], $0x80, s20, s12, $0xb8;
	[tilespmem:$0x1D000] =	vst v63  }
0x102: {  	_ =	swait.ge [sflag:s16], $0x4000  }
0x103: {  	[sflag:s16] =	ssyncset.done $0x0  }
0x104: {  	[sflag:s16] =	ssyncadd.s32 $0xFFFFC000  }
0x105: {  	[tilespmem:s13], [sflag:$0x1] =	stream.indirect.gather [hbm4b:s4+s12], $0x80, s21, s12, $0xb8;
	[tilespmem:$0x1D000] =	vst v63  }
0x106: {  	_ =	swait.ge [sflag:s17], $0x4000  }
0x107: {  	[sflag:s17] =	ssyncset.done $0x0  }
0x108: {  	[sflag:s17] =	ssyncadd.s32 $0xFFFFC000  }
0x109: {  	[spmem:s2] =	stream.indirect.scatter.add.f32 [tilespmem:s14], [sflag:$0x4], $0x80, s22, s12, $0xb8;
	[tilespmem:$0x1D000] =	vst v63  }
0x10a: {  	_ =	swait.ge [sflag:s18], $0x4000  }
0x10b: {  	[sflag:s18] =	ssyncset.done $0x0  }
0x10c: {  	[sflag:s18] =	ssyncadd.s32 $0xFFFFC000  }
0x10d: {  	[tilespmem:s14], [sflag:$0x2] =	stream.indirect.gather [hbm4b:s4+s12], $0x80, s23, s12, $0xb8;
	[tilespmem:$0x1D000] =	vst v63  }
0x10e: {  	_ =	swait.ge [sflag:s15], $0x4000  }
0x10f: {  	[sflag:s15] =	ssyncset.done $0x0  }
0x110: {  	[sflag:s15] =	ssyncadd.s32 $0xFFFFC000  }
0x111: {  	[spmem:s2] =	stream.indirect.scatter.add.f32 [tilespmem:s13], [sflag:$0x3], $0x80, s24, s12, $0xb8;
	[tilespmem:$0x1D000] =	vst v63  }
0x112: {  	_ =	swait.ge [sflag:s16], $0x4000  }
0x113: {  	[sflag:s16] =	ssyncset.done $0x0  }
0x114: {  	[sflag:s16] =	ssyncadd.s32 $0xFFFFC000  }
0x115: {  	[tilespmem:s13], [sflag:$0x1] =	stream.indirect.gather [hbm4b:s4+s12], $0x80, s25, s12, $0xb8;
	[tilespmem:$0x1D000] =	vst v63  }
0x116: {  	_ =	swait.ge [sflag:s17], $0x4000  }
0x117: {  	[sflag:s17] =	ssyncset.done $0x0  }
0x118: {  	[sflag:s17] =	ssyncadd.s32 $0xFFFFC000  }
0x119: {  	[spmem:s2] =	stream.indirect.scatter.add.f32 [tilespmem:s14], [sflag:$0x4], $0x80, s26, s12, $0xb8;
	[tilespmem:$0x1D000] =	vst v63  }
0x11a: {  	_ =	swait.ge [sflag:s18], $0x4000  }
0x11b: {  	[sflag:s18] =	ssyncset.done $0x0  }
0x11c: {  	[sflag:s18] =	ssyncadd.s32 $0xFFFFC000  }
0x11d: {  	[tilespmem:s14], [sflag:$0x2] =	stream.indirect.gather [hbm4b:s4+s12], $0x80, s28, s12, $0xb8;
	[tilespmem:$0x1D000] =	vst v63  }
0x11e: {  	_ =	swait.ge [sflag:s15], $0x4000  }
0x11f: {  	[sflag:s15] =	ssyncset.done $0x0  }
0x120: {  	[sflag:s15] =	ssyncadd.s32 $0xFFFFC000  }
0x121: {  	[spmem:s2] =	stream.indirect.scatter.add.f32 [tilespmem:s13], [sflag:$0x3], $0x80, s29, s12, $0xb8;
	[tilespmem:$0x1D000] =	vst v63  }
0x122: {  	_ =	swait.ge [sflag:s16], $0x4000  }
0x123: {  	[sflag:s16] =	ssyncset.done $0x0  }
0x124: {  	[sflag:s16] =	ssyncadd.s32 $0xFFFFC000  }
0x125: {  	[tilespmem:s13], [sflag:$0x1] =	stream.indirect.gather [hbm4b:s4+s12], $0x80, s30, s12, $0xb8;
	[tilespmem:$0x1D000] =	vst v63  }
0x126: {  	_ =	swait.ge [sflag:s17], $0x4000  }
0x127: {  	[sflag:s17] =	ssyncset.done $0x0  }
0x128: {  	[sflag:s17] =	ssyncadd.s32 $0xFFFFC000  }
0x129: {  	[spmem:s2] =	stream.indirect.scatter.add.f32 [tilespmem:s14], [sflag:$0x4], $0x80, s31, s12, $0xb8;
	[tilespmem:$0x1D000] =	vst v63  }
0x12a: {  	_ =	swait.ge [sflag:s18], $0x4000  }
0x12b: {  	[sflag:s18] =	ssyncset.done $0x0  }
0x12c: {  	[sflag:s18] =	ssyncadd.s32 $0xFFFFC000  }
0x12d: {  	[tilespmem:s14], [sflag:$0x2] =	stream.indirect.gather [hbm4b:s4+s12], $0x80, s1, s12, $0xb8;
	[tilespmem:$0x1D000] =	vst v63  }
0x12e: {  	_ =	swait.ge [sflag:s15], $0x4000  }
0x12f: {  	[sflag:s15] =	ssyncset.done $0x0  }
0x130: {  	[sflag:s15] =	ssyncadd.s32 $0xFFFFC000  }
0x131: {  	[spmem:s2] =	stream.indirect.scatter.add.f32 [tilespmem:s13], [sflag:$0x3], $0x80, s0, s12, $0xb8;
	[tilespmem:$0x1D000] =	vst v63  }
0x132: {  	_ =	swait.ge [sflag:s16], $0x4000  }
0x133: {  	[sflag:s16] =	ssyncset.done $0x0  }
0x134: {  	[sflag:s16] =	ssyncadd.s32 $0xFFFFC000  }
0x135: {  	p0 =	sne.s32 s6, $0x400;
	_ =	swait.ge [sflag:s17], $0x4000  }
.Ltmp0:
0x136: {  	[sflag:s17] =	ssyncset.done $0x0;
	(pc) =	sbr.rel @p0 .LBB2_2-.Ltmp0, $4  }
0x137: {  	[sflag:s17] =	ssyncadd.s32 $0xFFFFC000  }
0x138: {  	[spmem:s2] =	stream.indirect.scatter.add.f32 [tilespmem:s14], [sflag:$0x4], $0x80, s5, s12, $0xb8;
	[tilespmem:$0x1D000] =	vst v63  }
0x139: {  	s7 =	smov.u32 s6;
	s6 =	sadd.s32 $0x100, s6;
	_ =	swait.ge [sflag:s18], $0x4000  }
0x13a: {  	s8 =	smov.u32 s7;
	s9 =	rddreg [dreg:$0x4];
	[sflag:s18] =	ssyncset.done $0x0  }
0x13b: {  	[sflag:s18] =	ssyncadd.s32 $0xFFFFC000;
	s6 =	sadd.s32 s8, s9  }
0x13c: {  	[tilespmem:s3], [sflag:$0x5] =	stream.linear.gather [hbm4b:s6+s3], $0x800, $0x38;
	[tilespmem:$0x1D000] =	vst v63  }
0x13d: {  	_ =	swait.ge [sflag:s10], $0x800  }
0x13e: {  	s9 =	rddreg [dreg:$0x5];
	[sflag:s10] =	ssyncset.done $0x0  }
0x13f: {  	s6 =	sadd.s32 s8, s9;
	[sflag:s10] =	ssyncadd.s32 $0xFFFFF800  }
0x140: {  	[tilespmem:s11], [sflag:$0x5] =	stream.linear.gather [hbm4b:s6+s3], $0x800, $0x38;
	[tilespmem:$0x1D000] =	vst v63  }
0x141: {  	_ =	swait.ge [sflag:s10], $0x800  }
0x142: {  	[sflag:s10] =	ssyncset.done $0x0  }
0x143: {  	[sflag:s10] =	ssyncadd.s32 $0xFFFFF800  }
0x144: {  	[tilespmem:s13], [sflag:$0x1] =	stream.indirect.gather [hbm4b:s4+s12], $0x80, s3, s12, $0xb8;
	[tilespmem:$0x1D000] =	vst v63  }
0x145: {  	_ = 	snop  }
0x146: {  	[tilespmem:s14], [sflag:$0x2] =	stream.indirect.gather [hbm4b:s4+s12], $0x80, s12, s12, $0xb8;
	[tilespmem:$0x1D000] =	vst v63  }
0x147: {  	_ =	swait.ge [sflag:s15], $0x4000  }
0x148: {  	[sflag:s15] =	ssyncset.done $0x0  }
0x149: {  	[sflag:s15] =	ssyncadd.s32 $0xFFFFC000  }
0x14a: {  	[spmem:s2] =	stream.indirect.scatter.add.f32 [tilespmem:s13], [sflag:$0x3], $0x80, s11, s12, $0xb8;
	[tilespmem:$0x1D000] =	vst v63  }
0x14b: {  	_ =	swait.ge [sflag:s16], $0x4000  }
0x14c: {  	[sflag:s16] =	ssyncset.done $0x0  }
0x14d: {  	s7 =	rddreg [dreg:$0x6];
	[sflag:s16] =	ssyncadd.s32 $0xFFFFC000  }
0x14e: {  	[tilespmem:s13], [sflag:$0x1] =	stream.indirect.gather [hbm4b:s4+s12], $0x80, s7, s12, $0xb8;
	[tilespmem:$0x1D000] =	vst v63  }
0x14f: {  	_ =	swait.ge [sflag:s17], $0x4000  }
0x150: {  	[sflag:s17] =	ssyncset.done $0x0  }
0x151: {  	s8 =	rddreg [dreg:$0x7];
	[sflag:s17] =	ssyncadd.s32 $0xFFFFC000  }
0x152: {  	[spmem:s2] =	stream.indirect.scatter.add.f32 [tilespmem:s14], [sflag:$0x4], $0x80, s8, s12, $0xb8;
	[tilespmem:$0x1D000] =	vst v63  }
0x153: {  	_ =	swait.ge [sflag:s18], $0x4000  }
0x154: {  	[sflag:s18] =	ssyncset.done $0x0  }
0x155: {  	s9 =	rddreg [dreg:$0x8];
	[sflag:s18] =	ssyncadd.s32 $0xFFFFC000  }
0x156: {  	[tilespmem:s14], [sflag:$0x2] =	stream.indirect.gather [hbm4b:s4+s12], $0x80, s9, s12, $0xb8;
	[tilespmem:$0x1D000] =	vst v63  }
0x157: {  	_ =	swait.ge [sflag:s15], $0x4000  }
0x158: {  	[sflag:s15] =	ssyncset.done $0x0  }
0x159: {  	s7 =	rddreg [dreg:$0x9];
	[sflag:s15] =	ssyncadd.s32 $0xFFFFC000  }
0x15a: {  	[spmem:s2] =	stream.indirect.scatter.add.f32 [tilespmem:s13], [sflag:$0x3], $0x80, s7, s12, $0xb8;
	[tilespmem:$0x1D000] =	vst v63  }
0x15b: {  	_ =	swait.ge [sflag:s16], $0x4000  }
0x15c: {  	[sflag:s16] =	ssyncset.done $0x0  }
0x15d: {  	s8 =	rddreg [dreg:$0xa];
	[sflag:s16] =	ssyncadd.s32 $0xFFFFC000  }
0x15e: {  	[tilespmem:s13], [sflag:$0x1] =	stream.indirect.gather [hbm4b:s4+s12], $0x80, s8, s12, $0xb8;
	[tilespmem:$0x1D000] =	vst v63  }
0x15f: {  	_ =	swait.ge [sflag:s17], $0x4000  }
0x160: {  	[sflag:s17] =	ssyncset.done $0x0  }
0x161: {  	s9 =	rddreg [dreg:$0xb];
	[sflag:s17] =	ssyncadd.s32 $0xFFFFC000  }
0x162: {  	[spmem:s2] =	stream.indirect.scatter.add.f32 [tilespmem:s14], [sflag:$0x4], $0x80, s9, s12, $0xb8;
	[tilespmem:$0x1D000] =	vst v63  }
0x163: {  	_ =	swait.ge [sflag:s18], $0x4000  }
0x164: {  	[sflag:s18] =	ssyncset.done $0x0  }
0x165: {  	s7 =	rddreg [dreg:$0xc];
	[sflag:s18] =	ssyncadd.s32 $0xFFFFC000  }
0x166: {  	[tilespmem:s14], [sflag:$0x2] =	stream.indirect.gather [hbm4b:s4+s12], $0x80, s7, s12, $0xb8;
	[tilespmem:$0x1D000] =	vst v63  }
0x167: {  	_ =	swait.ge [sflag:s15], $0x4000  }
0x168: {  	[sflag:s15] =	ssyncset.done $0x0  }
0x169: {  	s8 =	rddreg [dreg:$0xd];
	[sflag:s15] =	ssyncadd.s32 $0xFFFFC000  }
0x16a: {  	[spmem:s2] =	stream.indirect.scatter.add.f32 [tilespmem:s13], [sflag:$0x3], $0x80, s8, s12, $0xb8;
	[tilespmem:$0x1D000] =	vst v63  }
0x16b: {  	_ =	swait.ge [sflag:s16], $0x4000  }
0x16c: {  	[sflag:s16] =	ssyncset.done $0x0  }
0x16d: {  	s9 =	rddreg [dreg:$0xe];
	[sflag:s16] =	ssyncadd.s32 $0xFFFFC000  }
0x16e: {  	[tilespmem:s13], [sflag:$0x1] =	stream.indirect.gather [hbm4b:s4+s12], $0x80, s9, s12, $0xb8;
	[tilespmem:$0x1D000] =	vst v63  }
0x16f: {  	_ =	swait.ge [sflag:s17], $0x4000  }
0x170: {  	[sflag:s17] =	ssyncset.done $0x0  }
0x171: {  	s7 =	rddreg [dreg:$0xf];
	[sflag:s17] =	ssyncadd.s32 $0xFFFFC000  }
0x172: {  	[spmem:s2] =	stream.indirect.scatter.add.f32 [tilespmem:s14], [sflag:$0x4], $0x80, s7, s12, $0xb8;
	[tilespmem:$0x1D000] =	vst v63  }
0x173: {  	_ =	swait.ge [sflag:s18], $0x4000  }
0x174: {  	[sflag:s18] =	ssyncset.done $0x0  }
0x175: {  	s8 =	rddreg [dreg:$0x10];
	[sflag:s18] =	ssyncadd.s32 $0xFFFFC000  }
0x176: {  	[tilespmem:s14], [sflag:$0x2] =	stream.indirect.gather [hbm4b:s4+s12], $0x80, s8, s12, $0xb8;
	[tilespmem:$0x1D000] =	vst v63  }
0x177: {  	_ =	swait.ge [sflag:s15], $0x4000  }
0x178: {  	[sflag:s15] =	ssyncset.done $0x0  }
0x179: {  	s9 =	rddreg [dreg:$0x11];
	[sflag:s15] =	ssyncadd.s32 $0xFFFFC000  }
0x17a: {  	[spmem:s2] =	stream.indirect.scatter.add.f32 [tilespmem:s13], [sflag:$0x3], $0x80, s9, s12, $0xb8;
	[tilespmem:$0x1D000] =	vst v63  }
0x17b: {  	_ =	swait.ge [sflag:s16], $0x4000  }
0x17c: {  	[sflag:s16] =	ssyncset.done $0x0  }
0x17d: {  	s7 =	rddreg [dreg:$0x12];
	[sflag:s16] =	ssyncadd.s32 $0xFFFFC000  }
0x17e: {  	[tilespmem:s13], [sflag:$0x1] =	stream.indirect.gather [hbm4b:s4+s12], $0x80, s7, s12, $0xb8;
	[tilespmem:$0x1D000] =	vst v63  }
0x17f: {  	_ =	swait.ge [sflag:s17], $0x4000  }
0x180: {  	[sflag:s17] =	ssyncset.done $0x0  }
0x181: {  	s8 =	rddreg [dreg:$0x13];
	[sflag:s17] =	ssyncadd.s32 $0xFFFFC000  }
0x182: {  	[spmem:s2] =	stream.indirect.scatter.add.f32 [tilespmem:s14], [sflag:$0x4], $0x80, s8, s12, $0xb8;
	[tilespmem:$0x1D000] =	vst v63  }
0x183: {  	_ =	swait.ge [sflag:s18], $0x4000  }
0x184: {  	[sflag:s18] =	ssyncset.done $0x0  }
0x185: {  	[sflag:s18] =	ssyncadd.s32 $0xFFFFC000  }
0x186: {  	[tilespmem:s14], [sflag:$0x2] =	stream.indirect.gather [hbm4b:s4+s12], $0x80, s19, s12, $0xb8;
	[tilespmem:$0x1D000] =	vst v63  }
0x187: {  	_ =	swait.ge [sflag:s15], $0x4000  }
0x188: {  	[sflag:s15] =	ssyncset.done $0x0  }
0x189: {  	[sflag:s15] =	ssyncadd.s32 $0xFFFFC000  }
0x18a: {  	[spmem:s2] =	stream.indirect.scatter.add.f32 [tilespmem:s13], [sflag:$0x3], $0x80, s20, s12, $0xb8;
	[tilespmem:$0x1D000] =	vst v63  }
0x18b: {  	_ =	swait.ge [sflag:s16], $0x4000  }
0x18c: {  	[sflag:s16] =	ssyncset.done $0x0  }
0x18d: {  	[sflag:s16] =	ssyncadd.s32 $0xFFFFC000  }
0x18e: {  	[tilespmem:s13], [sflag:$0x1] =	stream.indirect.gather [hbm4b:s4+s12], $0x80, s21, s12, $0xb8;
	[tilespmem:$0x1D000] =	vst v63  }
0x18f: {  	_ =	swait.ge [sflag:s17], $0x4000  }
0x190: {  	[sflag:s17] =	ssyncset.done $0x0  }
0x191: {  	[sflag:s17] =	ssyncadd.s32 $0xFFFFC000  }
0x192: {  	[spmem:s2] =	stream.indirect.scatter.add.f32 [tilespmem:s14], [sflag:$0x4], $0x80, s22, s12, $0xb8;
	[tilespmem:$0x1D000] =	vst v63  }
0x193: {  	_ =	swait.ge [sflag:s18], $0x4000  }
0x194: {  	[sflag:s18] =	ssyncset.done $0x0  }
0x195: {  	[sflag:s18] =	ssyncadd.s32 $0xFFFFC000  }
0x196: {  	[tilespmem:s14], [sflag:$0x2] =	stream.indirect.gather [hbm4b:s4+s12], $0x80, s23, s12, $0xb8;
	[tilespmem:$0x1D000] =	vst v63  }
0x197: {  	_ =	swait.ge [sflag:s15], $0x4000  }
0x198: {  	[sflag:s15] =	ssyncset.done $0x0  }
0x199: {  	[sflag:s15] =	ssyncadd.s32 $0xFFFFC000  }
0x19a: {  	[spmem:s2] =	stream.indirect.scatter.add.f32 [tilespmem:s13], [sflag:$0x3], $0x80, s24, s12, $0xb8;
	[tilespmem:$0x1D000] =	vst v63  }
0x19b: {  	_ =	swait.ge [sflag:s16], $0x4000  }
0x19c: {  	[sflag:s16] =	ssyncset.done $0x0  }
0x19d: {  	[sflag:s16] =	ssyncadd.s32 $0xFFFFC000  }
0x19e: {  	[tilespmem:s13], [sflag:$0x1] =	stream.indirect.gather [hbm4b:s4+s12], $0x80, s25, s12, $0xb8;
	[tilespmem:$0x1D000] =	vst v63  }
0x19f: {  	_ =	swait.ge [sflag:s17], $0x4000  }
0x1a0: {  	[sflag:s17] =	ssyncset.done $0x0  }
0x1a1: {  	[sflag:s17] =	ssyncadd.s32 $0xFFFFC000  }
0x1a2: {  	[spmem:s2] =	stream.indirect.scatter.add.f32 [tilespmem:s14], [sflag:$0x4], $0x80, s26, s12, $0xb8;
	[tilespmem:$0x1D000] =	vst v63  }
0x1a3: {  	_ =	swait.ge [sflag:s18], $0x4000  }
0x1a4: {  	[sflag:s18] =	ssyncset.done $0x0  }
0x1a5: {  	[sflag:s18] =	ssyncadd.s32 $0xFFFFC000  }
0x1a6: {  	[tilespmem:s14], [sflag:$0x2] =	stream.indirect.gather [hbm4b:s4+s12], $0x80, s28, s12, $0xb8;
	[tilespmem:$0x1D000] =	vst v63  }
0x1a7: {  	_ =	swait.ge [sflag:s15], $0x4000  }
0x1a8: {  	[sflag:s15] =	ssyncset.done $0x0  }
0x1a9: {  	[sflag:s15] =	ssyncadd.s32 $0xFFFFC000  }
0x1aa: {  	[spmem:s2] =	stream.indirect.scatter.add.f32 [tilespmem:s13], [sflag:$0x3], $0x80, s29, s12, $0xb8;
	[tilespmem:$0x1D000] =	vst v63  }
0x1ab: {  	_ =	swait.ge [sflag:s16], $0x4000  }
0x1ac: {  	[sflag:s16] =	ssyncset.done $0x0  }
0x1ad: {  	[sflag:s16] =	ssyncadd.s32 $0xFFFFC000  }
0x1ae: {  	[tilespmem:s13], [sflag:$0x1] =	stream.indirect.gather [hbm4b:s4+s12], $0x80, s30, s12, $0xb8;
	[tilespmem:$0x1D000] =	vst v63  }
0x1af: {  	_ =	swait.ge [sflag:s17], $0x4000  }
0x1b0: {  	[sflag:s17] =	ssyncset.done $0x0  }
0x1b1: {  	[sflag:s17] =	ssyncadd.s32 $0xFFFFC000  }
0x1b2: {  	[spmem:s2] =	stream.indirect.scatter.add.f32 [tilespmem:s14], [sflag:$0x4], $0x80, s31, s12, $0xb8;
	[tilespmem:$0x1D000] =	vst v63  }
0x1b3: {  	_ =	swait.ge [sflag:s18], $0x4000  }
0x1b4: {  	[sflag:s18] =	ssyncset.done $0x0  }
0x1b5: {  	[sflag:s18] =	ssyncadd.s32 $0xFFFFC000  }
0x1b6: {  	[tilespmem:s14], [sflag:$0x2] =	stream.indirect.gather [hbm4b:s4+s12], $0x80, s1, s12, $0xb8;
	[tilespmem:$0x1D000] =	vst v63  }
0x1b7: {  	_ =	swait.ge [sflag:s15], $0x4000  }
0x1b8: {  	[sflag:s15] =	ssyncset.done $0x0  }
0x1b9: {  	[sflag:s15] =	ssyncadd.s32 $0xFFFFC000  }
0x1ba: {  	[spmem:s2] =	stream.indirect.scatter.add.f32 [tilespmem:s13], [sflag:$0x3], $0x80, s0, s12, $0xb8;
	[tilespmem:$0x1D000] =	vst v63  }
0x1bb: {  	_ =	swait.ge [sflag:s16], $0x4000  }
0x1bc: {  	[sflag:s16] =	ssyncset.done $0x0  }
0x1bd: {  	[sflag:s16] =	ssyncadd.s32 $0xFFFFC000  }
0x1be: {  	_ =	swait.ge [sflag:s17], $0x4000  }
0x1bf: {  	[sflag:s17] =	ssyncset.done $0x0  }
0x1c0: {  	[sflag:s17] =	ssyncadd.s32 $0xFFFFC000  }
0x1c1: {  	[spmem:s2] =	stream.indirect.scatter.add.f32 [tilespmem:s14], [sflag:$0x4], $0x80, s5, s12, $0xb8;
	[tilespmem:$0x1D000] =	vst v63  }
0x1c2: {  	_ =	swait.ge [sflag:s18], $0x4000  }
0x1c3: {  	[sflag:s18] =	ssyncset.done $0x0  }
0x1c4: {  	[sflag:s18] =	ssyncadd.s32 $0xFFFFC000  }
0x1c5: {  	[bflag:$0x0] =	sbarrier.arrive $0xFFFF  }
0x1c6: {  	s7 =	rddreg [dreg:$0x15]  }
0x1c7: {  	s9 =	rddreg [dreg:$0x16]  }
0x1c8: {  	s8 =	rddreg [dreg:$0x18]  }
0x1c9: {  	[hbm:s9], [sflag:s7] =	dma.local [spmem:s8], $0x2800  }
0x1ca: {  	_ =	swait.ge [sflag:s10], $0x2800  }
0x1cb: {  	s6 =	rddreg [dreg:$0x19]  }
0x1cc: {  	s9 =	sadd.s32 $0x1, s6;
	s6 =	rddreg [dreg:$0x17]  }
0x1cd: {  	p0 =	sne.s32 s9, s6  }
.Ltmp1:
0x1ce: {  	_ = 	snop;
	(pc) =	sbr.rel @p0 .LBB2_1-.Ltmp1, $3  }
0x1cf: {  	_ =	sdelay $0x1  }
0x1d0: {  	[sflag:s10] =	ssyncset.done $0x0  }
0x1d1: {  	[sflag:s10] =	ssyncadd.s32 $0xFFFFD800  }
0x1d2: {  	_ =	sfence.sel $0x180000  }
0x1d3: {  	[bflag:$0x0] =	sbarrier.arrive $0xFFFF  }
0x1d4: {  	_ =	strace $0x9000004D  }
0x1d5: {  	s0 =	stileid.u32;
	[bflag:$0x2] =	sbarrier.arrive $0xFFFF  }
0x1d6: {  	p0 =	sne.s32 s0, $0x0;
	s0 =	rddreg [dreg:$0x3]  }
0x1d7: {  	s0 =	sadd.s32 @!p0 $0x100000, s0  }
0x1d8: {  	[sflag:s0] =	ssyncadd.tile.s32 @!p0 $0x1;
	_ =	shalt  }
.Lfunc_end2:
_tile_overlayer_lowered:
.L_overlay_start_2:
0x1d9: {  	(tag) =	ssettag $0x2  }
0x1da: {  	s0 =	rddreg [dreg:$0x0];
	s2 =	stileid.u32  }
0x1db: {  	s1 =	rddreg [dreg:$0x1];
	p0 =	sne.s32 s2, $0x0  }
0x1dc: {  	s3 =	rddreg [dreg:$0x2];
	[bflag:$0x3] =	sbarrier.arrive $0xFFFF;
	s2 =	simm.s32 @!p0 $0x1C05  }
0x1dd: {  	[timem:s3], [sflag:s2] =	dma.local @!p0 [hbm:s0], s1  }
0x1de: {  	s0 =	simm.s32 @!p0 $0x5  }
0x1df: {  	_ =	swait.ge @!p0 [sflag:s0], s1  }
0x1e0: {  	s1 =	ssub.s32 @!p0 $0x0, s1;
	[sflag:s0] =	ssyncset.done @!p0 $0x0  }
0x1e1: {  	[sflag:s0] =	ssyncadd.s32 @!p0 s1  }
0x1e2: {  	[bflag:$0x3] =	sbarrier.arrive $0xFFFF  }
0x1e3: {  	_ =	shalt  }

// kernel: kernel.20.cloned.1.call-start
scs
__scs_entry_jumppad:
0x0: {  	(pc) =	sbr.rel $0x88, $3  }
0x1: {  	(tag) =	ssettag $0x0;
	lr =	simm.s32 $0x1  }
0x2: {  	[smem:$0x3F95] =	sst lr;
	_ =	strace $0xD0000000  }
0x3: {  	_ = 	snop  }
0x4: {  	_ = 	snop  }
0x5: {  	_ = 	snop  }
0x6: {  	_ = 	snop  }
0x7: {  	_ = 	snop  }
__scs_overlays_trampoline_lowered:
0x8: {  	[smem:$0x3FA4] =	sst s0  }
0x9: {  	[smem:$0x3FA5] =	sst s1  }
0xa: {  	[smem:$0x3FA6] =	sst s2  }
0xb: {  	[smem:$0x3FA7] =	sst s3  }
0xc: {  	[smem:$0x3FA8] =	sst s4  }
0xd: {  	[smem:$0x3FA9] =	sst s5  }
0xe: {  	[smem:$0x3FAA] =	sst s6  }
0xf: {  	[smem:$0x3FAB] =	sst s7  }
0x10: {  	[smem:$0x3FAC] =	sst s8  }
0x11: {  	[smem:$0x3FAD] =	sst s9;
	s0 =	simm.s32 @!p0 $0x0  }
0x12: {  	s1 =	sld [smem:$0x3F93];
	s0 =	simm.s32 @p0 $0x1  }
0x13: {  	[smem:$0x3FAE] =	sst s0;
	s0 =	simm.s32 @!p1 $0x0  }
0x14: {  	s2 =	sld [smem:$0x3F92];
	s0 =	simm.s32 @p1 $0x1  }
0x15: {  	[smem:$0x3FAF] =	sst s0;
	s0 =	simm.s32 @!p2 $0x0  }
0x16: {  	s3 =	sld [smem:$0x3FDB];
	s0 =	simm.s32 @p2 $0x1  }
0x17: {  	s4 =	simm.s32 $0x1BF5;
	[smem:$0x3FB1] =	sst s0  }
0x18: {  	s0 =	sld [smem:$0x3F94];
	_ =	swait.ge [sflag:s4], $0x0  }
0x19: {  	s7 =	sld [smem:$0x3F95]  }
0x1a: {  	s8 =	sadd.s32 $0xFFFFE003, lr  }
0x1b: {  	s9 =	sadd.s32 $0xFFFFFEF7, lr;
	s5 =	simm.s32 $0xFFFFFFFF;
	p2 =	slt.u32 s8, $0xFFFFF086  }
0x1c: {  	p1 =	slt.u32 s9, $0xF7A;
	s5 =	simm.s32 @!p2 $0x0  }
0x1d: {  	s5 =	simm.s32 @p1 $0x1;
	p0 =	seq.s32 s7, s2  }
0x1e: {  	s7 =	smul.u32 @!p0 $0xF7A, s2;
	p2 =	seq.s32 @!p0 s5, $0x0  }
0x1f: {  	s9 =	smul.u32 $0xF7A, s1;
	s8 =	simm.s32 @!p0 $0x1BF5;
	p2 =	por !p2, p0  }
0x20: {  	[sflag:s8] =	ssyncset.s32 @!p0 $0xFFFFF086;
	s6 =	sadd.s32 @!p0 s3, s7;
	s7 =	simm.s32 @!p0 $0x108  }
0x21: {  	s3 =	sadd.s32 s3, s9;
	s6 =	sadd.s32 @!p0 $0x88, s6;
	s7 =	simm.s32 @p2 $0x1082  }
0x22: {  	[simem:s7], [sflag:s8] =	dma.local @!p0 [hbm:s6], $0xF7A  }
0x23: {  	s9 =	sor.u32 $0xD0000000, s2;
	s6 =	simm.s32 $0x108;
	_ =	swait.ge @!p0 [sflag:s8], $0x0  }
0x24: {  	s3 =	sadd.s32 $0x88, s3;
	s6 =	simm.s32 @!p1 $0x1082;
	[sflag:s4] =	ssyncset.s32 $0xFFFFF086  }
0x25: {  	[simem:s6], [sflag:s4] =	dma.local [hbm:s3], $0xF7A  }
0x26: {  	[smem:$0x3F95] =	sst s1;
	(tag) =	ssettag s2;
	_ =	strace s9  }
0x27: {  	s1 =	sld [smem:$0x3FA5]  }
0x28: {  	s2 =	sld [smem:$0x3FA6]  }
0x29: {  	s4 =	sld [smem:$0x3FA8]  }
0x2a: {  	p0 =	seq.s32 s5, $0x0;
	s5 =	sld [smem:$0x3FA9]  }
0x2b: {  	s6 =	sld [smem:$0x3FAA]  }
0x2c: {  	s7 =	sld [smem:$0x3FAB]  }
0x2d: {  	s3 =	simm.s32 $0x108;
	s8 =	sld [smem:$0x3FAC]  }
0x2e: {  	s3 =	simm.s32 @!p0 $0x1082;
	s9 =	sld [smem:$0x3FAD]  }
0x2f: {  	lr =	sadd.s32 s0, s3;
	s0 =	sld [smem:$0x3FA4]  }
0x30: {  	s3 =	sld [smem:$0x3FA7]  }
0x31: {  	[smem:$0x3FB0] =	sst s10  }
0x32: {  	s10 =	sld [smem:$0x3FAE];
	_ =	sdelay $0x3  }
0x33: {  	p0 =	seq.s32 s10, $0x1;
	s10 =	sld [smem:$0x3FB0];
	_ =	sdelay $0x3  }
0x34: {  	[smem:$0x3FB0] =	sst s10  }
0x35: {  	s10 =	sld [smem:$0x3FAF];
	_ =	sdelay $0x3  }
0x36: {  	p1 =	seq.s32 s10, $0x1;
	s10 =	sld [smem:$0x3FB0];
	_ =	sdelay $0x3  }
0x37: {  	[smem:$0x3FB0] =	sst s10  }
0x38: {  	s10 =	sld [smem:$0x3FB1]  }
0x39: {  	_ = 	snop;
	(pc) =	sbr.ind lr, $3  }
0x3a: {  	_ = 	snop  }
0x3b: {  	_ = 	snop  }
0x3c: {  	p2 =	seq.s32 s10, $0x1;
	s10 =	sld [smem:$0x3FB0]  }
0x3d: {  	_ =	shalt  }
0x3e: {  	_ =	shalt  }
0x3f: {  	_ =	shalt  }
0x40: {  	_ =	shalt  }
0x41: {  	_ =	shalt  }
0x42: {  	_ =	shalt  }
0x43: {  	_ =	shalt  }
0x44: {  	_ =	shalt  }
0x45: {  	_ =	shalt  }
0x46: {  	_ =	shalt  }
0x47: {  	_ =	shalt  }
0x48: {  	_ =	shalt  }
0x49: {  	_ =	shalt  }
0x4a: {  	_ =	shalt  }
0x4b: {  	_ =	shalt  }
0x4c: {  	_ =	shalt  }
0x4d: {  	_ =	shalt  }
0x4e: {  	_ =	shalt  }
0x4f: {  	_ =	shalt  }
0x50: {  	_ =	shalt  }
0x51: {  	_ =	shalt  }
0x52: {  	_ =	shalt  }
0x53: {  	_ =	shalt  }
0x54: {  	_ =	shalt  }
0x55: {  	_ =	shalt  }
0x56: {  	_ =	shalt  }
0x57: {  	_ =	shalt  }
0x58: {  	_ =	shalt  }
0x59: {  	_ =	shalt  }
0x5a: {  	_ =	shalt  }
0x5b: {  	_ =	shalt  }
0x5c: {  	_ =	shalt  }
0x5d: {  	_ =	shalt  }
0x5e: {  	_ =	shalt  }
0x5f: {  	_ =	shalt  }
0x60: {  	_ =	shalt  }
0x61: {  	_ =	shalt  }
0x62: {  	_ =	shalt  }
0x63: {  	_ =	shalt  }
0x64: {  	_ =	shalt  }
0x65: {  	_ =	shalt  }
0x66: {  	_ =	shalt  }
0x67: {  	_ =	shalt  }
0x68: {  	_ =	shalt  }
0x69: {  	_ =	shalt  }
0x6a: {  	_ =	shalt  }
0x6b: {  	_ =	shalt  }
0x6c: {  	_ =	shalt  }
0x6d: {  	_ =	shalt  }
0x6e: {  	_ =	shalt  }
0x6f: {  	_ =	shalt  }
0x70: {  	_ =	shalt  }
0x71: {  	_ =	shalt  }
0x72: {  	_ =	shalt  }
0x73: {  	_ =	shalt  }
0x74: {  	_ =	shalt  }
0x75: {  	_ =	shalt  }
0x76: {  	_ =	shalt  }
0x77: {  	_ =	shalt  }
0x78: {  	_ =	shalt  }
0x79: {  	_ =	shalt  }
0x7a: {  	_ =	shalt  }
0x7b: {  	_ =	shalt  }
0x7c: {  	_ =	shalt  }
0x7d: {  	_ =	shalt  }
0x7e: {  	_ =	shalt  }
0x7f: {  	_ =	shalt  }
0x80: {  	_ =	shalt  }
0x81: {  	_ =	shalt  }
0x82: {  	_ =	shalt  }
0x83: {  	_ =	shalt  }
0x84: {  	_ =	shalt  }
0x85: {  	_ =	shalt  }
0x86: {  	_ =	shalt  }
0x87: {  	_ =	shalt  }
.Lfunc_end0:
.L_simem_size_0:
called_computation.3_lowered:
.L_overlay_start_0:
0x88: {  	s2 =	sld [smem:$0x3FD9]  }
0x89: {  	s3 =	sld [smem:$0x3FFE];
	_ =	sdelay $0x1  }
0x8a: {  	s1 =	srdreg.scid  }
0x8b: {  	s0 =	sand.u32 $0x1, s1  }
0x8c: {  	s17 =	sshll.u32 s0, $0xA;
	s2 =	sadd.s32 s3, s2  }
0x8d: {  	s2 =	sadd.s32 s2, s17  }
0x8e: {  	[smem:$0x3FBC] =	sst s2  }
0x8f: {  	_ = 	snop  }
0x90: {  	s2 =	sld [smem:$0x3FD0];
	(tm) =	ssettm $0x1  }
0x91: {  	s18 =	sld [smem:$0x3FFB];
	_ =	sdelay $0x3  }
0x92: {  	_ =	strace s18  }
0x93: {  	s3 =	sld [smem:$0x3FFC];
	_ =	sdelay $0x3  }
0x94: {  	_ =	strace s3  }
0x95: {  	s3 =	sld [smem:$0x3FFD];
	_ =	sdelay $0x3  }
0x96: {  	_ =	strace s3  }
0x97: {  	_ =	strace $0x8FFFFFFF  }
0x98: {  	s19 =	sld [smem:$0x3FDB];
	_ =	sdelay $0x1  }
0x99: {  	s4 =	simm.s32 $_scs_section_size  }
0x9a: {  	s5 =	simm.s32 $_size__tile_overlayer_lowered;
	s6 =	simm.s32 $_tile_overlayer_lowered  }
0x9b: {  	s22 =	simm.s32 $0x1BFF;
	s21 =	sshll.u32 s6, $0x1;
	s3 =	sadd.s32 s4, s19  }
0x9c: {  	s7 =	simm.s32 $0x0;
	s20 =	sshll.u32 s5, $0x1;
	s5 =	sadd.s32 s21, s3  }
0x9d: {  	[timem:s7], [sflag:s22] =	dma.local [hbm:s5], s20  }
0x9e: {  	_ =	swait.ge [sflag:s22], s20  }
0x9f: {  	s4 =	ssub.s32 $0x0, s20;
	[sflag:s22] =	ssyncset.done $0x0  }
0xa0: {  	[sflag:s22] =	ssyncadd.s32 s4;
	_ =	sdelay $0x1  }
0xa1: {  	s23 =	simm.s32 $0x1B8B  }
0xa2: {  	_ =	swait.ge [sflag:s23], $0x1  }
0xa3: {  	[sflag:s23] =	ssyncset.done $0x0  }
0xa4: {  	s25 =	simm.s32 $0x1B8E;
	s24 =	sld [smem:$0x3FFE];
	[sflag:s23] =	ssyncadd.s32 $0xFFFFFFFF  }
0xa5: {  	s26 =	simm.s32 $execute0_lowered;
	[smem:$0x3FD2] =	sst s25  }
0xa6: {  	s5 =	sshll.u32 s26, $0x1;
	_ =	strace $0x8000004F;
	[dreg:$0x1] =	wrdreg $0xFFFFFFFF  }
0xa7: {  	s28 =	simm.s32 $_size_execute0_lowered;
	s3 =	sadd.s32 s3, s5;
	[dreg:$0x0] =	wrdreg $0x0  }
0xa8: {  	s5 =	sshll.u32 s28, $0x1;
	[dreg:$0x2] =	wrdreg s3  }
0xa9: {  	[dreg:$0x3] =	wrdreg s5  }
0xaa: {  	[dreg:$0x4] =	wrdreg $0xC0  }
0xab: {  	_ =	task [dreg:s7], $0x5FFFF  }
0xac: {  	[dreg:$0x1] =	wrdreg $0xFFFFFFFF  }
0xad: {  	[dreg:$0x0] =	wrdreg $0x60  }
0xae: {  	[dreg:$0x2] =	wrdreg s24  }
0xaf: {  	[dreg:$0x3] =	wrdreg s2  }
0xb0: {  	[dreg:$0x4] =	wrdreg $0x90000  }
0xb1: {  	[dreg:$0x5] =	wrdreg $0x9  }
0xb2: {  	_ =	task.clear_ibuf [dreg:s7], $0x6FFFF;
	_ =	strace $0x9000004F  }
0xb3: {  	s29 =	simm.s32 $0x9;
	_ =	strace $0x80000051  }
0xb4: {  	_ =	swait.ge [sflag:s29], $0x1  }
0xb5: {  	[sflag:s29] =	ssyncadd.s32 $0xFFFFFFFF  }
0xb6: {  	_ =	strace $0x90000051  }
0xb7: {  	_ =	sfence  }
0xb8: {  	s30 =	sld [smem:$0x0];
	_ =	sdelay $0x2  }
0xb9: {  	s31 =	sshll.u32 s1, $0xD;
	s1 =	sshrl.u32 s1, $0x2  }
0xba: {  	s3 =	sand.u32 $0x4000, s31;
	s1 =	sadd.s32 s1, s30  }
0xbb: {  	s0 =	sor.u32 s3, s0;
	s1 =	sshll.u32 s1, $0x11  }
0xbc: {  	s0 =	sor.u32 s1, s0  }
0xbd: {  	s0 =	sadd.s32 $0x8F2B, s0  }
0xbe: {  	[sflag:s0] =	ssyncadd.remote.s32 $0x1  }
0xbf: {  	_ =	sfence.sel $0xFFFF  }
0xc0: {  	[dreg:$0x0] =	wrdreg $0xFFFFFFFF;
	(pc) =	sbr.abs _section_cstart, $3  }
0xc1: {  	[dreg:$0x1] =	wrdreg $0xFFFFFFFF  }
0xc2: {  	_ =	task.clear_ibuf [dreg:s7], $0x2FFFF;
	_ =	strace $0x9FFFFFFF  }
0xc3: {  	(tm) =	ssettm $0x7FFFFFFF  }
tec
execute0_lowered:
.L_overlay_start_1:
0x0: {  	(tag) =	ssettag $0x1  }
0x1: {  	s0 =	srdreg.scid;
	s1 =	rddreg [dreg:$0x0]  }
0x2: {  	s11 =	stileid.u32;
	s5 =	rddreg [dreg:$0x1];
	s12 =	simm.s32 $0x100  }
0x3: {  	s14 =	simm.s32 $0x880;
	s15 =	simm.s32 $0x180;
	s16 =	simm.s32 $0x900  }
0x4: {  	s17 =	simm.s32 $0x200;
	s18 =	simm.s32 $0x980;
	s19 =	simm.s32 $0x280  }
0x5: {  	s20 =	simm.s32 $0xA00;
	s21 =	simm.s32 $0x300;
	s22 =	simm.s32 $0xA80  }
0x6: {  	s23 =	simm.s32 $0x380;
	s0 =	sand.u32 $0x1, s0;
	s7 =	smul.u32 $0x14000, s11  }
0x7: {  	s28 =	simm.s32 $0x680;
	s29 =	simm.s32 $0xE00;
	s2 =	sshll.u32 s0, $0x4  }
0x8: {  	s3 =	sor.u32 s11, s2;
	s2 =	rddreg [dreg:$0x2];
	s10 =	sshrl.u32 s7, $0x3  }
0x9: {  	s6 =	smul.u32 $0x500, s3;
	s3 =	simm.s32 $0x0;
	s10 =	sadd.s32 s10, s1  }
0xa: {  	s8 =	smul.u32 $0x140000, s0;
	[smem:$0x7FF] =	sst s3;
	s10 =	sadd.s32 $0xE200, s10  }
0xb: {  	s0 =	ssub.s32 $0x2, s0;
	_ =	strace $0x80000050;
	[dreg:$0x14] =	wrdreg s10  }
0xc: {  	s30 =	simm.s32 $0x700;
	s25 =	sshrl.u32 s0, $0x1;
	[dreg:$0x6] =	wrdreg s12  }
0xd: {  	s31 =	simm.s32 $0xE80;
	s0 =	ssub.s32 s0, s25;
	[dreg:$0x7] =	wrdreg s14  }
0xe: {  	s24 =	smul.u32 $0x50000, s11;
	s0 =	smax.u32 s0, $0x1;
	[dreg:$0x8] =	wrdreg s15  }
0xf: {  	s4 =	sadd.s32 $0x36200, s1;
	s13 =	sshll.u32 s11, $0x6;
	[dreg:$0x17] =	wrdreg s0  }
0x10: {  	s26 =	sshrl.u32 s24, $0x2;
	s11 =	simm.s32 $0x800;
	[dreg:$0x9] =	wrdreg s16  }
0x11: {  	s24 =	simm.s32 $0xB00;
	s7 =	sadd.s32 s7, s8;
	[dreg:$0xa] =	wrdreg s17  }
0x12: {  	s8 =	sadd.s32 s26, s2;
	s25 =	simm.s32 $0x400;
	[dreg:$0xb] =	wrdreg s18  }
0x13: {  	s26 =	simm.s32 $0xB80;
	s7 =	sshrl.u32 s7, $0x3;
	[dreg:$0xc] =	wrdreg s19  }
0x14: {  	s8 =	sshrl.u32 s8, $0x3;
	s9 =	sadd.s32 s6, s1;
	[dreg:$0xd] =	wrdreg s20  }
0x15: {  	s1 =	sadd.s32 s7, s1;
	s5 =	sadd.s32 s5, s6;
	[dreg:$0xe] =	wrdreg s21  }
0x16: {  	s7 =	sor.u32 $0x1C05, s13;
	s10 =	simm.s32 $0x5;
	[dreg:$0xf] =	wrdreg s22  }
0x17: {  	s12 =	simm.s32 $0x80;
	s13 =	simm.s32 $0x1000;
	[dreg:$0x10] =	wrdreg s23  }
0x18: {  	s14 =	simm.s32 $0x5000;
	s15 =	simm.s32 $0x1;
	[dreg:$0x11] =	wrdreg s24  }
0x19: {  	s16 =	simm.s32 $0x3;
	s17 =	simm.s32 $0x2;
	[dreg:$0x12] =	wrdreg s25  }
0x1a: {  	s18 =	simm.s32 $0x4;
	[dreg:$0x13] =	wrdreg s26;
	s19 =	simm.s32 $0x480  }
0x1b: {  	s20 =	simm.s32 $0xC00;
	s21 =	simm.s32 $0x500;
	s22 =	simm.s32 $0xC80  }
0x1c: {  	s23 =	simm.s32 $0x580;
	s24 =	simm.s32 $0xD00;
	[dreg:$0x18] =	wrdreg s8  }
0x1d: {  	s25 =	simm.s32 $0x600;
	s26 =	simm.s32 $0xD80;
	[dreg:$0x4] =	wrdreg s5  }
0x1e: {  	s0 =	simm.s32 $0xF00;
	s9 =	sadd.s32 $0x3A00, s9;
	[dreg:$0x15] =	wrdreg s7  }
0x1f: {  	s1 =	sadd.s32 $0x5E200, s1;
	s5 =	simm.s32 $0xF80;
	[dreg:$0x5] =	wrdreg s9  }
0x20: {  	[dreg:$0x16] =	wrdreg s1;
	s1 =	simm.s32 $0x780;
	s9 =	simm.s32 $0x0  }
.LBB2_1:
0x21: {  	[dreg:$0x19] =	wrdreg s9  }
0x22: {  	s6 =	rddreg [dreg:$0x14]  }
0x23: {  	[spmem:s8], [sflag:s7] =	dma.local [hbm:s6], $0x2800  }
0x24: {  	_ =	swait.ge [sflag:s10], $0x2800  }
0x25: {  	[sflag:s10] =	ssyncset.done $0x0  }
0x26: {  	[sflag:s10] =	ssyncadd.s32 $0xFFFFD800  }
0x27: {  	[bflag:$0x0] =	sbarrier.arrive $0xFFFF  }
0x28: {  	s9 =	rddreg [dreg:$0x4]  }
0x29: {  	s6 =	sadd.s32 $0x0, s9  }
0x2a: {  	[tilespmem:s3], [sflag:$0x5] =	stream.linear.gather [hbm4b:s6+s3], $0x800, $0x38;
	[tilespmem:$0x1D000] =	vst v63  }
0x2b: {  	_ =	swait.ge [sflag:s10], $0x800  }
0x2c: {  	s7 =	rddreg [dreg:$0x5];
	[sflag:s10] =	ssyncset.done $0x0  }
0x2d: {  	[sflag:s10] =	ssyncadd.s32 $0xFFFFF800;
	s6 =	sadd.s32 $0x0, s7  }
0x2e: {  	[tilespmem:s11], [sflag:$0x5] =	stream.linear.gather [hbm4b:s6+s3], $0x800, $0x38;
	[tilespmem:$0x1D000] =	vst v63  }
0x2f: {  	_ =	swait.ge [sflag:s10], $0x800  }
0x30: {  	[sflag:s10] =	ssyncset.done $0x0  }
0x31: {  	[sflag:s10] =	ssyncadd.s32 $0xFFFFF800  }
0x32: {  	[tilespmem:s13], [sflag:$0x1] =	stream.indirect.gather [hbm4b:s4+s12], $0x80, s3, s12, $0xb8;
	[tilespmem:$0x1D000] =	vst v63  }
0x33: {  	_ = 	snop  }
0x34: {  	[tilespmem:s14], [sflag:$0x2] =	stream.indirect.gather [hbm4b:s4+s12], $0x80, s12, s12, $0xb8;
	[tilespmem:$0x1D000] =	vst v63  }
0x35: {  	_ =	swait.ge [sflag:s15], $0x4000  }
0x36: {  	[sflag:s15] =	ssyncset.done $0x0  }
0x37: {  	[sflag:s15] =	ssyncadd.s32 $0xFFFFC000  }
0x38: {  	[spmem:s2] =	stream.indirect.scatter.add.f32 [tilespmem:s13], [sflag:$0x3], $0x80, s11, s12, $0xb8;
	[tilespmem:$0x1D000] =	vst v63  }
0x39: {  	_ =	swait.ge [sflag:s16], $0x4000  }
0x3a: {  	[sflag:s16] =	ssyncset.done $0x0  }
0x3b: {  	s8 =	rddreg [dreg:$0x6];
	[sflag:s16] =	ssyncadd.s32 $0xFFFFC000  }
0x3c: {  	[tilespmem:s13], [sflag:$0x1] =	stream.indirect.gather [hbm4b:s4+s12], $0x80, s8, s12, $0xb8;
	[tilespmem:$0x1D000] =	vst v63  }
0x3d: {  	_ =	swait.ge [sflag:s17], $0x4000  }
0x3e: {  	[sflag:s17] =	ssyncset.done $0x0  }
0x3f: {  	s9 =	rddreg [dreg:$0x7];
	[sflag:s17] =	ssyncadd.s32 $0xFFFFC000  }
0x40: {  	[spmem:s2] =	stream.indirect.scatter.add.f32 [tilespmem:s14], [sflag:$0x4], $0x80, s9, s12, $0xb8;
	[tilespmem:$0x1D000] =	vst v63  }
0x41: {  	_ =	swait.ge [sflag:s18], $0x4000  }
0x42: {  	[sflag:s18] =	ssyncset.done $0x0  }
0x43: {  	s7 =	rddreg [dreg:$0x8];
	[sflag:s18] =	ssyncadd.s32 $0xFFFFC000  }
0x44: {  	[tilespmem:s14], [sflag:$0x2] =	stream.indirect.gather [hbm4b:s4+s12], $0x80, s7, s12, $0xb8;
	[tilespmem:$0x1D000] =	vst v63  }
0x45: {  	_ =	swait.ge [sflag:s15], $0x4000  }
0x46: {  	[sflag:s15] =	ssyncset.done $0x0  }
0x47: {  	s8 =	rddreg [dreg:$0x9];
	[sflag:s15] =	ssyncadd.s32 $0xFFFFC000  }
0x48: {  	[spmem:s2] =	stream.indirect.scatter.add.f32 [tilespmem:s13], [sflag:$0x3], $0x80, s8, s12, $0xb8;
	[tilespmem:$0x1D000] =	vst v63  }
0x49: {  	_ =	swait.ge [sflag:s16], $0x4000  }
0x4a: {  	[sflag:s16] =	ssyncset.done $0x0  }
0x4b: {  	s9 =	rddreg [dreg:$0xa];
	[sflag:s16] =	ssyncadd.s32 $0xFFFFC000  }
0x4c: {  	[tilespmem:s13], [sflag:$0x1] =	stream.indirect.gather [hbm4b:s4+s12], $0x80, s9, s12, $0xb8;
	[tilespmem:$0x1D000] =	vst v63  }
0x4d: {  	_ =	swait.ge [sflag:s17], $0x4000  }
0x4e: {  	[sflag:s17] =	ssyncset.done $0x0  }
0x4f: {  	s7 =	rddreg [dreg:$0xb];
	[sflag:s17] =	ssyncadd.s32 $0xFFFFC000  }
0x50: {  	[spmem:s2] =	stream.indirect.scatter.add.f32 [tilespmem:s14], [sflag:$0x4], $0x80, s7, s12, $0xb8;
	[tilespmem:$0x1D000] =	vst v63  }
0x51: {  	_ =	swait.ge [sflag:s18], $0x4000  }
0x52: {  	[sflag:s18] =	ssyncset.done $0x0  }
0x53: {  	s8 =	rddreg [dreg:$0xc];
	[sflag:s18] =	ssyncadd.s32 $0xFFFFC000  }
0x54: {  	[tilespmem:s14], [sflag:$0x2] =	stream.indirect.gather [hbm4b:s4+s12], $0x80, s8, s12, $0xb8;
	[tilespmem:$0x1D000] =	vst v63  }
0x55: {  	_ =	swait.ge [sflag:s15], $0x4000  }
0x56: {  	[sflag:s15] =	ssyncset.done $0x0  }
0x57: {  	s9 =	rddreg [dreg:$0xd];
	[sflag:s15] =	ssyncadd.s32 $0xFFFFC000  }
0x58: {  	[spmem:s2] =	stream.indirect.scatter.add.f32 [tilespmem:s13], [sflag:$0x3], $0x80, s9, s12, $0xb8;
	[tilespmem:$0x1D000] =	vst v63  }
0x59: {  	_ =	swait.ge [sflag:s16], $0x4000  }
0x5a: {  	[sflag:s16] =	ssyncset.done $0x0  }
0x5b: {  	s7 =	rddreg [dreg:$0xe];
	[sflag:s16] =	ssyncadd.s32 $0xFFFFC000  }
0x5c: {  	[tilespmem:s13], [sflag:$0x1] =	stream.indirect.gather [hbm4b:s4+s12], $0x80, s7, s12, $0xb8;
	[tilespmem:$0x1D000] =	vst v63  }
0x5d: {  	_ =	swait.ge [sflag:s17], $0x4000  }
0x5e: {  	[sflag:s17] =	ssyncset.done $0x0  }
0x5f: {  	s8 =	rddreg [dreg:$0xf];
	[sflag:s17] =	ssyncadd.s32 $0xFFFFC000  }
0x60: {  	[spmem:s2] =	stream.indirect.scatter.add.f32 [tilespmem:s14], [sflag:$0x4], $0x80, s8, s12, $0xb8;
	[tilespmem:$0x1D000] =	vst v63  }
0x61: {  	_ =	swait.ge [sflag:s18], $0x4000  }
0x62: {  	[sflag:s18] =	ssyncset.done $0x0  }
0x63: {  	s9 =	rddreg [dreg:$0x10];
	[sflag:s18] =	ssyncadd.s32 $0xFFFFC000  }
0x64: {  	[tilespmem:s14], [sflag:$0x2] =	stream.indirect.gather [hbm4b:s4+s12], $0x80, s9, s12, $0xb8;
	[tilespmem:$0x1D000] =	vst v63  }
0x65: {  	_ =	swait.ge [sflag:s15], $0x4000  }
0x66: {  	[sflag:s15] =	ssyncset.done $0x0  }
0x67: {  	s7 =	rddreg [dreg:$0x11];
	[sflag:s15] =	ssyncadd.s32 $0xFFFFC000  }
0x68: {  	[spmem:s2] =	stream.indirect.scatter.add.f32 [tilespmem:s13], [sflag:$0x3], $0x80, s7, s12, $0xb8;
	[tilespmem:$0x1D000] =	vst v63  }
0x69: {  	_ =	swait.ge [sflag:s16], $0x4000  }
0x6a: {  	[sflag:s16] =	ssyncset.done $0x0  }
0x6b: {  	s8 =	rddreg [dreg:$0x12];
	[sflag:s16] =	ssyncadd.s32 $0xFFFFC000  }
0x6c: {  	[tilespmem:s13], [sflag:$0x1] =	stream.indirect.gather [hbm4b:s4+s12], $0x80, s8, s12, $0xb8;
	[tilespmem:$0x1D000] =	vst v63  }
0x6d: {  	_ =	swait.ge [sflag:s17], $0x4000  }
0x6e: {  	[sflag:s17] =	ssyncset.done $0x0  }
0x6f: {  	s9 =	rddreg [dreg:$0x13];
	[sflag:s17] =	ssyncadd.s32 $0xFFFFC000  }
0x70: {  	[spmem:s2] =	stream.indirect.scatter.add.f32 [tilespmem:s14], [sflag:$0x4], $0x80, s9, s12, $0xb8;
	[tilespmem:$0x1D000] =	vst v63  }
0x71: {  	_ =	swait.ge [sflag:s18], $0x4000  }
0x72: {  	[sflag:s18] =	ssyncset.done $0x0  }
0x73: {  	[sflag:s18] =	ssyncadd.s32 $0xFFFFC000  }
0x74: {  	[tilespmem:s14], [sflag:$0x2] =	stream.indirect.gather [hbm4b:s4+s12], $0x80, s19, s12, $0xb8;
	[tilespmem:$0x1D000] =	vst v63  }
0x75: {  	_ =	swait.ge [sflag:s15], $0x4000  }
0x76: {  	[sflag:s15] =	ssyncset.done $0x0  }
0x77: {  	[sflag:s15] =	ssyncadd.s32 $0xFFFFC000  }
0x78: {  	[spmem:s2] =	stream.indirect.scatter.add.f32 [tilespmem:s13], [sflag:$0x3], $0x80, s20, s12, $0xb8;
	[tilespmem:$0x1D000] =	vst v63  }
0x79: {  	_ =	swait.ge [sflag:s16], $0x4000  }
0x7a: {  	[sflag:s16] =	ssyncset.done $0x0  }
0x7b: {  	[sflag:s16] =	ssyncadd.s32 $0xFFFFC000  }
0x7c: {  	[tilespmem:s13], [sflag:$0x1] =	stream.indirect.gather [hbm4b:s4+s12], $0x80, s21, s12, $0xb8;
	[tilespmem:$0x1D000] =	vst v63  }
0x7d: {  	_ =	swait.ge [sflag:s17], $0x4000  }
0x7e: {  	[sflag:s17] =	ssyncset.done $0x0  }
0x7f: {  	[sflag:s17] =	ssyncadd.s32 $0xFFFFC000  }
0x80: {  	[spmem:s2] =	stream.indirect.scatter.add.f32 [tilespmem:s14], [sflag:$0x4], $0x80, s22, s12, $0xb8;
	[tilespmem:$0x1D000] =	vst v63  }
0x81: {  	_ =	swait.ge [sflag:s18], $0x4000  }
0x82: {  	[sflag:s18] =	ssyncset.done $0x0  }
0x83: {  	[sflag:s18] =	ssyncadd.s32 $0xFFFFC000  }
0x84: {  	[tilespmem:s14], [sflag:$0x2] =	stream.indirect.gather [hbm4b:s4+s12], $0x80, s23, s12, $0xb8;
	[tilespmem:$0x1D000] =	vst v63  }
0x85: {  	_ =	swait.ge [sflag:s15], $0x4000  }
0x86: {  	[sflag:s15] =	ssyncset.done $0x0  }
0x87: {  	[sflag:s15] =	ssyncadd.s32 $0xFFFFC000  }
0x88: {  	[spmem:s2] =	stream.indirect.scatter.add.f32 [tilespmem:s13], [sflag:$0x3], $0x80, s24, s12, $0xb8;
	[tilespmem:$0x1D000] =	vst v63  }
0x89: {  	_ =	swait.ge [sflag:s16], $0x4000  }
0x8a: {  	[sflag:s16] =	ssyncset.done $0x0  }
0x8b: {  	[sflag:s16] =	ssyncadd.s32 $0xFFFFC000  }
0x8c: {  	[tilespmem:s13], [sflag:$0x1] =	stream.indirect.gather [hbm4b:s4+s12], $0x80, s25, s12, $0xb8;
	[tilespmem:$0x1D000] =	vst v63  }
0x8d: {  	_ =	swait.ge [sflag:s17], $0x4000  }
0x8e: {  	[sflag:s17] =	ssyncset.done $0x0  }
0x8f: {  	[sflag:s17] =	ssyncadd.s32 $0xFFFFC000  }
0x90: {  	[spmem:s2] =	stream.indirect.scatter.add.f32 [tilespmem:s14], [sflag:$0x4], $0x80, s26, s12, $0xb8;
	[tilespmem:$0x1D000] =	vst v63  }
0x91: {  	_ =	swait.ge [sflag:s18], $0x4000  }
0x92: {  	[sflag:s18] =	ssyncset.done $0x0  }
0x93: {  	[sflag:s18] =	ssyncadd.s32 $0xFFFFC000  }
0x94: {  	[tilespmem:s14], [sflag:$0x2] =	stream.indirect.gather [hbm4b:s4+s12], $0x80, s28, s12, $0xb8;
	[tilespmem:$0x1D000] =	vst v63  }
0x95: {  	_ =	swait.ge [sflag:s15], $0x4000  }
0x96: {  	[sflag:s15] =	ssyncset.done $0x0  }
0x97: {  	[sflag:s15] =	ssyncadd.s32 $0xFFFFC000  }
0x98: {  	[spmem:s2] =	stream.indirect.scatter.add.f32 [tilespmem:s13], [sflag:$0x3], $0x80, s29, s12, $0xb8;
	[tilespmem:$0x1D000] =	vst v63  }
0x99: {  	_ =	swait.ge [sflag:s16], $0x4000  }
0x9a: {  	[sflag:s16] =	ssyncset.done $0x0  }
0x9b: {  	[sflag:s16] =	ssyncadd.s32 $0xFFFFC000  }
0x9c: {  	[tilespmem:s13], [sflag:$0x1] =	stream.indirect.gather [hbm4b:s4+s12], $0x80, s30, s12, $0xb8;
	[tilespmem:$0x1D000] =	vst v63  }
0x9d: {  	_ =	swait.ge [sflag:s17], $0x4000  }
0x9e: {  	[sflag:s17] =	ssyncset.done $0x0  }
0x9f: {  	[sflag:s17] =	ssyncadd.s32 $0xFFFFC000  }
0xa0: {  	[spmem:s2] =	stream.indirect.scatter.add.f32 [tilespmem:s14], [sflag:$0x4], $0x80, s31, s12, $0xb8;
	[tilespmem:$0x1D000] =	vst v63  }
0xa1: {  	_ =	swait.ge [sflag:s18], $0x4000  }
0xa2: {  	[sflag:s18] =	ssyncset.done $0x0  }
0xa3: {  	[sflag:s18] =	ssyncadd.s32 $0xFFFFC000  }
0xa4: {  	[tilespmem:s14], [sflag:$0x2] =	stream.indirect.gather [hbm4b:s4+s12], $0x80, s1, s12, $0xb8;
	[tilespmem:$0x1D000] =	vst v63  }
0xa5: {  	_ =	swait.ge [sflag:s15], $0x4000  }
0xa6: {  	[sflag:s15] =	ssyncset.done $0x0  }
0xa7: {  	[sflag:s15] =	ssyncadd.s32 $0xFFFFC000  }
0xa8: {  	[spmem:s2] =	stream.indirect.scatter.add.f32 [tilespmem:s13], [sflag:$0x3], $0x80, s0, s12, $0xb8;
	[tilespmem:$0x1D000] =	vst v63  }
0xa9: {  	_ =	swait.ge [sflag:s16], $0x4000  }
0xaa: {  	[sflag:s16] =	ssyncset.done $0x0  }
0xab: {  	[sflag:s16] =	ssyncadd.s32 $0xFFFFC000  }
0xac: {  	_ =	swait.ge [sflag:s17], $0x4000  }
0xad: {  	[sflag:s17] =	ssyncset.done $0x0  }
0xae: {  	[sflag:s17] =	ssyncadd.s32 $0xFFFFC000  }
0xaf: {  	[spmem:s2] =	stream.indirect.scatter.add.f32 [tilespmem:s14], [sflag:$0x4], $0x80, s5, s12, $0xb8;
	[tilespmem:$0x1D000] =	vst v63  }
0xb0: {  	s6 =	simm.s32 $0x200;
	_ =	swait.ge [sflag:s18], $0x4000  }
0xb1: {  	s8 =	simm.s32 $0x100;
	s9 =	rddreg [dreg:$0x4];
	[sflag:s18] =	ssyncset.done $0x0  }
.LBB2_2:
0xb2: {  	[sflag:s18] =	ssyncadd.s32 $0xFFFFC000;
	s9 =	sadd.s32 s8, s9  }
0xb3: {  	[tilespmem:s3], [sflag:$0x5] =	stream.linear.gather [hbm4b:s9+s3], $0x800, $0x38;
	[tilespmem:$0x1D000] =	vst v63  }
0xb4: {  	_ =	swait.ge [sflag:s10], $0x800  }
0xb5: {  	s9 =	rddreg [dreg:$0x5];
	[sflag:s10] =	ssyncset.done $0x0  }
0xb6: {  	[sflag:s10] =	ssyncadd.s32 $0xFFFFF800;
	s9 =	sadd.s32 s8, s9  }
0xb7: {  	[tilespmem:s11], [sflag:$0x5] =	stream.linear.gather [hbm4b:s9+s3], $0x800, $0x38;
	[tilespmem:$0x1D000] =	vst v63  }
0xb8: {  	_ =	swait.ge [sflag:s10], $0x800  }
0xb9: {  	[sflag:s10] =	ssyncset.done $0x0  }
0xba: {  	[sflag:s10] =	ssyncadd.s32 $0xFFFFF800  }
0xbb: {  	[tilespmem:s13], [sflag:$0x1] =	stream.indirect.gather [hbm4b:s4+s12], $0x80, s3, s12, $0xb8;
	[tilespmem:$0x1D000] =	vst v63  }
0xbc: {  	_ = 	snop  }
0xbd: {  	[tilespmem:s14], [sflag:$0x2] =	stream.indirect.gather [hbm4b:s4+s12], $0x80, s12, s12, $0xb8;
	[tilespmem:$0x1D000] =	vst v63  }
0xbe: {  	_ =	swait.ge [sflag:s15], $0x4000  }
0xbf: {  	[sflag:s15] =	ssyncset.done $0x0  }
0xc0: {  	[sflag:s15] =	ssyncadd.s32 $0xFFFFC000  }
0xc1: {  	[spmem:s2] =	stream.indirect.scatter.add.f32 [tilespmem:s13], [sflag:$0x3], $0x80, s11, s12, $0xb8;
	[tilespmem:$0x1D000] =	vst v63  }
0xc2: {  	_ =	swait.ge [sflag:s16], $0x4000  }
0xc3: {  	[sflag:s16] =	ssyncset.done $0x0  }
0xc4: {  	s9 =	rddreg [dreg:$0x6];
	[sflag:s16] =	ssyncadd.s32 $0xFFFFC000  }
0xc5: {  	[tilespmem:s13], [sflag:$0x1] =	stream.indirect.gather [hbm4b:s4+s12], $0x80, s9, s12, $0xb8;
	[tilespmem:$0x1D000] =	vst v63  }
0xc6: {  	_ =	swait.ge [sflag:s17], $0x4000  }
0xc7: {  	[sflag:s17] =	ssyncset.done $0x0  }
0xc8: {  	s9 =	rddreg [dreg:$0x7];
	[sflag:s17] =	ssyncadd.s32 $0xFFFFC000  }
0xc9: {  	[spmem:s2] =	stream.indirect.scatter.add.f32 [tilespmem:s14], [sflag:$0x4], $0x80, s9, s12, $0xb8;
	[tilespmem:$0x1D000] =	vst v63  }
0xca: {  	_ =	swait.ge [sflag:s18], $0x4000  }
0xcb: {  	[sflag:s18] =	ssyncset.done $0x0  }
0xcc: {  	s9 =	rddreg [dreg:$0x8];
	[sflag:s18] =	ssyncadd.s32 $0xFFFFC000  }
0xcd: {  	[tilespmem:s14], [sflag:$0x2] =	stream.indirect.gather [hbm4b:s4+s12], $0x80, s9, s12, $0xb8;
	[tilespmem:$0x1D000] =	vst v63  }
0xce: {  	_ =	swait.ge [sflag:s15], $0x4000  }
0xcf: {  	[sflag:s15] =	ssyncset.done $0x0  }
0xd0: {  	s9 =	rddreg [dreg:$0x9];
	[sflag:s15] =	ssyncadd.s32 $0xFFFFC000  }
0xd1: {  	[spmem:s2] =	stream.indirect.scatter.add.f32 [tilespmem:s13], [sflag:$0x3], $0x80, s9, s12, $0xb8;
	[tilespmem:$0x1D000] =	vst v63  }
0xd2: {  	_ =	swait.ge [sflag:s16], $0x4000  }
0xd3: {  	[sflag:s16] =	ssyncset.done $0x0  }
0xd4: {  	s9 =	rddreg [dreg:$0xa];
	[sflag:s16] =	ssyncadd.s32 $0xFFFFC000  }
0xd5: {  	[tilespmem:s13], [sflag:$0x1] =	stream.indirect.gather [hbm4b:s4+s12], $0x80, s9, s12, $0xb8;
	[tilespmem:$0x1D000] =	vst v63  }
0xd6: {  	_ =	swait.ge [sflag:s17], $0x4000  }
0xd7: {  	[sflag:s17] =	ssyncset.done $0x0  }
0xd8: {  	s9 =	rddreg [dreg:$0xb];
	[sflag:s17] =	ssyncadd.s32 $0xFFFFC000  }
0xd9: {  	[spmem:s2] =	stream.indirect.scatter.add.f32 [tilespmem:s14], [sflag:$0x4], $0x80, s9, s12, $0xb8;
	[tilespmem:$0x1D000] =	vst v63  }
0xda: {  	_ =	swait.ge [sflag:s18], $0x4000  }
0xdb: {  	[sflag:s18] =	ssyncset.done $0x0  }
0xdc: {  	s9 =	rddreg [dreg:$0xc];
	[sflag:s18] =	ssyncadd.s32 $0xFFFFC000  }
0xdd: {  	[tilespmem:s14], [sflag:$0x2] =	stream.indirect.gather [hbm4b:s4+s12], $0x80, s9, s12, $0xb8;
	[tilespmem:$0x1D000] =	vst v63  }
0xde: {  	_ =	swait.ge [sflag:s15], $0x4000  }
0xdf: {  	[sflag:s15] =	ssyncset.done $0x0  }
0xe0: {  	s9 =	rddreg [dreg:$0xd];
	[sflag:s15] =	ssyncadd.s32 $0xFFFFC000  }
0xe1: {  	[spmem:s2] =	stream.indirect.scatter.add.f32 [tilespmem:s13], [sflag:$0x3], $0x80, s9, s12, $0xb8;
	[tilespmem:$0x1D000] =	vst v63  }
0xe2: {  	_ =	swait.ge [sflag:s16], $0x4000  }
0xe3: {  	[sflag:s16] =	ssyncset.done $0x0  }
0xe4: {  	s9 =	rddreg [dreg:$0xe];
	[sflag:s16] =	ssyncadd.s32 $0xFFFFC000  }
0xe5: {  	[tilespmem:s13], [sflag:$0x1] =	stream.indirect.gather [hbm4b:s4+s12], $0x80, s9, s12, $0xb8;
	[tilespmem:$0x1D000] =	vst v63  }
0xe6: {  	_ =	swait.ge [sflag:s17], $0x4000  }
0xe7: {  	[sflag:s17] =	ssyncset.done $0x0  }
0xe8: {  	s9 =	rddreg [dreg:$0xf];
	[sflag:s17] =	ssyncadd.s32 $0xFFFFC000  }
0xe9: {  	[spmem:s2] =	stream.indirect.scatter.add.f32 [tilespmem:s14], [sflag:$0x4], $0x80, s9, s12, $0xb8;
	[tilespmem:$0x1D000] =	vst v63  }
0xea: {  	_ =	swait.ge [sflag:s18], $0x4000  }
0xeb: {  	[sflag:s18] =	ssyncset.done $0x0  }
0xec: {  	s9 =	rddreg [dreg:$0x10];
	[sflag:s18] =	ssyncadd.s32 $0xFFFFC000  }
0xed: {  	[tilespmem:s14], [sflag:$0x2] =	stream.indirect.gather [hbm4b:s4+s12], $0x80, s9, s12, $0xb8;
	[tilespmem:$0x1D000] =	vst v63  }
0xee: {  	_ =	swait.ge [sflag:s15], $0x4000  }
0xef: {  	[sflag:s15] =	ssyncset.done $0x0  }
0xf0: {  	s9 =	rddreg [dreg:$0x11];
	[sflag:s15] =	ssyncadd.s32 $0xFFFFC000  }
0xf1: {  	[spmem:s2] =	stream.indirect.scatter.add.f32 [tilespmem:s13], [sflag:$0x3], $0x80, s9, s12, $0xb8;
	[tilespmem:$0x1D000] =	vst v63  }
0xf2: {  	_ =	swait.ge [sflag:s16], $0x4000  }
0xf3: {  	[sflag:s16] =	ssyncset.done $0x0  }
0xf4: {  	s9 =	rddreg [dreg:$0x12];
	[sflag:s16] =	ssyncadd.s32 $0xFFFFC000  }
0xf5: {  	[tilespmem:s13], [sflag:$0x1] =	stream.indirect.gather [hbm4b:s4+s12], $0x80, s9, s12, $0xb8;
	[tilespmem:$0x1D000] =	vst v63  }
0xf6: {  	_ =	swait.ge [sflag:s17], $0x4000  }
0xf7: {  	[sflag:s17] =	ssyncset.done $0x0  }
0xf8: {  	s9 =	rddreg [dreg:$0x13];
	[sflag:s17] =	ssyncadd.s32 $0xFFFFC000  }
0xf9: {  	[spmem:s2] =	stream.indirect.scatter.add.f32 [tilespmem:s14], [sflag:$0x4], $0x80, s9, s12, $0xb8;
	[tilespmem:$0x1D000] =	vst v63  }
0xfa: {  	_ =	swait.ge [sflag:s18], $0x4000  }
0xfb: {  	[sflag:s18] =	ssyncset.done $0x0  }
0xfc: {  	[sflag:s18] =	ssyncadd.s32 $0xFFFFC000  }
0xfd: {  	[tilespmem:s14], [sflag:$0x2] =	stream.indirect.gather [hbm4b:s4+s12], $0x80, s19, s12, $0xb8;
	[tilespmem:$0x1D000] =	vst v63  }
0xfe: {  	_ =	swait.ge [sflag:s15], $0x4000  }
0xff: {  	[sflag:s15] =	ssyncset.done $0x0  }
0x100: {  	[sflag:s15] =	ssyncadd.s32 $0xFFFFC000  }
0x101: {  	[spmem:s2] =	stream.indirect.scatter.add.f32 [tilespmem:s13], [sflag:$0x3], $0x80, s20, s12, $0xb8;
	[tilespmem:$0x1D000] =	vst v63  }
0x102: {  	_ =	swait.ge [sflag:s16], $0x4000  }
0x103: {  	[sflag:s16] =	ssyncset.done $0x0  }
0x104: {  	[sflag:s16] =	ssyncadd.s32 $0xFFFFC000  }
0x105: {  	[tilespmem:s13], [sflag:$0x1] =	stream.indirect.gather [hbm4b:s4+s12], $0x80, s21, s12, $0xb8;
	[tilespmem:$0x1D000] =	vst v63  }
0x106: {  	_ =	swait.ge [sflag:s17], $0x4000  }
0x107: {  	[sflag:s17] =	ssyncset.done $0x0  }
0x108: {  	[sflag:s17] =	ssyncadd.s32 $0xFFFFC000  }
0x109: {  	[spmem:s2] =	stream.indirect.scatter.add.f32 [tilespmem:s14], [sflag:$0x4], $0x80, s22, s12, $0xb8;
	[tilespmem:$0x1D000] =	vst v63  }
0x10a: {  	_ =	swait.ge [sflag:s18], $0x4000  }
0x10b: {  	[sflag:s18] =	ssyncset.done $0x0  }
0x10c: {  	[sflag:s18] =	ssyncadd.s32 $0xFFFFC000  }
0x10d: {  	[tilespmem:s14], [sflag:$0x2] =	stream.indirect.gather [hbm4b:s4+s12], $0x80, s23, s12, $0xb8;
	[tilespmem:$0x1D000] =	vst v63  }
0x10e: {  	_ =	swait.ge [sflag:s15], $0x4000  }
0x10f: {  	[sflag:s15] =	ssyncset.done $0x0  }
0x110: {  	[sflag:s15] =	ssyncadd.s32 $0xFFFFC000  }
0x111: {  	[spmem:s2] =	stream.indirect.scatter.add.f32 [tilespmem:s13], [sflag:$0x3], $0x80, s24, s12, $0xb8;
	[tilespmem:$0x1D000] =	vst v63  }
0x112: {  	_ =	swait.ge [sflag:s16], $0x4000  }
0x113: {  	[sflag:s16] =	ssyncset.done $0x0  }
0x114: {  	[sflag:s16] =	ssyncadd.s32 $0xFFFFC000  }
0x115: {  	[tilespmem:s13], [sflag:$0x1] =	stream.indirect.gather [hbm4b:s4+s12], $0x80, s25, s12, $0xb8;
	[tilespmem:$0x1D000] =	vst v63  }
0x116: {  	_ =	swait.ge [sflag:s17], $0x4000  }
0x117: {  	[sflag:s17] =	ssyncset.done $0x0  }
0x118: {  	[sflag:s17] =	ssyncadd.s32 $0xFFFFC000  }
0x119: {  	[spmem:s2] =	stream.indirect.scatter.add.f32 [tilespmem:s14], [sflag:$0x4], $0x80, s26, s12, $0xb8;
	[tilespmem:$0x1D000] =	vst v63  }
0x11a: {  	_ =	swait.ge [sflag:s18], $0x4000  }
0x11b: {  	[sflag:s18] =	ssyncset.done $0x0  }
0x11c: {  	[sflag:s18] =	ssyncadd.s32 $0xFFFFC000  }
0x11d: {  	[tilespmem:s14], [sflag:$0x2] =	stream.indirect.gather [hbm4b:s4+s12], $0x80, s28, s12, $0xb8;
	[tilespmem:$0x1D000] =	vst v63  }
0x11e: {  	_ =	swait.ge [sflag:s15], $0x4000  }
0x11f: {  	[sflag:s15] =	ssyncset.done $0x0  }
0x120: {  	[sflag:s15] =	ssyncadd.s32 $0xFFFFC000  }
0x121: {  	[spmem:s2] =	stream.indirect.scatter.add.f32 [tilespmem:s13], [sflag:$0x3], $0x80, s29, s12, $0xb8;
	[tilespmem:$0x1D000] =	vst v63  }
0x122: {  	_ =	swait.ge [sflag:s16], $0x4000  }
0x123: {  	[sflag:s16] =	ssyncset.done $0x0  }
0x124: {  	[sflag:s16] =	ssyncadd.s32 $0xFFFFC000  }
0x125: {  	[tilespmem:s13], [sflag:$0x1] =	stream.indirect.gather [hbm4b:s4+s12], $0x80, s30, s12, $0xb8;
	[tilespmem:$0x1D000] =	vst v63  }
0x126: {  	_ =	swait.ge [sflag:s17], $0x4000  }
0x127: {  	[sflag:s17] =	ssyncset.done $0x0  }
0x128: {  	[sflag:s17] =	ssyncadd.s32 $0xFFFFC000  }
0x129: {  	[spmem:s2] =	stream.indirect.scatter.add.f32 [tilespmem:s14], [sflag:$0x4], $0x80, s31, s12, $0xb8;
	[tilespmem:$0x1D000] =	vst v63  }
0x12a: {  	_ =	swait.ge [sflag:s18], $0x4000  }
0x12b: {  	[sflag:s18] =	ssyncset.done $0x0  }
0x12c: {  	[sflag:s18] =	ssyncadd.s32 $0xFFFFC000  }
0x12d: {  	[tilespmem:s14], [sflag:$0x2] =	stream.indirect.gather [hbm4b:s4+s12], $0x80, s1, s12, $0xb8;
	[tilespmem:$0x1D000] =	vst v63  }
0x12e: {  	_ =	swait.ge [sflag:s15], $0x4000  }
0x12f: {  	[sflag:s15] =	ssyncset.done $0x0  }
0x130: {  	[sflag:s15] =	ssyncadd.s32 $0xFFFFC000  }
0x131: {  	[spmem:s2] =	stream.indirect.scatter.add.f32 [tilespmem:s13], [sflag:$0x3], $0x80, s0, s12, $0xb8;
	[tilespmem:$0x1D000] =	vst v63  }
0x132: {  	_ =	swait.ge [sflag:s16], $0x4000  }
0x133: {  	[sflag:s16] =	ssyncset.done $0x0  }
0x134: {  	[sflag:s16] =	ssyncadd.s32 $0xFFFFC000  }
0x135: {  	p0 =	sne.s32 s6, $0x400;
	_ =	swait.ge [sflag:s17], $0x4000  }
.Ltmp0:
0x136: {  	[sflag:s17] =	ssyncset.done $0x0;
	(pc) =	sbr.rel @p0 .LBB2_2-.Ltmp0, $4  }
0x137: {  	[sflag:s17] =	ssyncadd.s32 $0xFFFFC000  }
0x138: {  	[spmem:s2] =	stream.indirect.scatter.add.f32 [tilespmem:s14], [sflag:$0x4], $0x80, s5, s12, $0xb8;
	[tilespmem:$0x1D000] =	vst v63  }
0x139: {  	s7 =	smov.u32 s6;
	s6 =	sadd.s32 $0x100, s6;
	_ =	swait.ge [sflag:s18], $0x4000  }
0x13a: {  	s8 =	smov.u32 s7;
	s9 =	rddreg [dreg:$0x4];
	[sflag:s18] =	ssyncset.done $0x0  }
0x13b: {  	[sflag:s18] =	ssyncadd.s32 $0xFFFFC000;
	s6 =	sadd.s32 s8, s9  }
0x13c: {  	[tilespmem:s3], [sflag:$0x5] =	stream.linear.gather [hbm4b:s6+s3], $0x800, $0x38;
	[tilespmem:$0x1D000] =	vst v63  }
0x13d: {  	_ =	swait.ge [sflag:s10], $0x800  }
0x13e: {  	s9 =	rddreg [dreg:$0x5];
	[sflag:s10] =	ssyncset.done $0x0  }
0x13f: {  	s6 =	sadd.s32 s8, s9;
	[sflag:s10] =	ssyncadd.s32 $0xFFFFF800  }
0x140: {  	[tilespmem:s11], [sflag:$0x5] =	stream.linear.gather [hbm4b:s6+s3], $0x800, $0x38;
	[tilespmem:$0x1D000] =	vst v63  }
0x141: {  	_ =	swait.ge [sflag:s10], $0x800  }
0x142: {  	[sflag:s10] =	ssyncset.done $0x0  }
0x143: {  	[sflag:s10] =	ssyncadd.s32 $0xFFFFF800  }
0x144: {  	[tilespmem:s13], [sflag:$0x1] =	stream.indirect.gather [hbm4b:s4+s12], $0x80, s3, s12, $0xb8;
	[tilespmem:$0x1D000] =	vst v63  }
0x145: {  	_ = 	snop  }
0x146: {  	[tilespmem:s14], [sflag:$0x2] =	stream.indirect.gather [hbm4b:s4+s12], $0x80, s12, s12, $0xb8;
	[tilespmem:$0x1D000] =	vst v63  }
0x147: {  	_ =	swait.ge [sflag:s15], $0x4000  }
0x148: {  	[sflag:s15] =	ssyncset.done $0x0  }
0x149: {  	[sflag:s15] =	ssyncadd.s32 $0xFFFFC000  }
0x14a: {  	[spmem:s2] =	stream.indirect.scatter.add.f32 [tilespmem:s13], [sflag:$0x3], $0x80, s11, s12, $0xb8;
	[tilespmem:$0x1D000] =	vst v63  }
0x14b: {  	_ =	swait.ge [sflag:s16], $0x4000  }
0x14c: {  	[sflag:s16] =	ssyncset.done $0x0  }
0x14d: {  	s7 =	rddreg [dreg:$0x6];
	[sflag:s16] =	ssyncadd.s32 $0xFFFFC000  }
0x14e: {  	[tilespmem:s13], [sflag:$0x1] =	stream.indirect.gather [hbm4b:s4+s12], $0x80, s7, s12, $0xb8;
	[tilespmem:$0x1D000] =	vst v63  }
0x14f: {  	_ =	swait.ge [sflag:s17], $0x4000  }
0x150: {  	[sflag:s17] =	ssyncset.done $0x0  }
0x151: {  	s8 =	rddreg [dreg:$0x7];
	[sflag:s17] =	ssyncadd.s32 $0xFFFFC000  }
0x152: {  	[spmem:s2] =	stream.indirect.scatter.add.f32 [tilespmem:s14], [sflag:$0x4], $0x80, s8, s12, $0xb8;
	[tilespmem:$0x1D000] =	vst v63  }
0x153: {  	_ =	swait.ge [sflag:s18], $0x4000  }
0x154: {  	[sflag:s18] =	ssyncset.done $0x0  }
0x155: {  	s9 =	rddreg [dreg:$0x8];
	[sflag:s18] =	ssyncadd.s32 $0xFFFFC000  }
0x156: {  	[tilespmem:s14], [sflag:$0x2] =	stream.indirect.gather [hbm4b:s4+s12], $0x80, s9, s12, $0xb8;
	[tilespmem:$0x1D000] =	vst v63  }
0x157: {  	_ =	swait.ge [sflag:s15], $0x4000  }
0x158: {  	[sflag:s15] =	ssyncset.done $0x0  }
0x159: {  	s7 =	rddreg [dreg:$0x9];
	[sflag:s15] =	ssyncadd.s32 $0xFFFFC000  }
0x15a: {  	[spmem:s2] =	stream.indirect.scatter.add.f32 [tilespmem:s13], [sflag:$0x3], $0x80, s7, s12, $0xb8;
	[tilespmem:$0x1D000] =	vst v63  }
0x15b: {  	_ =	swait.ge [sflag:s16], $0x4000  }
0x15c: {  	[sflag:s16] =	ssyncset.done $0x0  }
0x15d: {  	s8 =	rddreg [dreg:$0xa];
	[sflag:s16] =	ssyncadd.s32 $0xFFFFC000  }
0x15e: {  	[tilespmem:s13], [sflag:$0x1] =	stream.indirect.gather [hbm4b:s4+s12], $0x80, s8, s12, $0xb8;
	[tilespmem:$0x1D000] =	vst v63  }
0x15f: {  	_ =	swait.ge [sflag:s17], $0x4000  }
0x160: {  	[sflag:s17] =	ssyncset.done $0x0  }
0x161: {  	s9 =	rddreg [dreg:$0xb];
	[sflag:s17] =	ssyncadd.s32 $0xFFFFC000  }
0x162: {  	[spmem:s2] =	stream.indirect.scatter.add.f32 [tilespmem:s14], [sflag:$0x4], $0x80, s9, s12, $0xb8;
	[tilespmem:$0x1D000] =	vst v63  }
0x163: {  	_ =	swait.ge [sflag:s18], $0x4000  }
0x164: {  	[sflag:s18] =	ssyncset.done $0x0  }
0x165: {  	s7 =	rddreg [dreg:$0xc];
	[sflag:s18] =	ssyncadd.s32 $0xFFFFC000  }
0x166: {  	[tilespmem:s14], [sflag:$0x2] =	stream.indirect.gather [hbm4b:s4+s12], $0x80, s7, s12, $0xb8;
	[tilespmem:$0x1D000] =	vst v63  }
0x167: {  	_ =	swait.ge [sflag:s15], $0x4000  }
0x168: {  	[sflag:s15] =	ssyncset.done $0x0  }
0x169: {  	s8 =	rddreg [dreg:$0xd];
	[sflag:s15] =	ssyncadd.s32 $0xFFFFC000  }
0x16a: {  	[spmem:s2] =	stream.indirect.scatter.add.f32 [tilespmem:s13], [sflag:$0x3], $0x80, s8, s12, $0xb8;
	[tilespmem:$0x1D000] =	vst v63  }
0x16b: {  	_ =	swait.ge [sflag:s16], $0x4000  }
0x16c: {  	[sflag:s16] =	ssyncset.done $0x0  }
0x16d: {  	s9 =	rddreg [dreg:$0xe];
	[sflag:s16] =	ssyncadd.s32 $0xFFFFC000  }
0x16e: {  	[tilespmem:s13], [sflag:$0x1] =	stream.indirect.gather [hbm4b:s4+s12], $0x80, s9, s12, $0xb8;
	[tilespmem:$0x1D000] =	vst v63  }
0x16f: {  	_ =	swait.ge [sflag:s17], $0x4000  }
0x170: {  	[sflag:s17] =	ssyncset.done $0x0  }
0x171: {  	s7 =	rddreg [dreg:$0xf];
	[sflag:s17] =	ssyncadd.s32 $0xFFFFC000  }
0x172: {  	[spmem:s2] =	stream.indirect.scatter.add.f32 [tilespmem:s14], [sflag:$0x4], $0x80, s7, s12, $0xb8;
	[tilespmem:$0x1D000] =	vst v63  }
0x173: {  	_ =	swait.ge [sflag:s18], $0x4000  }
0x174: {  	[sflag:s18] =	ssyncset.done $0x0  }
0x175: {  	s8 =	rddreg [dreg:$0x10];
	[sflag:s18] =	ssyncadd.s32 $0xFFFFC000  }
0x176: {  	[tilespmem:s14], [sflag:$0x2] =	stream.indirect.gather [hbm4b:s4+s12], $0x80, s8, s12, $0xb8;
	[tilespmem:$0x1D000] =	vst v63  }
0x177: {  	_ =	swait.ge [sflag:s15], $0x4000  }
0x178: {  	[sflag:s15] =	ssyncset.done $0x0  }
0x179: {  	s9 =	rddreg [dreg:$0x11];
	[sflag:s15] =	ssyncadd.s32 $0xFFFFC000  }
0x17a: {  	[spmem:s2] =	stream.indirect.scatter.add.f32 [tilespmem:s13], [sflag:$0x3], $0x80, s9, s12, $0xb8;
	[tilespmem:$0x1D000] =	vst v63  }
0x17b: {  	_ =	swait.ge [sflag:s16], $0x4000  }
0x17c: {  	[sflag:s16] =	ssyncset.done $0x0  }
0x17d: {  	s7 =	rddreg [dreg:$0x12];
	[sflag:s16] =	ssyncadd.s32 $0xFFFFC000  }
0x17e: {  	[tilespmem:s13], [sflag:$0x1] =	stream.indirect.gather [hbm4b:s4+s12], $0x80, s7, s12, $0xb8;
	[tilespmem:$0x1D000] =	vst v63  }
0x17f: {  	_ =	swait.ge [sflag:s17], $0x4000  }
0x180: {  	[sflag:s17] =	ssyncset.done $0x0  }
0x181: {  	s8 =	rddreg [dreg:$0x13];
	[sflag:s17] =	ssyncadd.s32 $0xFFFFC000  }
0x182: {  	[spmem:s2] =	stream.indirect.scatter.add.f32 [tilespmem:s14], [sflag:$0x4], $0x80, s8, s12, $0xb8;
	[tilespmem:$0x1D000] =	vst v63  }
0x183: {  	_ =	swait.ge [sflag:s18], $0x4000  }
0x184: {  	[sflag:s18] =	ssyncset.done $0x0  }
0x185: {  	[sflag:s18] =	ssyncadd.s32 $0xFFFFC000  }
0x186: {  	[tilespmem:s14], [sflag:$0x2] =	stream.indirect.gather [hbm4b:s4+s12], $0x80, s19, s12, $0xb8;
	[tilespmem:$0x1D000] =	vst v63  }
0x187: {  	_ =	swait.ge [sflag:s15], $0x4000  }
0x188: {  	[sflag:s15] =	ssyncset.done $0x0  }
0x189: {  	[sflag:s15] =	ssyncadd.s32 $0xFFFFC000  }
0x18a: {  	[spmem:s2] =	stream.indirect.scatter.add.f32 [tilespmem:s13], [sflag:$0x3], $0x80, s20, s12, $0xb8;
	[tilespmem:$0x1D000] =	vst v63  }
0x18b: {  	_ =	swait.ge [sflag:s16], $0x4000  }
0x18c: {  	[sflag:s16] =	ssyncset.done $0x0  }
0x18d: {  	[sflag:s16] =	ssyncadd.s32 $0xFFFFC000  }
0x18e: {  	[tilespmem:s13], [sflag:$0x1] =	stream.indirect.gather [hbm4b:s4+s12], $0x80, s21, s12, $0xb8;
	[tilespmem:$0x1D000] =	vst v63  }
0x18f: {  	_ =	swait.ge [sflag:s17], $0x4000  }
0x190: {  	[sflag:s17] =	ssyncset.done $0x0  }
0x191: {  	[sflag:s17] =	ssyncadd.s32 $0xFFFFC000  }
0x192: {  	[spmem:s2] =	stream.indirect.scatter.add.f32 [tilespmem:s14], [sflag:$0x4], $0x80, s22, s12, $0xb8;
	[tilespmem:$0x1D000] =	vst v63  }
0x193: {  	_ =	swait.ge [sflag:s18], $0x4000  }
0x194: {  	[sflag:s18] =	ssyncset.done $0x0  }
0x195: {  	[sflag:s18] =	ssyncadd.s32 $0xFFFFC000  }
0x196: {  	[tilespmem:s14], [sflag:$0x2] =	stream.indirect.gather [hbm4b:s4+s12], $0x80, s23, s12, $0xb8;
	[tilespmem:$0x1D000] =	vst v63  }
0x197: {  	_ =	swait.ge [sflag:s15], $0x4000  }
0x198: {  	[sflag:s15] =	ssyncset.done $0x0  }
0x199: {  	[sflag:s15] =	ssyncadd.s32 $0xFFFFC000  }
0x19a: {  	[spmem:s2] =	stream.indirect.scatter.add.f32 [tilespmem:s13], [sflag:$0x3], $0x80, s24, s12, $0xb8;
	[tilespmem:$0x1D000] =	vst v63  }
0x19b: {  	_ =	swait.ge [sflag:s16], $0x4000  }
0x19c: {  	[sflag:s16] =	ssyncset.done $0x0  }
0x19d: {  	[sflag:s16] =	ssyncadd.s32 $0xFFFFC000  }
0x19e: {  	[tilespmem:s13], [sflag:$0x1] =	stream.indirect.gather [hbm4b:s4+s12], $0x80, s25, s12, $0xb8;
	[tilespmem:$0x1D000] =	vst v63  }
0x19f: {  	_ =	swait.ge [sflag:s17], $0x4000  }
0x1a0: {  	[sflag:s17] =	ssyncset.done $0x0  }
0x1a1: {  	[sflag:s17] =	ssyncadd.s32 $0xFFFFC000  }
0x1a2: {  	[spmem:s2] =	stream.indirect.scatter.add.f32 [tilespmem:s14], [sflag:$0x4], $0x80, s26, s12, $0xb8;
	[tilespmem:$0x1D000] =	vst v63  }
0x1a3: {  	_ =	swait.ge [sflag:s18], $0x4000  }
0x1a4: {  	[sflag:s18] =	ssyncset.done $0x0  }
0x1a5: {  	[sflag:s18] =	ssyncadd.s32 $0xFFFFC000  }
0x1a6: {  	[tilespmem:s14], [sflag:$0x2] =	stream.indirect.gather [hbm4b:s4+s12], $0x80, s28, s12, $0xb8;
	[tilespmem:$0x1D000] =	vst v63  }
0x1a7: {  	_ =	swait.ge [sflag:s15], $0x4000  }
0x1a8: {  	[sflag:s15] =	ssyncset.done $0x0  }
0x1a9: {  	[sflag:s15] =	ssyncadd.s32 $0xFFFFC000  }
0x1aa: {  	[spmem:s2] =	stream.indirect.scatter.add.f32 [tilespmem:s13], [sflag:$0x3], $0x80, s29, s12, $0xb8;
	[tilespmem:$0x1D000] =	vst v63  }
0x1ab: {  	_ =	swait.ge [sflag:s16], $0x4000  }
0x1ac: {  	[sflag:s16] =	ssyncset.done $0x0  }
0x1ad: {  	[sflag:s16] =	ssyncadd.s32 $0xFFFFC000  }
0x1ae: {  	[tilespmem:s13], [sflag:$0x1] =	stream.indirect.gather [hbm4b:s4+s12], $0x80, s30, s12, $0xb8;
	[tilespmem:$0x1D000] =	vst v63  }
0x1af: {  	_ =	swait.ge [sflag:s17], $0x4000  }
0x1b0: {  	[sflag:s17] =	ssyncset.done $0x0  }
0x1b1: {  	[sflag:s17] =	ssyncadd.s32 $0xFFFFC000  }
0x1b2: {  	[spmem:s2] =	stream.indirect.scatter.add.f32 [tilespmem:s14], [sflag:$0x4], $0x80, s31, s12, $0xb8;
	[tilespmem:$0x1D000] =	vst v63  }
0x1b3: {  	_ =	swait.ge [sflag:s18], $0x4000  }
0x1b4: {  	[sflag:s18] =	ssyncset.done $0x0  }
0x1b5: {  	[sflag:s18] =	ssyncadd.s32 $0xFFFFC000  }
0x1b6: {  	[tilespmem:s14], [sflag:$0x2] =	stream.indirect.gather [hbm4b:s4+s12], $0x80, s1, s12, $0xb8;
	[tilespmem:$0x1D000] =	vst v63  }
0x1b7: {  	_ =	swait.ge [sflag:s15], $0x4000  }
0x1b8: {  	[sflag:s15] =	ssyncset.done $0x0  }
0x1b9: {  	[sflag:s15] =	ssyncadd.s32 $0xFFFFC000  }
0x1ba: {  	[spmem:s2] =	stream.indirect.scatter.add.f32 [tilespmem:s13], [sflag:$0x3], $0x80, s0, s12, $0xb8;
	[tilespmem:$0x1D000] =	vst v63  }
0x1bb: {  	_ =	swait.ge [sflag:s16], $0x4000  }
0x1bc: {  	[sflag:s16] =	ssyncset.done $0x0  }
0x1bd: {  	[sflag:s16] =	ssyncadd.s32 $0xFFFFC000  }
0x1be: {  	_ =	swait.ge [sflag:s17], $0x4000  }
0x1bf: {  	[sflag:s17] =	ssyncset.done $0x0  }
0x1c0: {  	[sflag:s17] =	ssyncadd.s32 $0xFFFFC000  }
0x1c1: {  	[spmem:s2] =	stream.indirect.scatter.add.f32 [tilespmem:s14], [sflag:$0x4], $0x80, s5, s12, $0xb8;
	[tilespmem:$0x1D000] =	vst v63  }
0x1c2: {  	_ =	swait.ge [sflag:s18], $0x4000  }
0x1c3: {  	[sflag:s18] =	ssyncset.done $0x0  }
0x1c4: {  	[sflag:s18] =	ssyncadd.s32 $0xFFFFC000  }
0x1c5: {  	[bflag:$0x0] =	sbarrier.arrive $0xFFFF  }
0x1c6: {  	s7 =	rddreg [dreg:$0x15]  }
0x1c7: {  	s9 =	rddreg [dreg:$0x16]  }
0x1c8: {  	s8 =	rddreg [dreg:$0x18]  }
0x1c9: {  	[hbm:s9], [sflag:s7] =	dma.local [spmem:s8], $0x2800  }
0x1ca: {  	_ =	swait.ge [sflag:s10], $0x2800  }
0x1cb: {  	s6 =	rddreg [dreg:$0x19]  }
0x1cc: {  	s9 =	sadd.s32 $0x1, s6;
	s6 =	rddreg [dreg:$0x17]  }
0x1cd: {  	p0 =	sne.s32 s9, s6  }
.Ltmp1:
0x1ce: {  	_ = 	snop;
	(pc) =	sbr.rel @p0 .LBB2_1-.Ltmp1, $3  }
0x1cf: {  	_ =	sdelay $0x1  }
0x1d0: {  	[sflag:s10] =	ssyncset.done $0x0  }
0x1d1: {  	[sflag:s10] =	ssyncadd.s32 $0xFFFFD800  }
0x1d2: {  	_ =	sfence.sel $0x180000  }
0x1d3: {  	[bflag:$0x0] =	sbarrier.arrive $0xFFFF  }
0x1d4: {  	_ =	strace $0x90000050  }
0x1d5: {  	s0 =	stileid.u32;
	[bflag:$0x2] =	sbarrier.arrive $0xFFFF  }
0x1d6: {  	p0 =	sne.s32 s0, $0x0;
	s0 =	rddreg [dreg:$0x3]  }
0x1d7: {  	s0 =	sadd.s32 @!p0 $0x100000, s0  }
0x1d8: {  	[sflag:s0] =	ssyncadd.tile.s32 @!p0 $0x1;
	_ =	shalt  }
.Lfunc_end2:
_tile_overlayer_lowered:
.L_overlay_start_2:
0x1d9: {  	(tag) =	ssettag $0x2  }
0x1da: {  	s0 =	rddreg [dreg:$0x0];
	s2 =	stileid.u32  }
0x1db: {  	s1 =	rddreg [dreg:$0x1];
	p0 =	sne.s32 s2, $0x0  }
0x1dc: {  	s3 =	rddreg [dreg:$0x2];
	[bflag:$0x3] =	sbarrier.arrive $0xFFFF;
	s2 =	simm.s32 @!p0 $0x1C05  }
0x1dd: {  	[timem:s3], [sflag:s2] =	dma.local @!p0 [hbm:s0], s1  }
0x1de: {  	s0 =	simm.s32 @!p0 $0x5  }
0x1df: {  	_ =	swait.ge @!p0 [sflag:s0], s1  }
0x1e0: {  	s1 =	ssub.s32 @!p0 $0x0, s1;
	[sflag:s0] =	ssyncset.done @!p0 $0x0  }
0x1e1: {  	[sflag:s0] =	ssyncadd.s32 @!p0 s1  }
0x1e2: {  	[bflag:$0x3] =	sbarrier.arrive $0xFFFF  }
0x1e3: {  	_ =	shalt  }

</sc_bundles>
